<compile_context>
chip_gen: v7x
topology: tpu7x:2x2x1
jax: 0.10.2.dev20260603
libtpu: 0.0.44.dev20260713+nightly
codegen_flags: <defaults>
</compile_context>

<pallas_src>
import jax
import jax.numpy as jnp
from jax import lax
from jax.experimental import pallas as pl
from jax.experimental.pallas import tpu as pltpu
from jax.experimental.pallas import tpu_sc as plsc

N = 20000
C = 51
TW = 128
NPAD = 20480
CHUNK = 1280
OCHUNK = 640
TAIL = N - 31 * OCHUNK
RADIX = 2048
NHIST = 16 * RADIX


def _rel_exp_body(x_ref, e_ref):
    x = x_ref[...]
    x_max = jnp.max(x, axis=-1, keepdims=True)
    e_ref[...] = jnp.exp(x - x_max)


def _rel_finish_body(e_ref, s_ref, p0_ref, p1_ref, table_ref, score_ref):
    e = e_ref[...]
    s = s_ref[...]
    p = e / s
    q = p[:, 1:]
    m = jnp.max(q, axis=1)
    n_cls = q.shape[1]
    iota = lax.broadcasted_iota(jnp.int32, q.shape, 1)
    idx = jnp.min(jnp.where(q == m[:, None], iota, n_cls), axis=1)
    cls = (idx + 1)[:, None]
    bc = lambda a: lax.bitcast_convert_type(a, jnp.float32)
    zeros = jnp.zeros((p.shape[0], TW - C - 3), jnp.float32)
    table_ref[...] = jnp.concatenate(
        [p, bc(p0_ref[...]), bc(p1_ref[...]), bc(cls), zeros], axis=1)
    score_ref[...] = m[:, None]


def _sc_body(rs_ref, os_ref, p0_ref, p1_ref, table_ref,
             out_ref,
             spk_a, spi_a, spk_b, spi_b, sp_hist,
             v_scores, v_rs, v_i0, v_i1, v_key, v_idx, v_hist, v_ghist,
             v_t, v_c, v_next, v_pos, v_sidx, v_rows, sem_in, sem_s, sem_g):
    s_id = lax.axis_index("s")
    c_id = lax.axis_index("c")
    base = s_id * CHUNK
    lane = lax.iota(jnp.int32, 16)
    zeros16 = jnp.zeros((16,), jnp.int32)

    loads = [
        pltpu.async_copy(os_ref, v_scores, sem_in),
        pltpu.async_copy(rs_ref.at[pl.ds(base, CHUNK)], v_rs, sem_in),
        pltpu.async_copy(p0_ref.at[pl.ds(base, CHUNK)], v_i0, sem_in),
        pltpu.async_copy(p1_ref.at[pl.ds(base, CHUNK)], v_i1, sem_in),
    ]
    for ld in loads:
        ld.wait()

    def build_body(v, carry):
        sl = pl.ds(v * 16, 16)
        sa = plsc.load_gather(v_scores, [v_i0[sl]])
        sb = plsc.load_gather(v_scores, [v_i1[sl]])
        t = (v_rs[sl] * sa) * sb
        inv = ~plsc.bitcast(t, jnp.uint32)
        gidx = base + v * 16 + lane
        inv = jnp.where(gidx < N, inv, jnp.uint32(0xFFFFFFFF))
        v_key[sl] = inv
        v_idx[sl] = gidx
        return carry

    lax.fori_loop(0, CHUNK // 16, build_body, 0)
    pltpu.sync_copy(v_key, spk_a.at[pl.ds(base, CHUNK)])
    pltpu.sync_copy(v_idx, spi_a.at[pl.ds(base, CHUNK)])
    plsc.subcore_barrier()

    for p, (src_k, src_i, dst_k, dst_i) in enumerate(
            [(spk_a, spi_a, spk_b, spi_b),
             (spk_b, spi_b, spk_a, spi_a),
             (spk_a, spi_a, spk_b, spi_b)]):
        shift = jnp.uint32(p * 11)
        mask = jnp.uint32(RADIX - 1)

        pltpu.sync_copy(src_k.at[pl.ds(base, CHUNK)], v_key)

        def zero_body(i, carry):
            v_hist[pl.ds(i * 16, 16)] = zeros16
            return carry

        lax.fori_loop(0, RADIX // 16, zero_body, 0)

        def hist_body(v, carry):
            k = v_key[pl.ds(v * 16, 16)]
            d = ((k >> shift) & mask).astype(jnp.int32)
            occ, last = plsc.scan_count(d)
            plsc.addupdate_scatter(v_hist, [d], occ, mask=last)
            return carry

        lax.fori_loop(0, CHUNK // 16, hist_body, 0)
        pltpu.sync_copy(v_hist, sp_hist.at[pl.ds(s_id * RADIX, RADIX)])
        plsc.subcore_barrier()

        pltpu.sync_copy(sp_hist, v_ghist)

        def scan_body(dc, carry):
            sl = pl.ds(dc * 16, 16)
            acc_t = v_ghist[pl.ds(dc * 16, 16)]
            acc_c = zeros16
            for l in range(1, 16):
                g = v_ghist[pl.ds(l * RADIX + dc * 16, 16)]
                acc_t = acc_t + g
                acc_c = acc_c + jnp.where(l <= s_id - 1, g, 0)
            v_t[sl] = acc_t
            v_c[sl] = acc_c + jnp.where(s_id > 0, v_ghist[pl.ds(dc * 16, 16)], 0)
            return carry

        lax.fori_loop(0, RADIX // 16, scan_body, 0)

        def prefix_body(dc, carry):
            sl = pl.ds(dc * 16, 16)
            t16 = v_t[sl]
            incl = plsc.cumsum(t16)
            v_next[sl] = v_c[sl] + (incl - t16) + carry
            return carry + jnp.sum(t16)

        lax.fori_loop(0, RADIX // 16, prefix_body, jnp.int32(0))

        pltpu.sync_copy(src_i.at[pl.ds(base, CHUNK)], v_idx)

        def rank_body(v, carry):
            sl = pl.ds(v * 16, 16)
            k = v_key[sl]
            d = ((k >> shift) & mask).astype(jnp.int32)
            nx = plsc.load_gather(v_next, [d])
            occ, last = plsc.scan_count(d)
            v_pos[v >> 3, pl.ds((v & 7) * 16, 16)] = nx + occ - 1
            plsc.store_scatter(v_next, [d], nx + occ, mask=last)
            return carry

        lax.fori_loop(0, CHUNK // 16, rank_body, 0)

        scats = []
        for j in range(CHUNK // 128):
            sl = pl.ds(j * 128, 128)
            scats.append(pltpu.async_copy(v_key.at[sl], dst_k.at[v_pos.at[j]], sem_s))
            scats.append(pltpu.async_copy(v_idx.at[sl], dst_i.at[v_pos.at[j]], sem_s))
        for sc in scats:
            sc.wait()
        plsc.subcore_barrier()

    wid = c_id * 16 + s_id
    obase = wid * OCHUNK
    pltpu.sync_copy(spi_b.at[pl.ds(obase, OCHUNK)], v_sidx)

    def clamp_body(v, carry):
        sl = pl.ds(v * 16, 16)
        v_sidx[sl] = jnp.minimum(v_sidx[sl], N - 1)
        return carry

    lax.fori_loop(0, OCHUNK // 16, clamp_body, 0)

    NJ = OCHUNK // 128
    TAIL2 = N % 128

    def start_gather(j, buf):
        return pltpu.async_copy(
            table_ref.at[v_sidx.at[pl.ds(j * 128, 128)]], v_rows.at[buf], sem_g)

    g = start_gather(0, 0)
    for j in range(NJ):
        g.wait()
        if j + 1 < NJ:
            g = start_gather(j + 1, (j + 1) % 2)
        off = obase + j * 128

        @pl.when(off + 128 <= N)
        def _(j=j):
            pltpu.sync_copy(v_rows.at[j % 2], out_ref.at[pl.ds(off, 128)])

        @pl.when(jnp.logical_and(off < N, off + 128 > N))
        def _(j=j):
            pltpu.sync_copy(v_rows.at[j % 2, pl.ds(0, TAIL2)],
                            out_ref.at[pl.ds(off, TAIL2)])


def kernel(rel_logit, obj_logit, rel_pair_idx):
    n, c = rel_logit.shape

    obj_prob = jax.nn.softmax(obj_logit, axis=-1)
    obj_prob = obj_prob.at[:, 0].set(0.0)
    obj_scores = jnp.max(obj_prob[:, 1:], axis=1)
    obj_class = jnp.argmax(obj_prob[:, 1:], axis=1) + 1

    BLK = 2000
    e = pl.pallas_call(
        _rel_exp_body,
        grid=(n // BLK,),
        in_specs=[pl.BlockSpec((BLK, c), lambda i: (i, 0))],
        out_specs=pl.BlockSpec((BLK, c), lambda i: (i, 0)),
        out_shape=jax.ShapeDtypeStruct((n, c), jnp.float32),
    )(rel_logit)
    s = jnp.sum(e, axis=-1, keepdims=True)
    table, rel_scores = pl.pallas_call(
        _rel_finish_body,
        grid=(n // BLK,),
        in_specs=[pl.BlockSpec((BLK, c), lambda i: (i, 0)),
                  pl.BlockSpec((BLK, 1), lambda i: (i, 0)),
                  pl.BlockSpec((BLK, 1), lambda i: (i, 0)),
                  pl.BlockSpec((BLK, 1), lambda i: (i, 0))],
        out_specs=(
            pl.BlockSpec((BLK, TW), lambda i: (i, 0)),
            pl.BlockSpec((BLK, 1), lambda i: (i, 0)),
        ),
        out_shape=(
            jax.ShapeDtypeStruct((n, TW), jnp.float32),
            jax.ShapeDtypeStruct((n, 1), jnp.float32),
        ),
    )(e, s, rel_pair_idx[:, 0:1], rel_pair_idx[:, 1:2])
    rel_scores = rel_scores.reshape(n)

    rs_pad = jnp.pad(rel_scores, (0, NPAD - n))
    rpi_pad = jnp.pad(rel_pair_idx, ((0, NPAD - n), (0, 0)))
    col0 = rpi_pad[:, 0]
    col1 = rpi_pad[:, 1]
    os_pad = jnp.pad(obj_scores, (0, 1024 - obj_scores.shape[0]))

    mesh = plsc.VectorSubcoreMesh(core_axis_name="c", subcore_axis_name="s")
    out_table = pl.kernel(
        _sc_body,
        out_type=jax.ShapeDtypeStruct((N, TW), jnp.float32),
        mesh=mesh,
        compiler_params=pltpu.CompilerParams(needs_layout_passes=False),
        scratch_types=[
            pltpu.VMEM_SHARED((NPAD,), jnp.uint32),
            pltpu.VMEM_SHARED((NPAD,), jnp.int32),
            pltpu.VMEM_SHARED((NPAD,), jnp.uint32),
            pltpu.VMEM_SHARED((NPAD,), jnp.int32),
            pltpu.VMEM_SHARED((NHIST,), jnp.int32),
            pltpu.VMEM((1024,), jnp.float32),
            pltpu.VMEM((CHUNK,), jnp.float32),
            pltpu.VMEM((CHUNK,), jnp.int32),
            pltpu.VMEM((CHUNK,), jnp.int32),
            pltpu.VMEM((CHUNK,), jnp.uint32),
            pltpu.VMEM((CHUNK,), jnp.int32),
            pltpu.VMEM((RADIX,), jnp.int32),
            pltpu.VMEM((NHIST,), jnp.int32),
            pltpu.VMEM((RADIX,), jnp.int32),
            pltpu.VMEM((RADIX,), jnp.int32),
            pltpu.VMEM((RADIX,), jnp.int32),
            pltpu.VMEM((CHUNK // 128, 128), jnp.int32),
            pltpu.VMEM((OCHUNK,), jnp.int32),
            pltpu.VMEM((2, 128, TW), jnp.float32),
            pltpu.SemaphoreType.DMA,
            pltpu.SemaphoreType.DMA,
            pltpu.SemaphoreType.DMA,
        ],
    )(rs_pad, os_pad, col0, col1, table)

    return (
        obj_class,
        obj_scores,
        lax.bitcast_convert_type(out_table[:, C:C + 2], jnp.int32),
        out_table[:, :C],
        lax.bitcast_convert_type(out_table[:, C + 2], jnp.int32),
    )

# --- scband reference (transcript-rebuilt; emitter-appended) ---
"""Pipeline reference for scband-post-processor-relation-69286412419103 (READ-ONLY COPY).

The authoritative reference and input builder live on the scoring server;
editing this copy changes nothing except your own understanding.
"""

import jax, jax.numpy as jnp
import numpy as np


def setup_inputs(seed: int = 0) -> dict:
    key = jax.random.key(seed)
    k1, k2, k3 = jax.random.split(key, 3)
    rel_logit = jax.random.normal(k1, (20000, 51), dtype=jnp.float32)
    obj_logit = jax.random.normal(k2, (1000, 151), dtype=jnp.float32)
    rel_pair_idx = jax.random.randint(k3, (20000, 2), 0, 1000, dtype=jnp.int64 if jax.config.jax_enable_x64 else jnp.int32)
    return {"rel_logit": rel_logit, "obj_logit": obj_logit, "rel_pair_idx": rel_pair_idx}


def reference(rel_logit, obj_logit, rel_pair_idx):
    # Faithful single-image path of PostProcessor_Relation.forward with
    # attribute_on=False, use_gt_box=True, no relness matrix, softmax (not BCE).
    obj_class_prob = jax.nn.softmax(obj_logit, axis=-1)
    obj_class_prob = obj_class_prob.at[:, 0].set(0.0)
    # use_gt_box branch: max over classes 1..C-1
    obj_scores = jnp.max(obj_class_prob[:, 1:], axis=1)
    obj_pred = jnp.argmax(obj_class_prob[:, 1:], axis=1) + 1
    obj_class = obj_pred
    # gather subject/object scores for each relation pair
    obj_scores0 = obj_scores[rel_pair_idx[:, 0]]
    obj_scores1 = obj_scores[rel_pair_idx[:, 1]]
    rel_class_prob = jax.nn.softmax(rel_logit, axis=-1)
    rel_scores = jnp.max(rel_class_prob[:, 1:], axis=1)
    rel_class = jnp.argmax(rel_class_prob[:, 1:], axis=1) + 1
    triple_scores = rel_scores * obj_scores0 * obj_scores1
    # descending sort of triple scores
    sorting_idx = jnp.argsort(-triple_scores.reshape(-1))
    rel_pair_idx_sorted = rel_pair_idx[sorting_idx]
    rel_class_prob_sorted = rel_class_prob[sorting_idx]
    rel_labels = rel_class[sorting_idx]
    return (obj_class, obj_scores, rel_pair_idx_sorted, rel_class_prob_sorted, rel_labels)

if __name__ == "__main__":
    import jax
    _d = setup_inputs()
    print(jax.jit(kernel)(*tuple(_d.values())))

</pallas_src>

<mosaic_0001>
#map = affine_map<(d0, d1) -> (0)>
#map1 = affine_map<(d0, d1) -> (0, 0)>
module attributes {stable_mosaic.version = 14 : i64} {
  func.func @_sc_body(%arg0: i32, %arg1: i32, %arg2: memref<20480xf32, #tpu.memory_space<hbm>>, %arg3: memref<1024xf32, #tpu.memory_space<hbm>>, %arg4: memref<20480xi32, #tpu.memory_space<hbm>>, %arg5: memref<20480xi32, #tpu.memory_space<hbm>>, %arg6: memref<20000x128xf32, #tpu.memory_space<hbm>>, %arg7: memref<20000x128xf32, #tpu.memory_space<hbm>>, %arg8: memref<20480xi32, #tpu.memory_space<vmem_shared>>, %arg9: memref<20480xi32, #tpu.memory_space<vmem_shared>>, %arg10: memref<20480xi32, #tpu.memory_space<vmem_shared>>, %arg11: memref<20480xi32, #tpu.memory_space<vmem_shared>>, %arg12: memref<32768xi32, #tpu.memory_space<vmem_shared>>, %arg13: memref<1024xf32, #tpu.memory_space<vmem>>, %arg14: memref<1280xf32, #tpu.memory_space<vmem>>, %arg15: memref<1280xi32, #tpu.memory_space<vmem>>, %arg16: memref<1280xi32, #tpu.memory_space<vmem>>, %arg17: memref<1280xi32, #tpu.memory_space<vmem>>, %arg18: memref<1280xi32, #tpu.memory_space<vmem>>, %arg19: memref<2048xi32, #tpu.memory_space<vmem>>, %arg20: memref<32768xi32, #tpu.memory_space<vmem>>, %arg21: memref<2048xi32, #tpu.memory_space<vmem>>, %arg22: memref<2048xi32, #tpu.memory_space<vmem>>, %arg23: memref<2048xi32, #tpu.memory_space<vmem>>, %arg24: memref<10x128xi32, #tpu.memory_space<vmem>>, %arg25: memref<640xi32, #tpu.memory_space<vmem>>, %arg26: memref<2x128x128xf32, #tpu.memory_space<vmem>>, %arg27: memref<!tpu.dma_semaphore, #tpu.memory_space<semaphore_mem>>, %arg28: memref<!tpu.dma_semaphore, #tpu.memory_space<semaphore_mem>>, %arg29: memref<!tpu.dma_semaphore, #tpu.memory_space<semaphore_mem>>) attributes {dimension_semantics = [#tpu.dimension_semantics<core_parallel>, #tpu.dimension_semantics<subcore_parallel>], iteration_bounds = array<i64: 2, 16>, scalar_prefetch = 0 : i64, scratch_operands = 22 : i64, tpu.core_type = #tpu.core_type<sc_vector_subcore>, window_params = [{transform_indices = #map}, {transform_indices = #map}, {transform_indices = #map}, {transform_indices = #map}, {transform_indices = #map1}, {transform_indices = #map1}]} {
    %mul3A = arith.constant 1280 : i32
    %mul3A_0 = arith.muli %arg1, %mul3A : i32
    %iota3A = tpu.iota {dimensions = array<i32: 0>} : vector<16xi32>
    %broadcast_in_dim3A = arith.constant 0 : i32
    %broadcast_in_dim3A_1 = vector.broadcast %broadcast_in_dim3A : i32 to vector<16xi32>
    tpu.enqueue_dma source(%arg3 : memref<1024xf32, #tpu.memory_space<hbm>>) target(%arg13 : memref<1024xf32, #tpu.memory_space<vmem>>) target_semaphore(%arg27 : memref<!tpu.dma_semaphore, #tpu.memory_space<semaphore_mem>>)
    %dma_start3A = tpu.memref_slice %arg2[%mul3A_0] : memref<20480xf32, #tpu.memory_space<hbm>> -> memref<1280xf32, #tpu.memory_space<hbm>>
    %dma_start3A_2 = tpu.memref_slice %arg2[%mul3A_0] : memref<20480xf32, #tpu.memory_space<hbm>> -> memref<1280xf32, #tpu.memory_space<hbm>>
    tpu.enqueue_dma source(%dma_start3A_2 : memref<1280xf32, #tpu.memory_space<hbm>>) target(%arg14 : memref<1280xf32, #tpu.memory_space<vmem>>) target_semaphore(%arg27 : memref<!tpu.dma_semaphore, #tpu.memory_space<semaphore_mem>>)
    %dma_start3A_3 = tpu.memref_slice %arg4[%mul3A_0] : memref<20480xi32, #tpu.memory_space<hbm>> -> memref<1280xi32, #tpu.memory_space<hbm>>
    %dma_start3A_4 = tpu.memref_slice %arg4[%mul3A_0] : memref<20480xi32, #tpu.memory_space<hbm>> -> memref<1280xi32, #tpu.memory_space<hbm>>
    tpu.enqueue_dma source(%dma_start3A_4 : memref<1280xi32, #tpu.memory_space<hbm>>) target(%arg15 : memref<1280xi32, #tpu.memory_space<vmem>>) target_semaphore(%arg27 : memref<!tpu.dma_semaphore, #tpu.memory_space<semaphore_mem>>)
    %dma_start3A_5 = tpu.memref_slice %arg5[%mul3A_0] : memref<20480xi32, #tpu.memory_space<hbm>> -> memref<1280xi32, #tpu.memory_space<hbm>>
    %dma_start3A_6 = tpu.memref_slice %arg5[%mul3A_0] : memref<20480xi32, #tpu.memory_space<hbm>> -> memref<1280xi32, #tpu.memory_space<hbm>>
    tpu.enqueue_dma source(%dma_start3A_6 : memref<1280xi32, #tpu.memory_space<hbm>>) target(%arg16 : memref<1280xi32, #tpu.memory_space<vmem>>) target_semaphore(%arg27 : memref<!tpu.dma_semaphore, #tpu.memory_space<semaphore_mem>>)
    tpu.wait_dma2 semaphore(%arg27 : memref<!tpu.dma_semaphore, #tpu.memory_space<semaphore_mem>>) src(%arg3 : memref<1024xf32, #tpu.memory_space<hbm>>) dst(%arg13 : memref<1024xf32, #tpu.memory_space<vmem>>)
    %dma_wait3A = tpu.memref_slice %arg2[%mul3A_0] : memref<20480xf32, #tpu.memory_space<hbm>> -> memref<1280xf32, #tpu.memory_space<hbm>>
    %dma_wait3A_7 = tpu.memref_slice %arg2[%mul3A_0] : memref<20480xf32, #tpu.memory_space<hbm>> -> memref<1280xf32, #tpu.memory_space<hbm>>
    tpu.wait_dma2 semaphore(%arg27 : memref<!tpu.dma_semaphore, #tpu.memory_space<semaphore_mem>>) src(%dma_wait3A_7 : memref<1280xf32, #tpu.memory_space<hbm>>) dst(%arg14 : memref<1280xf32, #tpu.memory_space<vmem>>)
    %dma_wait3A_8 = tpu.memref_slice %arg4[%mul3A_0] : memref<20480xi32, #tpu.memory_space<hbm>> -> memref<1280xi32, #tpu.memory_space<hbm>>
    %dma_wait3A_9 = tpu.memref_slice %arg4[%mul3A_0] : memref<20480xi32, #tpu.memory_space<hbm>> -> memref<1280xi32, #tpu.memory_space<hbm>>
    tpu.wait_dma2 semaphore(%arg27 : memref<!tpu.dma_semaphore, #tpu.memory_space<semaphore_mem>>) src(%dma_wait3A_9 : memref<1280xi32, #tpu.memory_space<hbm>>) dst(%arg15 : memref<1280xi32, #tpu.memory_space<vmem>>)
    %dma_wait3A_10 = tpu.memref_slice %arg5[%mul3A_0] : memref<20480xi32, #tpu.memory_space<hbm>> -> memref<1280xi32, #tpu.memory_space<hbm>>
    %dma_wait3A_11 = tpu.memref_slice %arg5[%mul3A_0] : memref<20480xi32, #tpu.memory_space<hbm>> -> memref<1280xi32, #tpu.memory_space<hbm>>
    tpu.wait_dma2 semaphore(%arg27 : memref<!tpu.dma_semaphore, #tpu.memory_space<semaphore_mem>>) src(%dma_wait3A_11 : memref<1280xi32, #tpu.memory_space<hbm>>) dst(%arg16 : memref<1280xi32, #tpu.memory_space<vmem>>)
    %scan3A = arith.constant 0 : i32
    %scan3A_12 = arith.constant 0 : i32
    %scan3A_13 = arith.constant 80 : i32
    %scan3A_14 = arith.addi %scan3A_12, %scan3A_13 : i32
    %scan3A_15 = arith.constant 1 : i32
    scf.for %scan3A_1293 = %scan3A_12 to %scan3A_14 step %scan3A_15  : i32 {
      %mul3A_1294 = arith.constant 16 : i32
      %mul3A_1295 = arith.muli %scan3A_1293, %mul3A_1294 : i32
      %get3A = arith.index_cast %mul3A_1295 : i32 to index
      %get3A_1296 = tpu.vector_load %arg15[%get3A] {strides = array<i32>} : memref<1280xi32, #tpu.memory_space<vmem>>, vector<16xi32>,
      %gather3A = tpu.vector_load_idx %arg13[%get3A_1296] : memref<1024xf32, #tpu.memory_space<vmem>>[vector<16xi32>], vector<16xf32>,
      %get3A_1297 = arith.index_cast %mul3A_1295 : i32 to index
      %get3A_1298 = tpu.vector_load %arg16[%get3A_1297] {strides = array<i32>} : memref<1280xi32, #tpu.memory_space<vmem>>, vector<16xi32>,
      %gather3A_1299 = tpu.vector_load_idx %arg13[%get3A_1298] : memref<1024xf32, #tpu.memory_space<vmem>>[vector<16xi32>], vector<16xf32>,
      %get3A_1300 = arith.index_cast %mul3A_1295 : i32 to index
      %get3A_1301 = tpu.vector_load %arg14[%get3A_1300] {strides = array<i32>} : memref<1280xf32, #tpu.memory_space<vmem>>, vector<16xf32>,
      %mul3A_1302 = arith.mulf %get3A_1301, %gather3A : vector<16xf32>
      %mul3A_1303 = arith.mulf %mul3A_1302, %gather3A_1299 : vector<16xf32>
      %bitcast3A = vector.bitcast %mul3A_1303 : vector<16xf32> to vector<16xi32>
      %not3A = arith.constant dense<-1> : vector<16xi32>
      %not3A_1304 = arith.xori %bitcast3A, %not3A : vector<16xi32>
      %mul3A_1305 = arith.constant 16 : i32
      %mul3A_1306 = arith.muli %scan3A_1293, %mul3A_1305 : i32
      %add3A_1307 = arith.addi %mul3A_0, %mul3A_1306 : i32
      %add3A_1308 = vector.broadcast %add3A_1307 : i32 to vector<16xi32>
      %add3A_1309 = arith.addi %add3A_1308, %iota3A : vector<16xi32>
      %lt3A_1310 = arith.constant 20000 : i32
      %lt3A_1311 = vector.broadcast %lt3A_1310 : i32 to vector<16xi32>
      %lt3A_1312 = arith.cmpi slt, %add3A_1309, %lt3A_1311 : vector<16xi32>
      %jit3A = arith.constant -1 : i32
      %broadcast_in_dim3A_1313 = vector.broadcast %jit3A : i32 to vector<16xi32>
      %select_n3A = arith.select %lt3A_1312, %not3A_1304, %broadcast_in_dim3A_1313 : vector<16xi1>, vector<16xi32>
      %swap3A = arith.index_cast %mul3A_1295 : i32 to index
      %swap3A_1314 = tpu.vector_load %arg17[%swap3A] {strides = array<i32>} : memref<1280xi32, #tpu.memory_space<vmem>>, vector<16xi32>,
      tpu.vector_store %arg17[%swap3A], %select_n3A {strides = array<i32>} : memref<1280xi32, #tpu.memory_space<vmem>>, vector<16xi32>,
      %swap3A_1315 = arith.index_cast %mul3A_1295 : i32 to index
      %swap3A_1316 = tpu.vector_load %arg18[%swap3A_1315] {strides = array<i32>} : memref<1280xi32, #tpu.memory_space<vmem>>, vector<16xi32>,
      tpu.vector_store %arg18[%swap3A_1315], %add3A_1309 {strides = array<i32>} : memref<1280xi32, #tpu.memory_space<vmem>>, vector<16xi32>,
    }
    %scan3A_16 = arith.constant 80 : i32
    "tpu.region"() ({
      %run_scoped3A = tpu.sem_alloc : memref<!tpu.dma_semaphore, #tpu.memory_space<semaphore_mem>>
      %dma_start3A_1293 = tpu.memref_slice %arg8[%mul3A_0] : memref<20480xi32, #tpu.memory_space<vmem_shared>> -> memref<1280xi32, #tpu.memory_space<vmem_shared>>
      %dma_start3A_1294 = tpu.memref_slice %arg8[%mul3A_0] : memref<20480xi32, #tpu.memory_space<vmem_shared>> -> memref<1280xi32, #tpu.memory_space<vmem_shared>>
      tpu.enqueue_dma source(%arg17 : memref<1280xi32, #tpu.memory_space<vmem>>) target(%dma_start3A_1294 : memref<1280xi32, #tpu.memory_space<vmem_shared>>) target_semaphore(%run_scoped3A : memref<!tpu.dma_semaphore, #tpu.memory_space<semaphore_mem>>)
      %dma_wait3A_1295 = tpu.memref_slice %arg8[%mul3A_0] : memref<20480xi32, #tpu.memory_space<vmem_shared>> -> memref<1280xi32, #tpu.memory_space<vmem_shared>>
      %dma_wait3A_1296 = tpu.memref_slice %arg8[%mul3A_0] : memref<20480xi32, #tpu.memory_space<vmem_shared>> -> memref<1280xi32, #tpu.memory_space<vmem_shared>>
      tpu.wait_dma2 semaphore(%run_scoped3A : memref<!tpu.dma_semaphore, #tpu.memory_space<semaphore_mem>>) src(%arg17 : memref<1280xi32, #tpu.memory_space<vmem>>) dst(%dma_wait3A_1296 : memref<1280xi32, #tpu.memory_space<vmem_shared>>)
      tpu.yield
    }) : () -> ()
    "tpu.region"() ({
      %run_scoped3A = tpu.sem_alloc : memref<!tpu.dma_semaphore, #tpu.memory_space<semaphore_mem>>
      %dma_start3A_1293 = tpu.memref_slice %arg9[%mul3A_0] : memref<20480xi32, #tpu.memory_space<vmem_shared>> -> memref<1280xi32, #tpu.memory_space<vmem_shared>>
      %dma_start3A_1294 = tpu.memref_slice %arg9[%mul3A_0] : memref<20480xi32, #tpu.memory_space<vmem_shared>> -> memref<1280xi32, #tpu.memory_space<vmem_shared>>
      tpu.enqueue_dma source(%arg18 : memref<1280xi32, #tpu.memory_space<vmem>>) target(%dma_start3A_1294 : memref<1280xi32, #tpu.memory_space<vmem_shared>>) target_semaphore(%run_scoped3A : memref<!tpu.dma_semaphore, #tpu.memory_space<semaphore_mem>>)
      %dma_wait3A_1295 = tpu.memref_slice %arg9[%mul3A_0] : memref<20480xi32, #tpu.memory_space<vmem_shared>> -> memref<1280xi32, #tpu.memory_space<vmem_shared>>
      %dma_wait3A_1296 = tpu.memref_slice %arg9[%mul3A_0] : memref<20480xi32, #tpu.memory_space<vmem_shared>> -> memref<1280xi32, #tpu.memory_space<vmem_shared>>
      tpu.wait_dma2 semaphore(%run_scoped3A : memref<!tpu.dma_semaphore, #tpu.memory_space<semaphore_mem>>) src(%arg18 : memref<1280xi32, #tpu.memory_space<vmem>>) dst(%dma_wait3A_1296 : memref<1280xi32, #tpu.memory_space<vmem_shared>>)
      tpu.yield
    }) : () -> ()
    %barrier3A = arith.constant 0 : index
    tpu.barrier barrier_id(%barrier3A)
    "tpu.region"() ({
      %run_scoped3A = tpu.sem_alloc : memref<!tpu.dma_semaphore, #tpu.memory_space<semaphore_mem>>
      %dma_start3A_1293 = tpu.memref_slice %arg8[%mul3A_0] : memref<20480xi32, #tpu.memory_space<vmem_shared>> -> memref<1280xi32, #tpu.memory_space<vmem_shared>>
      %dma_start3A_1294 = tpu.memref_slice %arg8[%mul3A_0] : memref<20480xi32, #tpu.memory_space<vmem_shared>> -> memref<1280xi32, #tpu.memory_space<vmem_shared>>
      tpu.enqueue_dma source(%dma_start3A_1294 : memref<1280xi32, #tpu.memory_space<vmem_shared>>) target(%arg17 : memref<1280xi32, #tpu.memory_space<vmem>>) target_semaphore(%run_scoped3A : memref<!tpu.dma_semaphore, #tpu.memory_space<semaphore_mem>>)
      %dma_wait3A_1295 = tpu.memref_slice %arg8[%mul3A_0] : memref<20480xi32, #tpu.memory_space<vmem_shared>> -> memref<1280xi32, #tpu.memory_space<vmem_shared>>
      %dma_wait3A_1296 = tpu.memref_slice %arg8[%mul3A_0] : memref<20480xi32, #tpu.memory_space<vmem_shared>> -> memref<1280xi32, #tpu.memory_space<vmem_shared>>
      tpu.wait_dma2 semaphore(%run_scoped3A : memref<!tpu.dma_semaphore, #tpu.memory_space<semaphore_mem>>) src(%dma_wait3A_1296 : memref<1280xi32, #tpu.memory_space<vmem_shared>>) dst(%arg17 : memref<1280xi32, #tpu.memory_space<vmem>>)
      tpu.yield
    }) : () -> ()
    %scan3A_17 = arith.constant 0 : i32
    %scan3A_18 = arith.constant 0 : i32
    %scan3A_19 = arith.constant 128 : i32
    %scan3A_20 = arith.addi %scan3A_18, %scan3A_19 : i32
    %scan3A_21 = arith.constant 1 : i32
    scf.for %scan3A_1293 = %scan3A_18 to %scan3A_20 step %scan3A_21  : i32 {
      %mul3A_1294 = arith.constant 16 : i32
      %mul3A_1295 = arith.muli %scan3A_1293, %mul3A_1294 : i32
      %swap3A = arith.index_cast %mul3A_1295 : i32 to index
      %swap3A_1296 = tpu.vector_load %arg19[%swap3A] {strides = array<i32>} : memref<2048xi32, #tpu.memory_space<vmem>>, vector<16xi32>,
      tpu.vector_store %arg19[%swap3A], %broadcast_in_dim3A_1 {strides = array<i32>} : memref<2048xi32, #tpu.memory_space<vmem>>, vector<16xi32>,
    }
    %scan3A_22 = arith.constant 128 : i32
    %scan3A_23 = arith.constant 0 : i32
    %scan3A_24 = arith.constant 0 : i32
    %scan3A_25 = arith.constant 2047 : i32
    %scan3A_26 = arith.constant 0 : i32
    %scan3A_27 = arith.constant 80 : i32
    %scan3A_28 = arith.addi %scan3A_26, %scan3A_27 : i32
    %scan3A_29 = arith.constant 1 : i32
    scf.for %scan3A_1293 = %scan3A_26 to %scan3A_28 step %scan3A_29  : i32 {
      %mul3A_1294 = arith.constant 16 : i32
      %mul3A_1295 = arith.muli %scan3A_1293, %mul3A_1294 : i32
      %get3A = arith.index_cast %mul3A_1295 : i32 to index
      %get3A_1296 = tpu.vector_load %arg17[%get3A] {strides = array<i32>} : memref<1280xi32, #tpu.memory_space<vmem>>, vector<16xi32>,
      %shift_right_logical3A = vector.broadcast %scan3A_24 : i32 to vector<16xi32>
      %shift_right_logical3A_1297 = arith.shrui %get3A_1296, %shift_right_logical3A : vector<16xi32>
      %and3A_1298 = vector.broadcast %scan3A_25 : i32 to vector<16xi32>
      %and3A_1299 = arith.andi %shift_right_logical3A_1297, %and3A_1298 : vector<16xi32>
      %broadcast_in_dim3A_1300 = arith.constant true
      %broadcast_in_dim3A_1301 = vector.broadcast %broadcast_in_dim3A_1300 : i1 to vector<16xi1>
      %unique3A, %unique3A_1302 = tpu.scan_count mask(%broadcast_in_dim3A_1301 : vector<16xi1>) value(%and3A_1299 : vector<16xi32>) : vector<16xi1>, vector<16xi32>
      tpu.vector_store_idx %arg19[%and3A_1299], %unique3A_1302 masked %unique3A {add = true} : memref<2048xi32, #tpu.memory_space<vmem>>[vector<16xi32>], vector<16xi32>, vector<16xi1>
    }
    %scan3A_30 = arith.constant 80 : i32
    %mul3A_31 = arith.constant 2048 : i32
    %mul3A_32 = arith.muli %arg1, %mul3A_31 : i32
    "tpu.region"() ({
      %run_scoped3A = tpu.sem_alloc : memref<!tpu.dma_semaphore, #tpu.memory_space<semaphore_mem>>
      %dma_start3A_1293 = tpu.memref_slice %arg12[%mul3A_32] : memref<32768xi32, #tpu.memory_space<vmem_shared>> -> memref<2048xi32, #tpu.memory_space<vmem_shared>>
      %dma_start3A_1294 = tpu.memref_slice %arg12[%mul3A_32] : memref<32768xi32, #tpu.memory_space<vmem_shared>> -> memref<2048xi32, #tpu.memory_space<vmem_shared>>
      tpu.enqueue_dma source(%arg19 : memref<2048xi32, #tpu.memory_space<vmem>>) target(%dma_start3A_1294 : memref<2048xi32, #tpu.memory_space<vmem_shared>>) target_semaphore(%run_scoped3A : memref<!tpu.dma_semaphore, #tpu.memory_space<semaphore_mem>>)
      %dma_wait3A_1295 = tpu.memref_slice %arg12[%mul3A_32] : memref<32768xi32, #tpu.memory_space<vmem_shared>> -> memref<2048xi32, #tpu.memory_space<vmem_shared>>
      %dma_wait3A_1296 = tpu.memref_slice %arg12[%mul3A_32] : memref<32768xi32, #tpu.memory_space<vmem_shared>> -> memref<2048xi32, #tpu.memory_space<vmem_shared>>
      tpu.wait_dma2 semaphore(%run_scoped3A : memref<!tpu.dma_semaphore, #tpu.memory_space<semaphore_mem>>) src(%arg19 : memref<2048xi32, #tpu.memory_space<vmem>>) dst(%dma_wait3A_1296 : memref<2048xi32, #tpu.memory_space<vmem_shared>>)
      tpu.yield
    }) : () -> ()
    %barrier3A_33 = arith.constant 0 : index
    tpu.barrier barrier_id(%barrier3A_33)
    "tpu.region"() ({
      %run_scoped3A = tpu.sem_alloc : memref<!tpu.dma_semaphore, #tpu.memory_space<semaphore_mem>>
      tpu.enqueue_dma source(%arg12 : memref<32768xi32, #tpu.memory_space<vmem_shared>>) target(%arg20 : memref<32768xi32, #tpu.memory_space<vmem>>) target_semaphore(%run_scoped3A : memref<!tpu.dma_semaphore, #tpu.memory_space<semaphore_mem>>)
      tpu.wait_dma2 semaphore(%run_scoped3A : memref<!tpu.dma_semaphore, #tpu.memory_space<semaphore_mem>>) src(%arg12 : memref<32768xi32, #tpu.memory_space<vmem_shared>>) dst(%arg20 : memref<32768xi32, #tpu.memory_space<vmem>>)
      tpu.yield
    }) : () -> ()
    %scan3A_34 = arith.constant 0 : i32
    %scan3A_35 = arith.constant 0 : i32
    %scan3A_36 = arith.constant 128 : i32
    %scan3A_37 = arith.addi %scan3A_35, %scan3A_36 : i32
    %scan3A_38 = arith.constant 1 : i32
    scf.for %scan3A_1293 = %scan3A_35 to %scan3A_37 step %scan3A_38  : i32 {
      %mul3A_1294 = arith.constant 16 : i32
      %mul3A_1295 = arith.muli %scan3A_1293, %mul3A_1294 : i32
      %mul3A_1296 = arith.constant 16 : i32
      %mul3A_1297 = arith.muli %scan3A_1293, %mul3A_1296 : i32
      %get3A = arith.index_cast %mul3A_1297 : i32 to index
      %get3A_1298 = tpu.vector_load %arg20[%get3A] {strides = array<i32>} : memref<32768xi32, #tpu.memory_space<vmem>>, vector<16xi32>,
      %mul3A_1299 = arith.constant 16 : i32
      %mul3A_1300 = arith.muli %scan3A_1293, %mul3A_1299 : i32
      %add3A_1301 = arith.constant 2048 : i32
      %add3A_1302 = arith.addi %add3A_1301, %mul3A_1300 : i32
      %get3A_1303 = arith.index_cast %add3A_1302 : i32 to index
      %get3A_1304 = tpu.vector_load %arg20[%get3A_1303] {strides = array<i32>} : memref<32768xi32, #tpu.memory_space<vmem>>, vector<16xi32>,
      %add3A_1305 = arith.addi %get3A_1298, %get3A_1304 : vector<16xi32>
      %sub3A = arith.constant 1 : i32
      %sub3A_1306 = arith.subi %arg1, %sub3A : i32
      %ge3A = arith.constant 1 : i32
      %ge3A_1307 = arith.cmpi sge, %sub3A_1306, %ge3A : i32
      %jit3A = arith.constant 0 : i32
      %broadcast_in_dim3A_1308 = vector.broadcast %jit3A : i32 to vector<16xi32>
      %select_n3A = arith.select %ge3A_1307, %get3A_1304, %broadcast_in_dim3A_1308 : vector<16xi32>
      %add3A_1309 = arith.addi %broadcast_in_dim3A_1, %select_n3A : vector<16xi32>
      %mul3A_1310 = arith.constant 16 : i32
      %mul3A_1311 = arith.muli %scan3A_1293, %mul3A_1310 : i32
      %add3A_1312 = arith.constant 4096 : i32
      %add3A_1313 = arith.addi %add3A_1312, %mul3A_1311 : i32
      %get3A_1314 = arith.index_cast %add3A_1313 : i32 to index
      %get3A_1315 = tpu.vector_load %arg20[%get3A_1314] {strides = array<i32>} : memref<32768xi32, #tpu.memory_space<vmem>>, vector<16xi32>,
      %add3A_1316 = arith.addi %add3A_1305, %get3A_1315 : vector<16xi32>
      %sub3A_1317 = arith.constant 1 : i32
      %sub3A_1318 = arith.subi %arg1, %sub3A_1317 : i32
      %ge3A_1319 = arith.constant 2 : i32
      %ge3A_1320 = arith.cmpi sge, %sub3A_1318, %ge3A_1319 : i32
      %jit3A_1321 = arith.constant 0 : i32
      %broadcast_in_dim3A_1322 = vector.broadcast %jit3A_1321 : i32 to vector<16xi32>
      %select_n3A_1323 = arith.select %ge3A_1320, %get3A_1315, %broadcast_in_dim3A_1322 : vector<16xi32>
      %add3A_1324 = arith.addi %add3A_1309, %select_n3A_1323 : vector<16xi32>
      %mul3A_1325 = arith.constant 16 : i32
      %mul3A_1326 = arith.muli %scan3A_1293, %mul3A_1325 : i32
      %add3A_1327 = arith.constant 6144 : i32
      %add3A_1328 = arith.addi %add3A_1327, %mul3A_1326 : i32
      %get3A_1329 = arith.index_cast %add3A_1328 : i32 to index
      %get3A_1330 = tpu.vector_load %arg20[%get3A_1329] {strides = array<i32>} : memref<32768xi32, #tpu.memory_space<vmem>>, vector<16xi32>,
      %add3A_1331 = arith.addi %add3A_1316, %get3A_1330 : vector<16xi32>
      %sub3A_1332 = arith.constant 1 : i32
      %sub3A_1333 = arith.subi %arg1, %sub3A_1332 : i32
      %ge3A_1334 = arith.constant 3 : i32
      %ge3A_1335 = arith.cmpi sge, %sub3A_1333, %ge3A_1334 : i32
      %jit3A_1336 = arith.constant 0 : i32
      %broadcast_in_dim3A_1337 = vector.broadcast %jit3A_1336 : i32 to vector<16xi32>
      %select_n3A_1338 = arith.select %ge3A_1335, %get3A_1330, %broadcast_in_dim3A_1337 : vector<16xi32>
      %add3A_1339 = arith.addi %add3A_1324, %select_n3A_1338 : vector<16xi32>
      %mul3A_1340 = arith.constant 16 : i32
      %mul3A_1341 = arith.muli %scan3A_1293, %mul3A_1340 : i32
      %add3A_1342 = arith.constant 8192 : i32
      %add3A_1343 = arith.addi %add3A_1342, %mul3A_1341 : i32
      %get3A_1344 = arith.index_cast %add3A_1343 : i32 to index
      %get3A_1345 = tpu.vector_load %arg20[%get3A_1344] {strides = array<i32>} : memref<32768xi32, #tpu.memory_space<vmem>>, vector<16xi32>,
      %add3A_1346 = arith.addi %add3A_1331, %get3A_1345 : vector<16xi32>
      %sub3A_1347 = arith.constant 1 : i32
      %sub3A_1348 = arith.subi %arg1, %sub3A_1347 : i32
      %ge3A_1349 = arith.constant 4 : i32
      %ge3A_1350 = arith.cmpi sge, %sub3A_1348, %ge3A_1349 : i32
      %jit3A_1351 = arith.constant 0 : i32
      %broadcast_in_dim3A_1352 = vector.broadcast %jit3A_1351 : i32 to vector<16xi32>
      %select_n3A_1353 = arith.select %ge3A_1350, %get3A_1345, %broadcast_in_dim3A_1352 : vector<16xi32>
      %add3A_1354 = arith.addi %add3A_1339, %select_n3A_1353 : vector<16xi32>
      %mul3A_1355 = arith.constant 16 : i32
      %mul3A_1356 = arith.muli %scan3A_1293, %mul3A_1355 : i32
      %add3A_1357 = arith.constant 10240 : i32
      %add3A_1358 = arith.addi %add3A_1357, %mul3A_1356 : i32
      %get3A_1359 = arith.index_cast %add3A_1358 : i32 to index
      %get3A_1360 = tpu.vector_load %arg20[%get3A_1359] {strides = array<i32>} : memref<32768xi32, #tpu.memory_space<vmem>>, vector<16xi32>,
      %add3A_1361 = arith.addi %add3A_1346, %get3A_1360 : vector<16xi32>
      %sub3A_1362 = arith.constant 1 : i32
      %sub3A_1363 = arith.subi %arg1, %sub3A_1362 : i32
      %ge3A_1364 = arith.constant 5 : i32
      %ge3A_1365 = arith.cmpi sge, %sub3A_1363, %ge3A_1364 : i32
      %jit3A_1366 = arith.constant 0 : i32
      %broadcast_in_dim3A_1367 = vector.broadcast %jit3A_1366 : i32 to vector<16xi32>
      %select_n3A_1368 = arith.select %ge3A_1365, %get3A_1360, %broadcast_in_dim3A_1367 : vector<16xi32>
      %add3A_1369 = arith.addi %add3A_1354, %select_n3A_1368 : vector<16xi32>
      %mul3A_1370 = arith.constant 16 : i32
      %mul3A_1371 = arith.muli %scan3A_1293, %mul3A_1370 : i32
      %add3A_1372 = arith.constant 12288 : i32
      %add3A_1373 = arith.addi %add3A_1372, %mul3A_1371 : i32
      %get3A_1374 = arith.index_cast %add3A_1373 : i32 to index
      %get3A_1375 = tpu.vector_load %arg20[%get3A_1374] {strides = array<i32>} : memref<32768xi32, #tpu.memory_space<vmem>>, vector<16xi32>,
      %add3A_1376 = arith.addi %add3A_1361, %get3A_1375 : vector<16xi32>
      %sub3A_1377 = arith.constant 1 : i32
      %sub3A_1378 = arith.subi %arg1, %sub3A_1377 : i32
      %ge3A_1379 = arith.constant 6 : i32
      %ge3A_1380 = arith.cmpi sge, %sub3A_1378, %ge3A_1379 : i32
      %jit3A_1381 = arith.constant 0 : i32
      %broadcast_in_dim3A_1382 = vector.broadcast %jit3A_1381 : i32 to vector<16xi32>
      %select_n3A_1383 = arith.select %ge3A_1380, %get3A_1375, %broadcast_in_dim3A_1382 : vector<16xi32>
      %add3A_1384 = arith.addi %add3A_1369, %select_n3A_1383 : vector<16xi32>
      %mul3A_1385 = arith.constant 16 : i32
      %mul3A_1386 = arith.muli %scan3A_1293, %mul3A_1385 : i32
      %add3A_1387 = arith.constant 14336 : i32
      %add3A_1388 = arith.addi %add3A_1387, %mul3A_1386 : i32
      %get3A_1389 = arith.index_cast %add3A_1388 : i32 to index
      %get3A_1390 = tpu.vector_load %arg20[%get3A_1389] {strides = array<i32>} : memref<32768xi32, #tpu.memory_space<vmem>>, vector<16xi32>,
      %add3A_1391 = arith.addi %add3A_1376, %get3A_1390 : vector<16xi32>
      %sub3A_1392 = arith.constant 1 : i32
      %sub3A_1393 = arith.subi %arg1, %sub3A_1392 : i32
      %ge3A_1394 = arith.constant 7 : i32
      %ge3A_1395 = arith.cmpi sge, %sub3A_1393, %ge3A_1394 : i32
      %jit3A_1396 = arith.constant 0 : i32
      %broadcast_in_dim3A_1397 = vector.broadcast %jit3A_1396 : i32 to vector<16xi32>
      %select_n3A_1398 = arith.select %ge3A_1395, %get3A_1390, %broadcast_in_dim3A_1397 : vector<16xi32>
      %add3A_1399 = arith.addi %add3A_1384, %select_n3A_1398 : vector<16xi32>
      %mul3A_1400 = arith.constant 16 : i32
      %mul3A_1401 = arith.muli %scan3A_1293, %mul3A_1400 : i32
      %add3A_1402 = arith.constant 16384 : i32
      %add3A_1403 = arith.addi %add3A_1402, %mul3A_1401 : i32
      %get3A_1404 = arith.index_cast %add3A_1403 : i32 to index
      %get3A_1405 = tpu.vector_load %arg20[%get3A_1404] {strides = array<i32>} : memref<32768xi32, #tpu.memory_space<vmem>>, vector<16xi32>,
      %add3A_1406 = arith.addi %add3A_1391, %get3A_1405 : vector<16xi32>
      %sub3A_1407 = arith.constant 1 : i32
      %sub3A_1408 = arith.subi %arg1, %sub3A_1407 : i32
      %ge3A_1409 = arith.constant 8 : i32
      %ge3A_1410 = arith.cmpi sge, %sub3A_1408, %ge3A_1409 : i32
      %jit3A_1411 = arith.constant 0 : i32
      %broadcast_in_dim3A_1412 = vector.broadcast %jit3A_1411 : i32 to vector<16xi32>
      %select_n3A_1413 = arith.select %ge3A_1410, %get3A_1405, %broadcast_in_dim3A_1412 : vector<16xi32>
      %add3A_1414 = arith.addi %add3A_1399, %select_n3A_1413 : vector<16xi32>
      %mul3A_1415 = arith.constant 16 : i32
      %mul3A_1416 = arith.muli %scan3A_1293, %mul3A_1415 : i32
      %add3A_1417 = arith.constant 18432 : i32
      %add3A_1418 = arith.addi %add3A_1417, %mul3A_1416 : i32
      %get3A_1419 = arith.index_cast %add3A_1418 : i32 to index
      %get3A_1420 = tpu.vector_load %arg20[%get3A_1419] {strides = array<i32>} : memref<32768xi32, #tpu.memory_space<vmem>>, vector<16xi32>,
      %add3A_1421 = arith.addi %add3A_1406, %get3A_1420 : vector<16xi32>
      %sub3A_1422 = arith.constant 1 : i32
      %sub3A_1423 = arith.subi %arg1, %sub3A_1422 : i32
      %ge3A_1424 = arith.constant 9 : i32
      %ge3A_1425 = arith.cmpi sge, %sub3A_1423, %ge3A_1424 : i32
      %jit3A_1426 = arith.constant 0 : i32
      %broadcast_in_dim3A_1427 = vector.broadcast %jit3A_1426 : i32 to vector<16xi32>
      %select_n3A_1428 = arith.select %ge3A_1425, %get3A_1420, %broadcast_in_dim3A_1427 : vector<16xi32>
      %add3A_1429 = arith.addi %add3A_1414, %select_n3A_1428 : vector<16xi32>
      %mul3A_1430 = arith.constant 16 : i32
      %mul3A_1431 = arith.muli %scan3A_1293, %mul3A_1430 : i32
      %add3A_1432 = arith.constant 20480 : i32
      %add3A_1433 = arith.addi %add3A_1432, %mul3A_1431 : i32
      %get3A_1434 = arith.index_cast %add3A_1433 : i32 to index
      %get3A_1435 = tpu.vector_load %arg20[%get3A_1434] {strides = array<i32>} : memref<32768xi32, #tpu.memory_space<vmem>>, vector<16xi32>,
      %add3A_1436 = arith.addi %add3A_1421, %get3A_1435 : vector<16xi32>
      %sub3A_1437 = arith.constant 1 : i32
      %sub3A_1438 = arith.subi %arg1, %sub3A_1437 : i32
      %ge3A_1439 = arith.constant 10 : i32
      %ge3A_1440 = arith.cmpi sge, %sub3A_1438, %ge3A_1439 : i32
      %jit3A_1441 = arith.constant 0 : i32
      %broadcast_in_dim3A_1442 = vector.broadcast %jit3A_1441 : i32 to vector<16xi32>
      %select_n3A_1443 = arith.select %ge3A_1440, %get3A_1435, %broadcast_in_dim3A_1442 : vector<16xi32>
      %add3A_1444 = arith.addi %add3A_1429, %select_n3A_1443 : vector<16xi32>
      %mul3A_1445 = arith.constant 16 : i32
      %mul3A_1446 = arith.muli %scan3A_1293, %mul3A_1445 : i32
      %add3A_1447 = arith.constant 22528 : i32
      %add3A_1448 = arith.addi %add3A_1447, %mul3A_1446 : i32
      %get3A_1449 = arith.index_cast %add3A_1448 : i32 to index
      %get3A_1450 = tpu.vector_load %arg20[%get3A_1449] {strides = array<i32>} : memref<32768xi32, #tpu.memory_space<vmem>>, vector<16xi32>,
      %add3A_1451 = arith.addi %add3A_1436, %get3A_1450 : vector<16xi32>
      %sub3A_1452 = arith.constant 1 : i32
      %sub3A_1453 = arith.subi %arg1, %sub3A_1452 : i32
      %ge3A_1454 = arith.constant 11 : i32
      %ge3A_1455 = arith.cmpi sge, %sub3A_1453, %ge3A_1454 : i32
      %jit3A_1456 = arith.constant 0 : i32
      %broadcast_in_dim3A_1457 = vector.broadcast %jit3A_1456 : i32 to vector<16xi32>
      %select_n3A_1458 = arith.select %ge3A_1455, %get3A_1450, %broadcast_in_dim3A_1457 : vector<16xi32>
      %add3A_1459 = arith.addi %add3A_1444, %select_n3A_1458 : vector<16xi32>
      %mul3A_1460 = arith.constant 16 : i32
      %mul3A_1461 = arith.muli %scan3A_1293, %mul3A_1460 : i32
      %add3A_1462 = arith.constant 24576 : i32
      %add3A_1463 = arith.addi %add3A_1462, %mul3A_1461 : i32
      %get3A_1464 = arith.index_cast %add3A_1463 : i32 to index
      %get3A_1465 = tpu.vector_load %arg20[%get3A_1464] {strides = array<i32>} : memref<32768xi32, #tpu.memory_space<vmem>>, vector<16xi32>,
      %add3A_1466 = arith.addi %add3A_1451, %get3A_1465 : vector<16xi32>
      %sub3A_1467 = arith.constant 1 : i32
      %sub3A_1468 = arith.subi %arg1, %sub3A_1467 : i32
      %ge3A_1469 = arith.constant 12 : i32
      %ge3A_1470 = arith.cmpi sge, %sub3A_1468, %ge3A_1469 : i32
      %jit3A_1471 = arith.constant 0 : i32
      %broadcast_in_dim3A_1472 = vector.broadcast %jit3A_1471 : i32 to vector<16xi32>
      %select_n3A_1473 = arith.select %ge3A_1470, %get3A_1465, %broadcast_in_dim3A_1472 : vector<16xi32>
      %add3A_1474 = arith.addi %add3A_1459, %select_n3A_1473 : vector<16xi32>
      %mul3A_1475 = arith.constant 16 : i32
      %mul3A_1476 = arith.muli %scan3A_1293, %mul3A_1475 : i32
      %add3A_1477 = arith.constant 26624 : i32
      %add3A_1478 = arith.addi %add3A_1477, %mul3A_1476 : i32
      %get3A_1479 = arith.index_cast %add3A_1478 : i32 to index
      %get3A_1480 = tpu.vector_load %arg20[%get3A_1479] {strides = array<i32>} : memref<32768xi32, #tpu.memory_space<vmem>>, vector<16xi32>,
      %add3A_1481 = arith.addi %add3A_1466, %get3A_1480 : vector<16xi32>
      %sub3A_1482 = arith.constant 1 : i32
      %sub3A_1483 = arith.subi %arg1, %sub3A_1482 : i32
      %ge3A_1484 = arith.constant 13 : i32
      %ge3A_1485 = arith.cmpi sge, %sub3A_1483, %ge3A_1484 : i32
      %jit3A_1486 = arith.constant 0 : i32
      %broadcast_in_dim3A_1487 = vector.broadcast %jit3A_1486 : i32 to vector<16xi32>
      %select_n3A_1488 = arith.select %ge3A_1485, %get3A_1480, %broadcast_in_dim3A_1487 : vector<16xi32>
      %add3A_1489 = arith.addi %add3A_1474, %select_n3A_1488 : vector<16xi32>
      %mul3A_1490 = arith.constant 16 : i32
      %mul3A_1491 = arith.muli %scan3A_1293, %mul3A_1490 : i32
      %add3A_1492 = arith.constant 28672 : i32
      %add3A_1493 = arith.addi %add3A_1492, %mul3A_1491 : i32
      %get3A_1494 = arith.index_cast %add3A_1493 : i32 to index
      %get3A_1495 = tpu.vector_load %arg20[%get3A_1494] {strides = array<i32>} : memref<32768xi32, #tpu.memory_space<vmem>>, vector<16xi32>,
      %add3A_1496 = arith.addi %add3A_1481, %get3A_1495 : vector<16xi32>
      %sub3A_1497 = arith.constant 1 : i32
      %sub3A_1498 = arith.subi %arg1, %sub3A_1497 : i32
      %ge3A_1499 = arith.constant 14 : i32
      %ge3A_1500 = arith.cmpi sge, %sub3A_1498, %ge3A_1499 : i32
      %jit3A_1501 = arith.constant 0 : i32
      %broadcast_in_dim3A_1502 = vector.broadcast %jit3A_1501 : i32 to vector<16xi32>
      %select_n3A_1503 = arith.select %ge3A_1500, %get3A_1495, %broadcast_in_dim3A_1502 : vector<16xi32>
      %add3A_1504 = arith.addi %add3A_1489, %select_n3A_1503 : vector<16xi32>
      %mul3A_1505 = arith.constant 16 : i32
      %mul3A_1506 = arith.muli %scan3A_1293, %mul3A_1505 : i32
      %add3A_1507 = arith.constant 30720 : i32
      %add3A_1508 = arith.addi %add3A_1507, %mul3A_1506 : i32
      %get3A_1509 = arith.index_cast %add3A_1508 : i32 to index
      %get3A_1510 = tpu.vector_load %arg20[%get3A_1509] {strides = array<i32>} : memref<32768xi32, #tpu.memory_space<vmem>>, vector<16xi32>,
      %add3A_1511 = arith.addi %add3A_1496, %get3A_1510 : vector<16xi32>
      %sub3A_1512 = arith.constant 1 : i32
      %sub3A_1513 = arith.subi %arg1, %sub3A_1512 : i32
      %ge3A_1514 = arith.constant 15 : i32
      %ge3A_1515 = arith.cmpi sge, %sub3A_1513, %ge3A_1514 : i32
      %jit3A_1516 = arith.constant 0 : i32
      %broadcast_in_dim3A_1517 = vector.broadcast %jit3A_1516 : i32 to vector<16xi32>
      %select_n3A_1518 = arith.select %ge3A_1515, %get3A_1510, %broadcast_in_dim3A_1517 : vector<16xi32>
      %add3A_1519 = arith.addi %add3A_1504, %select_n3A_1518 : vector<16xi32>
      %swap3A = arith.index_cast %mul3A_1295 : i32 to index
      %swap3A_1520 = tpu.vector_load %arg21[%swap3A] {strides = array<i32>} : memref<2048xi32, #tpu.memory_space<vmem>>, vector<16xi32>,
      tpu.vector_store %arg21[%swap3A], %add3A_1511 {strides = array<i32>} : memref<2048xi32, #tpu.memory_space<vmem>>, vector<16xi32>,
      %gt3A_1521 = arith.constant 0 : i32
      %gt3A_1522 = arith.cmpi sgt, %arg1, %gt3A_1521 : i32
      %mul3A_1523 = arith.constant 16 : i32
      %mul3A_1524 = arith.muli %scan3A_1293, %mul3A_1523 : i32
      %get3A_1525 = arith.index_cast %mul3A_1524 : i32 to index
      %get3A_1526 = tpu.vector_load %arg20[%get3A_1525] {strides = array<i32>} : memref<32768xi32, #tpu.memory_space<vmem>>, vector<16xi32>,
      %jit3A_1527 = arith.constant 0 : i32
      %broadcast_in_dim3A_1528 = vector.broadcast %jit3A_1527 : i32 to vector<16xi32>
      %select_n3A_1529 = arith.select %gt3A_1522, %get3A_1526, %broadcast_in_dim3A_1528 : vector<16xi32>
      %add3A_1530 = arith.addi %add3A_1519, %select_n3A_1529 : vector<16xi32>
      %swap3A_1531 = arith.index_cast %mul3A_1295 : i32 to index
      %swap3A_1532 = tpu.vector_load %arg22[%swap3A_1531] {strides = array<i32>} : memref<2048xi32, #tpu.memory_space<vmem>>, vector<16xi32>,
      tpu.vector_store %arg22[%swap3A_1531], %add3A_1530 {strides = array<i32>} : memref<2048xi32, #tpu.memory_space<vmem>>, vector<16xi32>,
    }
    %scan3A_39 = arith.constant 128 : i32
    %scan3A_40 = arith.constant 0 : i32
    %scan3A_41 = arith.constant 0 : i32
    %scan3A_42 = arith.constant 128 : i32
    %scan3A_43 = arith.addi %scan3A_41, %scan3A_42 : i32
    %scan3A_44 = arith.constant 1 : i32
    %scan3A_45 = scf.for %scan3A_1293 = %scan3A_41 to %scan3A_43 step %scan3A_44 iter_args(%scan3A_1294 = %scan3A_40) -> (i32)  : i32 {
      %mul3A_1295 = arith.constant 16 : i32
      %mul3A_1296 = arith.muli %scan3A_1293, %mul3A_1295 : i32
      %get3A = arith.index_cast %mul3A_1296 : i32 to index
      %get3A_1297 = tpu.vector_load %arg21[%get3A] {strides = array<i32>} : memref<2048xi32, #tpu.memory_space<vmem>>, vector<16xi32>,
      %broadcast_in_dim3A_1298 = arith.constant true
      %broadcast_in_dim3A_1299 = vector.broadcast %broadcast_in_dim3A_1298 : i1 to vector<16xi1>
      %masked_cumsum3A = tpu.scan <sum>, %get3A_1297 masked %broadcast_in_dim3A_1299 : vector<16xi32>, vector<16xi1> -> vector<16xi32>
      %get3A_1300 = arith.index_cast %mul3A_1296 : i32 to index
      %get3A_1301 = tpu.vector_load %arg22[%get3A_1300] {strides = array<i32>} : memref<2048xi32, #tpu.memory_space<vmem>>, vector<16xi32>,
      %sub3A = arith.subi %masked_cumsum3A, %get3A_1297 : vector<16xi32>
      %add3A_1302 = arith.addi %get3A_1301, %sub3A : vector<16xi32>
      %add3A_1303 = vector.broadcast %scan3A_1294 : i32 to vector<16xi32>
      %add3A_1304 = arith.addi %add3A_1302, %add3A_1303 : vector<16xi32>
      %swap3A = arith.index_cast %mul3A_1296 : i32 to index
      %swap3A_1305 = tpu.vector_load %arg23[%swap3A] {strides = array<i32>} : memref<2048xi32, #tpu.memory_space<vmem>>, vector<16xi32>,
      tpu.vector_store %arg23[%swap3A], %add3A_1304 {strides = array<i32>} : memref<2048xi32, #tpu.memory_space<vmem>>, vector<16xi32>,
      %reduce_sum3A = arith.constant true
      %reduce_sum3A_1306 = vector.broadcast %reduce_sum3A : i1 to vector<16xi1>
      %reduce_sum3A_1307 = tpu.scan <sum>, %get3A_1297 masked %reduce_sum3A_1306 : vector<16xi32>, vector<16xi1> -> vector<16xi32>
      %reduce_sum3A_1308 = vector.extract %reduce_sum3A_1307[15] : i32 from vector<16xi32>
      %add3A_1309 = arith.addi %scan3A_1294, %reduce_sum3A_1308 : i32
      scf.yield %add3A_1309 : i32
    }
    %scan3A_46 = arith.constant 128 : i32
    "tpu.region"() ({
      %run_scoped3A = tpu.sem_alloc : memref<!tpu.dma_semaphore, #tpu.memory_space<semaphore_mem>>
      %dma_start3A_1293 = tpu.memref_slice %arg9[%mul3A_0] : memref<20480xi32, #tpu.memory_space<vmem_shared>> -> memref<1280xi32, #tpu.memory_space<vmem_shared>>
      %dma_start3A_1294 = tpu.memref_slice %arg9[%mul3A_0] : memref<20480xi32, #tpu.memory_space<vmem_shared>> -> memref<1280xi32, #tpu.memory_space<vmem_shared>>
      tpu.enqueue_dma source(%dma_start3A_1294 : memref<1280xi32, #tpu.memory_space<vmem_shared>>) target(%arg18 : memref<1280xi32, #tpu.memory_space<vmem>>) target_semaphore(%run_scoped3A : memref<!tpu.dma_semaphore, #tpu.memory_space<semaphore_mem>>)
      %dma_wait3A_1295 = tpu.memref_slice %arg9[%mul3A_0] : memref<20480xi32, #tpu.memory_space<vmem_shared>> -> memref<1280xi32, #tpu.memory_space<vmem_shared>>
      %dma_wait3A_1296 = tpu.memref_slice %arg9[%mul3A_0] : memref<20480xi32, #tpu.memory_space<vmem_shared>> -> memref<1280xi32, #tpu.memory_space<vmem_shared>>
      tpu.wait_dma2 semaphore(%run_scoped3A : memref<!tpu.dma_semaphore, #tpu.memory_space<semaphore_mem>>) src(%dma_wait3A_1296 : memref<1280xi32, #tpu.memory_space<vmem_shared>>) dst(%arg18 : memref<1280xi32, #tpu.memory_space<vmem>>)
      tpu.yield
    }) : () -> ()
    %scan3A_47 = arith.constant 0 : i32
    %scan3A_48 = arith.constant 0 : i32
    %scan3A_49 = arith.constant 2047 : i32
    %scan3A_50 = arith.constant 0 : i32
    %scan3A_51 = arith.constant 80 : i32
    %scan3A_52 = arith.addi %scan3A_50, %scan3A_51 : i32
    %scan3A_53 = arith.constant 1 : i32
    scf.for %scan3A_1293 = %scan3A_50 to %scan3A_52 step %scan3A_53  : i32 {
      %mul3A_1294 = arith.constant 16 : i32
      %mul3A_1295 = arith.muli %scan3A_1293, %mul3A_1294 : i32
      %get3A = arith.index_cast %mul3A_1295 : i32 to index
      %get3A_1296 = tpu.vector_load %arg17[%get3A] {strides = array<i32>} : memref<1280xi32, #tpu.memory_space<vmem>>, vector<16xi32>,
      %shift_right_logical3A = vector.broadcast %scan3A_48 : i32 to vector<16xi32>
      %shift_right_logical3A_1297 = arith.shrui %get3A_1296, %shift_right_logical3A : vector<16xi32>
      %and3A_1298 = vector.broadcast %scan3A_49 : i32 to vector<16xi32>
      %and3A_1299 = arith.andi %shift_right_logical3A_1297, %and3A_1298 : vector<16xi32>
      %gather3A = tpu.vector_load_idx %arg23[%and3A_1299] : memref<2048xi32, #tpu.memory_space<vmem>>[vector<16xi32>], vector<16xi32>,
      %broadcast_in_dim3A_1300 = arith.constant true
      %broadcast_in_dim3A_1301 = vector.broadcast %broadcast_in_dim3A_1300 : i1 to vector<16xi1>
      %unique3A, %unique3A_1302 = tpu.scan_count mask(%broadcast_in_dim3A_1301 : vector<16xi1>) value(%and3A_1299 : vector<16xi32>) : vector<16xi1>, vector<16xi32>
      %add3A_1303 = arith.addi %gather3A, %unique3A_1302 : vector<16xi32>
      %sub3A = arith.constant 1 : i32
      %sub3A_1304 = vector.broadcast %sub3A : i32 to vector<16xi32>
      %sub3A_1305 = arith.subi %add3A_1303, %sub3A_1304 : vector<16xi32>
      %shift_right_arithmetic3A = arith.constant 3 : i32
      %shift_right_arithmetic3A_1306 = arith.shrsi %scan3A_1293, %shift_right_arithmetic3A : i32
      %and3A_1307 = arith.constant 7 : i32
      %and3A_1308 = arith.andi %scan3A_1293, %and3A_1307 : i32
      %mul3A_1309 = arith.constant 16 : i32
      %mul3A_1310 = arith.muli %and3A_1308, %mul3A_1309 : i32
      %swap3A = arith.index_cast %shift_right_arithmetic3A_1306 : i32 to index
      %swap3A_1311 = arith.index_cast %mul3A_1310 : i32 to index
      %swap3A_1312 = tpu.vector_load %arg24[%swap3A, %swap3A_1311] {strides = array<i32>} : memref<10x128xi32, #tpu.memory_space<vmem>>, vector<16xi32>,
      tpu.vector_store %arg24[%swap3A, %swap3A_1311], %sub3A_1305 {strides = array<i32>} : memref<10x128xi32, #tpu.memory_space<vmem>>, vector<16xi32>,
      %add3A_1313 = arith.addi %gather3A, %unique3A_1302 : vector<16xi32>
      tpu.vector_store_idx %arg23[%and3A_1299], %add3A_1313 masked %unique3A : memref<2048xi32, #tpu.memory_space<vmem>>[vector<16xi32>], vector<16xi32>, vector<16xi1>
    }
    %scan3A_54 = arith.constant 80 : i32
    %dma_start3A_55 = arith.constant 0 : i32
    %dma_start3A_56 = arith.constant 0 : i32
    %dma_start3A_57 = tpu.memref_slice %arg17[%dma_start3A_56] : memref<1280xi32, #tpu.memory_space<vmem>> -> memref<128xi32, #tpu.memory_space<vmem>>
    %dma_start3A_58 = arith.constant 0 : i32
    %dma_start3A_59 = tpu.memref_slice %arg24[%dma_start3A_55, %dma_start3A_58] : memref<10x128xi32, #tpu.memory_space<vmem>> -> memref<1x128xi32, #tpu.memory_space<vmem>>
    %dma_start3A_60 = tpu.memref_squeeze %dma_start3A_59 : memref<1x128xi32, #tpu.memory_space<vmem>> -> memref<128xi32, #tpu.memory_space<vmem>>
    %dma_start3A_61 = arith.constant 0 : i32
    %dma_start3A_62 = tpu.memref_slice %arg10[%dma_start3A_61] : memref<20480xi32, #tpu.memory_space<vmem_shared>> -> memref<20480xi32, #tpu.memory_space<vmem_shared>>
    tpu.enqueue_indirect_dma source(%dma_start3A_57 : memref<128xi32, #tpu.memory_space<vmem>>) target(%dma_start3A_62 : memref<20480xi32, #tpu.memory_space<vmem_shared>>) offsets(%dma_start3A_60 : memref<128xi32, #tpu.memory_space<vmem>>) semaphore(%arg28 : memref<!tpu.dma_semaphore, #tpu.memory_space<semaphore_mem>>)
    %dma_start3A_63 = arith.constant 0 : i32
    %dma_start3A_64 = arith.constant 0 : i32
    %dma_start3A_65 = tpu.memref_slice %arg18[%dma_start3A_64] : memref<1280xi32, #tpu.memory_space<vmem>> -> memref<128xi32, #tpu.memory_space<vmem>>
    %dma_start3A_66 = arith.constant 0 : i32
    %dma_start3A_67 = tpu.memref_slice %arg24[%dma_start3A_63, %dma_start3A_66] : memref<10x128xi32, #tpu.memory_space<vmem>> -> memref<1x128xi32, #tpu.memory_space<vmem>>
    %dma_start3A_68 = tpu.memref_squeeze %dma_start3A_67 : memref<1x128xi32, #tpu.memory_space<vmem>> -> memref<128xi32, #tpu.memory_space<vmem>>
    %dma_start3A_69 = arith.constant 0 : i32
    %dma_start3A_70 = tpu.memref_slice %arg11[%dma_start3A_69] : memref<20480xi32, #tpu.memory_space<vmem_shared>> -> memref<20480xi32, #tpu.memory_space<vmem_shared>>
    tpu.enqueue_indirect_dma source(%dma_start3A_65 : memref<128xi32, #tpu.memory_space<vmem>>) target(%dma_start3A_70 : memref<20480xi32, #tpu.memory_space<vmem_shared>>) offsets(%dma_start3A_68 : memref<128xi32, #tpu.memory_space<vmem>>) semaphore(%arg28 : memref<!tpu.dma_semaphore, #tpu.memory_space<semaphore_mem>>)
    %dma_start3A_71 = arith.constant 1 : i32
    %dma_start3A_72 = arith.constant 128 : i32
    %dma_start3A_73 = tpu.memref_slice %arg17[%dma_start3A_72] : memref<1280xi32, #tpu.memory_space<vmem>> -> memref<128xi32, #tpu.memory_space<vmem>>
    %dma_start3A_74 = arith.constant 0 : i32
    %dma_start3A_75 = tpu.memref_slice %arg24[%dma_start3A_71, %dma_start3A_74] : memref<10x128xi32, #tpu.memory_space<vmem>> -> memref<1x128xi32, #tpu.memory_space<vmem>>
    %dma_start3A_76 = tpu.memref_squeeze %dma_start3A_75 : memref<1x128xi32, #tpu.memory_space<vmem>> -> memref<128xi32, #tpu.memory_space<vmem>>
    %dma_start3A_77 = arith.constant 0 : i32
    %dma_start3A_78 = tpu.memref_slice %arg10[%dma_start3A_77] : memref<20480xi32, #tpu.memory_space<vmem_shared>> -> memref<20480xi32, #tpu.memory_space<vmem_shared>>
    tpu.enqueue_indirect_dma source(%dma_start3A_73 : memref<128xi32, #tpu.memory_space<vmem>>) target(%dma_start3A_78 : memref<20480xi32, #tpu.memory_space<vmem_shared>>) offsets(%dma_start3A_76 : memref<128xi32, #tpu.memory_space<vmem>>) semaphore(%arg28 : memref<!tpu.dma_semaphore, #tpu.memory_space<semaphore_mem>>)
    %dma_start3A_79 = arith.constant 1 : i32
    %dma_start3A_80 = arith.constant 128 : i32
    %dma_start3A_81 = tpu.memref_slice %arg18[%dma_start3A_80] : memref<1280xi32, #tpu.memory_space<vmem>> -> memref<128xi32, #tpu.memory_space<vmem>>
    %dma_start3A_82 = arith.constant 0 : i32
    %dma_start3A_83 = tpu.memref_slice %arg24[%dma_start3A_79, %dma_start3A_82] : memref<10x128xi32, #tpu.memory_space<vmem>> -> memref<1x128xi32, #tpu.memory_space<vmem>>
    %dma_start3A_84 = tpu.memref_squeeze %dma_start3A_83 : memref<1x128xi32, #tpu.memory_space<vmem>> -> memref<128xi32, #tpu.memory_space<vmem>>
    %dma_start3A_85 = arith.constant 0 : i32
    %dma_start3A_86 = tpu.memref_slice %arg11[%dma_start3A_85] : memref<20480xi32, #tpu.memory_space<vmem_shared>> -> memref<20480xi32, #tpu.memory_space<vmem_shared>>
    tpu.enqueue_indirect_dma source(%dma_start3A_81 : memref<128xi32, #tpu.memory_space<vmem>>) target(%dma_start3A_86 : memref<20480xi32, #tpu.memory_space<vmem_shared>>) offsets(%dma_start3A_84 : memref<128xi32, #tpu.memory_space<vmem>>) semaphore(%arg28 : memref<!tpu.dma_semaphore, #tpu.memory_space<semaphore_mem>>)
    %dma_start3A_87 = arith.constant 2 : i32
    %dma_start3A_88 = arith.constant 256 : i32
    %dma_start3A_89 = tpu.memref_slice %arg17[%dma_start3A_88] : memref<1280xi32, #tpu.memory_space<vmem>> -> memref<128xi32, #tpu.memory_space<vmem>>
    %dma_start3A_90 = arith.constant 0 : i32
    %dma_start3A_91 = tpu.memref_slice %arg24[%dma_start3A_87, %dma_start3A_90] : memref<10x128xi32, #tpu.memory_space<vmem>> -> memref<1x128xi32, #tpu.memory_space<vmem>>
    %dma_start3A_92 = tpu.memref_squeeze %dma_start3A_91 : memref<1x128xi32, #tpu.memory_space<vmem>> -> memref<128xi32, #tpu.memory_space<vmem>>
    %dma_start3A_93 = arith.constant 0 : i32
    %dma_start3A_94 = tpu.memref_slice %arg10[%dma_start3A_93] : memref<20480xi32, #tpu.memory_space<vmem_shared>> -> memref<20480xi32, #tpu.memory_space<vmem_shared>>
    tpu.enqueue_indirect_dma source(%dma_start3A_89 : memref<128xi32, #tpu.memory_space<vmem>>) target(%dma_start3A_94 : memref<20480xi32, #tpu.memory_space<vmem_shared>>) offsets(%dma_start3A_92 : memref<128xi32, #tpu.memory_space<vmem>>) semaphore(%arg28 : memref<!tpu.dma_semaphore, #tpu.memory_space<semaphore_mem>>)
    %dma_start3A_95 = arith.constant 2 : i32
    %dma_start3A_96 = arith.constant 256 : i32
    %dma_start3A_97 = tpu.memref_slice %arg18[%dma_start3A_96] : memref<1280xi32, #tpu.memory_space<vmem>> -> memref<128xi32, #tpu.memory_space<vmem>>
    %dma_start3A_98 = arith.constant 0 : i32
    %dma_start3A_99 = tpu.memref_slice %arg24[%dma_start3A_95, %dma_start3A_98] : memref<10x128xi32, #tpu.memory_space<vmem>> -> memref<1x128xi32, #tpu.memory_space<vmem>>
    %dma_start3A_100 = tpu.memref_squeeze %dma_start3A_99 : memref<1x128xi32, #tpu.memory_space<vmem>> -> memref<128xi32, #tpu.memory_space<vmem>>
    %dma_start3A_101 = arith.constant 0 : i32
    %dma_start3A_102 = tpu.memref_slice %arg11[%dma_start3A_101] : memref<20480xi32, #tpu.memory_space<vmem_shared>> -> memref<20480xi32, #tpu.memory_space<vmem_shared>>
    tpu.enqueue_indirect_dma source(%dma_start3A_97 : memref<128xi32, #tpu.memory_space<vmem>>) target(%dma_start3A_102 : memref<20480xi32, #tpu.memory_space<vmem_shared>>) offsets(%dma_start3A_100 : memref<128xi32, #tpu.memory_space<vmem>>) semaphore(%arg28 : memref<!tpu.dma_semaphore, #tpu.memory_space<semaphore_mem>>)
    %dma_start3A_103 = arith.constant 3 : i32
    %dma_start3A_104 = arith.constant 384 : i32
    %dma_start3A_105 = tpu.memref_slice %arg17[%dma_start3A_104] : memref<1280xi32, #tpu.memory_space<vmem>> -> memref<128xi32, #tpu.memory_space<vmem>>
    %dma_start3A_106 = arith.constant 0 : i32
    %dma_start3A_107 = tpu.memref_slice %arg24[%dma_start3A_103, %dma_start3A_106] : memref<10x128xi32, #tpu.memory_space<vmem>> -> memref<1x128xi32, #tpu.memory_space<vmem>>
    %dma_start3A_108 = tpu.memref_squeeze %dma_start3A_107 : memref<1x128xi32, #tpu.memory_space<vmem>> -> memref<128xi32, #tpu.memory_space<vmem>>
    %dma_start3A_109 = arith.constant 0 : i32
    %dma_start3A_110 = tpu.memref_slice %arg10[%dma_start3A_109] : memref<20480xi32, #tpu.memory_space<vmem_shared>> -> memref<20480xi32, #tpu.memory_space<vmem_shared>>
    tpu.enqueue_indirect_dma source(%dma_start3A_105 : memref<128xi32, #tpu.memory_space<vmem>>) target(%dma_start3A_110 : memref<20480xi32, #tpu.memory_space<vmem_shared>>) offsets(%dma_start3A_108 : memref<128xi32, #tpu.memory_space<vmem>>) semaphore(%arg28 : memref<!tpu.dma_semaphore, #tpu.memory_space<semaphore_mem>>)
    %dma_start3A_111 = arith.constant 3 : i32
    %dma_start3A_112 = arith.constant 384 : i32
    %dma_start3A_113 = tpu.memref_slice %arg18[%dma_start3A_112] : memref<1280xi32, #tpu.memory_space<vmem>> -> memref<128xi32, #tpu.memory_space<vmem>>
    %dma_start3A_114 = arith.constant 0 : i32
    %dma_start3A_115 = tpu.memref_slice %arg24[%dma_start3A_111, %dma_start3A_114] : memref<10x128xi32, #tpu.memory_space<vmem>> -> memref<1x128xi32, #tpu.memory_space<vmem>>
    %dma_start3A_116 = tpu.memref_squeeze %dma_start3A_115 : memref<1x128xi32, #tpu.memory_space<vmem>> -> memref<128xi32, #tpu.memory_space<vmem>>
    %dma_start3A_117 = arith.constant 0 : i32
    %dma_start3A_118 = tpu.memref_slice %arg11[%dma_start3A_117] : memref<20480xi32, #tpu.memory_space<vmem_shared>> -> memref<20480xi32, #tpu.memory_space<vmem_shared>>
    tpu.enqueue_indirect_dma source(%dma_start3A_113 : memref<128xi32, #tpu.memory_space<vmem>>) target(%dma_start3A_118 : memref<20480xi32, #tpu.memory_space<vmem_shared>>) offsets(%dma_start3A_116 : memref<128xi32, #tpu.memory_space<vmem>>) semaphore(%arg28 : memref<!tpu.dma_semaphore, #tpu.memory_space<semaphore_mem>>)
    %dma_start3A_119 = arith.constant 4 : i32
    %dma_start3A_120 = arith.constant 512 : i32
    %dma_start3A_121 = tpu.memref_slice %arg17[%dma_start3A_120] : memref<1280xi32, #tpu.memory_space<vmem>> -> memref<128xi32, #tpu.memory_space<vmem>>
    %dma_start3A_122 = arith.constant 0 : i32
    %dma_start3A_123 = tpu.memref_slice %arg24[%dma_start3A_119, %dma_start3A_122] : memref<10x128xi32, #tpu.memory_space<vmem>> -> memref<1x128xi32, #tpu.memory_space<vmem>>
    %dma_start3A_124 = tpu.memref_squeeze %dma_start3A_123 : memref<1x128xi32, #tpu.memory_space<vmem>> -> memref<128xi32, #tpu.memory_space<vmem>>
    %dma_start3A_125 = arith.constant 0 : i32
    %dma_start3A_126 = tpu.memref_slice %arg10[%dma_start3A_125] : memref<20480xi32, #tpu.memory_space<vmem_shared>> -> memref<20480xi32, #tpu.memory_space<vmem_shared>>
    tpu.enqueue_indirect_dma source(%dma_start3A_121 : memref<128xi32, #tpu.memory_space<vmem>>) target(%dma_start3A_126 : memref<20480xi32, #tpu.memory_space<vmem_shared>>) offsets(%dma_start3A_124 : memref<128xi32, #tpu.memory_space<vmem>>) semaphore(%arg28 : memref<!tpu.dma_semaphore, #tpu.memory_space<semaphore_mem>>)
    %dma_start3A_127 = arith.constant 4 : i32
    %dma_start3A_128 = arith.constant 512 : i32
    %dma_start3A_129 = tpu.memref_slice %arg18[%dma_start3A_128] : memref<1280xi32, #tpu.memory_space<vmem>> -> memref<128xi32, #tpu.memory_space<vmem>>
    %dma_start3A_130 = arith.constant 0 : i32
    %dma_start3A_131 = tpu.memref_slice %arg24[%dma_start3A_127, %dma_start3A_130] : memref<10x128xi32, #tpu.memory_space<vmem>> -> memref<1x128xi32, #tpu.memory_space<vmem>>
    %dma_start3A_132 = tpu.memref_squeeze %dma_start3A_131 : memref<1x128xi32, #tpu.memory_space<vmem>> -> memref<128xi32, #tpu.memory_space<vmem>>
    %dma_start3A_133 = arith.constant 0 : i32
    %dma_start3A_134 = tpu.memref_slice %arg11[%dma_start3A_133] : memref<20480xi32, #tpu.memory_space<vmem_shared>> -> memref<20480xi32, #tpu.memory_space<vmem_shared>>
    tpu.enqueue_indirect_dma source(%dma_start3A_129 : memref<128xi32, #tpu.memory_space<vmem>>) target(%dma_start3A_134 : memref<20480xi32, #tpu.memory_space<vmem_shared>>) offsets(%dma_start3A_132 : memref<128xi32, #tpu.memory_space<vmem>>) semaphore(%arg28 : memref<!tpu.dma_semaphore, #tpu.memory_space<semaphore_mem>>)
    %dma_start3A_135 = arith.constant 5 : i32
    %dma_start3A_136 = arith.constant 640 : i32
    %dma_start3A_137 = tpu.memref_slice %arg17[%dma_start3A_136] : memref<1280xi32, #tpu.memory_space<vmem>> -> memref<128xi32, #tpu.memory_space<vmem>>
    %dma_start3A_138 = arith.constant 0 : i32
    %dma_start3A_139 = tpu.memref_slice %arg24[%dma_start3A_135, %dma_start3A_138] : memref<10x128xi32, #tpu.memory_space<vmem>> -> memref<1x128xi32, #tpu.memory_space<vmem>>
    %dma_start3A_140 = tpu.memref_squeeze %dma_start3A_139 : memref<1x128xi32, #tpu.memory_space<vmem>> -> memref<128xi32, #tpu.memory_space<vmem>>
    %dma_start3A_141 = arith.constant 0 : i32
    %dma_start3A_142 = tpu.memref_slice %arg10[%dma_start3A_141] : memref<20480xi32, #tpu.memory_space<vmem_shared>> -> memref<20480xi32, #tpu.memory_space<vmem_shared>>
    tpu.enqueue_indirect_dma source(%dma_start3A_137 : memref<128xi32, #tpu.memory_space<vmem>>) target(%dma_start3A_142 : memref<20480xi32, #tpu.memory_space<vmem_shared>>) offsets(%dma_start3A_140 : memref<128xi32, #tpu.memory_space<vmem>>) semaphore(%arg28 : memref<!tpu.dma_semaphore, #tpu.memory_space<semaphore_mem>>)
    %dma_start3A_143 = arith.constant 5 : i32
    %dma_start3A_144 = arith.constant 640 : i32
    %dma_start3A_145 = tpu.memref_slice %arg18[%dma_start3A_144] : memref<1280xi32, #tpu.memory_space<vmem>> -> memref<128xi32, #tpu.memory_space<vmem>>
    %dma_start3A_146 = arith.constant 0 : i32
    %dma_start3A_147 = tpu.memref_slice %arg24[%dma_start3A_143, %dma_start3A_146] : memref<10x128xi32, #tpu.memory_space<vmem>> -> memref<1x128xi32, #tpu.memory_space<vmem>>
    %dma_start3A_148 = tpu.memref_squeeze %dma_start3A_147 : memref<1x128xi32, #tpu.memory_space<vmem>> -> memref<128xi32, #tpu.memory_space<vmem>>
    %dma_start3A_149 = arith.constant 0 : i32
    %dma_start3A_150 = tpu.memref_slice %arg11[%dma_start3A_149] : memref<20480xi32, #tpu.memory_space<vmem_shared>> -> memref<20480xi32, #tpu.memory_space<vmem_shared>>
    tpu.enqueue_indirect_dma source(%dma_start3A_145 : memref<128xi32, #tpu.memory_space<vmem>>) target(%dma_start3A_150 : memref<20480xi32, #tpu.memory_space<vmem_shared>>) offsets(%dma_start3A_148 : memref<128xi32, #tpu.memory_space<vmem>>) semaphore(%arg28 : memref<!tpu.dma_semaphore, #tpu.memory_space<semaphore_mem>>)
    %dma_start3A_151 = arith.constant 6 : i32
    %dma_start3A_152 = arith.constant 768 : i32
    %dma_start3A_153 = tpu.memref_slice %arg17[%dma_start3A_152] : memref<1280xi32, #tpu.memory_space<vmem>> -> memref<128xi32, #tpu.memory_space<vmem>>
    %dma_start3A_154 = arith.constant 0 : i32
    %dma_start3A_155 = tpu.memref_slice %arg24[%dma_start3A_151, %dma_start3A_154] : memref<10x128xi32, #tpu.memory_space<vmem>> -> memref<1x128xi32, #tpu.memory_space<vmem>>
    %dma_start3A_156 = tpu.memref_squeeze %dma_start3A_155 : memref<1x128xi32, #tpu.memory_space<vmem>> -> memref<128xi32, #tpu.memory_space<vmem>>
    %dma_start3A_157 = arith.constant 0 : i32
    %dma_start3A_158 = tpu.memref_slice %arg10[%dma_start3A_157] : memref<20480xi32, #tpu.memory_space<vmem_shared>> -> memref<20480xi32, #tpu.memory_space<vmem_shared>>
    tpu.enqueue_indirect_dma source(%dma_start3A_153 : memref<128xi32, #tpu.memory_space<vmem>>) target(%dma_start3A_158 : memref<20480xi32, #tpu.memory_space<vmem_shared>>) offsets(%dma_start3A_156 : memref<128xi32, #tpu.memory_space<vmem>>) semaphore(%arg28 : memref<!tpu.dma_semaphore, #tpu.memory_space<semaphore_mem>>)
    %dma_start3A_159 = arith.constant 6 : i32
    %dma_start3A_160 = arith.constant 768 : i32
    %dma_start3A_161 = tpu.memref_slice %arg18[%dma_start3A_160] : memref<1280xi32, #tpu.memory_space<vmem>> -> memref<128xi32, #tpu.memory_space<vmem>>
    %dma_start3A_162 = arith.constant 0 : i32
    %dma_start3A_163 = tpu.memref_slice %arg24[%dma_start3A_159, %dma_start3A_162] : memref<10x128xi32, #tpu.memory_space<vmem>> -> memref<1x128xi32, #tpu.memory_space<vmem>>
    %dma_start3A_164 = tpu.memref_squeeze %dma_start3A_163 : memref<1x128xi32, #tpu.memory_space<vmem>> -> memref<128xi32, #tpu.memory_space<vmem>>
    %dma_start3A_165 = arith.constant 0 : i32
    %dma_start3A_166 = tpu.memref_slice %arg11[%dma_start3A_165] : memref<20480xi32, #tpu.memory_space<vmem_shared>> -> memref<20480xi32, #tpu.memory_space<vmem_shared>>
    tpu.enqueue_indirect_dma source(%dma_start3A_161 : memref<128xi32, #tpu.memory_space<vmem>>) target(%dma_start3A_166 : memref<20480xi32, #tpu.memory_space<vmem_shared>>) offsets(%dma_start3A_164 : memref<128xi32, #tpu.memory_space<vmem>>) semaphore(%arg28 : memref<!tpu.dma_semaphore, #tpu.memory_space<semaphore_mem>>)
    %dma_start3A_167 = arith.constant 7 : i32
    %dma_start3A_168 = arith.constant 896 : i32
    %dma_start3A_169 = tpu.memref_slice %arg17[%dma_start3A_168] : memref<1280xi32, #tpu.memory_space<vmem>> -> memref<128xi32, #tpu.memory_space<vmem>>
    %dma_start3A_170 = arith.constant 0 : i32
    %dma_start3A_171 = tpu.memref_slice %arg24[%dma_start3A_167, %dma_start3A_170] : memref<10x128xi32, #tpu.memory_space<vmem>> -> memref<1x128xi32, #tpu.memory_space<vmem>>
    %dma_start3A_172 = tpu.memref_squeeze %dma_start3A_171 : memref<1x128xi32, #tpu.memory_space<vmem>> -> memref<128xi32, #tpu.memory_space<vmem>>
    %dma_start3A_173 = arith.constant 0 : i32
    %dma_start3A_174 = tpu.memref_slice %arg10[%dma_start3A_173] : memref<20480xi32, #tpu.memory_space<vmem_shared>> -> memref<20480xi32, #tpu.memory_space<vmem_shared>>
    tpu.enqueue_indirect_dma source(%dma_start3A_169 : memref<128xi32, #tpu.memory_space<vmem>>) target(%dma_start3A_174 : memref<20480xi32, #tpu.memory_space<vmem_shared>>) offsets(%dma_start3A_172 : memref<128xi32, #tpu.memory_space<vmem>>) semaphore(%arg28 : memref<!tpu.dma_semaphore, #tpu.memory_space<semaphore_mem>>)
    %dma_start3A_175 = arith.constant 7 : i32
    %dma_start3A_176 = arith.constant 896 : i32
    %dma_start3A_177 = tpu.memref_slice %arg18[%dma_start3A_176] : memref<1280xi32, #tpu.memory_space<vmem>> -> memref<128xi32, #tpu.memory_space<vmem>>
    %dma_start3A_178 = arith.constant 0 : i32
    %dma_start3A_179 = tpu.memref_slice %arg24[%dma_start3A_175, %dma_start3A_178] : memref<10x128xi32, #tpu.memory_space<vmem>> -> memref<1x128xi32, #tpu.memory_space<vmem>>
    %dma_start3A_180 = tpu.memref_squeeze %dma_start3A_179 : memref<1x128xi32, #tpu.memory_space<vmem>> -> memref<128xi32, #tpu.memory_space<vmem>>
    %dma_start3A_181 = arith.constant 0 : i32
    %dma_start3A_182 = tpu.memref_slice %arg11[%dma_start3A_181] : memref<20480xi32, #tpu.memory_space<vmem_shared>> -> memref<20480xi32, #tpu.memory_space<vmem_shared>>
    tpu.enqueue_indirect_dma source(%dma_start3A_177 : memref<128xi32, #tpu.memory_space<vmem>>) target(%dma_start3A_182 : memref<20480xi32, #tpu.memory_space<vmem_shared>>) offsets(%dma_start3A_180 : memref<128xi32, #tpu.memory_space<vmem>>) semaphore(%arg28 : memref<!tpu.dma_semaphore, #tpu.memory_space<semaphore_mem>>)
    %dma_start3A_183 = arith.constant 8 : i32
    %dma_start3A_184 = arith.constant 1024 : i32
    %dma_start3A_185 = tpu.memref_slice %arg17[%dma_start3A_184] : memref<1280xi32, #tpu.memory_space<vmem>> -> memref<128xi32, #tpu.memory_space<vmem>>
    %dma_start3A_186 = arith.constant 0 : i32
    %dma_start3A_187 = tpu.memref_slice %arg24[%dma_start3A_183, %dma_start3A_186] : memref<10x128xi32, #tpu.memory_space<vmem>> -> memref<1x128xi32, #tpu.memory_space<vmem>>
    %dma_start3A_188 = tpu.memref_squeeze %dma_start3A_187 : memref<1x128xi32, #tpu.memory_space<vmem>> -> memref<128xi32, #tpu.memory_space<vmem>>
    %dma_start3A_189 = arith.constant 0 : i32
    %dma_start3A_190 = tpu.memref_slice %arg10[%dma_start3A_189] : memref<20480xi32, #tpu.memory_space<vmem_shared>> -> memref<20480xi32, #tpu.memory_space<vmem_shared>>
    tpu.enqueue_indirect_dma source(%dma_start3A_185 : memref<128xi32, #tpu.memory_space<vmem>>) target(%dma_start3A_190 : memref<20480xi32, #tpu.memory_space<vmem_shared>>) offsets(%dma_start3A_188 : memref<128xi32, #tpu.memory_space<vmem>>) semaphore(%arg28 : memref<!tpu.dma_semaphore, #tpu.memory_space<semaphore_mem>>)
    %dma_start3A_191 = arith.constant 8 : i32
    %dma_start3A_192 = arith.constant 1024 : i32
    %dma_start3A_193 = tpu.memref_slice %arg18[%dma_start3A_192] : memref<1280xi32, #tpu.memory_space<vmem>> -> memref<128xi32, #tpu.memory_space<vmem>>
    %dma_start3A_194 = arith.constant 0 : i32
    %dma_start3A_195 = tpu.memref_slice %arg24[%dma_start3A_191, %dma_start3A_194] : memref<10x128xi32, #tpu.memory_space<vmem>> -> memref<1x128xi32, #tpu.memory_space<vmem>>
    %dma_start3A_196 = tpu.memref_squeeze %dma_start3A_195 : memref<1x128xi32, #tpu.memory_space<vmem>> -> memref<128xi32, #tpu.memory_space<vmem>>
    %dma_start3A_197 = arith.constant 0 : i32
    %dma_start3A_198 = tpu.memref_slice %arg11[%dma_start3A_197] : memref<20480xi32, #tpu.memory_space<vmem_shared>> -> memref<20480xi32, #tpu.memory_space<vmem_shared>>
    tpu.enqueue_indirect_dma source(%dma_start3A_193 : memref<128xi32, #tpu.memory_space<vmem>>) target(%dma_start3A_198 : memref<20480xi32, #tpu.memory_space<vmem_shared>>) offsets(%dma_start3A_196 : memref<128xi32, #tpu.memory_space<vmem>>) semaphore(%arg28 : memref<!tpu.dma_semaphore, #tpu.memory_space<semaphore_mem>>)
    %dma_start3A_199 = arith.constant 9 : i32
    %dma_start3A_200 = arith.constant 1152 : i32
    %dma_start3A_201 = tpu.memref_slice %arg17[%dma_start3A_200] : memref<1280xi32, #tpu.memory_space<vmem>> -> memref<128xi32, #tpu.memory_space<vmem>>
    %dma_start3A_202 = arith.constant 0 : i32
    %dma_start3A_203 = tpu.memref_slice %arg24[%dma_start3A_199, %dma_start3A_202] : memref<10x128xi32, #tpu.memory_space<vmem>> -> memref<1x128xi32, #tpu.memory_space<vmem>>
    %dma_start3A_204 = tpu.memref_squeeze %dma_start3A_203 : memref<1x128xi32, #tpu.memory_space<vmem>> -> memref<128xi32, #tpu.memory_space<vmem>>
    %dma_start3A_205 = arith.constant 0 : i32
    %dma_start3A_206 = tpu.memref_slice %arg10[%dma_start3A_205] : memref<20480xi32, #tpu.memory_space<vmem_shared>> -> memref<20480xi32, #tpu.memory_space<vmem_shared>>
    tpu.enqueue_indirect_dma source(%dma_start3A_201 : memref<128xi32, #tpu.memory_space<vmem>>) target(%dma_start3A_206 : memref<20480xi32, #tpu.memory_space<vmem_shared>>) offsets(%dma_start3A_204 : memref<128xi32, #tpu.memory_space<vmem>>) semaphore(%arg28 : memref<!tpu.dma_semaphore, #tpu.memory_space<semaphore_mem>>)
    %dma_start3A_207 = arith.constant 9 : i32
    %dma_start3A_208 = arith.constant 1152 : i32
    %dma_start3A_209 = tpu.memref_slice %arg18[%dma_start3A_208] : memref<1280xi32, #tpu.memory_space<vmem>> -> memref<128xi32, #tpu.memory_space<vmem>>
    %dma_start3A_210 = arith.constant 0 : i32
    %dma_start3A_211 = tpu.memref_slice %arg24[%dma_start3A_207, %dma_start3A_210] : memref<10x128xi32, #tpu.memory_space<vmem>> -> memref<1x128xi32, #tpu.memory_space<vmem>>
    %dma_start3A_212 = tpu.memref_squeeze %dma_start3A_211 : memref<1x128xi32, #tpu.memory_space<vmem>> -> memref<128xi32, #tpu.memory_space<vmem>>
    %dma_start3A_213 = arith.constant 0 : i32
    %dma_start3A_214 = tpu.memref_slice %arg11[%dma_start3A_213] : memref<20480xi32, #tpu.memory_space<vmem_shared>> -> memref<20480xi32, #tpu.memory_space<vmem_shared>>
    tpu.enqueue_indirect_dma source(%dma_start3A_209 : memref<128xi32, #tpu.memory_space<vmem>>) target(%dma_start3A_214 : memref<20480xi32, #tpu.memory_space<vmem_shared>>) offsets(%dma_start3A_212 : memref<128xi32, #tpu.memory_space<vmem>>) semaphore(%arg28 : memref<!tpu.dma_semaphore, #tpu.memory_space<semaphore_mem>>)
    %dma_wait3A_215 = arith.constant 0 : i32
    %dma_wait3A_216 = arith.constant 0 : i32
    %dma_wait3A_217 = tpu.memref_slice %arg17[%dma_wait3A_216] : memref<1280xi32, #tpu.memory_space<vmem>> -> memref<128xi32, #tpu.memory_space<vmem>>
    %dma_wait3A_218 = arith.constant 0 : i32
    %dma_wait3A_219 = tpu.memref_slice %arg24[%dma_wait3A_215, %dma_wait3A_218] : memref<10x128xi32, #tpu.memory_space<vmem>> -> memref<1x128xi32, #tpu.memory_space<vmem>>
    %dma_wait3A_220 = tpu.memref_squeeze %dma_wait3A_219 : memref<1x128xi32, #tpu.memory_space<vmem>> -> memref<128xi32, #tpu.memory_space<vmem>>
    %dma_wait3A_221 = arith.constant 0 : i32
    %dma_wait3A_222 = tpu.memref_slice %arg10[%dma_wait3A_221] : memref<20480xi32, #tpu.memory_space<vmem_shared>> -> memref<20480xi32, #tpu.memory_space<vmem_shared>>
    tpu.wait_indirect_dma semaphore(%arg28 : memref<!tpu.dma_semaphore, #tpu.memory_space<semaphore_mem>>) src(%dma_wait3A_217 : memref<128xi32, #tpu.memory_space<vmem>>) dst(%dma_wait3A_222 : memref<20480xi32, #tpu.memory_space<vmem_shared>>)
    %dma_wait3A_223 = arith.constant 0 : i32
    %dma_wait3A_224 = arith.constant 0 : i32
    %dma_wait3A_225 = tpu.memref_slice %arg18[%dma_wait3A_224] : memref<1280xi32, #tpu.memory_space<vmem>> -> memref<128xi32, #tpu.memory_space<vmem>>
    %dma_wait3A_226 = arith.constant 0 : i32
    %dma_wait3A_227 = tpu.memref_slice %arg24[%dma_wait3A_223, %dma_wait3A_226] : memref<10x128xi32, #tpu.memory_space<vmem>> -> memref<1x128xi32, #tpu.memory_space<vmem>>
    %dma_wait3A_228 = tpu.memref_squeeze %dma_wait3A_227 : memref<1x128xi32, #tpu.memory_space<vmem>> -> memref<128xi32, #tpu.memory_space<vmem>>
    %dma_wait3A_229 = arith.constant 0 : i32
    %dma_wait3A_230 = tpu.memref_slice %arg11[%dma_wait3A_229] : memref<20480xi32, #tpu.memory_space<vmem_shared>> -> memref<20480xi32, #tpu.memory_space<vmem_shared>>
    tpu.wait_indirect_dma semaphore(%arg28 : memref<!tpu.dma_semaphore, #tpu.memory_space<semaphore_mem>>) src(%dma_wait3A_225 : memref<128xi32, #tpu.memory_space<vmem>>) dst(%dma_wait3A_230 : memref<20480xi32, #tpu.memory_space<vmem_shared>>)
    %dma_wait3A_231 = arith.constant 1 : i32
    %dma_wait3A_232 = arith.constant 128 : i32
    %dma_wait3A_233 = tpu.memref_slice %arg17[%dma_wait3A_232] : memref<1280xi32, #tpu.memory_space<vmem>> -> memref<128xi32, #tpu.memory_space<vmem>>
    %dma_wait3A_234 = arith.constant 0 : i32
    %dma_wait3A_235 = tpu.memref_slice %arg24[%dma_wait3A_231, %dma_wait3A_234] : memref<10x128xi32, #tpu.memory_space<vmem>> -> memref<1x128xi32, #tpu.memory_space<vmem>>
    %dma_wait3A_236 = tpu.memref_squeeze %dma_wait3A_235 : memref<1x128xi32, #tpu.memory_space<vmem>> -> memref<128xi32, #tpu.memory_space<vmem>>
    %dma_wait3A_237 = arith.constant 0 : i32
    %dma_wait3A_238 = tpu.memref_slice %arg10[%dma_wait3A_237] : memref<20480xi32, #tpu.memory_space<vmem_shared>> -> memref<20480xi32, #tpu.memory_space<vmem_shared>>
    tpu.wait_indirect_dma semaphore(%arg28 : memref<!tpu.dma_semaphore, #tpu.memory_space<semaphore_mem>>) src(%dma_wait3A_233 : memref<128xi32, #tpu.memory_space<vmem>>) dst(%dma_wait3A_238 : memref<20480xi32, #tpu.memory_space<vmem_shared>>)
    %dma_wait3A_239 = arith.constant 1 : i32
    %dma_wait3A_240 = arith.constant 128 : i32
    %dma_wait3A_241 = tpu.memref_slice %arg18[%dma_wait3A_240] : memref<1280xi32, #tpu.memory_space<vmem>> -> memref<128xi32, #tpu.memory_space<vmem>>
    %dma_wait3A_242 = arith.constant 0 : i32
    %dma_wait3A_243 = tpu.memref_slice %arg24[%dma_wait3A_239, %dma_wait3A_242] : memref<10x128xi32, #tpu.memory_space<vmem>> -> memref<1x128xi32, #tpu.memory_space<vmem>>
    %dma_wait3A_244 = tpu.memref_squeeze %dma_wait3A_243 : memref<1x128xi32, #tpu.memory_space<vmem>> -> memref<128xi32, #tpu.memory_space<vmem>>
    %dma_wait3A_245 = arith.constant 0 : i32
    %dma_wait3A_246 = tpu.memref_slice %arg11[%dma_wait3A_245] : memref<20480xi32, #tpu.memory_space<vmem_shared>> -> memref<20480xi32, #tpu.memory_space<vmem_shared>>
    tpu.wait_indirect_dma semaphore(%arg28 : memref<!tpu.dma_semaphore, #tpu.memory_space<semaphore_mem>>) src(%dma_wait3A_241 : memref<128xi32, #tpu.memory_space<vmem>>) dst(%dma_wait3A_246 : memref<20480xi32, #tpu.memory_space<vmem_shared>>)
    %dma_wait3A_247 = arith.constant 2 : i32
    %dma_wait3A_248 = arith.constant 256 : i32
    %dma_wait3A_249 = tpu.memref_slice %arg17[%dma_wait3A_248] : memref<1280xi32, #tpu.memory_space<vmem>> -> memref<128xi32, #tpu.memory_space<vmem>>
    %dma_wait3A_250 = arith.constant 0 : i32
    %dma_wait3A_251 = tpu.memref_slice %arg24[%dma_wait3A_247, %dma_wait3A_250] : memref<10x128xi32, #tpu.memory_space<vmem>> -> memref<1x128xi32, #tpu.memory_space<vmem>>
    %dma_wait3A_252 = tpu.memref_squeeze %dma_wait3A_251 : memref<1x128xi32, #tpu.memory_space<vmem>> -> memref<128xi32, #tpu.memory_space<vmem>>
    %dma_wait3A_253 = arith.constant 0 : i32
    %dma_wait3A_254 = tpu.memref_slice %arg10[%dma_wait3A_253] : memref<20480xi32, #tpu.memory_space<vmem_shared>> -> memref<20480xi32, #tpu.memory_space<vmem_shared>>
    tpu.wait_indirect_dma semaphore(%arg28 : memref<!tpu.dma_semaphore, #tpu.memory_space<semaphore_mem>>) src(%dma_wait3A_249 : memref<128xi32, #tpu.memory_space<vmem>>) dst(%dma_wait3A_254 : memref<20480xi32, #tpu.memory_space<vmem_shared>>)
    %dma_wait3A_255 = arith.constant 2 : i32
    %dma_wait3A_256 = arith.constant 256 : i32
    %dma_wait3A_257 = tpu.memref_slice %arg18[%dma_wait3A_256] : memref<1280xi32, #tpu.memory_space<vmem>> -> memref<128xi32, #tpu.memory_space<vmem>>
    %dma_wait3A_258 = arith.constant 0 : i32
    %dma_wait3A_259 = tpu.memref_slice %arg24[%dma_wait3A_255, %dma_wait3A_258] : memref<10x128xi32, #tpu.memory_space<vmem>> -> memref<1x128xi32, #tpu.memory_space<vmem>>
    %dma_wait3A_260 = tpu.memref_squeeze %dma_wait3A_259 : memref<1x128xi32, #tpu.memory_space<vmem>> -> memref<128xi32, #tpu.memory_space<vmem>>
    %dma_wait3A_261 = arith.constant 0 : i32
    %dma_wait3A_262 = tpu.memref_slice %arg11[%dma_wait3A_261] : memref<20480xi32, #tpu.memory_space<vmem_shared>> -> memref<20480xi32, #tpu.memory_space<vmem_shared>>
    tpu.wait_indirect_dma semaphore(%arg28 : memref<!tpu.dma_semaphore, #tpu.memory_space<semaphore_mem>>) src(%dma_wait3A_257 : memref<128xi32, #tpu.memory_space<vmem>>) dst(%dma_wait3A_262 : memref<20480xi32, #tpu.memory_space<vmem_shared>>)
    %dma_wait3A_263 = arith.constant 3 : i32
    %dma_wait3A_264 = arith.constant 384 : i32
    %dma_wait3A_265 = tpu.memref_slice %arg17[%dma_wait3A_264] : memref<1280xi32, #tpu.memory_space<vmem>> -> memref<128xi32, #tpu.memory_space<vmem>>
    %dma_wait3A_266 = arith.constant 0 : i32
    %dma_wait3A_267 = tpu.memref_slice %arg24[%dma_wait3A_263, %dma_wait3A_266] : memref<10x128xi32, #tpu.memory_space<vmem>> -> memref<1x128xi32, #tpu.memory_space<vmem>>
    %dma_wait3A_268 = tpu.memref_squeeze %dma_wait3A_267 : memref<1x128xi32, #tpu.memory_space<vmem>> -> memref<128xi32, #tpu.memory_space<vmem>>
    %dma_wait3A_269 = arith.constant 0 : i32
    %dma_wait3A_270 = tpu.memref_slice %arg10[%dma_wait3A_269] : memref<20480xi32, #tpu.memory_space<vmem_shared>> -> memref<20480xi32, #tpu.memory_space<vmem_shared>>
    tpu.wait_indirect_dma semaphore(%arg28 : memref<!tpu.dma_semaphore, #tpu.memory_space<semaphore_mem>>) src(%dma_wait3A_265 : memref<128xi32, #tpu.memory_space<vmem>>) dst(%dma_wait3A_270 : memref<20480xi32, #tpu.memory_space<vmem_shared>>)
    %dma_wait3A_271 = arith.constant 3 : i32
    %dma_wait3A_272 = arith.constant 384 : i32
    %dma_wait3A_273 = tpu.memref_slice %arg18[%dma_wait3A_272] : memref<1280xi32, #tpu.memory_space<vmem>> -> memref<128xi32, #tpu.memory_space<vmem>>
    %dma_wait3A_274 = arith.constant 0 : i32
    %dma_wait3A_275 = tpu.memref_slice %arg24[%dma_wait3A_271, %dma_wait3A_274] : memref<10x128xi32, #tpu.memory_space<vmem>> -> memref<1x128xi32, #tpu.memory_space<vmem>>
    %dma_wait3A_276 = tpu.memref_squeeze %dma_wait3A_275 : memref<1x128xi32, #tpu.memory_space<vmem>> -> memref<128xi32, #tpu.memory_space<vmem>>
    %dma_wait3A_277 = arith.constant 0 : i32
    %dma_wait3A_278 = tpu.memref_slice %arg11[%dma_wait3A_277] : memref<20480xi32, #tpu.memory_space<vmem_shared>> -> memref<20480xi32, #tpu.memory_space<vmem_shared>>
    tpu.wait_indirect_dma semaphore(%arg28 : memref<!tpu.dma_semaphore, #tpu.memory_space<semaphore_mem>>) src(%dma_wait3A_273 : memref<128xi32, #tpu.memory_space<vmem>>) dst(%dma_wait3A_278 : memref<20480xi32, #tpu.memory_space<vmem_shared>>)
    %dma_wait3A_279 = arith.constant 4 : i32
    %dma_wait3A_280 = arith.constant 512 : i32
    %dma_wait3A_281 = tpu.memref_slice %arg17[%dma_wait3A_280] : memref<1280xi32, #tpu.memory_space<vmem>> -> memref<128xi32, #tpu.memory_space<vmem>>
    %dma_wait3A_282 = arith.constant 0 : i32
    %dma_wait3A_283 = tpu.memref_slice %arg24[%dma_wait3A_279, %dma_wait3A_282] : memref<10x128xi32, #tpu.memory_space<vmem>> -> memref<1x128xi32, #tpu.memory_space<vmem>>
    %dma_wait3A_284 = tpu.memref_squeeze %dma_wait3A_283 : memref<1x128xi32, #tpu.memory_space<vmem>> -> memref<128xi32, #tpu.memory_space<vmem>>
    %dma_wait3A_285 = arith.constant 0 : i32
    %dma_wait3A_286 = tpu.memref_slice %arg10[%dma_wait3A_285] : memref<20480xi32, #tpu.memory_space<vmem_shared>> -> memref<20480xi32, #tpu.memory_space<vmem_shared>>
    tpu.wait_indirect_dma semaphore(%arg28 : memref<!tpu.dma_semaphore, #tpu.memory_space<semaphore_mem>>) src(%dma_wait3A_281 : memref<128xi32, #tpu.memory_space<vmem>>) dst(%dma_wait3A_286 : memref<20480xi32, #tpu.memory_space<vmem_shared>>)
    %dma_wait3A_287 = arith.constant 4 : i32
    %dma_wait3A_288 = arith.constant 512 : i32
    %dma_wait3A_289 = tpu.memref_slice %arg18[%dma_wait3A_288] : memref<1280xi32, #tpu.memory_space<vmem>> -> memref<128xi32, #tpu.memory_space<vmem>>
    %dma_wait3A_290 = arith.constant 0 : i32
    %dma_wait3A_291 = tpu.memref_slice %arg24[%dma_wait3A_287, %dma_wait3A_290] : memref<10x128xi32, #tpu.memory_space<vmem>> -> memref<1x128xi32, #tpu.memory_space<vmem>>
    %dma_wait3A_292 = tpu.memref_squeeze %dma_wait3A_291 : memref<1x128xi32, #tpu.memory_space<vmem>> -> memref<128xi32, #tpu.memory_space<vmem>>
    %dma_wait3A_293 = arith.constant 0 : i32
    %dma_wait3A_294 = tpu.memref_slice %arg11[%dma_wait3A_293] : memref<20480xi32, #tpu.memory_space<vmem_shared>> -> memref<20480xi32, #tpu.memory_space<vmem_shared>>
    tpu.wait_indirect_dma semaphore(%arg28 : memref<!tpu.dma_semaphore, #tpu.memory_space<semaphore_mem>>) src(%dma_wait3A_289 : memref<128xi32, #tpu.memory_space<vmem>>) dst(%dma_wait3A_294 : memref<20480xi32, #tpu.memory_space<vmem_shared>>)
    %dma_wait3A_295 = arith.constant 5 : i32
    %dma_wait3A_296 = arith.constant 640 : i32
    %dma_wait3A_297 = tpu.memref_slice %arg17[%dma_wait3A_296] : memref<1280xi32, #tpu.memory_space<vmem>> -> memref<128xi32, #tpu.memory_space<vmem>>
    %dma_wait3A_298 = arith.constant 0 : i32
    %dma_wait3A_299 = tpu.memref_slice %arg24[%dma_wait3A_295, %dma_wait3A_298] : memref<10x128xi32, #tpu.memory_space<vmem>> -> memref<1x128xi32, #tpu.memory_space<vmem>>
    %dma_wait3A_300 = tpu.memref_squeeze %dma_wait3A_299 : memref<1x128xi32, #tpu.memory_space<vmem>> -> memref<128xi32, #tpu.memory_space<vmem>>
    %dma_wait3A_301 = arith.constant 0 : i32
    %dma_wait3A_302 = tpu.memref_slice %arg10[%dma_wait3A_301] : memref<20480xi32, #tpu.memory_space<vmem_shared>> -> memref<20480xi32, #tpu.memory_space<vmem_shared>>
    tpu.wait_indirect_dma semaphore(%arg28 : memref<!tpu.dma_semaphore, #tpu.memory_space<semaphore_mem>>) src(%dma_wait3A_297 : memref<128xi32, #tpu.memory_space<vmem>>) dst(%dma_wait3A_302 : memref<20480xi32, #tpu.memory_space<vmem_shared>>)
    %dma_wait3A_303 = arith.constant 5 : i32
    %dma_wait3A_304 = arith.constant 640 : i32
    %dma_wait3A_305 = tpu.memref_slice %arg18[%dma_wait3A_304] : memref<1280xi32, #tpu.memory_space<vmem>> -> memref<128xi32, #tpu.memory_space<vmem>>
    %dma_wait3A_306 = arith.constant 0 : i32
    %dma_wait3A_307 = tpu.memref_slice %arg24[%dma_wait3A_303, %dma_wait3A_306] : memref<10x128xi32, #tpu.memory_space<vmem>> -> memref<1x128xi32, #tpu.memory_space<vmem>>
    %dma_wait3A_308 = tpu.memref_squeeze %dma_wait3A_307 : memref<1x128xi32, #tpu.memory_space<vmem>> -> memref<128xi32, #tpu.memory_space<vmem>>
    %dma_wait3A_309 = arith.constant 0 : i32
    %dma_wait3A_310 = tpu.memref_slice %arg11[%dma_wait3A_309] : memref<20480xi32, #tpu.memory_space<vmem_shared>> -> memref<20480xi32, #tpu.memory_space<vmem_shared>>
    tpu.wait_indirect_dma semaphore(%arg28 : memref<!tpu.dma_semaphore, #tpu.memory_space<semaphore_mem>>) src(%dma_wait3A_305 : memref<128xi32, #tpu.memory_space<vmem>>) dst(%dma_wait3A_310 : memref<20480xi32, #tpu.memory_space<vmem_shared>>)
    %dma_wait3A_311 = arith.constant 6 : i32
    %dma_wait3A_312 = arith.constant 768 : i32
    %dma_wait3A_313 = tpu.memref_slice %arg17[%dma_wait3A_312] : memref<1280xi32, #tpu.memory_space<vmem>> -> memref<128xi32, #tpu.memory_space<vmem>>
    %dma_wait3A_314 = arith.constant 0 : i32
    %dma_wait3A_315 = tpu.memref_slice %arg24[%dma_wait3A_311, %dma_wait3A_314] : memref<10x128xi32, #tpu.memory_space<vmem>> -> memref<1x128xi32, #tpu.memory_space<vmem>>
    %dma_wait3A_316 = tpu.memref_squeeze %dma_wait3A_315 : memref<1x128xi32, #tpu.memory_space<vmem>> -> memref<128xi32, #tpu.memory_space<vmem>>
    %dma_wait3A_317 = arith.constant 0 : i32
    %dma_wait3A_318 = tpu.memref_slice %arg10[%dma_wait3A_317] : memref<20480xi32, #tpu.memory_space<vmem_shared>> -> memref<20480xi32, #tpu.memory_space<vmem_shared>>
    tpu.wait_indirect_dma semaphore(%arg28 : memref<!tpu.dma_semaphore, #tpu.memory_space<semaphore_mem>>) src(%dma_wait3A_313 : memref<128xi32, #tpu.memory_space<vmem>>) dst(%dma_wait3A_318 : memref<20480xi32, #tpu.memory_space<vmem_shared>>)
    %dma_wait3A_319 = arith.constant 6 : i32
    %dma_wait3A_320 = arith.constant 768 : i32
    %dma_wait3A_321 = tpu.memref_slice %arg18[%dma_wait3A_320] : memref<1280xi32, #tpu.memory_space<vmem>> -> memref<128xi32, #tpu.memory_space<vmem>>
    %dma_wait3A_322 = arith.constant 0 : i32
    %dma_wait3A_323 = tpu.memref_slice %arg24[%dma_wait3A_319, %dma_wait3A_322] : memref<10x128xi32, #tpu.memory_space<vmem>> -> memref<1x128xi32, #tpu.memory_space<vmem>>
    %dma_wait3A_324 = tpu.memref_squeeze %dma_wait3A_323 : memref<1x128xi32, #tpu.memory_space<vmem>> -> memref<128xi32, #tpu.memory_space<vmem>>
    %dma_wait3A_325 = arith.constant 0 : i32
    %dma_wait3A_326 = tpu.memref_slice %arg11[%dma_wait3A_325] : memref<20480xi32, #tpu.memory_space<vmem_shared>> -> memref<20480xi32, #tpu.memory_space<vmem_shared>>
    tpu.wait_indirect_dma semaphore(%arg28 : memref<!tpu.dma_semaphore, #tpu.memory_space<semaphore_mem>>) src(%dma_wait3A_321 : memref<128xi32, #tpu.memory_space<vmem>>) dst(%dma_wait3A_326 : memref<20480xi32, #tpu.memory_space<vmem_shared>>)
    %dma_wait3A_327 = arith.constant 7 : i32
    %dma_wait3A_328 = arith.constant 896 : i32
    %dma_wait3A_329 = tpu.memref_slice %arg17[%dma_wait3A_328] : memref<1280xi32, #tpu.memory_space<vmem>> -> memref<128xi32, #tpu.memory_space<vmem>>
    %dma_wait3A_330 = arith.constant 0 : i32
    %dma_wait3A_331 = tpu.memref_slice %arg24[%dma_wait3A_327, %dma_wait3A_330] : memref<10x128xi32, #tpu.memory_space<vmem>> -> memref<1x128xi32, #tpu.memory_space<vmem>>
    %dma_wait3A_332 = tpu.memref_squeeze %dma_wait3A_331 : memref<1x128xi32, #tpu.memory_space<vmem>> -> memref<128xi32, #tpu.memory_space<vmem>>
    %dma_wait3A_333 = arith.constant 0 : i32
    %dma_wait3A_334 = tpu.memref_slice %arg10[%dma_wait3A_333] : memref<20480xi32, #tpu.memory_space<vmem_shared>> -> memref<20480xi32, #tpu.memory_space<vmem_shared>>
    tpu.wait_indirect_dma semaphore(%arg28 : memref<!tpu.dma_semaphore, #tpu.memory_space<semaphore_mem>>) src(%dma_wait3A_329 : memref<128xi32, #tpu.memory_space<vmem>>) dst(%dma_wait3A_334 : memref<20480xi32, #tpu.memory_space<vmem_shared>>)
    %dma_wait3A_335 = arith.constant 7 : i32
    %dma_wait3A_336 = arith.constant 896 : i32
    %dma_wait3A_337 = tpu.memref_slice %arg18[%dma_wait3A_336] : memref<1280xi32, #tpu.memory_space<vmem>> -> memref<128xi32, #tpu.memory_space<vmem>>
    %dma_wait3A_338 = arith.constant 0 : i32
    %dma_wait3A_339 = tpu.memref_slice %arg24[%dma_wait3A_335, %dma_wait3A_338] : memref<10x128xi32, #tpu.memory_space<vmem>> -> memref<1x128xi32, #tpu.memory_space<vmem>>
    %dma_wait3A_340 = tpu.memref_squeeze %dma_wait3A_339 : memref<1x128xi32, #tpu.memory_space<vmem>> -> memref<128xi32, #tpu.memory_space<vmem>>
    %dma_wait3A_341 = arith.constant 0 : i32
    %dma_wait3A_342 = tpu.memref_slice %arg11[%dma_wait3A_341] : memref<20480xi32, #tpu.memory_space<vmem_shared>> -> memref<20480xi32, #tpu.memory_space<vmem_shared>>
    tpu.wait_indirect_dma semaphore(%arg28 : memref<!tpu.dma_semaphore, #tpu.memory_space<semaphore_mem>>) src(%dma_wait3A_337 : memref<128xi32, #tpu.memory_space<vmem>>) dst(%dma_wait3A_342 : memref<20480xi32, #tpu.memory_space<vmem_shared>>)
    %dma_wait3A_343 = arith.constant 8 : i32
    %dma_wait3A_344 = arith.constant 1024 : i32
    %dma_wait3A_345 = tpu.memref_slice %arg17[%dma_wait3A_344] : memref<1280xi32, #tpu.memory_space<vmem>> -> memref<128xi32, #tpu.memory_space<vmem>>
    %dma_wait3A_346 = arith.constant 0 : i32
    %dma_wait3A_347 = tpu.memref_slice %arg24[%dma_wait3A_343, %dma_wait3A_346] : memref<10x128xi32, #tpu.memory_space<vmem>> -> memref<1x128xi32, #tpu.memory_space<vmem>>
    %dma_wait3A_348 = tpu.memref_squeeze %dma_wait3A_347 : memref<1x128xi32, #tpu.memory_space<vmem>> -> memref<128xi32, #tpu.memory_space<vmem>>
    %dma_wait3A_349 = arith.constant 0 : i32
    %dma_wait3A_350 = tpu.memref_slice %arg10[%dma_wait3A_349] : memref<20480xi32, #tpu.memory_space<vmem_shared>> -> memref<20480xi32, #tpu.memory_space<vmem_shared>>
    tpu.wait_indirect_dma semaphore(%arg28 : memref<!tpu.dma_semaphore, #tpu.memory_space<semaphore_mem>>) src(%dma_wait3A_345 : memref<128xi32, #tpu.memory_space<vmem>>) dst(%dma_wait3A_350 : memref<20480xi32, #tpu.memory_space<vmem_shared>>)
    %dma_wait3A_351 = arith.constant 8 : i32
    %dma_wait3A_352 = arith.constant 1024 : i32
    %dma_wait3A_353 = tpu.memref_slice %arg18[%dma_wait3A_352] : memref<1280xi32, #tpu.memory_space<vmem>> -> memref<128xi32, #tpu.memory_space<vmem>>
    %dma_wait3A_354 = arith.constant 0 : i32
    %dma_wait3A_355 = tpu.memref_slice %arg24[%dma_wait3A_351, %dma_wait3A_354] : memref<10x128xi32, #tpu.memory_space<vmem>> -> memref<1x128xi32, #tpu.memory_space<vmem>>
    %dma_wait3A_356 = tpu.memref_squeeze %dma_wait3A_355 : memref<1x128xi32, #tpu.memory_space<vmem>> -> memref<128xi32, #tpu.memory_space<vmem>>
    %dma_wait3A_357 = arith.constant 0 : i32
    %dma_wait3A_358 = tpu.memref_slice %arg11[%dma_wait3A_357] : memref<20480xi32, #tpu.memory_space<vmem_shared>> -> memref<20480xi32, #tpu.memory_space<vmem_shared>>
    tpu.wait_indirect_dma semaphore(%arg28 : memref<!tpu.dma_semaphore, #tpu.memory_space<semaphore_mem>>) src(%dma_wait3A_353 : memref<128xi32, #tpu.memory_space<vmem>>) dst(%dma_wait3A_358 : memref<20480xi32, #tpu.memory_space<vmem_shared>>)
    %dma_wait3A_359 = arith.constant 9 : i32
    %dma_wait3A_360 = arith.constant 1152 : i32
    %dma_wait3A_361 = tpu.memref_slice %arg17[%dma_wait3A_360] : memref<1280xi32, #tpu.memory_space<vmem>> -> memref<128xi32, #tpu.memory_space<vmem>>
    %dma_wait3A_362 = arith.constant 0 : i32
    %dma_wait3A_363 = tpu.memref_slice %arg24[%dma_wait3A_359, %dma_wait3A_362] : memref<10x128xi32, #tpu.memory_space<vmem>> -> memref<1x128xi32, #tpu.memory_space<vmem>>
    %dma_wait3A_364 = tpu.memref_squeeze %dma_wait3A_363 : memref<1x128xi32, #tpu.memory_space<vmem>> -> memref<128xi32, #tpu.memory_space<vmem>>
    %dma_wait3A_365 = arith.constant 0 : i32
    %dma_wait3A_366 = tpu.memref_slice %arg10[%dma_wait3A_365] : memref<20480xi32, #tpu.memory_space<vmem_shared>> -> memref<20480xi32, #tpu.memory_space<vmem_shared>>
    tpu.wait_indirect_dma semaphore(%arg28 : memref<!tpu.dma_semaphore, #tpu.memory_space<semaphore_mem>>) src(%dma_wait3A_361 : memref<128xi32, #tpu.memory_space<vmem>>) dst(%dma_wait3A_366 : memref<20480xi32, #tpu.memory_space<vmem_shared>>)
    %dma_wait3A_367 = arith.constant 9 : i32
    %dma_wait3A_368 = arith.constant 1152 : i32
    %dma_wait3A_369 = tpu.memref_slice %arg18[%dma_wait3A_368] : memref<1280xi32, #tpu.memory_space<vmem>> -> memref<128xi32, #tpu.memory_space<vmem>>
    %dma_wait3A_370 = arith.constant 0 : i32
    %dma_wait3A_371 = tpu.memref_slice %arg24[%dma_wait3A_367, %dma_wait3A_370] : memref<10x128xi32, #tpu.memory_space<vmem>> -> memref<1x128xi32, #tpu.memory_space<vmem>>
    %dma_wait3A_372 = tpu.memref_squeeze %dma_wait3A_371 : memref<1x128xi32, #tpu.memory_space<vmem>> -> memref<128xi32, #tpu.memory_space<vmem>>
    %dma_wait3A_373 = arith.constant 0 : i32
    %dma_wait3A_374 = tpu.memref_slice %arg11[%dma_wait3A_373] : memref<20480xi32, #tpu.memory_space<vmem_shared>> -> memref<20480xi32, #tpu.memory_space<vmem_shared>>
    tpu.wait_indirect_dma semaphore(%arg28 : memref<!tpu.dma_semaphore, #tpu.memory_space<semaphore_mem>>) src(%dma_wait3A_369 : memref<128xi32, #tpu.memory_space<vmem>>) dst(%dma_wait3A_374 : memref<20480xi32, #tpu.memory_space<vmem_shared>>)
    %barrier3A_375 = arith.constant 0 : index
    tpu.barrier barrier_id(%barrier3A_375)
    "tpu.region"() ({
      %run_scoped3A = tpu.sem_alloc : memref<!tpu.dma_semaphore, #tpu.memory_space<semaphore_mem>>
      %dma_start3A_1293 = tpu.memref_slice %arg10[%mul3A_0] : memref<20480xi32, #tpu.memory_space<vmem_shared>> -> memref<1280xi32, #tpu.memory_space<vmem_shared>>
      %dma_start3A_1294 = tpu.memref_slice %arg10[%mul3A_0] : memref<20480xi32, #tpu.memory_space<vmem_shared>> -> memref<1280xi32, #tpu.memory_space<vmem_shared>>
      tpu.enqueue_dma source(%dma_start3A_1294 : memref<1280xi32, #tpu.memory_space<vmem_shared>>) target(%arg17 : memref<1280xi32, #tpu.memory_space<vmem>>) target_semaphore(%run_scoped3A : memref<!tpu.dma_semaphore, #tpu.memory_space<semaphore_mem>>)
      %dma_wait3A_1295 = tpu.memref_slice %arg10[%mul3A_0] : memref<20480xi32, #tpu.memory_space<vmem_shared>> -> memref<1280xi32, #tpu.memory_space<vmem_shared>>
      %dma_wait3A_1296 = tpu.memref_slice %arg10[%mul3A_0] : memref<20480xi32, #tpu.memory_space<vmem_shared>> -> memref<1280xi32, #tpu.memory_space<vmem_shared>>
      tpu.wait_dma2 semaphore(%run_scoped3A : memref<!tpu.dma_semaphore, #tpu.memory_space<semaphore_mem>>) src(%dma_wait3A_1296 : memref<1280xi32, #tpu.memory_space<vmem_shared>>) dst(%arg17 : memref<1280xi32, #tpu.memory_space<vmem>>)
      tpu.yield
    }) : () -> ()
    %scan3A_376 = arith.constant 0 : i32
    %scan3A_377 = arith.constant 0 : i32
    %scan3A_378 = arith.constant 128 : i32
    %scan3A_379 = arith.addi %scan3A_377, %scan3A_378 : i32
    %scan3A_380 = arith.constant 1 : i32
    scf.for %scan3A_1293 = %scan3A_377 to %scan3A_379 step %scan3A_380  : i32 {
      %mul3A_1294 = arith.constant 16 : i32
      %mul3A_1295 = arith.muli %scan3A_1293, %mul3A_1294 : i32
      %swap3A = arith.index_cast %mul3A_1295 : i32 to index
      %swap3A_1296 = tpu.vector_load %arg19[%swap3A] {strides = array<i32>} : memref<2048xi32, #tpu.memory_space<vmem>>, vector<16xi32>,
      tpu.vector_store %arg19[%swap3A], %broadcast_in_dim3A_1 {strides = array<i32>} : memref<2048xi32, #tpu.memory_space<vmem>>, vector<16xi32>,
    }
    %scan3A_381 = arith.constant 128 : i32
    %scan3A_382 = arith.constant 0 : i32
    %scan3A_383 = arith.constant 11 : i32
    %scan3A_384 = arith.constant 2047 : i32
    %scan3A_385 = arith.constant 0 : i32
    %scan3A_386 = arith.constant 80 : i32
    %scan3A_387 = arith.addi %scan3A_385, %scan3A_386 : i32
    %scan3A_388 = arith.constant 1 : i32
    scf.for %scan3A_1293 = %scan3A_385 to %scan3A_387 step %scan3A_388  : i32 {
      %mul3A_1294 = arith.constant 16 : i32
      %mul3A_1295 = arith.muli %scan3A_1293, %mul3A_1294 : i32
      %get3A = arith.index_cast %mul3A_1295 : i32 to index
      %get3A_1296 = tpu.vector_load %arg17[%get3A] {strides = array<i32>} : memref<1280xi32, #tpu.memory_space<vmem>>, vector<16xi32>,
      %shift_right_logical3A = vector.broadcast %scan3A_383 : i32 to vector<16xi32>
      %shift_right_logical3A_1297 = arith.shrui %get3A_1296, %shift_right_logical3A : vector<16xi32>
      %and3A_1298 = vector.broadcast %scan3A_384 : i32 to vector<16xi32>
      %and3A_1299 = arith.andi %shift_right_logical3A_1297, %and3A_1298 : vector<16xi32>
      %broadcast_in_dim3A_1300 = arith.constant true
      %broadcast_in_dim3A_1301 = vector.broadcast %broadcast_in_dim3A_1300 : i1 to vector<16xi1>
      %unique3A, %unique3A_1302 = tpu.scan_count mask(%broadcast_in_dim3A_1301 : vector<16xi1>) value(%and3A_1299 : vector<16xi32>) : vector<16xi1>, vector<16xi32>
      tpu.vector_store_idx %arg19[%and3A_1299], %unique3A_1302 masked %unique3A {add = true} : memref<2048xi32, #tpu.memory_space<vmem>>[vector<16xi32>], vector<16xi32>, vector<16xi1>
    }
    %scan3A_389 = arith.constant 80 : i32
    %mul3A_390 = arith.constant 2048 : i32
    %mul3A_391 = arith.muli %arg1, %mul3A_390 : i32
    "tpu.region"() ({
      %run_scoped3A = tpu.sem_alloc : memref<!tpu.dma_semaphore, #tpu.memory_space<semaphore_mem>>
      %dma_start3A_1293 = tpu.memref_slice %arg12[%mul3A_391] : memref<32768xi32, #tpu.memory_space<vmem_shared>> -> memref<2048xi32, #tpu.memory_space<vmem_shared>>
      %dma_start3A_1294 = tpu.memref_slice %arg12[%mul3A_391] : memref<32768xi32, #tpu.memory_space<vmem_shared>> -> memref<2048xi32, #tpu.memory_space<vmem_shared>>
      tpu.enqueue_dma source(%arg19 : memref<2048xi32, #tpu.memory_space<vmem>>) target(%dma_start3A_1294 : memref<2048xi32, #tpu.memory_space<vmem_shared>>) target_semaphore(%run_scoped3A : memref<!tpu.dma_semaphore, #tpu.memory_space<semaphore_mem>>)
      %dma_wait3A_1295 = tpu.memref_slice %arg12[%mul3A_391] : memref<32768xi32, #tpu.memory_space<vmem_shared>> -> memref<2048xi32, #tpu.memory_space<vmem_shared>>
      %dma_wait3A_1296 = tpu.memref_slice %arg12[%mul3A_391] : memref<32768xi32, #tpu.memory_space<vmem_shared>> -> memref<2048xi32, #tpu.memory_space<vmem_shared>>
      tpu.wait_dma2 semaphore(%run_scoped3A : memref<!tpu.dma_semaphore, #tpu.memory_space<semaphore_mem>>) src(%arg19 : memref<2048xi32, #tpu.memory_space<vmem>>) dst(%dma_wait3A_1296 : memref<2048xi32, #tpu.memory_space<vmem_shared>>)
      tpu.yield
    }) : () -> ()
    %barrier3A_392 = arith.constant 0 : index
    tpu.barrier barrier_id(%barrier3A_392)
    "tpu.region"() ({
      %run_scoped3A = tpu.sem_alloc : memref<!tpu.dma_semaphore, #tpu.memory_space<semaphore_mem>>
      tpu.enqueue_dma source(%arg12 : memref<32768xi32, #tpu.memory_space<vmem_shared>>) target(%arg20 : memref<32768xi32, #tpu.memory_space<vmem>>) target_semaphore(%run_scoped3A : memref<!tpu.dma_semaphore, #tpu.memory_space<semaphore_mem>>)
      tpu.wait_dma2 semaphore(%run_scoped3A : memref<!tpu.dma_semaphore, #tpu.memory_space<semaphore_mem>>) src(%arg12 : memref<32768xi32, #tpu.memory_space<vmem_shared>>) dst(%arg20 : memref<32768xi32, #tpu.memory_space<vmem>>)
      tpu.yield
    }) : () -> ()
    %scan3A_393 = arith.constant 0 : i32
    %scan3A_394 = arith.constant 0 : i32
    %scan3A_395 = arith.constant 128 : i32
    %scan3A_396 = arith.addi %scan3A_394, %scan3A_395 : i32
    %scan3A_397 = arith.constant 1 : i32
    scf.for %scan3A_1293 = %scan3A_394 to %scan3A_396 step %scan3A_397  : i32 {
      %mul3A_1294 = arith.constant 16 : i32
      %mul3A_1295 = arith.muli %scan3A_1293, %mul3A_1294 : i32
      %mul3A_1296 = arith.constant 16 : i32
      %mul3A_1297 = arith.muli %scan3A_1293, %mul3A_1296 : i32
      %get3A = arith.index_cast %mul3A_1297 : i32 to index
      %get3A_1298 = tpu.vector_load %arg20[%get3A] {strides = array<i32>} : memref<32768xi32, #tpu.memory_space<vmem>>, vector<16xi32>,
      %mul3A_1299 = arith.constant 16 : i32
      %mul3A_1300 = arith.muli %scan3A_1293, %mul3A_1299 : i32
      %add3A_1301 = arith.constant 2048 : i32
      %add3A_1302 = arith.addi %add3A_1301, %mul3A_1300 : i32
      %get3A_1303 = arith.index_cast %add3A_1302 : i32 to index
      %get3A_1304 = tpu.vector_load %arg20[%get3A_1303] {strides = array<i32>} : memref<32768xi32, #tpu.memory_space<vmem>>, vector<16xi32>,
      %add3A_1305 = arith.addi %get3A_1298, %get3A_1304 : vector<16xi32>
      %sub3A = arith.constant 1 : i32
      %sub3A_1306 = arith.subi %arg1, %sub3A : i32
      %ge3A = arith.constant 1 : i32
      %ge3A_1307 = arith.cmpi sge, %sub3A_1306, %ge3A : i32
      %jit3A = arith.constant 0 : i32
      %broadcast_in_dim3A_1308 = vector.broadcast %jit3A : i32 to vector<16xi32>
      %select_n3A = arith.select %ge3A_1307, %get3A_1304, %broadcast_in_dim3A_1308 : vector<16xi32>
      %add3A_1309 = arith.addi %broadcast_in_dim3A_1, %select_n3A : vector<16xi32>
      %mul3A_1310 = arith.constant 16 : i32
      %mul3A_1311 = arith.muli %scan3A_1293, %mul3A_1310 : i32
      %add3A_1312 = arith.constant 4096 : i32
      %add3A_1313 = arith.addi %add3A_1312, %mul3A_1311 : i32
      %get3A_1314 = arith.index_cast %add3A_1313 : i32 to index
      %get3A_1315 = tpu.vector_load %arg20[%get3A_1314] {strides = array<i32>} : memref<32768xi32, #tpu.memory_space<vmem>>, vector<16xi32>,
      %add3A_1316 = arith.addi %add3A_1305, %get3A_1315 : vector<16xi32>
      %sub3A_1317 = arith.constant 1 : i32
      %sub3A_1318 = arith.subi %arg1, %sub3A_1317 : i32
      %ge3A_1319 = arith.constant 2 : i32
      %ge3A_1320 = arith.cmpi sge, %sub3A_1318, %ge3A_1319 : i32
      %jit3A_1321 = arith.constant 0 : i32
      %broadcast_in_dim3A_1322 = vector.broadcast %jit3A_1321 : i32 to vector<16xi32>
      %select_n3A_1323 = arith.select %ge3A_1320, %get3A_1315, %broadcast_in_dim3A_1322 : vector<16xi32>
      %add3A_1324 = arith.addi %add3A_1309, %select_n3A_1323 : vector<16xi32>
      %mul3A_1325 = arith.constant 16 : i32
      %mul3A_1326 = arith.muli %scan3A_1293, %mul3A_1325 : i32
      %add3A_1327 = arith.constant 6144 : i32
      %add3A_1328 = arith.addi %add3A_1327, %mul3A_1326 : i32
      %get3A_1329 = arith.index_cast %add3A_1328 : i32 to index
      %get3A_1330 = tpu.vector_load %arg20[%get3A_1329] {strides = array<i32>} : memref<32768xi32, #tpu.memory_space<vmem>>, vector<16xi32>,
      %add3A_1331 = arith.addi %add3A_1316, %get3A_1330 : vector<16xi32>
      %sub3A_1332 = arith.constant 1 : i32
      %sub3A_1333 = arith.subi %arg1, %sub3A_1332 : i32
      %ge3A_1334 = arith.constant 3 : i32
      %ge3A_1335 = arith.cmpi sge, %sub3A_1333, %ge3A_1334 : i32
      %jit3A_1336 = arith.constant 0 : i32
      %broadcast_in_dim3A_1337 = vector.broadcast %jit3A_1336 : i32 to vector<16xi32>
      %select_n3A_1338 = arith.select %ge3A_1335, %get3A_1330, %broadcast_in_dim3A_1337 : vector<16xi32>
      %add3A_1339 = arith.addi %add3A_1324, %select_n3A_1338 : vector<16xi32>
      %mul3A_1340 = arith.constant 16 : i32
      %mul3A_1341 = arith.muli %scan3A_1293, %mul3A_1340 : i32
      %add3A_1342 = arith.constant 8192 : i32
      %add3A_1343 = arith.addi %add3A_1342, %mul3A_1341 : i32
      %get3A_1344 = arith.index_cast %add3A_1343 : i32 to index
      %get3A_1345 = tpu.vector_load %arg20[%get3A_1344] {strides = array<i32>} : memref<32768xi32, #tpu.memory_space<vmem>>, vector<16xi32>,
      %add3A_1346 = arith.addi %add3A_1331, %get3A_1345 : vector<16xi32>
      %sub3A_1347 = arith.constant 1 : i32
      %sub3A_1348 = arith.subi %arg1, %sub3A_1347 : i32
      %ge3A_1349 = arith.constant 4 : i32
      %ge3A_1350 = arith.cmpi sge, %sub3A_1348, %ge3A_1349 : i32
      %jit3A_1351 = arith.constant 0 : i32
      %broadcast_in_dim3A_1352 = vector.broadcast %jit3A_1351 : i32 to vector<16xi32>
      %select_n3A_1353 = arith.select %ge3A_1350, %get3A_1345, %broadcast_in_dim3A_1352 : vector<16xi32>
      %add3A_1354 = arith.addi %add3A_1339, %select_n3A_1353 : vector<16xi32>
      %mul3A_1355 = arith.constant 16 : i32
      %mul3A_1356 = arith.muli %scan3A_1293, %mul3A_1355 : i32
      %add3A_1357 = arith.constant 10240 : i32
      %add3A_1358 = arith.addi %add3A_1357, %mul3A_1356 : i32
      %get3A_1359 = arith.index_cast %add3A_1358 : i32 to index
      %get3A_1360 = tpu.vector_load %arg20[%get3A_1359] {strides = array<i32>} : memref<32768xi32, #tpu.memory_space<vmem>>, vector<16xi32>,
      %add3A_1361 = arith.addi %add3A_1346, %get3A_1360 : vector<16xi32>
      %sub3A_1362 = arith.constant 1 : i32
      %sub3A_1363 = arith.subi %arg1, %sub3A_1362 : i32
      %ge3A_1364 = arith.constant 5 : i32
      %ge3A_1365 = arith.cmpi sge, %sub3A_1363, %ge3A_1364 : i32
      %jit3A_1366 = arith.constant 0 : i32
      %broadcast_in_dim3A_1367 = vector.broadcast %jit3A_1366 : i32 to vector<16xi32>
      %select_n3A_1368 = arith.select %ge3A_1365, %get3A_1360, %broadcast_in_dim3A_1367 : vector<16xi32>
      %add3A_1369 = arith.addi %add3A_1354, %select_n3A_1368 : vector<16xi32>
      %mul3A_1370 = arith.constant 16 : i32
      %mul3A_1371 = arith.muli %scan3A_1293, %mul3A_1370 : i32
      %add3A_1372 = arith.constant 12288 : i32
      %add3A_1373 = arith.addi %add3A_1372, %mul3A_1371 : i32
      %get3A_1374 = arith.index_cast %add3A_1373 : i32 to index
      %get3A_1375 = tpu.vector_load %arg20[%get3A_1374] {strides = array<i32>} : memref<32768xi32, #tpu.memory_space<vmem>>, vector<16xi32>,
      %add3A_1376 = arith.addi %add3A_1361, %get3A_1375 : vector<16xi32>
      %sub3A_1377 = arith.constant 1 : i32
      %sub3A_1378 = arith.subi %arg1, %sub3A_1377 : i32
      %ge3A_1379 = arith.constant 6 : i32
      %ge3A_1380 = arith.cmpi sge, %sub3A_1378, %ge3A_1379 : i32
      %jit3A_1381 = arith.constant 0 : i32
      %broadcast_in_dim3A_1382 = vector.broadcast %jit3A_1381 : i32 to vector<16xi32>
      %select_n3A_1383 = arith.select %ge3A_1380, %get3A_1375, %broadcast_in_dim3A_1382 : vector<16xi32>
      %add3A_1384 = arith.addi %add3A_1369, %select_n3A_1383 : vector<16xi32>
      %mul3A_1385 = arith.constant 16 : i32
      %mul3A_1386 = arith.muli %scan3A_1293, %mul3A_1385 : i32
      %add3A_1387 = arith.constant 14336 : i32
      %add3A_1388 = arith.addi %add3A_1387, %mul3A_1386 : i32
      %get3A_1389 = arith.index_cast %add3A_1388 : i32 to index
      %get3A_1390 = tpu.vector_load %arg20[%get3A_1389] {strides = array<i32>} : memref<32768xi32, #tpu.memory_space<vmem>>, vector<16xi32>,
      %add3A_1391 = arith.addi %add3A_1376, %get3A_1390 : vector<16xi32>
      %sub3A_1392 = arith.constant 1 : i32
      %sub3A_1393 = arith.subi %arg1, %sub3A_1392 : i32
      %ge3A_1394 = arith.constant 7 : i32
      %ge3A_1395 = arith.cmpi sge, %sub3A_1393, %ge3A_1394 : i32
      %jit3A_1396 = arith.constant 0 : i32
      %broadcast_in_dim3A_1397 = vector.broadcast %jit3A_1396 : i32 to vector<16xi32>
      %select_n3A_1398 = arith.select %ge3A_1395, %get3A_1390, %broadcast_in_dim3A_1397 : vector<16xi32>
      %add3A_1399 = arith.addi %add3A_1384, %select_n3A_1398 : vector<16xi32>
      %mul3A_1400 = arith.constant 16 : i32
      %mul3A_1401 = arith.muli %scan3A_1293, %mul3A_1400 : i32
      %add3A_1402 = arith.constant 16384 : i32
      %add3A_1403 = arith.addi %add3A_1402, %mul3A_1401 : i32
      %get3A_1404 = arith.index_cast %add3A_1403 : i32 to index
      %get3A_1405 = tpu.vector_load %arg20[%get3A_1404] {strides = array<i32>} : memref<32768xi32, #tpu.memory_space<vmem>>, vector<16xi32>,
      %add3A_1406 = arith.addi %add3A_1391, %get3A_1405 : vector<16xi32>
      %sub3A_1407 = arith.constant 1 : i32
      %sub3A_1408 = arith.subi %arg1, %sub3A_1407 : i32
      %ge3A_1409 = arith.constant 8 : i32
      %ge3A_1410 = arith.cmpi sge, %sub3A_1408, %ge3A_1409 : i32
      %jit3A_1411 = arith.constant 0 : i32
      %broadcast_in_dim3A_1412 = vector.broadcast %jit3A_1411 : i32 to vector<16xi32>
      %select_n3A_1413 = arith.select %ge3A_1410, %get3A_1405, %broadcast_in_dim3A_1412 : vector<16xi32>
      %add3A_1414 = arith.addi %add3A_1399, %select_n3A_1413 : vector<16xi32>
      %mul3A_1415 = arith.constant 16 : i32
      %mul3A_1416 = arith.muli %scan3A_1293, %mul3A_1415 : i32
      %add3A_1417 = arith.constant 18432 : i32
      %add3A_1418 = arith.addi %add3A_1417, %mul3A_1416 : i32
      %get3A_1419 = arith.index_cast %add3A_1418 : i32 to index
      %get3A_1420 = tpu.vector_load %arg20[%get3A_1419] {strides = array<i32>} : memref<32768xi32, #tpu.memory_space<vmem>>, vector<16xi32>,
      %add3A_1421 = arith.addi %add3A_1406, %get3A_1420 : vector<16xi32>
      %sub3A_1422 = arith.constant 1 : i32
      %sub3A_1423 = arith.subi %arg1, %sub3A_1422 : i32
      %ge3A_1424 = arith.constant 9 : i32
      %ge3A_1425 = arith.cmpi sge, %sub3A_1423, %ge3A_1424 : i32
      %jit3A_1426 = arith.constant 0 : i32
      %broadcast_in_dim3A_1427 = vector.broadcast %jit3A_1426 : i32 to vector<16xi32>
      %select_n3A_1428 = arith.select %ge3A_1425, %get3A_1420, %broadcast_in_dim3A_1427 : vector<16xi32>
      %add3A_1429 = arith.addi %add3A_1414, %select_n3A_1428 : vector<16xi32>
      %mul3A_1430 = arith.constant 16 : i32
      %mul3A_1431 = arith.muli %scan3A_1293, %mul3A_1430 : i32
      %add3A_1432 = arith.constant 20480 : i32
      %add3A_1433 = arith.addi %add3A_1432, %mul3A_1431 : i32
      %get3A_1434 = arith.index_cast %add3A_1433 : i32 to index
      %get3A_1435 = tpu.vector_load %arg20[%get3A_1434] {strides = array<i32>} : memref<32768xi32, #tpu.memory_space<vmem>>, vector<16xi32>,
      %add3A_1436 = arith.addi %add3A_1421, %get3A_1435 : vector<16xi32>
      %sub3A_1437 = arith.constant 1 : i32
      %sub3A_1438 = arith.subi %arg1, %sub3A_1437 : i32
      %ge3A_1439 = arith.constant 10 : i32
      %ge3A_1440 = arith.cmpi sge, %sub3A_1438, %ge3A_1439 : i32
      %jit3A_1441 = arith.constant 0 : i32
      %broadcast_in_dim3A_1442 = vector.broadcast %jit3A_1441 : i32 to vector<16xi32>
      %select_n3A_1443 = arith.select %ge3A_1440, %get3A_1435, %broadcast_in_dim3A_1442 : vector<16xi32>
      %add3A_1444 = arith.addi %add3A_1429, %select_n3A_1443 : vector<16xi32>
      %mul3A_1445 = arith.constant 16 : i32
      %mul3A_1446 = arith.muli %scan3A_1293, %mul3A_1445 : i32
      %add3A_1447 = arith.constant 22528 : i32
      %add3A_1448 = arith.addi %add3A_1447, %mul3A_1446 : i32
      %get3A_1449 = arith.index_cast %add3A_1448 : i32 to index
      %get3A_1450 = tpu.vector_load %arg20[%get3A_1449] {strides = array<i32>} : memref<32768xi32, #tpu.memory_space<vmem>>, vector<16xi32>,
      %add3A_1451 = arith.addi %add3A_1436, %get3A_1450 : vector<16xi32>
      %sub3A_1452 = arith.constant 1 : i32
      %sub3A_1453 = arith.subi %arg1, %sub3A_1452 : i32
      %ge3A_1454 = arith.constant 11 : i32
      %ge3A_1455 = arith.cmpi sge, %sub3A_1453, %ge3A_1454 : i32
      %jit3A_1456 = arith.constant 0 : i32
      %broadcast_in_dim3A_1457 = vector.broadcast %jit3A_1456 : i32 to vector<16xi32>
      %select_n3A_1458 = arith.select %ge3A_1455, %get3A_1450, %broadcast_in_dim3A_1457 : vector<16xi32>
      %add3A_1459 = arith.addi %add3A_1444, %select_n3A_1458 : vector<16xi32>
      %mul3A_1460 = arith.constant 16 : i32
      %mul3A_1461 = arith.muli %scan3A_1293, %mul3A_1460 : i32
      %add3A_1462 = arith.constant 24576 : i32
      %add3A_1463 = arith.addi %add3A_1462, %mul3A_1461 : i32
      %get3A_1464 = arith.index_cast %add3A_1463 : i32 to index
      %get3A_1465 = tpu.vector_load %arg20[%get3A_1464] {strides = array<i32>} : memref<32768xi32, #tpu.memory_space<vmem>>, vector<16xi32>,
      %add3A_1466 = arith.addi %add3A_1451, %get3A_1465 : vector<16xi32>
      %sub3A_1467 = arith.constant 1 : i32
      %sub3A_1468 = arith.subi %arg1, %sub3A_1467 : i32
      %ge3A_1469 = arith.constant 12 : i32
      %ge3A_1470 = arith.cmpi sge, %sub3A_1468, %ge3A_1469 : i32
      %jit3A_1471 = arith.constant 0 : i32
      %broadcast_in_dim3A_1472 = vector.broadcast %jit3A_1471 : i32 to vector<16xi32>
      %select_n3A_1473 = arith.select %ge3A_1470, %get3A_1465, %broadcast_in_dim3A_1472 : vector<16xi32>
      %add3A_1474 = arith.addi %add3A_1459, %select_n3A_1473 : vector<16xi32>
      %mul3A_1475 = arith.constant 16 : i32
      %mul3A_1476 = arith.muli %scan3A_1293, %mul3A_1475 : i32
      %add3A_1477 = arith.constant 26624 : i32
      %add3A_1478 = arith.addi %add3A_1477, %mul3A_1476 : i32
      %get3A_1479 = arith.index_cast %add3A_1478 : i32 to index
      %get3A_1480 = tpu.vector_load %arg20[%get3A_1479] {strides = array<i32>} : memref<32768xi32, #tpu.memory_space<vmem>>, vector<16xi32>,
      %add3A_1481 = arith.addi %add3A_1466, %get3A_1480 : vector<16xi32>
      %sub3A_1482 = arith.constant 1 : i32
      %sub3A_1483 = arith.subi %arg1, %sub3A_1482 : i32
      %ge3A_1484 = arith.constant 13 : i32
      %ge3A_1485 = arith.cmpi sge, %sub3A_1483, %ge3A_1484 : i32
      %jit3A_1486 = arith.constant 0 : i32
      %broadcast_in_dim3A_1487 = vector.broadcast %jit3A_1486 : i32 to vector<16xi32>
      %select_n3A_1488 = arith.select %ge3A_1485, %get3A_1480, %broadcast_in_dim3A_1487 : vector<16xi32>
      %add3A_1489 = arith.addi %add3A_1474, %select_n3A_1488 : vector<16xi32>
      %mul3A_1490 = arith.constant 16 : i32
      %mul3A_1491 = arith.muli %scan3A_1293, %mul3A_1490 : i32
      %add3A_1492 = arith.constant 28672 : i32
      %add3A_1493 = arith.addi %add3A_1492, %mul3A_1491 : i32
      %get3A_1494 = arith.index_cast %add3A_1493 : i32 to index
      %get3A_1495 = tpu.vector_load %arg20[%get3A_1494] {strides = array<i32>} : memref<32768xi32, #tpu.memory_space<vmem>>, vector<16xi32>,
      %add3A_1496 = arith.addi %add3A_1481, %get3A_1495 : vector<16xi32>
      %sub3A_1497 = arith.constant 1 : i32
      %sub3A_1498 = arith.subi %arg1, %sub3A_1497 : i32
      %ge3A_1499 = arith.constant 14 : i32
      %ge3A_1500 = arith.cmpi sge, %sub3A_1498, %ge3A_1499 : i32
      %jit3A_1501 = arith.constant 0 : i32
      %broadcast_in_dim3A_1502 = vector.broadcast %jit3A_1501 : i32 to vector<16xi32>
      %select_n3A_1503 = arith.select %ge3A_1500, %get3A_1495, %broadcast_in_dim3A_1502 : vector<16xi32>
      %add3A_1504 = arith.addi %add3A_1489, %select_n3A_1503 : vector<16xi32>
      %mul3A_1505 = arith.constant 16 : i32
      %mul3A_1506 = arith.muli %scan3A_1293, %mul3A_1505 : i32
      %add3A_1507 = arith.constant 30720 : i32
      %add3A_1508 = arith.addi %add3A_1507, %mul3A_1506 : i32
      %get3A_1509 = arith.index_cast %add3A_1508 : i32 to index
      %get3A_1510 = tpu.vector_load %arg20[%get3A_1509] {strides = array<i32>} : memref<32768xi32, #tpu.memory_space<vmem>>, vector<16xi32>,
      %add3A_1511 = arith.addi %add3A_1496, %get3A_1510 : vector<16xi32>
      %sub3A_1512 = arith.constant 1 : i32
      %sub3A_1513 = arith.subi %arg1, %sub3A_1512 : i32
      %ge3A_1514 = arith.constant 15 : i32
      %ge3A_1515 = arith.cmpi sge, %sub3A_1513, %ge3A_1514 : i32
      %jit3A_1516 = arith.constant 0 : i32
      %broadcast_in_dim3A_1517 = vector.broadcast %jit3A_1516 : i32 to vector<16xi32>
      %select_n3A_1518 = arith.select %ge3A_1515, %get3A_1510, %broadcast_in_dim3A_1517 : vector<16xi32>
      %add3A_1519 = arith.addi %add3A_1504, %select_n3A_1518 : vector<16xi32>
      %swap3A = arith.index_cast %mul3A_1295 : i32 to index
      %swap3A_1520 = tpu.vector_load %arg21[%swap3A] {strides = array<i32>} : memref<2048xi32, #tpu.memory_space<vmem>>, vector<16xi32>,
      tpu.vector_store %arg21[%swap3A], %add3A_1511 {strides = array<i32>} : memref<2048xi32, #tpu.memory_space<vmem>>, vector<16xi32>,
      %gt3A_1521 = arith.constant 0 : i32
      %gt3A_1522 = arith.cmpi sgt, %arg1, %gt3A_1521 : i32
      %mul3A_1523 = arith.constant 16 : i32
      %mul3A_1524 = arith.muli %scan3A_1293, %mul3A_1523 : i32
      %get3A_1525 = arith.index_cast %mul3A_1524 : i32 to index
      %get3A_1526 = tpu.vector_load %arg20[%get3A_1525] {strides = array<i32>} : memref<32768xi32, #tpu.memory_space<vmem>>, vector<16xi32>,
      %jit3A_1527 = arith.constant 0 : i32
      %broadcast_in_dim3A_1528 = vector.broadcast %jit3A_1527 : i32 to vector<16xi32>
      %select_n3A_1529 = arith.select %gt3A_1522, %get3A_1526, %broadcast_in_dim3A_1528 : vector<16xi32>
      %add3A_1530 = arith.addi %add3A_1519, %select_n3A_1529 : vector<16xi32>
      %swap3A_1531 = arith.index_cast %mul3A_1295 : i32 to index
      %swap3A_1532 = tpu.vector_load %arg22[%swap3A_1531] {strides = array<i32>} : memref<2048xi32, #tpu.memory_space<vmem>>, vector<16xi32>,
      tpu.vector_store %arg22[%swap3A_1531], %add3A_1530 {strides = array<i32>} : memref<2048xi32, #tpu.memory_space<vmem>>, vector<16xi32>,
    }
    %scan3A_398 = arith.constant 128 : i32
    %scan3A_399 = arith.constant 0 : i32
    %scan3A_400 = arith.constant 0 : i32
    %scan3A_401 = arith.constant 128 : i32
    %scan3A_402 = arith.addi %scan3A_400, %scan3A_401 : i32
    %scan3A_403 = arith.constant 1 : i32
    %scan3A_404 = scf.for %scan3A_1293 = %scan3A_400 to %scan3A_402 step %scan3A_403 iter_args(%scan3A_1294 = %scan3A_399) -> (i32)  : i32 {
      %mul3A_1295 = arith.constant 16 : i32
      %mul3A_1296 = arith.muli %scan3A_1293, %mul3A_1295 : i32
      %get3A = arith.index_cast %mul3A_1296 : i32 to index
      %get3A_1297 = tpu.vector_load %arg21[%get3A] {strides = array<i32>} : memref<2048xi32, #tpu.memory_space<vmem>>, vector<16xi32>,
      %broadcast_in_dim3A_1298 = arith.constant true
      %broadcast_in_dim3A_1299 = vector.broadcast %broadcast_in_dim3A_1298 : i1 to vector<16xi1>
      %masked_cumsum3A = tpu.scan <sum>, %get3A_1297 masked %broadcast_in_dim3A_1299 : vector<16xi32>, vector<16xi1> -> vector<16xi32>
      %get3A_1300 = arith.index_cast %mul3A_1296 : i32 to index
      %get3A_1301 = tpu.vector_load %arg22[%get3A_1300] {strides = array<i32>} : memref<2048xi32, #tpu.memory_space<vmem>>, vector<16xi32>,
      %sub3A = arith.subi %masked_cumsum3A, %get3A_1297 : vector<16xi32>
      %add3A_1302 = arith.addi %get3A_1301, %sub3A : vector<16xi32>
      %add3A_1303 = vector.broadcast %scan3A_1294 : i32 to vector<16xi32>
      %add3A_1304 = arith.addi %add3A_1302, %add3A_1303 : vector<16xi32>
      %swap3A = arith.index_cast %mul3A_1296 : i32 to index
      %swap3A_1305 = tpu.vector_load %arg23[%swap3A] {strides = array<i32>} : memref<2048xi32, #tpu.memory_space<vmem>>, vector<16xi32>,
      tpu.vector_store %arg23[%swap3A], %add3A_1304 {strides = array<i32>} : memref<2048xi32, #tpu.memory_space<vmem>>, vector<16xi32>,
      %reduce_sum3A = arith.constant true
      %reduce_sum3A_1306 = vector.broadcast %reduce_sum3A : i1 to vector<16xi1>
      %reduce_sum3A_1307 = tpu.scan <sum>, %get3A_1297 masked %reduce_sum3A_1306 : vector<16xi32>, vector<16xi1> -> vector<16xi32>
      %reduce_sum3A_1308 = vector.extract %reduce_sum3A_1307[15] : i32 from vector<16xi32>
      %add3A_1309 = arith.addi %scan3A_1294, %reduce_sum3A_1308 : i32
      scf.yield %add3A_1309 : i32
    }
    %scan3A_405 = arith.constant 128 : i32
    "tpu.region"() ({
      %run_scoped3A = tpu.sem_alloc : memref<!tpu.dma_semaphore, #tpu.memory_space<semaphore_mem>>
      %dma_start3A_1293 = tpu.memref_slice %arg11[%mul3A_0] : memref<20480xi32, #tpu.memory_space<vmem_shared>> -> memref<1280xi32, #tpu.memory_space<vmem_shared>>
      %dma_start3A_1294 = tpu.memref_slice %arg11[%mul3A_0] : memref<20480xi32, #tpu.memory_space<vmem_shared>> -> memref<1280xi32, #tpu.memory_space<vmem_shared>>
      tpu.enqueue_dma source(%dma_start3A_1294 : memref<1280xi32, #tpu.memory_space<vmem_shared>>) target(%arg18 : memref<1280xi32, #tpu.memory_space<vmem>>) target_semaphore(%run_scoped3A : memref<!tpu.dma_semaphore, #tpu.memory_space<semaphore_mem>>)
      %dma_wait3A_1295 = tpu.memref_slice %arg11[%mul3A_0] : memref<20480xi32, #tpu.memory_space<vmem_shared>> -> memref<1280xi32, #tpu.memory_space<vmem_shared>>
      %dma_wait3A_1296 = tpu.memref_slice %arg11[%mul3A_0] : memref<20480xi32, #tpu.memory_space<vmem_shared>> -> memref<1280xi32, #tpu.memory_space<vmem_shared>>
      tpu.wait_dma2 semaphore(%run_scoped3A : memref<!tpu.dma_semaphore, #tpu.memory_space<semaphore_mem>>) src(%dma_wait3A_1296 : memref<1280xi32, #tpu.memory_space<vmem_shared>>) dst(%arg18 : memref<1280xi32, #tpu.memory_space<vmem>>)
      tpu.yield
    }) : () -> ()
    %scan3A_406 = arith.constant 0 : i32
    %scan3A_407 = arith.constant 11 : i32
    %scan3A_408 = arith.constant 2047 : i32
    %scan3A_409 = arith.constant 0 : i32
    %scan3A_410 = arith.constant 80 : i32
    %scan3A_411 = arith.addi %scan3A_409, %scan3A_410 : i32
    %scan3A_412 = arith.constant 1 : i32
    scf.for %scan3A_1293 = %scan3A_409 to %scan3A_411 step %scan3A_412  : i32 {
      %mul3A_1294 = arith.constant 16 : i32
      %mul3A_1295 = arith.muli %scan3A_1293, %mul3A_1294 : i32
      %get3A = arith.index_cast %mul3A_1295 : i32 to index
      %get3A_1296 = tpu.vector_load %arg17[%get3A] {strides = array<i32>} : memref<1280xi32, #tpu.memory_space<vmem>>, vector<16xi32>,
      %shift_right_logical3A = vector.broadcast %scan3A_407 : i32 to vector<16xi32>
      %shift_right_logical3A_1297 = arith.shrui %get3A_1296, %shift_right_logical3A : vector<16xi32>
      %and3A_1298 = vector.broadcast %scan3A_408 : i32 to vector<16xi32>
      %and3A_1299 = arith.andi %shift_right_logical3A_1297, %and3A_1298 : vector<16xi32>
      %gather3A = tpu.vector_load_idx %arg23[%and3A_1299] : memref<2048xi32, #tpu.memory_space<vmem>>[vector<16xi32>], vector<16xi32>,
      %broadcast_in_dim3A_1300 = arith.constant true
      %broadcast_in_dim3A_1301 = vector.broadcast %broadcast_in_dim3A_1300 : i1 to vector<16xi1>
      %unique3A, %unique3A_1302 = tpu.scan_count mask(%broadcast_in_dim3A_1301 : vector<16xi1>) value(%and3A_1299 : vector<16xi32>) : vector<16xi1>, vector<16xi32>
      %add3A_1303 = arith.addi %gather3A, %unique3A_1302 : vector<16xi32>
      %sub3A = arith.constant 1 : i32
      %sub3A_1304 = vector.broadcast %sub3A : i32 to vector<16xi32>
      %sub3A_1305 = arith.subi %add3A_1303, %sub3A_1304 : vector<16xi32>
      %shift_right_arithmetic3A = arith.constant 3 : i32
      %shift_right_arithmetic3A_1306 = arith.shrsi %scan3A_1293, %shift_right_arithmetic3A : i32
      %and3A_1307 = arith.constant 7 : i32
      %and3A_1308 = arith.andi %scan3A_1293, %and3A_1307 : i32
      %mul3A_1309 = arith.constant 16 : i32
      %mul3A_1310 = arith.muli %and3A_1308, %mul3A_1309 : i32
      %swap3A = arith.index_cast %shift_right_arithmetic3A_1306 : i32 to index
      %swap3A_1311 = arith.index_cast %mul3A_1310 : i32 to index
      %swap3A_1312 = tpu.vector_load %arg24[%swap3A, %swap3A_1311] {strides = array<i32>} : memref<10x128xi32, #tpu.memory_space<vmem>>, vector<16xi32>,
      tpu.vector_store %arg24[%swap3A, %swap3A_1311], %sub3A_1305 {strides = array<i32>} : memref<10x128xi32, #tpu.memory_space<vmem>>, vector<16xi32>,
      %add3A_1313 = arith.addi %gather3A, %unique3A_1302 : vector<16xi32>
      tpu.vector_store_idx %arg23[%and3A_1299], %add3A_1313 masked %unique3A : memref<2048xi32, #tpu.memory_space<vmem>>[vector<16xi32>], vector<16xi32>, vector<16xi1>
    }
    %scan3A_413 = arith.constant 80 : i32
    %dma_start3A_414 = arith.constant 0 : i32
    %dma_start3A_415 = arith.constant 0 : i32
    %dma_start3A_416 = tpu.memref_slice %arg17[%dma_start3A_415] : memref<1280xi32, #tpu.memory_space<vmem>> -> memref<128xi32, #tpu.memory_space<vmem>>
    %dma_start3A_417 = arith.constant 0 : i32
    %dma_start3A_418 = tpu.memref_slice %arg24[%dma_start3A_414, %dma_start3A_417] : memref<10x128xi32, #tpu.memory_space<vmem>> -> memref<1x128xi32, #tpu.memory_space<vmem>>
    %dma_start3A_419 = tpu.memref_squeeze %dma_start3A_418 : memref<1x128xi32, #tpu.memory_space<vmem>> -> memref<128xi32, #tpu.memory_space<vmem>>
    %dma_start3A_420 = arith.constant 0 : i32
    %dma_start3A_421 = tpu.memref_slice %arg8[%dma_start3A_420] : memref<20480xi32, #tpu.memory_space<vmem_shared>> -> memref<20480xi32, #tpu.memory_space<vmem_shared>>
    tpu.enqueue_indirect_dma source(%dma_start3A_416 : memref<128xi32, #tpu.memory_space<vmem>>) target(%dma_start3A_421 : memref<20480xi32, #tpu.memory_space<vmem_shared>>) offsets(%dma_start3A_419 : memref<128xi32, #tpu.memory_space<vmem>>) semaphore(%arg28 : memref<!tpu.dma_semaphore, #tpu.memory_space<semaphore_mem>>)
    %dma_start3A_422 = arith.constant 0 : i32
    %dma_start3A_423 = arith.constant 0 : i32
    %dma_start3A_424 = tpu.memref_slice %arg18[%dma_start3A_423] : memref<1280xi32, #tpu.memory_space<vmem>> -> memref<128xi32, #tpu.memory_space<vmem>>
    %dma_start3A_425 = arith.constant 0 : i32
    %dma_start3A_426 = tpu.memref_slice %arg24[%dma_start3A_422, %dma_start3A_425] : memref<10x128xi32, #tpu.memory_space<vmem>> -> memref<1x128xi32, #tpu.memory_space<vmem>>
    %dma_start3A_427 = tpu.memref_squeeze %dma_start3A_426 : memref<1x128xi32, #tpu.memory_space<vmem>> -> memref<128xi32, #tpu.memory_space<vmem>>
    %dma_start3A_428 = arith.constant 0 : i32
    %dma_start3A_429 = tpu.memref_slice %arg9[%dma_start3A_428] : memref<20480xi32, #tpu.memory_space<vmem_shared>> -> memref<20480xi32, #tpu.memory_space<vmem_shared>>
    tpu.enqueue_indirect_dma source(%dma_start3A_424 : memref<128xi32, #tpu.memory_space<vmem>>) target(%dma_start3A_429 : memref<20480xi32, #tpu.memory_space<vmem_shared>>) offsets(%dma_start3A_427 : memref<128xi32, #tpu.memory_space<vmem>>) semaphore(%arg28 : memref<!tpu.dma_semaphore, #tpu.memory_space<semaphore_mem>>)
    %dma_start3A_430 = arith.constant 1 : i32
    %dma_start3A_431 = arith.constant 128 : i32
    %dma_start3A_432 = tpu.memref_slice %arg17[%dma_start3A_431] : memref<1280xi32, #tpu.memory_space<vmem>> -> memref<128xi32, #tpu.memory_space<vmem>>
    %dma_start3A_433 = arith.constant 0 : i32
    %dma_start3A_434 = tpu.memref_slice %arg24[%dma_start3A_430, %dma_start3A_433] : memref<10x128xi32, #tpu.memory_space<vmem>> -> memref<1x128xi32, #tpu.memory_space<vmem>>
    %dma_start3A_435 = tpu.memref_squeeze %dma_start3A_434 : memref<1x128xi32, #tpu.memory_space<vmem>> -> memref<128xi32, #tpu.memory_space<vmem>>
    %dma_start3A_436 = arith.constant 0 : i32
    %dma_start3A_437 = tpu.memref_slice %arg8[%dma_start3A_436] : memref<20480xi32, #tpu.memory_space<vmem_shared>> -> memref<20480xi32, #tpu.memory_space<vmem_shared>>
    tpu.enqueue_indirect_dma source(%dma_start3A_432 : memref<128xi32, #tpu.memory_space<vmem>>) target(%dma_start3A_437 : memref<20480xi32, #tpu.memory_space<vmem_shared>>) offsets(%dma_start3A_435 : memref<128xi32, #tpu.memory_space<vmem>>) semaphore(%arg28 : memref<!tpu.dma_semaphore, #tpu.memory_space<semaphore_mem>>)
    %dma_start3A_438 = arith.constant 1 : i32
    %dma_start3A_439 = arith.constant 128 : i32
    %dma_start3A_440 = tpu.memref_slice %arg18[%dma_start3A_439] : memref<1280xi32, #tpu.memory_space<vmem>> -> memref<128xi32, #tpu.memory_space<vmem>>
    %dma_start3A_441 = arith.constant 0 : i32
    %dma_start3A_442 = tpu.memref_slice %arg24[%dma_start3A_438, %dma_start3A_441] : memref<10x128xi32, #tpu.memory_space<vmem>> -> memref<1x128xi32, #tpu.memory_space<vmem>>
    %dma_start3A_443 = tpu.memref_squeeze %dma_start3A_442 : memref<1x128xi32, #tpu.memory_space<vmem>> -> memref<128xi32, #tpu.memory_space<vmem>>
    %dma_start3A_444 = arith.constant 0 : i32
    %dma_start3A_445 = tpu.memref_slice %arg9[%dma_start3A_444] : memref<20480xi32, #tpu.memory_space<vmem_shared>> -> memref<20480xi32, #tpu.memory_space<vmem_shared>>
    tpu.enqueue_indirect_dma source(%dma_start3A_440 : memref<128xi32, #tpu.memory_space<vmem>>) target(%dma_start3A_445 : memref<20480xi32, #tpu.memory_space<vmem_shared>>) offsets(%dma_start3A_443 : memref<128xi32, #tpu.memory_space<vmem>>) semaphore(%arg28 : memref<!tpu.dma_semaphore, #tpu.memory_space<semaphore_mem>>)
    %dma_start3A_446 = arith.constant 2 : i32
    %dma_start3A_447 = arith.constant 256 : i32
    %dma_start3A_448 = tpu.memref_slice %arg17[%dma_start3A_447] : memref<1280xi32, #tpu.memory_space<vmem>> -> memref<128xi32, #tpu.memory_space<vmem>>
    %dma_start3A_449 = arith.constant 0 : i32
    %dma_start3A_450 = tpu.memref_slice %arg24[%dma_start3A_446, %dma_start3A_449] : memref<10x128xi32, #tpu.memory_space<vmem>> -> memref<1x128xi32, #tpu.memory_space<vmem>>
    %dma_start3A_451 = tpu.memref_squeeze %dma_start3A_450 : memref<1x128xi32, #tpu.memory_space<vmem>> -> memref<128xi32, #tpu.memory_space<vmem>>
    %dma_start3A_452 = arith.constant 0 : i32
    %dma_start3A_453 = tpu.memref_slice %arg8[%dma_start3A_452] : memref<20480xi32, #tpu.memory_space<vmem_shared>> -> memref<20480xi32, #tpu.memory_space<vmem_shared>>
    tpu.enqueue_indirect_dma source(%dma_start3A_448 : memref<128xi32, #tpu.memory_space<vmem>>) target(%dma_start3A_453 : memref<20480xi32, #tpu.memory_space<vmem_shared>>) offsets(%dma_start3A_451 : memref<128xi32, #tpu.memory_space<vmem>>) semaphore(%arg28 : memref<!tpu.dma_semaphore, #tpu.memory_space<semaphore_mem>>)
    %dma_start3A_454 = arith.constant 2 : i32
    %dma_start3A_455 = arith.constant 256 : i32
    %dma_start3A_456 = tpu.memref_slice %arg18[%dma_start3A_455] : memref<1280xi32, #tpu.memory_space<vmem>> -> memref<128xi32, #tpu.memory_space<vmem>>
    %dma_start3A_457 = arith.constant 0 : i32
    %dma_start3A_458 = tpu.memref_slice %arg24[%dma_start3A_454, %dma_start3A_457] : memref<10x128xi32, #tpu.memory_space<vmem>> -> memref<1x128xi32, #tpu.memory_space<vmem>>
    %dma_start3A_459 = tpu.memref_squeeze %dma_start3A_458 : memref<1x128xi32, #tpu.memory_space<vmem>> -> memref<128xi32, #tpu.memory_space<vmem>>
    %dma_start3A_460 = arith.constant 0 : i32
    %dma_start3A_461 = tpu.memref_slice %arg9[%dma_start3A_460] : memref<20480xi32, #tpu.memory_space<vmem_shared>> -> memref<20480xi32, #tpu.memory_space<vmem_shared>>
    tpu.enqueue_indirect_dma source(%dma_start3A_456 : memref<128xi32, #tpu.memory_space<vmem>>) target(%dma_start3A_461 : memref<20480xi32, #tpu.memory_space<vmem_shared>>) offsets(%dma_start3A_459 : memref<128xi32, #tpu.memory_space<vmem>>) semaphore(%arg28 : memref<!tpu.dma_semaphore, #tpu.memory_space<semaphore_mem>>)
    %dma_start3A_462 = arith.constant 3 : i32
    %dma_start3A_463 = arith.constant 384 : i32
    %dma_start3A_464 = tpu.memref_slice %arg17[%dma_start3A_463] : memref<1280xi32, #tpu.memory_space<vmem>> -> memref<128xi32, #tpu.memory_space<vmem>>
    %dma_start3A_465 = arith.constant 0 : i32
    %dma_start3A_466 = tpu.memref_slice %arg24[%dma_start3A_462, %dma_start3A_465] : memref<10x128xi32, #tpu.memory_space<vmem>> -> memref<1x128xi32, #tpu.memory_space<vmem>>
    %dma_start3A_467 = tpu.memref_squeeze %dma_start3A_466 : memref<1x128xi32, #tpu.memory_space<vmem>> -> memref<128xi32, #tpu.memory_space<vmem>>
    %dma_start3A_468 = arith.constant 0 : i32
    %dma_start3A_469 = tpu.memref_slice %arg8[%dma_start3A_468] : memref<20480xi32, #tpu.memory_space<vmem_shared>> -> memref<20480xi32, #tpu.memory_space<vmem_shared>>
    tpu.enqueue_indirect_dma source(%dma_start3A_464 : memref<128xi32, #tpu.memory_space<vmem>>) target(%dma_start3A_469 : memref<20480xi32, #tpu.memory_space<vmem_shared>>) offsets(%dma_start3A_467 : memref<128xi32, #tpu.memory_space<vmem>>) semaphore(%arg28 : memref<!tpu.dma_semaphore, #tpu.memory_space<semaphore_mem>>)
    %dma_start3A_470 = arith.constant 3 : i32
    %dma_start3A_471 = arith.constant 384 : i32
    %dma_start3A_472 = tpu.memref_slice %arg18[%dma_start3A_471] : memref<1280xi32, #tpu.memory_space<vmem>> -> memref<128xi32, #tpu.memory_space<vmem>>
    %dma_start3A_473 = arith.constant 0 : i32
    %dma_start3A_474 = tpu.memref_slice %arg24[%dma_start3A_470, %dma_start3A_473] : memref<10x128xi32, #tpu.memory_space<vmem>> -> memref<1x128xi32, #tpu.memory_space<vmem>>
    %dma_start3A_475 = tpu.memref_squeeze %dma_start3A_474 : memref<1x128xi32, #tpu.memory_space<vmem>> -> memref<128xi32, #tpu.memory_space<vmem>>
    %dma_start3A_476 = arith.constant 0 : i32
    %dma_start3A_477 = tpu.memref_slice %arg9[%dma_start3A_476] : memref<20480xi32, #tpu.memory_space<vmem_shared>> -> memref<20480xi32, #tpu.memory_space<vmem_shared>>
    tpu.enqueue_indirect_dma source(%dma_start3A_472 : memref<128xi32, #tpu.memory_space<vmem>>) target(%dma_start3A_477 : memref<20480xi32, #tpu.memory_space<vmem_shared>>) offsets(%dma_start3A_475 : memref<128xi32, #tpu.memory_space<vmem>>) semaphore(%arg28 : memref<!tpu.dma_semaphore, #tpu.memory_space<semaphore_mem>>)
    %dma_start3A_478 = arith.constant 4 : i32
    %dma_start3A_479 = arith.constant 512 : i32
    %dma_start3A_480 = tpu.memref_slice %arg17[%dma_start3A_479] : memref<1280xi32, #tpu.memory_space<vmem>> -> memref<128xi32, #tpu.memory_space<vmem>>
    %dma_start3A_481 = arith.constant 0 : i32
    %dma_start3A_482 = tpu.memref_slice %arg24[%dma_start3A_478, %dma_start3A_481] : memref<10x128xi32, #tpu.memory_space<vmem>> -> memref<1x128xi32, #tpu.memory_space<vmem>>
    %dma_start3A_483 = tpu.memref_squeeze %dma_start3A_482 : memref<1x128xi32, #tpu.memory_space<vmem>> -> memref<128xi32, #tpu.memory_space<vmem>>
    %dma_start3A_484 = arith.constant 0 : i32
    %dma_start3A_485 = tpu.memref_slice %arg8[%dma_start3A_484] : memref<20480xi32, #tpu.memory_space<vmem_shared>> -> memref<20480xi32, #tpu.memory_space<vmem_shared>>
    tpu.enqueue_indirect_dma source(%dma_start3A_480 : memref<128xi32, #tpu.memory_space<vmem>>) target(%dma_start3A_485 : memref<20480xi32, #tpu.memory_space<vmem_shared>>) offsets(%dma_start3A_483 : memref<128xi32, #tpu.memory_space<vmem>>) semaphore(%arg28 : memref<!tpu.dma_semaphore, #tpu.memory_space<semaphore_mem>>)
    %dma_start3A_486 = arith.constant 4 : i32
    %dma_start3A_487 = arith.constant 512 : i32
    %dma_start3A_488 = tpu.memref_slice %arg18[%dma_start3A_487] : memref<1280xi32, #tpu.memory_space<vmem>> -> memref<128xi32, #tpu.memory_space<vmem>>
    %dma_start3A_489 = arith.constant 0 : i32
    %dma_start3A_490 = tpu.memref_slice %arg24[%dma_start3A_486, %dma_start3A_489] : memref<10x128xi32, #tpu.memory_space<vmem>> -> memref<1x128xi32, #tpu.memory_space<vmem>>
    %dma_start3A_491 = tpu.memref_squeeze %dma_start3A_490 : memref<1x128xi32, #tpu.memory_space<vmem>> -> memref<128xi32, #tpu.memory_space<vmem>>
    %dma_start3A_492 = arith.constant 0 : i32
    %dma_start3A_493 = tpu.memref_slice %arg9[%dma_start3A_492] : memref<20480xi32, #tpu.memory_space<vmem_shared>> -> memref<20480xi32, #tpu.memory_space<vmem_shared>>
    tpu.enqueue_indirect_dma source(%dma_start3A_488 : memref<128xi32, #tpu.memory_space<vmem>>) target(%dma_start3A_493 : memref<20480xi32, #tpu.memory_space<vmem_shared>>) offsets(%dma_start3A_491 : memref<128xi32, #tpu.memory_space<vmem>>) semaphore(%arg28 : memref<!tpu.dma_semaphore, #tpu.memory_space<semaphore_mem>>)
    %dma_start3A_494 = arith.constant 5 : i32
    %dma_start3A_495 = arith.constant 640 : i32
    %dma_start3A_496 = tpu.memref_slice %arg17[%dma_start3A_495] : memref<1280xi32, #tpu.memory_space<vmem>> -> memref<128xi32, #tpu.memory_space<vmem>>
    %dma_start3A_497 = arith.constant 0 : i32
    %dma_start3A_498 = tpu.memref_slice %arg24[%dma_start3A_494, %dma_start3A_497] : memref<10x128xi32, #tpu.memory_space<vmem>> -> memref<1x128xi32, #tpu.memory_space<vmem>>
    %dma_start3A_499 = tpu.memref_squeeze %dma_start3A_498 : memref<1x128xi32, #tpu.memory_space<vmem>> -> memref<128xi32, #tpu.memory_space<vmem>>
    %dma_start3A_500 = arith.constant 0 : i32
    %dma_start3A_501 = tpu.memref_slice %arg8[%dma_start3A_500] : memref<20480xi32, #tpu.memory_space<vmem_shared>> -> memref<20480xi32, #tpu.memory_space<vmem_shared>>
    tpu.enqueue_indirect_dma source(%dma_start3A_496 : memref<128xi32, #tpu.memory_space<vmem>>) target(%dma_start3A_501 : memref<20480xi32, #tpu.memory_space<vmem_shared>>) offsets(%dma_start3A_499 : memref<128xi32, #tpu.memory_space<vmem>>) semaphore(%arg28 : memref<!tpu.dma_semaphore, #tpu.memory_space<semaphore_mem>>)
    %dma_start3A_502 = arith.constant 5 : i32
    %dma_start3A_503 = arith.constant 640 : i32
    %dma_start3A_504 = tpu.memref_slice %arg18[%dma_start3A_503] : memref<1280xi32, #tpu.memory_space<vmem>> -> memref<128xi32, #tpu.memory_space<vmem>>
    %dma_start3A_505 = arith.constant 0 : i32
    %dma_start3A_506 = tpu.memref_slice %arg24[%dma_start3A_502, %dma_start3A_505] : memref<10x128xi32, #tpu.memory_space<vmem>> -> memref<1x128xi32, #tpu.memory_space<vmem>>
    %dma_start3A_507 = tpu.memref_squeeze %dma_start3A_506 : memref<1x128xi32, #tpu.memory_space<vmem>> -> memref<128xi32, #tpu.memory_space<vmem>>
    %dma_start3A_508 = arith.constant 0 : i32
    %dma_start3A_509 = tpu.memref_slice %arg9[%dma_start3A_508] : memref<20480xi32, #tpu.memory_space<vmem_shared>> -> memref<20480xi32, #tpu.memory_space<vmem_shared>>
    tpu.enqueue_indirect_dma source(%dma_start3A_504 : memref<128xi32, #tpu.memory_space<vmem>>) target(%dma_start3A_509 : memref<20480xi32, #tpu.memory_space<vmem_shared>>) offsets(%dma_start3A_507 : memref<128xi32, #tpu.memory_space<vmem>>) semaphore(%arg28 : memref<!tpu.dma_semaphore, #tpu.memory_space<semaphore_mem>>)
    %dma_start3A_510 = arith.constant 6 : i32
    %dma_start3A_511 = arith.constant 768 : i32
    %dma_start3A_512 = tpu.memref_slice %arg17[%dma_start3A_511] : memref<1280xi32, #tpu.memory_space<vmem>> -> memref<128xi32, #tpu.memory_space<vmem>>
    %dma_start3A_513 = arith.constant 0 : i32
    %dma_start3A_514 = tpu.memref_slice %arg24[%dma_start3A_510, %dma_start3A_513] : memref<10x128xi32, #tpu.memory_space<vmem>> -> memref<1x128xi32, #tpu.memory_space<vmem>>
    %dma_start3A_515 = tpu.memref_squeeze %dma_start3A_514 : memref<1x128xi32, #tpu.memory_space<vmem>> -> memref<128xi32, #tpu.memory_space<vmem>>
    %dma_start3A_516 = arith.constant 0 : i32
    %dma_start3A_517 = tpu.memref_slice %arg8[%dma_start3A_516] : memref<20480xi32, #tpu.memory_space<vmem_shared>> -> memref<20480xi32, #tpu.memory_space<vmem_shared>>
    tpu.enqueue_indirect_dma source(%dma_start3A_512 : memref<128xi32, #tpu.memory_space<vmem>>) target(%dma_start3A_517 : memref<20480xi32, #tpu.memory_space<vmem_shared>>) offsets(%dma_start3A_515 : memref<128xi32, #tpu.memory_space<vmem>>) semaphore(%arg28 : memref<!tpu.dma_semaphore, #tpu.memory_space<semaphore_mem>>)
    %dma_start3A_518 = arith.constant 6 : i32
    %dma_start3A_519 = arith.constant 768 : i32
    %dma_start3A_520 = tpu.memref_slice %arg18[%dma_start3A_519] : memref<1280xi32, #tpu.memory_space<vmem>> -> memref<128xi32, #tpu.memory_space<vmem>>
    %dma_start3A_521 = arith.constant 0 : i32
    %dma_start3A_522 = tpu.memref_slice %arg24[%dma_start3A_518, %dma_start3A_521] : memref<10x128xi32, #tpu.memory_space<vmem>> -> memref<1x128xi32, #tpu.memory_space<vmem>>
    %dma_start3A_523 = tpu.memref_squeeze %dma_start3A_522 : memref<1x128xi32, #tpu.memory_space<vmem>> -> memref<128xi32, #tpu.memory_space<vmem>>
    %dma_start3A_524 = arith.constant 0 : i32
    %dma_start3A_525 = tpu.memref_slice %arg9[%dma_start3A_524] : memref<20480xi32, #tpu.memory_space<vmem_shared>> -> memref<20480xi32, #tpu.memory_space<vmem_shared>>
    tpu.enqueue_indirect_dma source(%dma_start3A_520 : memref<128xi32, #tpu.memory_space<vmem>>) target(%dma_start3A_525 : memref<20480xi32, #tpu.memory_space<vmem_shared>>) offsets(%dma_start3A_523 : memref<128xi32, #tpu.memory_space<vmem>>) semaphore(%arg28 : memref<!tpu.dma_semaphore, #tpu.memory_space<semaphore_mem>>)
    %dma_start3A_526 = arith.constant 7 : i32
    %dma_start3A_527 = arith.constant 896 : i32
    %dma_start3A_528 = tpu.memref_slice %arg17[%dma_start3A_527] : memref<1280xi32, #tpu.memory_space<vmem>> -> memref<128xi32, #tpu.memory_space<vmem>>
    %dma_start3A_529 = arith.constant 0 : i32
    %dma_start3A_530 = tpu.memref_slice %arg24[%dma_start3A_526, %dma_start3A_529] : memref<10x128xi32, #tpu.memory_space<vmem>> -> memref<1x128xi32, #tpu.memory_space<vmem>>
    %dma_start3A_531 = tpu.memref_squeeze %dma_start3A_530 : memref<1x128xi32, #tpu.memory_space<vmem>> -> memref<128xi32, #tpu.memory_space<vmem>>
    %dma_start3A_532 = arith.constant 0 : i32
    %dma_start3A_533 = tpu.memref_slice %arg8[%dma_start3A_532] : memref<20480xi32, #tpu.memory_space<vmem_shared>> -> memref<20480xi32, #tpu.memory_space<vmem_shared>>
    tpu.enqueue_indirect_dma source(%dma_start3A_528 : memref<128xi32, #tpu.memory_space<vmem>>) target(%dma_start3A_533 : memref<20480xi32, #tpu.memory_space<vmem_shared>>) offsets(%dma_start3A_531 : memref<128xi32, #tpu.memory_space<vmem>>) semaphore(%arg28 : memref<!tpu.dma_semaphore, #tpu.memory_space<semaphore_mem>>)
    %dma_start3A_534 = arith.constant 7 : i32
    %dma_start3A_535 = arith.constant 896 : i32
    %dma_start3A_536 = tpu.memref_slice %arg18[%dma_start3A_535] : memref<1280xi32, #tpu.memory_space<vmem>> -> memref<128xi32, #tpu.memory_space<vmem>>
    %dma_start3A_537 = arith.constant 0 : i32
    %dma_start3A_538 = tpu.memref_slice %arg24[%dma_start3A_534, %dma_start3A_537] : memref<10x128xi32, #tpu.memory_space<vmem>> -> memref<1x128xi32, #tpu.memory_space<vmem>>
    %dma_start3A_539 = tpu.memref_squeeze %dma_start3A_538 : memref<1x128xi32, #tpu.memory_space<vmem>> -> memref<128xi32, #tpu.memory_space<vmem>>
    %dma_start3A_540 = arith.constant 0 : i32
    %dma_start3A_541 = tpu.memref_slice %arg9[%dma_start3A_540] : memref<20480xi32, #tpu.memory_space<vmem_shared>> -> memref<20480xi32, #tpu.memory_space<vmem_shared>>
    tpu.enqueue_indirect_dma source(%dma_start3A_536 : memref<128xi32, #tpu.memory_space<vmem>>) target(%dma_start3A_541 : memref<20480xi32, #tpu.memory_space<vmem_shared>>) offsets(%dma_start3A_539 : memref<128xi32, #tpu.memory_space<vmem>>) semaphore(%arg28 : memref<!tpu.dma_semaphore, #tpu.memory_space<semaphore_mem>>)
    %dma_start3A_542 = arith.constant 8 : i32
    %dma_start3A_543 = arith.constant 1024 : i32
    %dma_start3A_544 = tpu.memref_slice %arg17[%dma_start3A_543] : memref<1280xi32, #tpu.memory_space<vmem>> -> memref<128xi32, #tpu.memory_space<vmem>>
    %dma_start3A_545 = arith.constant 0 : i32
    %dma_start3A_546 = tpu.memref_slice %arg24[%dma_start3A_542, %dma_start3A_545] : memref<10x128xi32, #tpu.memory_space<vmem>> -> memref<1x128xi32, #tpu.memory_space<vmem>>
    %dma_start3A_547 = tpu.memref_squeeze %dma_start3A_546 : memref<1x128xi32, #tpu.memory_space<vmem>> -> memref<128xi32, #tpu.memory_space<vmem>>
    %dma_start3A_548 = arith.constant 0 : i32
    %dma_start3A_549 = tpu.memref_slice %arg8[%dma_start3A_548] : memref<20480xi32, #tpu.memory_space<vmem_shared>> -> memref<20480xi32, #tpu.memory_space<vmem_shared>>
    tpu.enqueue_indirect_dma source(%dma_start3A_544 : memref<128xi32, #tpu.memory_space<vmem>>) target(%dma_start3A_549 : memref<20480xi32, #tpu.memory_space<vmem_shared>>) offsets(%dma_start3A_547 : memref<128xi32, #tpu.memory_space<vmem>>) semaphore(%arg28 : memref<!tpu.dma_semaphore, #tpu.memory_space<semaphore_mem>>)
    %dma_start3A_550 = arith.constant 8 : i32
    %dma_start3A_551 = arith.constant 1024 : i32
    %dma_start3A_552 = tpu.memref_slice %arg18[%dma_start3A_551] : memref<1280xi32, #tpu.memory_space<vmem>> -> memref<128xi32, #tpu.memory_space<vmem>>
    %dma_start3A_553 = arith.constant 0 : i32
    %dma_start3A_554 = tpu.memref_slice %arg24[%dma_start3A_550, %dma_start3A_553] : memref<10x128xi32, #tpu.memory_space<vmem>> -> memref<1x128xi32, #tpu.memory_space<vmem>>
    %dma_start3A_555 = tpu.memref_squeeze %dma_start3A_554 : memref<1x128xi32, #tpu.memory_space<vmem>> -> memref<128xi32, #tpu.memory_space<vmem>>
    %dma_start3A_556 = arith.constant 0 : i32
    %dma_start3A_557 = tpu.memref_slice %arg9[%dma_start3A_556] : memref<20480xi32, #tpu.memory_space<vmem_shared>> -> memref<20480xi32, #tpu.memory_space<vmem_shared>>
    tpu.enqueue_indirect_dma source(%dma_start3A_552 : memref<128xi32, #tpu.memory_space<vmem>>) target(%dma_start3A_557 : memref<20480xi32, #tpu.memory_space<vmem_shared>>) offsets(%dma_start3A_555 : memref<128xi32, #tpu.memory_space<vmem>>) semaphore(%arg28 : memref<!tpu.dma_semaphore, #tpu.memory_space<semaphore_mem>>)
    %dma_start3A_558 = arith.constant 9 : i32
    %dma_start3A_559 = arith.constant 1152 : i32
    %dma_start3A_560 = tpu.memref_slice %arg17[%dma_start3A_559] : memref<1280xi32, #tpu.memory_space<vmem>> -> memref<128xi32, #tpu.memory_space<vmem>>
    %dma_start3A_561 = arith.constant 0 : i32
    %dma_start3A_562 = tpu.memref_slice %arg24[%dma_start3A_558, %dma_start3A_561] : memref<10x128xi32, #tpu.memory_space<vmem>> -> memref<1x128xi32, #tpu.memory_space<vmem>>
    %dma_start3A_563 = tpu.memref_squeeze %dma_start3A_562 : memref<1x128xi32, #tpu.memory_space<vmem>> -> memref<128xi32, #tpu.memory_space<vmem>>
    %dma_start3A_564 = arith.constant 0 : i32
    %dma_start3A_565 = tpu.memref_slice %arg8[%dma_start3A_564] : memref<20480xi32, #tpu.memory_space<vmem_shared>> -> memref<20480xi32, #tpu.memory_space<vmem_shared>>
    tpu.enqueue_indirect_dma source(%dma_start3A_560 : memref<128xi32, #tpu.memory_space<vmem>>) target(%dma_start3A_565 : memref<20480xi32, #tpu.memory_space<vmem_shared>>) offsets(%dma_start3A_563 : memref<128xi32, #tpu.memory_space<vmem>>) semaphore(%arg28 : memref<!tpu.dma_semaphore, #tpu.memory_space<semaphore_mem>>)
    %dma_start3A_566 = arith.constant 9 : i32
    %dma_start3A_567 = arith.constant 1152 : i32
    %dma_start3A_568 = tpu.memref_slice %arg18[%dma_start3A_567] : memref<1280xi32, #tpu.memory_space<vmem>> -> memref<128xi32, #tpu.memory_space<vmem>>
    %dma_start3A_569 = arith.constant 0 : i32
    %dma_start3A_570 = tpu.memref_slice %arg24[%dma_start3A_566, %dma_start3A_569] : memref<10x128xi32, #tpu.memory_space<vmem>> -> memref<1x128xi32, #tpu.memory_space<vmem>>
    %dma_start3A_571 = tpu.memref_squeeze %dma_start3A_570 : memref<1x128xi32, #tpu.memory_space<vmem>> -> memref<128xi32, #tpu.memory_space<vmem>>
    %dma_start3A_572 = arith.constant 0 : i32
    %dma_start3A_573 = tpu.memref_slice %arg9[%dma_start3A_572] : memref<20480xi32, #tpu.memory_space<vmem_shared>> -> memref<20480xi32, #tpu.memory_space<vmem_shared>>
    tpu.enqueue_indirect_dma source(%dma_start3A_568 : memref<128xi32, #tpu.memory_space<vmem>>) target(%dma_start3A_573 : memref<20480xi32, #tpu.memory_space<vmem_shared>>) offsets(%dma_start3A_571 : memref<128xi32, #tpu.memory_space<vmem>>) semaphore(%arg28 : memref<!tpu.dma_semaphore, #tpu.memory_space<semaphore_mem>>)
    %dma_wait3A_574 = arith.constant 0 : i32
    %dma_wait3A_575 = arith.constant 0 : i32
    %dma_wait3A_576 = tpu.memref_slice %arg17[%dma_wait3A_575] : memref<1280xi32, #tpu.memory_space<vmem>> -> memref<128xi32, #tpu.memory_space<vmem>>
    %dma_wait3A_577 = arith.constant 0 : i32
    %dma_wait3A_578 = tpu.memref_slice %arg24[%dma_wait3A_574, %dma_wait3A_577] : memref<10x128xi32, #tpu.memory_space<vmem>> -> memref<1x128xi32, #tpu.memory_space<vmem>>
    %dma_wait3A_579 = tpu.memref_squeeze %dma_wait3A_578 : memref<1x128xi32, #tpu.memory_space<vmem>> -> memref<128xi32, #tpu.memory_space<vmem>>
    %dma_wait3A_580 = arith.constant 0 : i32
    %dma_wait3A_581 = tpu.memref_slice %arg8[%dma_wait3A_580] : memref<20480xi32, #tpu.memory_space<vmem_shared>> -> memref<20480xi32, #tpu.memory_space<vmem_shared>>
    tpu.wait_indirect_dma semaphore(%arg28 : memref<!tpu.dma_semaphore, #tpu.memory_space<semaphore_mem>>) src(%dma_wait3A_576 : memref<128xi32, #tpu.memory_space<vmem>>) dst(%dma_wait3A_581 : memref<20480xi32, #tpu.memory_space<vmem_shared>>)
    %dma_wait3A_582 = arith.constant 0 : i32
    %dma_wait3A_583 = arith.constant 0 : i32
    %dma_wait3A_584 = tpu.memref_slice %arg18[%dma_wait3A_583] : memref<1280xi32, #tpu.memory_space<vmem>> -> memref<128xi32, #tpu.memory_space<vmem>>
    %dma_wait3A_585 = arith.constant 0 : i32
    %dma_wait3A_586 = tpu.memref_slice %arg24[%dma_wait3A_582, %dma_wait3A_585] : memref<10x128xi32, #tpu.memory_space<vmem>> -> memref<1x128xi32, #tpu.memory_space<vmem>>
    %dma_wait3A_587 = tpu.memref_squeeze %dma_wait3A_586 : memref<1x128xi32, #tpu.memory_space<vmem>> -> memref<128xi32, #tpu.memory_space<vmem>>
    %dma_wait3A_588 = arith.constant 0 : i32
    %dma_wait3A_589 = tpu.memref_slice %arg9[%dma_wait3A_588] : memref<20480xi32, #tpu.memory_space<vmem_shared>> -> memref<20480xi32, #tpu.memory_space<vmem_shared>>
    tpu.wait_indirect_dma semaphore(%arg28 : memref<!tpu.dma_semaphore, #tpu.memory_space<semaphore_mem>>) src(%dma_wait3A_584 : memref<128xi32, #tpu.memory_space<vmem>>) dst(%dma_wait3A_589 : memref<20480xi32, #tpu.memory_space<vmem_shared>>)
    %dma_wait3A_590 = arith.constant 1 : i32
    %dma_wait3A_591 = arith.constant 128 : i32
    %dma_wait3A_592 = tpu.memref_slice %arg17[%dma_wait3A_591] : memref<1280xi32, #tpu.memory_space<vmem>> -> memref<128xi32, #tpu.memory_space<vmem>>
    %dma_wait3A_593 = arith.constant 0 : i32
    %dma_wait3A_594 = tpu.memref_slice %arg24[%dma_wait3A_590, %dma_wait3A_593] : memref<10x128xi32, #tpu.memory_space<vmem>> -> memref<1x128xi32, #tpu.memory_space<vmem>>
    %dma_wait3A_595 = tpu.memref_squeeze %dma_wait3A_594 : memref<1x128xi32, #tpu.memory_space<vmem>> -> memref<128xi32, #tpu.memory_space<vmem>>
    %dma_wait3A_596 = arith.constant 0 : i32
    %dma_wait3A_597 = tpu.memref_slice %arg8[%dma_wait3A_596] : memref<20480xi32, #tpu.memory_space<vmem_shared>> -> memref<20480xi32, #tpu.memory_space<vmem_shared>>
    tpu.wait_indirect_dma semaphore(%arg28 : memref<!tpu.dma_semaphore, #tpu.memory_space<semaphore_mem>>) src(%dma_wait3A_592 : memref<128xi32, #tpu.memory_space<vmem>>) dst(%dma_wait3A_597 : memref<20480xi32, #tpu.memory_space<vmem_shared>>)
    %dma_wait3A_598 = arith.constant 1 : i32
    %dma_wait3A_599 = arith.constant 128 : i32
    %dma_wait3A_600 = tpu.memref_slice %arg18[%dma_wait3A_599] : memref<1280xi32, #tpu.memory_space<vmem>> -> memref<128xi32, #tpu.memory_space<vmem>>
    %dma_wait3A_601 = arith.constant 0 : i32
    %dma_wait3A_602 = tpu.memref_slice %arg24[%dma_wait3A_598, %dma_wait3A_601] : memref<10x128xi32, #tpu.memory_space<vmem>> -> memref<1x128xi32, #tpu.memory_space<vmem>>
    %dma_wait3A_603 = tpu.memref_squeeze %dma_wait3A_602 : memref<1x128xi32, #tpu.memory_space<vmem>> -> memref<128xi32, #tpu.memory_space<vmem>>
    %dma_wait3A_604 = arith.constant 0 : i32
    %dma_wait3A_605 = tpu.memref_slice %arg9[%dma_wait3A_604] : memref<20480xi32, #tpu.memory_space<vmem_shared>> -> memref<20480xi32, #tpu.memory_space<vmem_shared>>
    tpu.wait_indirect_dma semaphore(%arg28 : memref<!tpu.dma_semaphore, #tpu.memory_space<semaphore_mem>>) src(%dma_wait3A_600 : memref<128xi32, #tpu.memory_space<vmem>>) dst(%dma_wait3A_605 : memref<20480xi32, #tpu.memory_space<vmem_shared>>)
    %dma_wait3A_606 = arith.constant 2 : i32
    %dma_wait3A_607 = arith.constant 256 : i32
    %dma_wait3A_608 = tpu.memref_slice %arg17[%dma_wait3A_607] : memref<1280xi32, #tpu.memory_space<vmem>> -> memref<128xi32, #tpu.memory_space<vmem>>
    %dma_wait3A_609 = arith.constant 0 : i32
    %dma_wait3A_610 = tpu.memref_slice %arg24[%dma_wait3A_606, %dma_wait3A_609] : memref<10x128xi32, #tpu.memory_space<vmem>> -> memref<1x128xi32, #tpu.memory_space<vmem>>
    %dma_wait3A_611 = tpu.memref_squeeze %dma_wait3A_610 : memref<1x128xi32, #tpu.memory_space<vmem>> -> memref<128xi32, #tpu.memory_space<vmem>>
    %dma_wait3A_612 = arith.constant 0 : i32
    %dma_wait3A_613 = tpu.memref_slice %arg8[%dma_wait3A_612] : memref<20480xi32, #tpu.memory_space<vmem_shared>> -> memref<20480xi32, #tpu.memory_space<vmem_shared>>
    tpu.wait_indirect_dma semaphore(%arg28 : memref<!tpu.dma_semaphore, #tpu.memory_space<semaphore_mem>>) src(%dma_wait3A_608 : memref<128xi32, #tpu.memory_space<vmem>>) dst(%dma_wait3A_613 : memref<20480xi32, #tpu.memory_space<vmem_shared>>)
    %dma_wait3A_614 = arith.constant 2 : i32
    %dma_wait3A_615 = arith.constant 256 : i32
    %dma_wait3A_616 = tpu.memref_slice %arg18[%dma_wait3A_615] : memref<1280xi32, #tpu.memory_space<vmem>> -> memref<128xi32, #tpu.memory_space<vmem>>
    %dma_wait3A_617 = arith.constant 0 : i32
    %dma_wait3A_618 = tpu.memref_slice %arg24[%dma_wait3A_614, %dma_wait3A_617] : memref<10x128xi32, #tpu.memory_space<vmem>> -> memref<1x128xi32, #tpu.memory_space<vmem>>
    %dma_wait3A_619 = tpu.memref_squeeze %dma_wait3A_618 : memref<1x128xi32, #tpu.memory_space<vmem>> -> memref<128xi32, #tpu.memory_space<vmem>>
    %dma_wait3A_620 = arith.constant 0 : i32
    %dma_wait3A_621 = tpu.memref_slice %arg9[%dma_wait3A_620] : memref<20480xi32, #tpu.memory_space<vmem_shared>> -> memref<20480xi32, #tpu.memory_space<vmem_shared>>
    tpu.wait_indirect_dma semaphore(%arg28 : memref<!tpu.dma_semaphore, #tpu.memory_space<semaphore_mem>>) src(%dma_wait3A_616 : memref<128xi32, #tpu.memory_space<vmem>>) dst(%dma_wait3A_621 : memref<20480xi32, #tpu.memory_space<vmem_shared>>)
    %dma_wait3A_622 = arith.constant 3 : i32
    %dma_wait3A_623 = arith.constant 384 : i32
    %dma_wait3A_624 = tpu.memref_slice %arg17[%dma_wait3A_623] : memref<1280xi32, #tpu.memory_space<vmem>> -> memref<128xi32, #tpu.memory_space<vmem>>
    %dma_wait3A_625 = arith.constant 0 : i32
    %dma_wait3A_626 = tpu.memref_slice %arg24[%dma_wait3A_622, %dma_wait3A_625] : memref<10x128xi32, #tpu.memory_space<vmem>> -> memref<1x128xi32, #tpu.memory_space<vmem>>
    %dma_wait3A_627 = tpu.memref_squeeze %dma_wait3A_626 : memref<1x128xi32, #tpu.memory_space<vmem>> -> memref<128xi32, #tpu.memory_space<vmem>>
    %dma_wait3A_628 = arith.constant 0 : i32
    %dma_wait3A_629 = tpu.memref_slice %arg8[%dma_wait3A_628] : memref<20480xi32, #tpu.memory_space<vmem_shared>> -> memref<20480xi32, #tpu.memory_space<vmem_shared>>
    tpu.wait_indirect_dma semaphore(%arg28 : memref<!tpu.dma_semaphore, #tpu.memory_space<semaphore_mem>>) src(%dma_wait3A_624 : memref<128xi32, #tpu.memory_space<vmem>>) dst(%dma_wait3A_629 : memref<20480xi32, #tpu.memory_space<vmem_shared>>)
    %dma_wait3A_630 = arith.constant 3 : i32
    %dma_wait3A_631 = arith.constant 384 : i32
    %dma_wait3A_632 = tpu.memref_slice %arg18[%dma_wait3A_631] : memref<1280xi32, #tpu.memory_space<vmem>> -> memref<128xi32, #tpu.memory_space<vmem>>
    %dma_wait3A_633 = arith.constant 0 : i32
    %dma_wait3A_634 = tpu.memref_slice %arg24[%dma_wait3A_630, %dma_wait3A_633] : memref<10x128xi32, #tpu.memory_space<vmem>> -> memref<1x128xi32, #tpu.memory_space<vmem>>
    %dma_wait3A_635 = tpu.memref_squeeze %dma_wait3A_634 : memref<1x128xi32, #tpu.memory_space<vmem>> -> memref<128xi32, #tpu.memory_space<vmem>>
    %dma_wait3A_636 = arith.constant 0 : i32
    %dma_wait3A_637 = tpu.memref_slice %arg9[%dma_wait3A_636] : memref<20480xi32, #tpu.memory_space<vmem_shared>> -> memref<20480xi32, #tpu.memory_space<vmem_shared>>
    tpu.wait_indirect_dma semaphore(%arg28 : memref<!tpu.dma_semaphore, #tpu.memory_space<semaphore_mem>>) src(%dma_wait3A_632 : memref<128xi32, #tpu.memory_space<vmem>>) dst(%dma_wait3A_637 : memref<20480xi32, #tpu.memory_space<vmem_shared>>)
    %dma_wait3A_638 = arith.constant 4 : i32
    %dma_wait3A_639 = arith.constant 512 : i32
    %dma_wait3A_640 = tpu.memref_slice %arg17[%dma_wait3A_639] : memref<1280xi32, #tpu.memory_space<vmem>> -> memref<128xi32, #tpu.memory_space<vmem>>
    %dma_wait3A_641 = arith.constant 0 : i32
    %dma_wait3A_642 = tpu.memref_slice %arg24[%dma_wait3A_638, %dma_wait3A_641] : memref<10x128xi32, #tpu.memory_space<vmem>> -> memref<1x128xi32, #tpu.memory_space<vmem>>
    %dma_wait3A_643 = tpu.memref_squeeze %dma_wait3A_642 : memref<1x128xi32, #tpu.memory_space<vmem>> -> memref<128xi32, #tpu.memory_space<vmem>>
    %dma_wait3A_644 = arith.constant 0 : i32
    %dma_wait3A_645 = tpu.memref_slice %arg8[%dma_wait3A_644] : memref<20480xi32, #tpu.memory_space<vmem_shared>> -> memref<20480xi32, #tpu.memory_space<vmem_shared>>
    tpu.wait_indirect_dma semaphore(%arg28 : memref<!tpu.dma_semaphore, #tpu.memory_space<semaphore_mem>>) src(%dma_wait3A_640 : memref<128xi32, #tpu.memory_space<vmem>>) dst(%dma_wait3A_645 : memref<20480xi32, #tpu.memory_space<vmem_shared>>)
    %dma_wait3A_646 = arith.constant 4 : i32
    %dma_wait3A_647 = arith.constant 512 : i32
    %dma_wait3A_648 = tpu.memref_slice %arg18[%dma_wait3A_647] : memref<1280xi32, #tpu.memory_space<vmem>> -> memref<128xi32, #tpu.memory_space<vmem>>
    %dma_wait3A_649 = arith.constant 0 : i32
    %dma_wait3A_650 = tpu.memref_slice %arg24[%dma_wait3A_646, %dma_wait3A_649] : memref<10x128xi32, #tpu.memory_space<vmem>> -> memref<1x128xi32, #tpu.memory_space<vmem>>
    %dma_wait3A_651 = tpu.memref_squeeze %dma_wait3A_650 : memref<1x128xi32, #tpu.memory_space<vmem>> -> memref<128xi32, #tpu.memory_space<vmem>>
    %dma_wait3A_652 = arith.constant 0 : i32
    %dma_wait3A_653 = tpu.memref_slice %arg9[%dma_wait3A_652] : memref<20480xi32, #tpu.memory_space<vmem_shared>> -> memref<20480xi32, #tpu.memory_space<vmem_shared>>
    tpu.wait_indirect_dma semaphore(%arg28 : memref<!tpu.dma_semaphore, #tpu.memory_space<semaphore_mem>>) src(%dma_wait3A_648 : memref<128xi32, #tpu.memory_space<vmem>>) dst(%dma_wait3A_653 : memref<20480xi32, #tpu.memory_space<vmem_shared>>)
    %dma_wait3A_654 = arith.constant 5 : i32
    %dma_wait3A_655 = arith.constant 640 : i32
    %dma_wait3A_656 = tpu.memref_slice %arg17[%dma_wait3A_655] : memref<1280xi32, #tpu.memory_space<vmem>> -> memref<128xi32, #tpu.memory_space<vmem>>
    %dma_wait3A_657 = arith.constant 0 : i32
    %dma_wait3A_658 = tpu.memref_slice %arg24[%dma_wait3A_654, %dma_wait3A_657] : memref<10x128xi32, #tpu.memory_space<vmem>> -> memref<1x128xi32, #tpu.memory_space<vmem>>
    %dma_wait3A_659 = tpu.memref_squeeze %dma_wait3A_658 : memref<1x128xi32, #tpu.memory_space<vmem>> -> memref<128xi32, #tpu.memory_space<vmem>>
    %dma_wait3A_660 = arith.constant 0 : i32
    %dma_wait3A_661 = tpu.memref_slice %arg8[%dma_wait3A_660] : memref<20480xi32, #tpu.memory_space<vmem_shared>> -> memref<20480xi32, #tpu.memory_space<vmem_shared>>
    tpu.wait_indirect_dma semaphore(%arg28 : memref<!tpu.dma_semaphore, #tpu.memory_space<semaphore_mem>>) src(%dma_wait3A_656 : memref<128xi32, #tpu.memory_space<vmem>>) dst(%dma_wait3A_661 : memref<20480xi32, #tpu.memory_space<vmem_shared>>)
    %dma_wait3A_662 = arith.constant 5 : i32
    %dma_wait3A_663 = arith.constant 640 : i32
    %dma_wait3A_664 = tpu.memref_slice %arg18[%dma_wait3A_663] : memref<1280xi32, #tpu.memory_space<vmem>> -> memref<128xi32, #tpu.memory_space<vmem>>
    %dma_wait3A_665 = arith.constant 0 : i32
    %dma_wait3A_666 = tpu.memref_slice %arg24[%dma_wait3A_662, %dma_wait3A_665] : memref<10x128xi32, #tpu.memory_space<vmem>> -> memref<1x128xi32, #tpu.memory_space<vmem>>
    %dma_wait3A_667 = tpu.memref_squeeze %dma_wait3A_666 : memref<1x128xi32, #tpu.memory_space<vmem>> -> memref<128xi32, #tpu.memory_space<vmem>>
    %dma_wait3A_668 = arith.constant 0 : i32
    %dma_wait3A_669 = tpu.memref_slice %arg9[%dma_wait3A_668] : memref<20480xi32, #tpu.memory_space<vmem_shared>> -> memref<20480xi32, #tpu.memory_space<vmem_shared>>
    tpu.wait_indirect_dma semaphore(%arg28 : memref<!tpu.dma_semaphore, #tpu.memory_space<semaphore_mem>>) src(%dma_wait3A_664 : memref<128xi32, #tpu.memory_space<vmem>>) dst(%dma_wait3A_669 : memref<20480xi32, #tpu.memory_space<vmem_shared>>)
    %dma_wait3A_670 = arith.constant 6 : i32
    %dma_wait3A_671 = arith.constant 768 : i32
    %dma_wait3A_672 = tpu.memref_slice %arg17[%dma_wait3A_671] : memref<1280xi32, #tpu.memory_space<vmem>> -> memref<128xi32, #tpu.memory_space<vmem>>
    %dma_wait3A_673 = arith.constant 0 : i32
    %dma_wait3A_674 = tpu.memref_slice %arg24[%dma_wait3A_670, %dma_wait3A_673] : memref<10x128xi32, #tpu.memory_space<vmem>> -> memref<1x128xi32, #tpu.memory_space<vmem>>
    %dma_wait3A_675 = tpu.memref_squeeze %dma_wait3A_674 : memref<1x128xi32, #tpu.memory_space<vmem>> -> memref<128xi32, #tpu.memory_space<vmem>>
    %dma_wait3A_676 = arith.constant 0 : i32
    %dma_wait3A_677 = tpu.memref_slice %arg8[%dma_wait3A_676] : memref<20480xi32, #tpu.memory_space<vmem_shared>> -> memref<20480xi32, #tpu.memory_space<vmem_shared>>
    tpu.wait_indirect_dma semaphore(%arg28 : memref<!tpu.dma_semaphore, #tpu.memory_space<semaphore_mem>>) src(%dma_wait3A_672 : memref<128xi32, #tpu.memory_space<vmem>>) dst(%dma_wait3A_677 : memref<20480xi32, #tpu.memory_space<vmem_shared>>)
    %dma_wait3A_678 = arith.constant 6 : i32
    %dma_wait3A_679 = arith.constant 768 : i32
    %dma_wait3A_680 = tpu.memref_slice %arg18[%dma_wait3A_679] : memref<1280xi32, #tpu.memory_space<vmem>> -> memref<128xi32, #tpu.memory_space<vmem>>
    %dma_wait3A_681 = arith.constant 0 : i32
    %dma_wait3A_682 = tpu.memref_slice %arg24[%dma_wait3A_678, %dma_wait3A_681] : memref<10x128xi32, #tpu.memory_space<vmem>> -> memref<1x128xi32, #tpu.memory_space<vmem>>
    %dma_wait3A_683 = tpu.memref_squeeze %dma_wait3A_682 : memref<1x128xi32, #tpu.memory_space<vmem>> -> memref<128xi32, #tpu.memory_space<vmem>>
    %dma_wait3A_684 = arith.constant 0 : i32
    %dma_wait3A_685 = tpu.memref_slice %arg9[%dma_wait3A_684] : memref<20480xi32, #tpu.memory_space<vmem_shared>> -> memref<20480xi32, #tpu.memory_space<vmem_shared>>
    tpu.wait_indirect_dma semaphore(%arg28 : memref<!tpu.dma_semaphore, #tpu.memory_space<semaphore_mem>>) src(%dma_wait3A_680 : memref<128xi32, #tpu.memory_space<vmem>>) dst(%dma_wait3A_685 : memref<20480xi32, #tpu.memory_space<vmem_shared>>)
    %dma_wait3A_686 = arith.constant 7 : i32
    %dma_wait3A_687 = arith.constant 896 : i32
    %dma_wait3A_688 = tpu.memref_slice %arg17[%dma_wait3A_687] : memref<1280xi32, #tpu.memory_space<vmem>> -> memref<128xi32, #tpu.memory_space<vmem>>
    %dma_wait3A_689 = arith.constant 0 : i32
    %dma_wait3A_690 = tpu.memref_slice %arg24[%dma_wait3A_686, %dma_wait3A_689] : memref<10x128xi32, #tpu.memory_space<vmem>> -> memref<1x128xi32, #tpu.memory_space<vmem>>
    %dma_wait3A_691 = tpu.memref_squeeze %dma_wait3A_690 : memref<1x128xi32, #tpu.memory_space<vmem>> -> memref<128xi32, #tpu.memory_space<vmem>>
    %dma_wait3A_692 = arith.constant 0 : i32
    %dma_wait3A_693 = tpu.memref_slice %arg8[%dma_wait3A_692] : memref<20480xi32, #tpu.memory_space<vmem_shared>> -> memref<20480xi32, #tpu.memory_space<vmem_shared>>
    tpu.wait_indirect_dma semaphore(%arg28 : memref<!tpu.dma_semaphore, #tpu.memory_space<semaphore_mem>>) src(%dma_wait3A_688 : memref<128xi32, #tpu.memory_space<vmem>>) dst(%dma_wait3A_693 : memref<20480xi32, #tpu.memory_space<vmem_shared>>)
    %dma_wait3A_694 = arith.constant 7 : i32
    %dma_wait3A_695 = arith.constant 896 : i32
    %dma_wait3A_696 = tpu.memref_slice %arg18[%dma_wait3A_695] : memref<1280xi32, #tpu.memory_space<vmem>> -> memref<128xi32, #tpu.memory_space<vmem>>
    %dma_wait3A_697 = arith.constant 0 : i32
    %dma_wait3A_698 = tpu.memref_slice %arg24[%dma_wait3A_694, %dma_wait3A_697] : memref<10x128xi32, #tpu.memory_space<vmem>> -> memref<1x128xi32, #tpu.memory_space<vmem>>
    %dma_wait3A_699 = tpu.memref_squeeze %dma_wait3A_698 : memref<1x128xi32, #tpu.memory_space<vmem>> -> memref<128xi32, #tpu.memory_space<vmem>>
    %dma_wait3A_700 = arith.constant 0 : i32
    %dma_wait3A_701 = tpu.memref_slice %arg9[%dma_wait3A_700] : memref<20480xi32, #tpu.memory_space<vmem_shared>> -> memref<20480xi32, #tpu.memory_space<vmem_shared>>
    tpu.wait_indirect_dma semaphore(%arg28 : memref<!tpu.dma_semaphore, #tpu.memory_space<semaphore_mem>>) src(%dma_wait3A_696 : memref<128xi32, #tpu.memory_space<vmem>>) dst(%dma_wait3A_701 : memref<20480xi32, #tpu.memory_space<vmem_shared>>)
    %dma_wait3A_702 = arith.constant 8 : i32
    %dma_wait3A_703 = arith.constant 1024 : i32
    %dma_wait3A_704 = tpu.memref_slice %arg17[%dma_wait3A_703] : memref<1280xi32, #tpu.memory_space<vmem>> -> memref<128xi32, #tpu.memory_space<vmem>>
    %dma_wait3A_705 = arith.constant 0 : i32
    %dma_wait3A_706 = tpu.memref_slice %arg24[%dma_wait3A_702, %dma_wait3A_705] : memref<10x128xi32, #tpu.memory_space<vmem>> -> memref<1x128xi32, #tpu.memory_space<vmem>>
    %dma_wait3A_707 = tpu.memref_squeeze %dma_wait3A_706 : memref<1x128xi32, #tpu.memory_space<vmem>> -> memref<128xi32, #tpu.memory_space<vmem>>
    %dma_wait3A_708 = arith.constant 0 : i32
    %dma_wait3A_709 = tpu.memref_slice %arg8[%dma_wait3A_708] : memref<20480xi32, #tpu.memory_space<vmem_shared>> -> memref<20480xi32, #tpu.memory_space<vmem_shared>>
    tpu.wait_indirect_dma semaphore(%arg28 : memref<!tpu.dma_semaphore, #tpu.memory_space<semaphore_mem>>) src(%dma_wait3A_704 : memref<128xi32, #tpu.memory_space<vmem>>) dst(%dma_wait3A_709 : memref<20480xi32, #tpu.memory_space<vmem_shared>>)
    %dma_wait3A_710 = arith.constant 8 : i32
    %dma_wait3A_711 = arith.constant 1024 : i32
    %dma_wait3A_712 = tpu.memref_slice %arg18[%dma_wait3A_711] : memref<1280xi32, #tpu.memory_space<vmem>> -> memref<128xi32, #tpu.memory_space<vmem>>
    %dma_wait3A_713 = arith.constant 0 : i32
    %dma_wait3A_714 = tpu.memref_slice %arg24[%dma_wait3A_710, %dma_wait3A_713] : memref<10x128xi32, #tpu.memory_space<vmem>> -> memref<1x128xi32, #tpu.memory_space<vmem>>
    %dma_wait3A_715 = tpu.memref_squeeze %dma_wait3A_714 : memref<1x128xi32, #tpu.memory_space<vmem>> -> memref<128xi32, #tpu.memory_space<vmem>>
    %dma_wait3A_716 = arith.constant 0 : i32
    %dma_wait3A_717 = tpu.memref_slice %arg9[%dma_wait3A_716] : memref<20480xi32, #tpu.memory_space<vmem_shared>> -> memref<20480xi32, #tpu.memory_space<vmem_shared>>
    tpu.wait_indirect_dma semaphore(%arg28 : memref<!tpu.dma_semaphore, #tpu.memory_space<semaphore_mem>>) src(%dma_wait3A_712 : memref<128xi32, #tpu.memory_space<vmem>>) dst(%dma_wait3A_717 : memref<20480xi32, #tpu.memory_space<vmem_shared>>)
    %dma_wait3A_718 = arith.constant 9 : i32
    %dma_wait3A_719 = arith.constant 1152 : i32
    %dma_wait3A_720 = tpu.memref_slice %arg17[%dma_wait3A_719] : memref<1280xi32, #tpu.memory_space<vmem>> -> memref<128xi32, #tpu.memory_space<vmem>>
    %dma_wait3A_721 = arith.constant 0 : i32
    %dma_wait3A_722 = tpu.memref_slice %arg24[%dma_wait3A_718, %dma_wait3A_721] : memref<10x128xi32, #tpu.memory_space<vmem>> -> memref<1x128xi32, #tpu.memory_space<vmem>>
    %dma_wait3A_723 = tpu.memref_squeeze %dma_wait3A_722 : memref<1x128xi32, #tpu.memory_space<vmem>> -> memref<128xi32, #tpu.memory_space<vmem>>
    %dma_wait3A_724 = arith.constant 0 : i32
    %dma_wait3A_725 = tpu.memref_slice %arg8[%dma_wait3A_724] : memref<20480xi32, #tpu.memory_space<vmem_shared>> -> memref<20480xi32, #tpu.memory_space<vmem_shared>>
    tpu.wait_indirect_dma semaphore(%arg28 : memref<!tpu.dma_semaphore, #tpu.memory_space<semaphore_mem>>) src(%dma_wait3A_720 : memref<128xi32, #tpu.memory_space<vmem>>) dst(%dma_wait3A_725 : memref<20480xi32, #tpu.memory_space<vmem_shared>>)
    %dma_wait3A_726 = arith.constant 9 : i32
    %dma_wait3A_727 = arith.constant 1152 : i32
    %dma_wait3A_728 = tpu.memref_slice %arg18[%dma_wait3A_727] : memref<1280xi32, #tpu.memory_space<vmem>> -> memref<128xi32, #tpu.memory_space<vmem>>
    %dma_wait3A_729 = arith.constant 0 : i32
    %dma_wait3A_730 = tpu.memref_slice %arg24[%dma_wait3A_726, %dma_wait3A_729] : memref<10x128xi32, #tpu.memory_space<vmem>> -> memref<1x128xi32, #tpu.memory_space<vmem>>
    %dma_wait3A_731 = tpu.memref_squeeze %dma_wait3A_730 : memref<1x128xi32, #tpu.memory_space<vmem>> -> memref<128xi32, #tpu.memory_space<vmem>>
    %dma_wait3A_732 = arith.constant 0 : i32
    %dma_wait3A_733 = tpu.memref_slice %arg9[%dma_wait3A_732] : memref<20480xi32, #tpu.memory_space<vmem_shared>> -> memref<20480xi32, #tpu.memory_space<vmem_shared>>
    tpu.wait_indirect_dma semaphore(%arg28 : memref<!tpu.dma_semaphore, #tpu.memory_space<semaphore_mem>>) src(%dma_wait3A_728 : memref<128xi32, #tpu.memory_space<vmem>>) dst(%dma_wait3A_733 : memref<20480xi32, #tpu.memory_space<vmem_shared>>)
    %barrier3A_734 = arith.constant 0 : index
    tpu.barrier barrier_id(%barrier3A_734)
    "tpu.region"() ({
      %run_scoped3A = tpu.sem_alloc : memref<!tpu.dma_semaphore, #tpu.memory_space<semaphore_mem>>
      %dma_start3A_1293 = tpu.memref_slice %arg8[%mul3A_0] : memref<20480xi32, #tpu.memory_space<vmem_shared>> -> memref<1280xi32, #tpu.memory_space<vmem_shared>>
      %dma_start3A_1294 = tpu.memref_slice %arg8[%mul3A_0] : memref<20480xi32, #tpu.memory_space<vmem_shared>> -> memref<1280xi32, #tpu.memory_space<vmem_shared>>
      tpu.enqueue_dma source(%dma_start3A_1294 : memref<1280xi32, #tpu.memory_space<vmem_shared>>) target(%arg17 : memref<1280xi32, #tpu.memory_space<vmem>>) target_semaphore(%run_scoped3A : memref<!tpu.dma_semaphore, #tpu.memory_space<semaphore_mem>>)
      %dma_wait3A_1295 = tpu.memref_slice %arg8[%mul3A_0] : memref<20480xi32, #tpu.memory_space<vmem_shared>> -> memref<1280xi32, #tpu.memory_space<vmem_shared>>
      %dma_wait3A_1296 = tpu.memref_slice %arg8[%mul3A_0] : memref<20480xi32, #tpu.memory_space<vmem_shared>> -> memref<1280xi32, #tpu.memory_space<vmem_shared>>
      tpu.wait_dma2 semaphore(%run_scoped3A : memref<!tpu.dma_semaphore, #tpu.memory_space<semaphore_mem>>) src(%dma_wait3A_1296 : memref<1280xi32, #tpu.memory_space<vmem_shared>>) dst(%arg17 : memref<1280xi32, #tpu.memory_space<vmem>>)
      tpu.yield
    }) : () -> ()
    %scan3A_735 = arith.constant 0 : i32
    %scan3A_736 = arith.constant 0 : i32
    %scan3A_737 = arith.constant 128 : i32
    %scan3A_738 = arith.addi %scan3A_736, %scan3A_737 : i32
    %scan3A_739 = arith.constant 1 : i32
    scf.for %scan3A_1293 = %scan3A_736 to %scan3A_738 step %scan3A_739  : i32 {
      %mul3A_1294 = arith.constant 16 : i32
      %mul3A_1295 = arith.muli %scan3A_1293, %mul3A_1294 : i32
      %swap3A = arith.index_cast %mul3A_1295 : i32 to index
      %swap3A_1296 = tpu.vector_load %arg19[%swap3A] {strides = array<i32>} : memref<2048xi32, #tpu.memory_space<vmem>>, vector<16xi32>,
      tpu.vector_store %arg19[%swap3A], %broadcast_in_dim3A_1 {strides = array<i32>} : memref<2048xi32, #tpu.memory_space<vmem>>, vector<16xi32>,
    }
    %scan3A_740 = arith.constant 128 : i32
    %scan3A_741 = arith.constant 0 : i32
    %scan3A_742 = arith.constant 22 : i32
    %scan3A_743 = arith.constant 2047 : i32
    %scan3A_744 = arith.constant 0 : i32
    %scan3A_745 = arith.constant 80 : i32
    %scan3A_746 = arith.addi %scan3A_744, %scan3A_745 : i32
    %scan3A_747 = arith.constant 1 : i32
    scf.for %scan3A_1293 = %scan3A_744 to %scan3A_746 step %scan3A_747  : i32 {
      %mul3A_1294 = arith.constant 16 : i32
      %mul3A_1295 = arith.muli %scan3A_1293, %mul3A_1294 : i32
      %get3A = arith.index_cast %mul3A_1295 : i32 to index
      %get3A_1296 = tpu.vector_load %arg17[%get3A] {strides = array<i32>} : memref<1280xi32, #tpu.memory_space<vmem>>, vector<16xi32>,
      %shift_right_logical3A = vector.broadcast %scan3A_742 : i32 to vector<16xi32>
      %shift_right_logical3A_1297 = arith.shrui %get3A_1296, %shift_right_logical3A : vector<16xi32>
      %and3A_1298 = vector.broadcast %scan3A_743 : i32 to vector<16xi32>
      %and3A_1299 = arith.andi %shift_right_logical3A_1297, %and3A_1298 : vector<16xi32>
      %broadcast_in_dim3A_1300 = arith.constant true
      %broadcast_in_dim3A_1301 = vector.broadcast %broadcast_in_dim3A_1300 : i1 to vector<16xi1>
      %unique3A, %unique3A_1302 = tpu.scan_count mask(%broadcast_in_dim3A_1301 : vector<16xi1>) value(%and3A_1299 : vector<16xi32>) : vector<16xi1>, vector<16xi32>
      tpu.vector_store_idx %arg19[%and3A_1299], %unique3A_1302 masked %unique3A {add = true} : memref<2048xi32, #tpu.memory_space<vmem>>[vector<16xi32>], vector<16xi32>, vector<16xi1>
    }
    %scan3A_748 = arith.constant 80 : i32
    %mul3A_749 = arith.constant 2048 : i32
    %mul3A_750 = arith.muli %arg1, %mul3A_749 : i32
    "tpu.region"() ({
      %run_scoped3A = tpu.sem_alloc : memref<!tpu.dma_semaphore, #tpu.memory_space<semaphore_mem>>
      %dma_start3A_1293 = tpu.memref_slice %arg12[%mul3A_750] : memref<32768xi32, #tpu.memory_space<vmem_shared>> -> memref<2048xi32, #tpu.memory_space<vmem_shared>>
      %dma_start3A_1294 = tpu.memref_slice %arg12[%mul3A_750] : memref<32768xi32, #tpu.memory_space<vmem_shared>> -> memref<2048xi32, #tpu.memory_space<vmem_shared>>
      tpu.enqueue_dma source(%arg19 : memref<2048xi32, #tpu.memory_space<vmem>>) target(%dma_start3A_1294 : memref<2048xi32, #tpu.memory_space<vmem_shared>>) target_semaphore(%run_scoped3A : memref<!tpu.dma_semaphore, #tpu.memory_space<semaphore_mem>>)
      %dma_wait3A_1295 = tpu.memref_slice %arg12[%mul3A_750] : memref<32768xi32, #tpu.memory_space<vmem_shared>> -> memref<2048xi32, #tpu.memory_space<vmem_shared>>
      %dma_wait3A_1296 = tpu.memref_slice %arg12[%mul3A_750] : memref<32768xi32, #tpu.memory_space<vmem_shared>> -> memref<2048xi32, #tpu.memory_space<vmem_shared>>
      tpu.wait_dma2 semaphore(%run_scoped3A : memref<!tpu.dma_semaphore, #tpu.memory_space<semaphore_mem>>) src(%arg19 : memref<2048xi32, #tpu.memory_space<vmem>>) dst(%dma_wait3A_1296 : memref<2048xi32, #tpu.memory_space<vmem_shared>>)
      tpu.yield
    }) : () -> ()
    %barrier3A_751 = arith.constant 0 : index
    tpu.barrier barrier_id(%barrier3A_751)
    "tpu.region"() ({
      %run_scoped3A = tpu.sem_alloc : memref<!tpu.dma_semaphore, #tpu.memory_space<semaphore_mem>>
      tpu.enqueue_dma source(%arg12 : memref<32768xi32, #tpu.memory_space<vmem_shared>>) target(%arg20 : memref<32768xi32, #tpu.memory_space<vmem>>) target_semaphore(%run_scoped3A : memref<!tpu.dma_semaphore, #tpu.memory_space<semaphore_mem>>)
      tpu.wait_dma2 semaphore(%run_scoped3A : memref<!tpu.dma_semaphore, #tpu.memory_space<semaphore_mem>>) src(%arg12 : memref<32768xi32, #tpu.memory_space<vmem_shared>>) dst(%arg20 : memref<32768xi32, #tpu.memory_space<vmem>>)
      tpu.yield
    }) : () -> ()
    %scan3A_752 = arith.constant 0 : i32
    %scan3A_753 = arith.constant 0 : i32
    %scan3A_754 = arith.constant 128 : i32
    %scan3A_755 = arith.addi %scan3A_753, %scan3A_754 : i32
    %scan3A_756 = arith.constant 1 : i32
    scf.for %scan3A_1293 = %scan3A_753 to %scan3A_755 step %scan3A_756  : i32 {
      %mul3A_1294 = arith.constant 16 : i32
      %mul3A_1295 = arith.muli %scan3A_1293, %mul3A_1294 : i32
      %mul3A_1296 = arith.constant 16 : i32
      %mul3A_1297 = arith.muli %scan3A_1293, %mul3A_1296 : i32
      %get3A = arith.index_cast %mul3A_1297 : i32 to index
      %get3A_1298 = tpu.vector_load %arg20[%get3A] {strides = array<i32>} : memref<32768xi32, #tpu.memory_space<vmem>>, vector<16xi32>,
      %mul3A_1299 = arith.constant 16 : i32
      %mul3A_1300 = arith.muli %scan3A_1293, %mul3A_1299 : i32
      %add3A_1301 = arith.constant 2048 : i32
      %add3A_1302 = arith.addi %add3A_1301, %mul3A_1300 : i32
      %get3A_1303 = arith.index_cast %add3A_1302 : i32 to index
      %get3A_1304 = tpu.vector_load %arg20[%get3A_1303] {strides = array<i32>} : memref<32768xi32, #tpu.memory_space<vmem>>, vector<16xi32>,
      %add3A_1305 = arith.addi %get3A_1298, %get3A_1304 : vector<16xi32>
      %sub3A = arith.constant 1 : i32
      %sub3A_1306 = arith.subi %arg1, %sub3A : i32
      %ge3A = arith.constant 1 : i32
      %ge3A_1307 = arith.cmpi sge, %sub3A_1306, %ge3A : i32
      %jit3A = arith.constant 0 : i32
      %broadcast_in_dim3A_1308 = vector.broadcast %jit3A : i32 to vector<16xi32>
      %select_n3A = arith.select %ge3A_1307, %get3A_1304, %broadcast_in_dim3A_1308 : vector<16xi32>
      %add3A_1309 = arith.addi %broadcast_in_dim3A_1, %select_n3A : vector<16xi32>
      %mul3A_1310 = arith.constant 16 : i32
      %mul3A_1311 = arith.muli %scan3A_1293, %mul3A_1310 : i32
      %add3A_1312 = arith.constant 4096 : i32
      %add3A_1313 = arith.addi %add3A_1312, %mul3A_1311 : i32
      %get3A_1314 = arith.index_cast %add3A_1313 : i32 to index
      %get3A_1315 = tpu.vector_load %arg20[%get3A_1314] {strides = array<i32>} : memref<32768xi32, #tpu.memory_space<vmem>>, vector<16xi32>,
      %add3A_1316 = arith.addi %add3A_1305, %get3A_1315 : vector<16xi32>
      %sub3A_1317 = arith.constant 1 : i32
      %sub3A_1318 = arith.subi %arg1, %sub3A_1317 : i32
      %ge3A_1319 = arith.constant 2 : i32
      %ge3A_1320 = arith.cmpi sge, %sub3A_1318, %ge3A_1319 : i32
      %jit3A_1321 = arith.constant 0 : i32
      %broadcast_in_dim3A_1322 = vector.broadcast %jit3A_1321 : i32 to vector<16xi32>
      %select_n3A_1323 = arith.select %ge3A_1320, %get3A_1315, %broadcast_in_dim3A_1322 : vector<16xi32>
      %add3A_1324 = arith.addi %add3A_1309, %select_n3A_1323 : vector<16xi32>
      %mul3A_1325 = arith.constant 16 : i32
      %mul3A_1326 = arith.muli %scan3A_1293, %mul3A_1325 : i32
      %add3A_1327 = arith.constant 6144 : i32
      %add3A_1328 = arith.addi %add3A_1327, %mul3A_1326 : i32
      %get3A_1329 = arith.index_cast %add3A_1328 : i32 to index
      %get3A_1330 = tpu.vector_load %arg20[%get3A_1329] {strides = array<i32>} : memref<32768xi32, #tpu.memory_space<vmem>>, vector<16xi32>,
      %add3A_1331 = arith.addi %add3A_1316, %get3A_1330 : vector<16xi32>
      %sub3A_1332 = arith.constant 1 : i32
      %sub3A_1333 = arith.subi %arg1, %sub3A_1332 : i32
      %ge3A_1334 = arith.constant 3 : i32
      %ge3A_1335 = arith.cmpi sge, %sub3A_1333, %ge3A_1334 : i32
      %jit3A_1336 = arith.constant 0 : i32
      %broadcast_in_dim3A_1337 = vector.broadcast %jit3A_1336 : i32 to vector<16xi32>
      %select_n3A_1338 = arith.select %ge3A_1335, %get3A_1330, %broadcast_in_dim3A_1337 : vector<16xi32>
      %add3A_1339 = arith.addi %add3A_1324, %select_n3A_1338 : vector<16xi32>
      %mul3A_1340 = arith.constant 16 : i32
      %mul3A_1341 = arith.muli %scan3A_1293, %mul3A_1340 : i32
      %add3A_1342 = arith.constant 8192 : i32
      %add3A_1343 = arith.addi %add3A_1342, %mul3A_1341 : i32
      %get3A_1344 = arith.index_cast %add3A_1343 : i32 to index
      %get3A_1345 = tpu.vector_load %arg20[%get3A_1344] {strides = array<i32>} : memref<32768xi32, #tpu.memory_space<vmem>>, vector<16xi32>,
      %add3A_1346 = arith.addi %add3A_1331, %get3A_1345 : vector<16xi32>
      %sub3A_1347 = arith.constant 1 : i32
      %sub3A_1348 = arith.subi %arg1, %sub3A_1347 : i32
      %ge3A_1349 = arith.constant 4 : i32
      %ge3A_1350 = arith.cmpi sge, %sub3A_1348, %ge3A_1349 : i32
      %jit3A_1351 = arith.constant 0 : i32
      %broadcast_in_dim3A_1352 = vector.broadcast %jit3A_1351 : i32 to vector<16xi32>
      %select_n3A_1353 = arith.select %ge3A_1350, %get3A_1345, %broadcast_in_dim3A_1352 : vector<16xi32>
      %add3A_1354 = arith.addi %add3A_1339, %select_n3A_1353 : vector<16xi32>
      %mul3A_1355 = arith.constant 16 : i32
      %mul3A_1356 = arith.muli %scan3A_1293, %mul3A_1355 : i32
      %add3A_1357 = arith.constant 10240 : i32
      %add3A_1358 = arith.addi %add3A_1357, %mul3A_1356 : i32
      %get3A_1359 = arith.index_cast %add3A_1358 : i32 to index
      %get3A_1360 = tpu.vector_load %arg20[%get3A_1359] {strides = array<i32>} : memref<32768xi32, #tpu.memory_space<vmem>>, vector<16xi32>,
      %add3A_1361 = arith.addi %add3A_1346, %get3A_1360 : vector<16xi32>
      %sub3A_1362 = arith.constant 1 : i32
      %sub3A_1363 = arith.subi %arg1, %sub3A_1362 : i32
      %ge3A_1364 = arith.constant 5 : i32
      %ge3A_1365 = arith.cmpi sge, %sub3A_1363, %ge3A_1364 : i32
      %jit3A_1366 = arith.constant 0 : i32
      %broadcast_in_dim3A_1367 = vector.broadcast %jit3A_1366 : i32 to vector<16xi32>
      %select_n3A_1368 = arith.select %ge3A_1365, %get3A_1360, %broadcast_in_dim3A_1367 : vector<16xi32>
      %add3A_1369 = arith.addi %add3A_1354, %select_n3A_1368 : vector<16xi32>
      %mul3A_1370 = arith.constant 16 : i32
      %mul3A_1371 = arith.muli %scan3A_1293, %mul3A_1370 : i32
      %add3A_1372 = arith.constant 12288 : i32
      %add3A_1373 = arith.addi %add3A_1372, %mul3A_1371 : i32
      %get3A_1374 = arith.index_cast %add3A_1373 : i32 to index
      %get3A_1375 = tpu.vector_load %arg20[%get3A_1374] {strides = array<i32>} : memref<32768xi32, #tpu.memory_space<vmem>>, vector<16xi32>,
      %add3A_1376 = arith.addi %add3A_1361, %get3A_1375 : vector<16xi32>
      %sub3A_1377 = arith.constant 1 : i32
      %sub3A_1378 = arith.subi %arg1, %sub3A_1377 : i32
      %ge3A_1379 = arith.constant 6 : i32
      %ge3A_1380 = arith.cmpi sge, %sub3A_1378, %ge3A_1379 : i32
      %jit3A_1381 = arith.constant 0 : i32
      %broadcast_in_dim3A_1382 = vector.broadcast %jit3A_1381 : i32 to vector<16xi32>
      %select_n3A_1383 = arith.select %ge3A_1380, %get3A_1375, %broadcast_in_dim3A_1382 : vector<16xi32>
      %add3A_1384 = arith.addi %add3A_1369, %select_n3A_1383 : vector<16xi32>
      %mul3A_1385 = arith.constant 16 : i32
      %mul3A_1386 = arith.muli %scan3A_1293, %mul3A_1385 : i32
      %add3A_1387 = arith.constant 14336 : i32
      %add3A_1388 = arith.addi %add3A_1387, %mul3A_1386 : i32
      %get3A_1389 = arith.index_cast %add3A_1388 : i32 to index
      %get3A_1390 = tpu.vector_load %arg20[%get3A_1389] {strides = array<i32>} : memref<32768xi32, #tpu.memory_space<vmem>>, vector<16xi32>,
      %add3A_1391 = arith.addi %add3A_1376, %get3A_1390 : vector<16xi32>
      %sub3A_1392 = arith.constant 1 : i32
      %sub3A_1393 = arith.subi %arg1, %sub3A_1392 : i32
      %ge3A_1394 = arith.constant 7 : i32
      %ge3A_1395 = arith.cmpi sge, %sub3A_1393, %ge3A_1394 : i32
      %jit3A_1396 = arith.constant 0 : i32
      %broadcast_in_dim3A_1397 = vector.broadcast %jit3A_1396 : i32 to vector<16xi32>
      %select_n3A_1398 = arith.select %ge3A_1395, %get3A_1390, %broadcast_in_dim3A_1397 : vector<16xi32>
      %add3A_1399 = arith.addi %add3A_1384, %select_n3A_1398 : vector<16xi32>
      %mul3A_1400 = arith.constant 16 : i32
      %mul3A_1401 = arith.muli %scan3A_1293, %mul3A_1400 : i32
      %add3A_1402 = arith.constant 16384 : i32
      %add3A_1403 = arith.addi %add3A_1402, %mul3A_1401 : i32
      %get3A_1404 = arith.index_cast %add3A_1403 : i32 to index
      %get3A_1405 = tpu.vector_load %arg20[%get3A_1404] {strides = array<i32>} : memref<32768xi32, #tpu.memory_space<vmem>>, vector<16xi32>,
      %add3A_1406 = arith.addi %add3A_1391, %get3A_1405 : vector<16xi32>
      %sub3A_1407 = arith.constant 1 : i32
      %sub3A_1408 = arith.subi %arg1, %sub3A_1407 : i32
      %ge3A_1409 = arith.constant 8 : i32
      %ge3A_1410 = arith.cmpi sge, %sub3A_1408, %ge3A_1409 : i32
      %jit3A_1411 = arith.constant 0 : i32
      %broadcast_in_dim3A_1412 = vector.broadcast %jit3A_1411 : i32 to vector<16xi32>
      %select_n3A_1413 = arith.select %ge3A_1410, %get3A_1405, %broadcast_in_dim3A_1412 : vector<16xi32>
      %add3A_1414 = arith.addi %add3A_1399, %select_n3A_1413 : vector<16xi32>
      %mul3A_1415 = arith.constant 16 : i32
      %mul3A_1416 = arith.muli %scan3A_1293, %mul3A_1415 : i32
      %add3A_1417 = arith.constant 18432 : i32
      %add3A_1418 = arith.addi %add3A_1417, %mul3A_1416 : i32
      %get3A_1419 = arith.index_cast %add3A_1418 : i32 to index
      %get3A_1420 = tpu.vector_load %arg20[%get3A_1419] {strides = array<i32>} : memref<32768xi32, #tpu.memory_space<vmem>>, vector<16xi32>,
      %add3A_1421 = arith.addi %add3A_1406, %get3A_1420 : vector<16xi32>
      %sub3A_1422 = arith.constant 1 : i32
      %sub3A_1423 = arith.subi %arg1, %sub3A_1422 : i32
      %ge3A_1424 = arith.constant 9 : i32
      %ge3A_1425 = arith.cmpi sge, %sub3A_1423, %ge3A_1424 : i32
      %jit3A_1426 = arith.constant 0 : i32
      %broadcast_in_dim3A_1427 = vector.broadcast %jit3A_1426 : i32 to vector<16xi32>
      %select_n3A_1428 = arith.select %ge3A_1425, %get3A_1420, %broadcast_in_dim3A_1427 : vector<16xi32>
      %add3A_1429 = arith.addi %add3A_1414, %select_n3A_1428 : vector<16xi32>
      %mul3A_1430 = arith.constant 16 : i32
      %mul3A_1431 = arith.muli %scan3A_1293, %mul3A_1430 : i32
      %add3A_1432 = arith.constant 20480 : i32
      %add3A_1433 = arith.addi %add3A_1432, %mul3A_1431 : i32
      %get3A_1434 = arith.index_cast %add3A_1433 : i32 to index
      %get3A_1435 = tpu.vector_load %arg20[%get3A_1434] {strides = array<i32>} : memref<32768xi32, #tpu.memory_space<vmem>>, vector<16xi32>,
      %add3A_1436 = arith.addi %add3A_1421, %get3A_1435 : vector<16xi32>
      %sub3A_1437 = arith.constant 1 : i32
      %sub3A_1438 = arith.subi %arg1, %sub3A_1437 : i32
      %ge3A_1439 = arith.constant 10 : i32
      %ge3A_1440 = arith.cmpi sge, %sub3A_1438, %ge3A_1439 : i32
      %jit3A_1441 = arith.constant 0 : i32
      %broadcast_in_dim3A_1442 = vector.broadcast %jit3A_1441 : i32 to vector<16xi32>
      %select_n3A_1443 = arith.select %ge3A_1440, %get3A_1435, %broadcast_in_dim3A_1442 : vector<16xi32>
      %add3A_1444 = arith.addi %add3A_1429, %select_n3A_1443 : vector<16xi32>
      %mul3A_1445 = arith.constant 16 : i32
      %mul3A_1446 = arith.muli %scan3A_1293, %mul3A_1445 : i32
      %add3A_1447 = arith.constant 22528 : i32
      %add3A_1448 = arith.addi %add3A_1447, %mul3A_1446 : i32
      %get3A_1449 = arith.index_cast %add3A_1448 : i32 to index
      %get3A_1450 = tpu.vector_load %arg20[%get3A_1449] {strides = array<i32>} : memref<32768xi32, #tpu.memory_space<vmem>>, vector<16xi32>,
      %add3A_1451 = arith.addi %add3A_1436, %get3A_1450 : vector<16xi32>
      %sub3A_1452 = arith.constant 1 : i32
      %sub3A_1453 = arith.subi %arg1, %sub3A_1452 : i32
      %ge3A_1454 = arith.constant 11 : i32
      %ge3A_1455 = arith.cmpi sge, %sub3A_1453, %ge3A_1454 : i32
      %jit3A_1456 = arith.constant 0 : i32
      %broadcast_in_dim3A_1457 = vector.broadcast %jit3A_1456 : i32 to vector<16xi32>
      %select_n3A_1458 = arith.select %ge3A_1455, %get3A_1450, %broadcast_in_dim3A_1457 : vector<16xi32>
      %add3A_1459 = arith.addi %add3A_1444, %select_n3A_1458 : vector<16xi32>
      %mul3A_1460 = arith.constant 16 : i32
      %mul3A_1461 = arith.muli %scan3A_1293, %mul3A_1460 : i32
      %add3A_1462 = arith.constant 24576 : i32
      %add3A_1463 = arith.addi %add3A_1462, %mul3A_1461 : i32
      %get3A_1464 = arith.index_cast %add3A_1463 : i32 to index
      %get3A_1465 = tpu.vector_load %arg20[%get3A_1464] {strides = array<i32>} : memref<32768xi32, #tpu.memory_space<vmem>>, vector<16xi32>,
      %add3A_1466 = arith.addi %add3A_1451, %get3A_1465 : vector<16xi32>
      %sub3A_1467 = arith.constant 1 : i32
      %sub3A_1468 = arith.subi %arg1, %sub3A_1467 : i32
      %ge3A_1469 = arith.constant 12 : i32
      %ge3A_1470 = arith.cmpi sge, %sub3A_1468, %ge3A_1469 : i32
      %jit3A_1471 = arith.constant 0 : i32
      %broadcast_in_dim3A_1472 = vector.broadcast %jit3A_1471 : i32 to vector<16xi32>
      %select_n3A_1473 = arith.select %ge3A_1470, %get3A_1465, %broadcast_in_dim3A_1472 : vector<16xi32>
      %add3A_1474 = arith.addi %add3A_1459, %select_n3A_1473 : vector<16xi32>
      %mul3A_1475 = arith.constant 16 : i32
      %mul3A_1476 = arith.muli %scan3A_1293, %mul3A_1475 : i32
      %add3A_1477 = arith.constant 26624 : i32
      %add3A_1478 = arith.addi %add3A_1477, %mul3A_1476 : i32
      %get3A_1479 = arith.index_cast %add3A_1478 : i32 to index
      %get3A_1480 = tpu.vector_load %arg20[%get3A_1479] {strides = array<i32>} : memref<32768xi32, #tpu.memory_space<vmem>>, vector<16xi32>,
      %add3A_1481 = arith.addi %add3A_1466, %get3A_1480 : vector<16xi32>
      %sub3A_1482 = arith.constant 1 : i32
      %sub3A_1483 = arith.subi %arg1, %sub3A_1482 : i32
      %ge3A_1484 = arith.constant 13 : i32
      %ge3A_1485 = arith.cmpi sge, %sub3A_1483, %ge3A_1484 : i32
      %jit3A_1486 = arith.constant 0 : i32
      %broadcast_in_dim3A_1487 = vector.broadcast %jit3A_1486 : i32 to vector<16xi32>
      %select_n3A_1488 = arith.select %ge3A_1485, %get3A_1480, %broadcast_in_dim3A_1487 : vector<16xi32>
      %add3A_1489 = arith.addi %add3A_1474, %select_n3A_1488 : vector<16xi32>
      %mul3A_1490 = arith.constant 16 : i32
      %mul3A_1491 = arith.muli %scan3A_1293, %mul3A_1490 : i32
      %add3A_1492 = arith.constant 28672 : i32
      %add3A_1493 = arith.addi %add3A_1492, %mul3A_1491 : i32
      %get3A_1494 = arith.index_cast %add3A_1493 : i32 to index
      %get3A_1495 = tpu.vector_load %arg20[%get3A_1494] {strides = array<i32>} : memref<32768xi32, #tpu.memory_space<vmem>>, vector<16xi32>,
      %add3A_1496 = arith.addi %add3A_1481, %get3A_1495 : vector<16xi32>
      %sub3A_1497 = arith.constant 1 : i32
      %sub3A_1498 = arith.subi %arg1, %sub3A_1497 : i32
      %ge3A_1499 = arith.constant 14 : i32
      %ge3A_1500 = arith.cmpi sge, %sub3A_1498, %ge3A_1499 : i32
      %jit3A_1501 = arith.constant 0 : i32
      %broadcast_in_dim3A_1502 = vector.broadcast %jit3A_1501 : i32 to vector<16xi32>
      %select_n3A_1503 = arith.select %ge3A_1500, %get3A_1495, %broadcast_in_dim3A_1502 : vector<16xi32>
      %add3A_1504 = arith.addi %add3A_1489, %select_n3A_1503 : vector<16xi32>
      %mul3A_1505 = arith.constant 16 : i32
      %mul3A_1506 = arith.muli %scan3A_1293, %mul3A_1505 : i32
      %add3A_1507 = arith.constant 30720 : i32
      %add3A_1508 = arith.addi %add3A_1507, %mul3A_1506 : i32
      %get3A_1509 = arith.index_cast %add3A_1508 : i32 to index
      %get3A_1510 = tpu.vector_load %arg20[%get3A_1509] {strides = array<i32>} : memref<32768xi32, #tpu.memory_space<vmem>>, vector<16xi32>,
      %add3A_1511 = arith.addi %add3A_1496, %get3A_1510 : vector<16xi32>
      %sub3A_1512 = arith.constant 1 : i32
      %sub3A_1513 = arith.subi %arg1, %sub3A_1512 : i32
      %ge3A_1514 = arith.constant 15 : i32
      %ge3A_1515 = arith.cmpi sge, %sub3A_1513, %ge3A_1514 : i32
      %jit3A_1516 = arith.constant 0 : i32
      %broadcast_in_dim3A_1517 = vector.broadcast %jit3A_1516 : i32 to vector<16xi32>
      %select_n3A_1518 = arith.select %ge3A_1515, %get3A_1510, %broadcast_in_dim3A_1517 : vector<16xi32>
      %add3A_1519 = arith.addi %add3A_1504, %select_n3A_1518 : vector<16xi32>
      %swap3A = arith.index_cast %mul3A_1295 : i32 to index
      %swap3A_1520 = tpu.vector_load %arg21[%swap3A] {strides = array<i32>} : memref<2048xi32, #tpu.memory_space<vmem>>, vector<16xi32>,
      tpu.vector_store %arg21[%swap3A], %add3A_1511 {strides = array<i32>} : memref<2048xi32, #tpu.memory_space<vmem>>, vector<16xi32>,
      %gt3A_1521 = arith.constant 0 : i32
      %gt3A_1522 = arith.cmpi sgt, %arg1, %gt3A_1521 : i32
      %mul3A_1523 = arith.constant 16 : i32
      %mul3A_1524 = arith.muli %scan3A_1293, %mul3A_1523 : i32
      %get3A_1525 = arith.index_cast %mul3A_1524 : i32 to index
      %get3A_1526 = tpu.vector_load %arg20[%get3A_1525] {strides = array<i32>} : memref<32768xi32, #tpu.memory_space<vmem>>, vector<16xi32>,
      %jit3A_1527 = arith.constant 0 : i32
      %broadcast_in_dim3A_1528 = vector.broadcast %jit3A_1527 : i32 to vector<16xi32>
      %select_n3A_1529 = arith.select %gt3A_1522, %get3A_1526, %broadcast_in_dim3A_1528 : vector<16xi32>
      %add3A_1530 = arith.addi %add3A_1519, %select_n3A_1529 : vector<16xi32>
      %swap3A_1531 = arith.index_cast %mul3A_1295 : i32 to index
      %swap3A_1532 = tpu.vector_load %arg22[%swap3A_1531] {strides = array<i32>} : memref<2048xi32, #tpu.memory_space<vmem>>, vector<16xi32>,
      tpu.vector_store %arg22[%swap3A_1531], %add3A_1530 {strides = array<i32>} : memref<2048xi32, #tpu.memory_space<vmem>>, vector<16xi32>,
    }
    %scan3A_757 = arith.constant 128 : i32
    %scan3A_758 = arith.constant 0 : i32
    %scan3A_759 = arith.constant 0 : i32
    %scan3A_760 = arith.constant 128 : i32
    %scan3A_761 = arith.addi %scan3A_759, %scan3A_760 : i32
    %scan3A_762 = arith.constant 1 : i32
    %scan3A_763 = scf.for %scan3A_1293 = %scan3A_759 to %scan3A_761 step %scan3A_762 iter_args(%scan3A_1294 = %scan3A_758) -> (i32)  : i32 {
      %mul3A_1295 = arith.constant 16 : i32
      %mul3A_1296 = arith.muli %scan3A_1293, %mul3A_1295 : i32
      %get3A = arith.index_cast %mul3A_1296 : i32 to index
      %get3A_1297 = tpu.vector_load %arg21[%get3A] {strides = array<i32>} : memref<2048xi32, #tpu.memory_space<vmem>>, vector<16xi32>,
      %broadcast_in_dim3A_1298 = arith.constant true
      %broadcast_in_dim3A_1299 = vector.broadcast %broadcast_in_dim3A_1298 : i1 to vector<16xi1>
      %masked_cumsum3A = tpu.scan <sum>, %get3A_1297 masked %broadcast_in_dim3A_1299 : vector<16xi32>, vector<16xi1> -> vector<16xi32>
      %get3A_1300 = arith.index_cast %mul3A_1296 : i32 to index
      %get3A_1301 = tpu.vector_load %arg22[%get3A_1300] {strides = array<i32>} : memref<2048xi32, #tpu.memory_space<vmem>>, vector<16xi32>,
      %sub3A = arith.subi %masked_cumsum3A, %get3A_1297 : vector<16xi32>
      %add3A_1302 = arith.addi %get3A_1301, %sub3A : vector<16xi32>
      %add3A_1303 = vector.broadcast %scan3A_1294 : i32 to vector<16xi32>
      %add3A_1304 = arith.addi %add3A_1302, %add3A_1303 : vector<16xi32>
      %swap3A = arith.index_cast %mul3A_1296 : i32 to index
      %swap3A_1305 = tpu.vector_load %arg23[%swap3A] {strides = array<i32>} : memref<2048xi32, #tpu.memory_space<vmem>>, vector<16xi32>,
      tpu.vector_store %arg23[%swap3A], %add3A_1304 {strides = array<i32>} : memref<2048xi32, #tpu.memory_space<vmem>>, vector<16xi32>,
      %reduce_sum3A = arith.constant true
      %reduce_sum3A_1306 = vector.broadcast %reduce_sum3A : i1 to vector<16xi1>
      %reduce_sum3A_1307 = tpu.scan <sum>, %get3A_1297 masked %reduce_sum3A_1306 : vector<16xi32>, vector<16xi1> -> vector<16xi32>
      %reduce_sum3A_1308 = vector.extract %reduce_sum3A_1307[15] : i32 from vector<16xi32>
      %add3A_1309 = arith.addi %scan3A_1294, %reduce_sum3A_1308 : i32
      scf.yield %add3A_1309 : i32
    }
    %scan3A_764 = arith.constant 128 : i32
    "tpu.region"() ({
      %run_scoped3A = tpu.sem_alloc : memref<!tpu.dma_semaphore, #tpu.memory_space<semaphore_mem>>
      %dma_start3A_1293 = tpu.memref_slice %arg9[%mul3A_0] : memref<20480xi32, #tpu.memory_space<vmem_shared>> -> memref<1280xi32, #tpu.memory_space<vmem_shared>>
      %dma_start3A_1294 = tpu.memref_slice %arg9[%mul3A_0] : memref<20480xi32, #tpu.memory_space<vmem_shared>> -> memref<1280xi32, #tpu.memory_space<vmem_shared>>
      tpu.enqueue_dma source(%dma_start3A_1294 : memref<1280xi32, #tpu.memory_space<vmem_shared>>) target(%arg18 : memref<1280xi32, #tpu.memory_space<vmem>>) target_semaphore(%run_scoped3A : memref<!tpu.dma_semaphore, #tpu.memory_space<semaphore_mem>>)
      %dma_wait3A_1295 = tpu.memref_slice %arg9[%mul3A_0] : memref<20480xi32, #tpu.memory_space<vmem_shared>> -> memref<1280xi32, #tpu.memory_space<vmem_shared>>
      %dma_wait3A_1296 = tpu.memref_slice %arg9[%mul3A_0] : memref<20480xi32, #tpu.memory_space<vmem_shared>> -> memref<1280xi32, #tpu.memory_space<vmem_shared>>
      tpu.wait_dma2 semaphore(%run_scoped3A : memref<!tpu.dma_semaphore, #tpu.memory_space<semaphore_mem>>) src(%dma_wait3A_1296 : memref<1280xi32, #tpu.memory_space<vmem_shared>>) dst(%arg18 : memref<1280xi32, #tpu.memory_space<vmem>>)
      tpu.yield
    }) : () -> ()
    %scan3A_765 = arith.constant 0 : i32
    %scan3A_766 = arith.constant 22 : i32
    %scan3A_767 = arith.constant 2047 : i32
    %scan3A_768 = arith.constant 0 : i32
    %scan3A_769 = arith.constant 80 : i32
    %scan3A_770 = arith.addi %scan3A_768, %scan3A_769 : i32
    %scan3A_771 = arith.constant 1 : i32
    scf.for %scan3A_1293 = %scan3A_768 to %scan3A_770 step %scan3A_771  : i32 {
      %mul3A_1294 = arith.constant 16 : i32
      %mul3A_1295 = arith.muli %scan3A_1293, %mul3A_1294 : i32
      %get3A = arith.index_cast %mul3A_1295 : i32 to index
      %get3A_1296 = tpu.vector_load %arg17[%get3A] {strides = array<i32>} : memref<1280xi32, #tpu.memory_space<vmem>>, vector<16xi32>,
      %shift_right_logical3A = vector.broadcast %scan3A_766 : i32 to vector<16xi32>
      %shift_right_logical3A_1297 = arith.shrui %get3A_1296, %shift_right_logical3A : vector<16xi32>
      %and3A_1298 = vector.broadcast %scan3A_767 : i32 to vector<16xi32>
      %and3A_1299 = arith.andi %shift_right_logical3A_1297, %and3A_1298 : vector<16xi32>
      %gather3A = tpu.vector_load_idx %arg23[%and3A_1299] : memref<2048xi32, #tpu.memory_space<vmem>>[vector<16xi32>], vector<16xi32>,
      %broadcast_in_dim3A_1300 = arith.constant true
      %broadcast_in_dim3A_1301 = vector.broadcast %broadcast_in_dim3A_1300 : i1 to vector<16xi1>
      %unique3A, %unique3A_1302 = tpu.scan_count mask(%broadcast_in_dim3A_1301 : vector<16xi1>) value(%and3A_1299 : vector<16xi32>) : vector<16xi1>, vector<16xi32>
      %add3A_1303 = arith.addi %gather3A, %unique3A_1302 : vector<16xi32>
      %sub3A = arith.constant 1 : i32
      %sub3A_1304 = vector.broadcast %sub3A : i32 to vector<16xi32>
      %sub3A_1305 = arith.subi %add3A_1303, %sub3A_1304 : vector<16xi32>
      %shift_right_arithmetic3A = arith.constant 3 : i32
      %shift_right_arithmetic3A_1306 = arith.shrsi %scan3A_1293, %shift_right_arithmetic3A : i32
      %and3A_1307 = arith.constant 7 : i32
      %and3A_1308 = arith.andi %scan3A_1293, %and3A_1307 : i32
      %mul3A_1309 = arith.constant 16 : i32
      %mul3A_1310 = arith.muli %and3A_1308, %mul3A_1309 : i32
      %swap3A = arith.index_cast %shift_right_arithmetic3A_1306 : i32 to index
      %swap3A_1311 = arith.index_cast %mul3A_1310 : i32 to index
      %swap3A_1312 = tpu.vector_load %arg24[%swap3A, %swap3A_1311] {strides = array<i32>} : memref<10x128xi32, #tpu.memory_space<vmem>>, vector<16xi32>,
      tpu.vector_store %arg24[%swap3A, %swap3A_1311], %sub3A_1305 {strides = array<i32>} : memref<10x128xi32, #tpu.memory_space<vmem>>, vector<16xi32>,
      %add3A_1313 = arith.addi %gather3A, %unique3A_1302 : vector<16xi32>
      tpu.vector_store_idx %arg23[%and3A_1299], %add3A_1313 masked %unique3A : memref<2048xi32, #tpu.memory_space<vmem>>[vector<16xi32>], vector<16xi32>, vector<16xi1>
    }
    %scan3A_772 = arith.constant 80 : i32
    %dma_start3A_773 = arith.constant 0 : i32
    %dma_start3A_774 = arith.constant 0 : i32
    %dma_start3A_775 = tpu.memref_slice %arg17[%dma_start3A_774] : memref<1280xi32, #tpu.memory_space<vmem>> -> memref<128xi32, #tpu.memory_space<vmem>>
    %dma_start3A_776 = arith.constant 0 : i32
    %dma_start3A_777 = tpu.memref_slice %arg24[%dma_start3A_773, %dma_start3A_776] : memref<10x128xi32, #tpu.memory_space<vmem>> -> memref<1x128xi32, #tpu.memory_space<vmem>>
    %dma_start3A_778 = tpu.memref_squeeze %dma_start3A_777 : memref<1x128xi32, #tpu.memory_space<vmem>> -> memref<128xi32, #tpu.memory_space<vmem>>
    %dma_start3A_779 = arith.constant 0 : i32
    %dma_start3A_780 = tpu.memref_slice %arg10[%dma_start3A_779] : memref<20480xi32, #tpu.memory_space<vmem_shared>> -> memref<20480xi32, #tpu.memory_space<vmem_shared>>
    tpu.enqueue_indirect_dma source(%dma_start3A_775 : memref<128xi32, #tpu.memory_space<vmem>>) target(%dma_start3A_780 : memref<20480xi32, #tpu.memory_space<vmem_shared>>) offsets(%dma_start3A_778 : memref<128xi32, #tpu.memory_space<vmem>>) semaphore(%arg28 : memref<!tpu.dma_semaphore, #tpu.memory_space<semaphore_mem>>)
    %dma_start3A_781 = arith.constant 0 : i32
    %dma_start3A_782 = arith.constant 0 : i32
    %dma_start3A_783 = tpu.memref_slice %arg18[%dma_start3A_782] : memref<1280xi32, #tpu.memory_space<vmem>> -> memref<128xi32, #tpu.memory_space<vmem>>
    %dma_start3A_784 = arith.constant 0 : i32
    %dma_start3A_785 = tpu.memref_slice %arg24[%dma_start3A_781, %dma_start3A_784] : memref<10x128xi32, #tpu.memory_space<vmem>> -> memref<1x128xi32, #tpu.memory_space<vmem>>
    %dma_start3A_786 = tpu.memref_squeeze %dma_start3A_785 : memref<1x128xi32, #tpu.memory_space<vmem>> -> memref<128xi32, #tpu.memory_space<vmem>>
    %dma_start3A_787 = arith.constant 0 : i32
    %dma_start3A_788 = tpu.memref_slice %arg11[%dma_start3A_787] : memref<20480xi32, #tpu.memory_space<vmem_shared>> -> memref<20480xi32, #tpu.memory_space<vmem_shared>>
    tpu.enqueue_indirect_dma source(%dma_start3A_783 : memref<128xi32, #tpu.memory_space<vmem>>) target(%dma_start3A_788 : memref<20480xi32, #tpu.memory_space<vmem_shared>>) offsets(%dma_start3A_786 : memref<128xi32, #tpu.memory_space<vmem>>) semaphore(%arg28 : memref<!tpu.dma_semaphore, #tpu.memory_space<semaphore_mem>>)
    %dma_start3A_789 = arith.constant 1 : i32
    %dma_start3A_790 = arith.constant 128 : i32
    %dma_start3A_791 = tpu.memref_slice %arg17[%dma_start3A_790] : memref<1280xi32, #tpu.memory_space<vmem>> -> memref<128xi32, #tpu.memory_space<vmem>>
    %dma_start3A_792 = arith.constant 0 : i32
    %dma_start3A_793 = tpu.memref_slice %arg24[%dma_start3A_789, %dma_start3A_792] : memref<10x128xi32, #tpu.memory_space<vmem>> -> memref<1x128xi32, #tpu.memory_space<vmem>>
    %dma_start3A_794 = tpu.memref_squeeze %dma_start3A_793 : memref<1x128xi32, #tpu.memory_space<vmem>> -> memref<128xi32, #tpu.memory_space<vmem>>
    %dma_start3A_795 = arith.constant 0 : i32
    %dma_start3A_796 = tpu.memref_slice %arg10[%dma_start3A_795] : memref<20480xi32, #tpu.memory_space<vmem_shared>> -> memref<20480xi32, #tpu.memory_space<vmem_shared>>
    tpu.enqueue_indirect_dma source(%dma_start3A_791 : memref<128xi32, #tpu.memory_space<vmem>>) target(%dma_start3A_796 : memref<20480xi32, #tpu.memory_space<vmem_shared>>) offsets(%dma_start3A_794 : memref<128xi32, #tpu.memory_space<vmem>>) semaphore(%arg28 : memref<!tpu.dma_semaphore, #tpu.memory_space<semaphore_mem>>)
    %dma_start3A_797 = arith.constant 1 : i32
    %dma_start3A_798 = arith.constant 128 : i32
    %dma_start3A_799 = tpu.memref_slice %arg18[%dma_start3A_798] : memref<1280xi32, #tpu.memory_space<vmem>> -> memref<128xi32, #tpu.memory_space<vmem>>
    %dma_start3A_800 = arith.constant 0 : i32
    %dma_start3A_801 = tpu.memref_slice %arg24[%dma_start3A_797, %dma_start3A_800] : memref<10x128xi32, #tpu.memory_space<vmem>> -> memref<1x128xi32, #tpu.memory_space<vmem>>
    %dma_start3A_802 = tpu.memref_squeeze %dma_start3A_801 : memref<1x128xi32, #tpu.memory_space<vmem>> -> memref<128xi32, #tpu.memory_space<vmem>>
    %dma_start3A_803 = arith.constant 0 : i32
    %dma_start3A_804 = tpu.memref_slice %arg11[%dma_start3A_803] : memref<20480xi32, #tpu.memory_space<vmem_shared>> -> memref<20480xi32, #tpu.memory_space<vmem_shared>>
    tpu.enqueue_indirect_dma source(%dma_start3A_799 : memref<128xi32, #tpu.memory_space<vmem>>) target(%dma_start3A_804 : memref<20480xi32, #tpu.memory_space<vmem_shared>>) offsets(%dma_start3A_802 : memref<128xi32, #tpu.memory_space<vmem>>) semaphore(%arg28 : memref<!tpu.dma_semaphore, #tpu.memory_space<semaphore_mem>>)
    %dma_start3A_805 = arith.constant 2 : i32
    %dma_start3A_806 = arith.constant 256 : i32
    %dma_start3A_807 = tpu.memref_slice %arg17[%dma_start3A_806] : memref<1280xi32, #tpu.memory_space<vmem>> -> memref<128xi32, #tpu.memory_space<vmem>>
    %dma_start3A_808 = arith.constant 0 : i32
    %dma_start3A_809 = tpu.memref_slice %arg24[%dma_start3A_805, %dma_start3A_808] : memref<10x128xi32, #tpu.memory_space<vmem>> -> memref<1x128xi32, #tpu.memory_space<vmem>>
    %dma_start3A_810 = tpu.memref_squeeze %dma_start3A_809 : memref<1x128xi32, #tpu.memory_space<vmem>> -> memref<128xi32, #tpu.memory_space<vmem>>
    %dma_start3A_811 = arith.constant 0 : i32
    %dma_start3A_812 = tpu.memref_slice %arg10[%dma_start3A_811] : memref<20480xi32, #tpu.memory_space<vmem_shared>> -> memref<20480xi32, #tpu.memory_space<vmem_shared>>
    tpu.enqueue_indirect_dma source(%dma_start3A_807 : memref<128xi32, #tpu.memory_space<vmem>>) target(%dma_start3A_812 : memref<20480xi32, #tpu.memory_space<vmem_shared>>) offsets(%dma_start3A_810 : memref<128xi32, #tpu.memory_space<vmem>>) semaphore(%arg28 : memref<!tpu.dma_semaphore, #tpu.memory_space<semaphore_mem>>)
    %dma_start3A_813 = arith.constant 2 : i32
    %dma_start3A_814 = arith.constant 256 : i32
    %dma_start3A_815 = tpu.memref_slice %arg18[%dma_start3A_814] : memref<1280xi32, #tpu.memory_space<vmem>> -> memref<128xi32, #tpu.memory_space<vmem>>
    %dma_start3A_816 = arith.constant 0 : i32
    %dma_start3A_817 = tpu.memref_slice %arg24[%dma_start3A_813, %dma_start3A_816] : memref<10x128xi32, #tpu.memory_space<vmem>> -> memref<1x128xi32, #tpu.memory_space<vmem>>
    %dma_start3A_818 = tpu.memref_squeeze %dma_start3A_817 : memref<1x128xi32, #tpu.memory_space<vmem>> -> memref<128xi32, #tpu.memory_space<vmem>>
    %dma_start3A_819 = arith.constant 0 : i32
    %dma_start3A_820 = tpu.memref_slice %arg11[%dma_start3A_819] : memref<20480xi32, #tpu.memory_space<vmem_shared>> -> memref<20480xi32, #tpu.memory_space<vmem_shared>>
    tpu.enqueue_indirect_dma source(%dma_start3A_815 : memref<128xi32, #tpu.memory_space<vmem>>) target(%dma_start3A_820 : memref<20480xi32, #tpu.memory_space<vmem_shared>>) offsets(%dma_start3A_818 : memref<128xi32, #tpu.memory_space<vmem>>) semaphore(%arg28 : memref<!tpu.dma_semaphore, #tpu.memory_space<semaphore_mem>>)
    %dma_start3A_821 = arith.constant 3 : i32
    %dma_start3A_822 = arith.constant 384 : i32
    %dma_start3A_823 = tpu.memref_slice %arg17[%dma_start3A_822] : memref<1280xi32, #tpu.memory_space<vmem>> -> memref<128xi32, #tpu.memory_space<vmem>>
    %dma_start3A_824 = arith.constant 0 : i32
    %dma_start3A_825 = tpu.memref_slice %arg24[%dma_start3A_821, %dma_start3A_824] : memref<10x128xi32, #tpu.memory_space<vmem>> -> memref<1x128xi32, #tpu.memory_space<vmem>>
    %dma_start3A_826 = tpu.memref_squeeze %dma_start3A_825 : memref<1x128xi32, #tpu.memory_space<vmem>> -> memref<128xi32, #tpu.memory_space<vmem>>
    %dma_start3A_827 = arith.constant 0 : i32
    %dma_start3A_828 = tpu.memref_slice %arg10[%dma_start3A_827] : memref<20480xi32, #tpu.memory_space<vmem_shared>> -> memref<20480xi32, #tpu.memory_space<vmem_shared>>
    tpu.enqueue_indirect_dma source(%dma_start3A_823 : memref<128xi32, #tpu.memory_space<vmem>>) target(%dma_start3A_828 : memref<20480xi32, #tpu.memory_space<vmem_shared>>) offsets(%dma_start3A_826 : memref<128xi32, #tpu.memory_space<vmem>>) semaphore(%arg28 : memref<!tpu.dma_semaphore, #tpu.memory_space<semaphore_mem>>)
    %dma_start3A_829 = arith.constant 3 : i32
    %dma_start3A_830 = arith.constant 384 : i32
    %dma_start3A_831 = tpu.memref_slice %arg18[%dma_start3A_830] : memref<1280xi32, #tpu.memory_space<vmem>> -> memref<128xi32, #tpu.memory_space<vmem>>
    %dma_start3A_832 = arith.constant 0 : i32
    %dma_start3A_833 = tpu.memref_slice %arg24[%dma_start3A_829, %dma_start3A_832] : memref<10x128xi32, #tpu.memory_space<vmem>> -> memref<1x128xi32, #tpu.memory_space<vmem>>
    %dma_start3A_834 = tpu.memref_squeeze %dma_start3A_833 : memref<1x128xi32, #tpu.memory_space<vmem>> -> memref<128xi32, #tpu.memory_space<vmem>>
    %dma_start3A_835 = arith.constant 0 : i32
    %dma_start3A_836 = tpu.memref_slice %arg11[%dma_start3A_835] : memref<20480xi32, #tpu.memory_space<vmem_shared>> -> memref<20480xi32, #tpu.memory_space<vmem_shared>>
    tpu.enqueue_indirect_dma source(%dma_start3A_831 : memref<128xi32, #tpu.memory_space<vmem>>) target(%dma_start3A_836 : memref<20480xi32, #tpu.memory_space<vmem_shared>>) offsets(%dma_start3A_834 : memref<128xi32, #tpu.memory_space<vmem>>) semaphore(%arg28 : memref<!tpu.dma_semaphore, #tpu.memory_space<semaphore_mem>>)
    %dma_start3A_837 = arith.constant 4 : i32
    %dma_start3A_838 = arith.constant 512 : i32
    %dma_start3A_839 = tpu.memref_slice %arg17[%dma_start3A_838] : memref<1280xi32, #tpu.memory_space<vmem>> -> memref<128xi32, #tpu.memory_space<vmem>>
    %dma_start3A_840 = arith.constant 0 : i32
    %dma_start3A_841 = tpu.memref_slice %arg24[%dma_start3A_837, %dma_start3A_840] : memref<10x128xi32, #tpu.memory_space<vmem>> -> memref<1x128xi32, #tpu.memory_space<vmem>>
    %dma_start3A_842 = tpu.memref_squeeze %dma_start3A_841 : memref<1x128xi32, #tpu.memory_space<vmem>> -> memref<128xi32, #tpu.memory_space<vmem>>
    %dma_start3A_843 = arith.constant 0 : i32
    %dma_start3A_844 = tpu.memref_slice %arg10[%dma_start3A_843] : memref<20480xi32, #tpu.memory_space<vmem_shared>> -> memref<20480xi32, #tpu.memory_space<vmem_shared>>
    tpu.enqueue_indirect_dma source(%dma_start3A_839 : memref<128xi32, #tpu.memory_space<vmem>>) target(%dma_start3A_844 : memref<20480xi32, #tpu.memory_space<vmem_shared>>) offsets(%dma_start3A_842 : memref<128xi32, #tpu.memory_space<vmem>>) semaphore(%arg28 : memref<!tpu.dma_semaphore, #tpu.memory_space<semaphore_mem>>)
    %dma_start3A_845 = arith.constant 4 : i32
    %dma_start3A_846 = arith.constant 512 : i32
    %dma_start3A_847 = tpu.memref_slice %arg18[%dma_start3A_846] : memref<1280xi32, #tpu.memory_space<vmem>> -> memref<128xi32, #tpu.memory_space<vmem>>
    %dma_start3A_848 = arith.constant 0 : i32
    %dma_start3A_849 = tpu.memref_slice %arg24[%dma_start3A_845, %dma_start3A_848] : memref<10x128xi32, #tpu.memory_space<vmem>> -> memref<1x128xi32, #tpu.memory_space<vmem>>
    %dma_start3A_850 = tpu.memref_squeeze %dma_start3A_849 : memref<1x128xi32, #tpu.memory_space<vmem>> -> memref<128xi32, #tpu.memory_space<vmem>>
    %dma_start3A_851 = arith.constant 0 : i32
    %dma_start3A_852 = tpu.memref_slice %arg11[%dma_start3A_851] : memref<20480xi32, #tpu.memory_space<vmem_shared>> -> memref<20480xi32, #tpu.memory_space<vmem_shared>>
    tpu.enqueue_indirect_dma source(%dma_start3A_847 : memref<128xi32, #tpu.memory_space<vmem>>) target(%dma_start3A_852 : memref<20480xi32, #tpu.memory_space<vmem_shared>>) offsets(%dma_start3A_850 : memref<128xi32, #tpu.memory_space<vmem>>) semaphore(%arg28 : memref<!tpu.dma_semaphore, #tpu.memory_space<semaphore_mem>>)
    %dma_start3A_853 = arith.constant 5 : i32
    %dma_start3A_854 = arith.constant 640 : i32
    %dma_start3A_855 = tpu.memref_slice %arg17[%dma_start3A_854] : memref<1280xi32, #tpu.memory_space<vmem>> -> memref<128xi32, #tpu.memory_space<vmem>>
    %dma_start3A_856 = arith.constant 0 : i32
    %dma_start3A_857 = tpu.memref_slice %arg24[%dma_start3A_853, %dma_start3A_856] : memref<10x128xi32, #tpu.memory_space<vmem>> -> memref<1x128xi32, #tpu.memory_space<vmem>>
    %dma_start3A_858 = tpu.memref_squeeze %dma_start3A_857 : memref<1x128xi32, #tpu.memory_space<vmem>> -> memref<128xi32, #tpu.memory_space<vmem>>
    %dma_start3A_859 = arith.constant 0 : i32
    %dma_start3A_860 = tpu.memref_slice %arg10[%dma_start3A_859] : memref<20480xi32, #tpu.memory_space<vmem_shared>> -> memref<20480xi32, #tpu.memory_space<vmem_shared>>
    tpu.enqueue_indirect_dma source(%dma_start3A_855 : memref<128xi32, #tpu.memory_space<vmem>>) target(%dma_start3A_860 : memref<20480xi32, #tpu.memory_space<vmem_shared>>) offsets(%dma_start3A_858 : memref<128xi32, #tpu.memory_space<vmem>>) semaphore(%arg28 : memref<!tpu.dma_semaphore, #tpu.memory_space<semaphore_mem>>)
    %dma_start3A_861 = arith.constant 5 : i32
    %dma_start3A_862 = arith.constant 640 : i32
    %dma_start3A_863 = tpu.memref_slice %arg18[%dma_start3A_862] : memref<1280xi32, #tpu.memory_space<vmem>> -> memref<128xi32, #tpu.memory_space<vmem>>
    %dma_start3A_864 = arith.constant 0 : i32
    %dma_start3A_865 = tpu.memref_slice %arg24[%dma_start3A_861, %dma_start3A_864] : memref<10x128xi32, #tpu.memory_space<vmem>> -> memref<1x128xi32, #tpu.memory_space<vmem>>
    %dma_start3A_866 = tpu.memref_squeeze %dma_start3A_865 : memref<1x128xi32, #tpu.memory_space<vmem>> -> memref<128xi32, #tpu.memory_space<vmem>>
    %dma_start3A_867 = arith.constant 0 : i32
    %dma_start3A_868 = tpu.memref_slice %arg11[%dma_start3A_867] : memref<20480xi32, #tpu.memory_space<vmem_shared>> -> memref<20480xi32, #tpu.memory_space<vmem_shared>>
    tpu.enqueue_indirect_dma source(%dma_start3A_863 : memref<128xi32, #tpu.memory_space<vmem>>) target(%dma_start3A_868 : memref<20480xi32, #tpu.memory_space<vmem_shared>>) offsets(%dma_start3A_866 : memref<128xi32, #tpu.memory_space<vmem>>) semaphore(%arg28 : memref<!tpu.dma_semaphore, #tpu.memory_space<semaphore_mem>>)
    %dma_start3A_869 = arith.constant 6 : i32
    %dma_start3A_870 = arith.constant 768 : i32
    %dma_start3A_871 = tpu.memref_slice %arg17[%dma_start3A_870] : memref<1280xi32, #tpu.memory_space<vmem>> -> memref<128xi32, #tpu.memory_space<vmem>>
    %dma_start3A_872 = arith.constant 0 : i32
    %dma_start3A_873 = tpu.memref_slice %arg24[%dma_start3A_869, %dma_start3A_872] : memref<10x128xi32, #tpu.memory_space<vmem>> -> memref<1x128xi32, #tpu.memory_space<vmem>>
    %dma_start3A_874 = tpu.memref_squeeze %dma_start3A_873 : memref<1x128xi32, #tpu.memory_space<vmem>> -> memref<128xi32, #tpu.memory_space<vmem>>
    %dma_start3A_875 = arith.constant 0 : i32
    %dma_start3A_876 = tpu.memref_slice %arg10[%dma_start3A_875] : memref<20480xi32, #tpu.memory_space<vmem_shared>> -> memref<20480xi32, #tpu.memory_space<vmem_shared>>
    tpu.enqueue_indirect_dma source(%dma_start3A_871 : memref<128xi32, #tpu.memory_space<vmem>>) target(%dma_start3A_876 : memref<20480xi32, #tpu.memory_space<vmem_shared>>) offsets(%dma_start3A_874 : memref<128xi32, #tpu.memory_space<vmem>>) semaphore(%arg28 : memref<!tpu.dma_semaphore, #tpu.memory_space<semaphore_mem>>)
    %dma_start3A_877 = arith.constant 6 : i32
    %dma_start3A_878 = arith.constant 768 : i32
    %dma_start3A_879 = tpu.memref_slice %arg18[%dma_start3A_878] : memref<1280xi32, #tpu.memory_space<vmem>> -> memref<128xi32, #tpu.memory_space<vmem>>
    %dma_start3A_880 = arith.constant 0 : i32
    %dma_start3A_881 = tpu.memref_slice %arg24[%dma_start3A_877, %dma_start3A_880] : memref<10x128xi32, #tpu.memory_space<vmem>> -> memref<1x128xi32, #tpu.memory_space<vmem>>
    %dma_start3A_882 = tpu.memref_squeeze %dma_start3A_881 : memref<1x128xi32, #tpu.memory_space<vmem>> -> memref<128xi32, #tpu.memory_space<vmem>>
    %dma_start3A_883 = arith.constant 0 : i32
    %dma_start3A_884 = tpu.memref_slice %arg11[%dma_start3A_883] : memref<20480xi32, #tpu.memory_space<vmem_shared>> -> memref<20480xi32, #tpu.memory_space<vmem_shared>>
    tpu.enqueue_indirect_dma source(%dma_start3A_879 : memref<128xi32, #tpu.memory_space<vmem>>) target(%dma_start3A_884 : memref<20480xi32, #tpu.memory_space<vmem_shared>>) offsets(%dma_start3A_882 : memref<128xi32, #tpu.memory_space<vmem>>) semaphore(%arg28 : memref<!tpu.dma_semaphore, #tpu.memory_space<semaphore_mem>>)
    %dma_start3A_885 = arith.constant 7 : i32
    %dma_start3A_886 = arith.constant 896 : i32
    %dma_start3A_887 = tpu.memref_slice %arg17[%dma_start3A_886] : memref<1280xi32, #tpu.memory_space<vmem>> -> memref<128xi32, #tpu.memory_space<vmem>>
    %dma_start3A_888 = arith.constant 0 : i32
    %dma_start3A_889 = tpu.memref_slice %arg24[%dma_start3A_885, %dma_start3A_888] : memref<10x128xi32, #tpu.memory_space<vmem>> -> memref<1x128xi32, #tpu.memory_space<vmem>>
    %dma_start3A_890 = tpu.memref_squeeze %dma_start3A_889 : memref<1x128xi32, #tpu.memory_space<vmem>> -> memref<128xi32, #tpu.memory_space<vmem>>
    %dma_start3A_891 = arith.constant 0 : i32
    %dma_start3A_892 = tpu.memref_slice %arg10[%dma_start3A_891] : memref<20480xi32, #tpu.memory_space<vmem_shared>> -> memref<20480xi32, #tpu.memory_space<vmem_shared>>
    tpu.enqueue_indirect_dma source(%dma_start3A_887 : memref<128xi32, #tpu.memory_space<vmem>>) target(%dma_start3A_892 : memref<20480xi32, #tpu.memory_space<vmem_shared>>) offsets(%dma_start3A_890 : memref<128xi32, #tpu.memory_space<vmem>>) semaphore(%arg28 : memref<!tpu.dma_semaphore, #tpu.memory_space<semaphore_mem>>)
    %dma_start3A_893 = arith.constant 7 : i32
    %dma_start3A_894 = arith.constant 896 : i32
    %dma_start3A_895 = tpu.memref_slice %arg18[%dma_start3A_894] : memref<1280xi32, #tpu.memory_space<vmem>> -> memref<128xi32, #tpu.memory_space<vmem>>
    %dma_start3A_896 = arith.constant 0 : i32
    %dma_start3A_897 = tpu.memref_slice %arg24[%dma_start3A_893, %dma_start3A_896] : memref<10x128xi32, #tpu.memory_space<vmem>> -> memref<1x128xi32, #tpu.memory_space<vmem>>
    %dma_start3A_898 = tpu.memref_squeeze %dma_start3A_897 : memref<1x128xi32, #tpu.memory_space<vmem>> -> memref<128xi32, #tpu.memory_space<vmem>>
    %dma_start3A_899 = arith.constant 0 : i32
    %dma_start3A_900 = tpu.memref_slice %arg11[%dma_start3A_899] : memref<20480xi32, #tpu.memory_space<vmem_shared>> -> memref<20480xi32, #tpu.memory_space<vmem_shared>>
    tpu.enqueue_indirect_dma source(%dma_start3A_895 : memref<128xi32, #tpu.memory_space<vmem>>) target(%dma_start3A_900 : memref<20480xi32, #tpu.memory_space<vmem_shared>>) offsets(%dma_start3A_898 : memref<128xi32, #tpu.memory_space<vmem>>) semaphore(%arg28 : memref<!tpu.dma_semaphore, #tpu.memory_space<semaphore_mem>>)
    %dma_start3A_901 = arith.constant 8 : i32
    %dma_start3A_902 = arith.constant 1024 : i32
    %dma_start3A_903 = tpu.memref_slice %arg17[%dma_start3A_902] : memref<1280xi32, #tpu.memory_space<vmem>> -> memref<128xi32, #tpu.memory_space<vmem>>
    %dma_start3A_904 = arith.constant 0 : i32
    %dma_start3A_905 = tpu.memref_slice %arg24[%dma_start3A_901, %dma_start3A_904] : memref<10x128xi32, #tpu.memory_space<vmem>> -> memref<1x128xi32, #tpu.memory_space<vmem>>
    %dma_start3A_906 = tpu.memref_squeeze %dma_start3A_905 : memref<1x128xi32, #tpu.memory_space<vmem>> -> memref<128xi32, #tpu.memory_space<vmem>>
    %dma_start3A_907 = arith.constant 0 : i32
    %dma_start3A_908 = tpu.memref_slice %arg10[%dma_start3A_907] : memref<20480xi32, #tpu.memory_space<vmem_shared>> -> memref<20480xi32, #tpu.memory_space<vmem_shared>>
    tpu.enqueue_indirect_dma source(%dma_start3A_903 : memref<128xi32, #tpu.memory_space<vmem>>) target(%dma_start3A_908 : memref<20480xi32, #tpu.memory_space<vmem_shared>>) offsets(%dma_start3A_906 : memref<128xi32, #tpu.memory_space<vmem>>) semaphore(%arg28 : memref<!tpu.dma_semaphore, #tpu.memory_space<semaphore_mem>>)
    %dma_start3A_909 = arith.constant 8 : i32
    %dma_start3A_910 = arith.constant 1024 : i32
    %dma_start3A_911 = tpu.memref_slice %arg18[%dma_start3A_910] : memref<1280xi32, #tpu.memory_space<vmem>> -> memref<128xi32, #tpu.memory_space<vmem>>
    %dma_start3A_912 = arith.constant 0 : i32
    %dma_start3A_913 = tpu.memref_slice %arg24[%dma_start3A_909, %dma_start3A_912] : memref<10x128xi32, #tpu.memory_space<vmem>> -> memref<1x128xi32, #tpu.memory_space<vmem>>
    %dma_start3A_914 = tpu.memref_squeeze %dma_start3A_913 : memref<1x128xi32, #tpu.memory_space<vmem>> -> memref<128xi32, #tpu.memory_space<vmem>>
    %dma_start3A_915 = arith.constant 0 : i32
    %dma_start3A_916 = tpu.memref_slice %arg11[%dma_start3A_915] : memref<20480xi32, #tpu.memory_space<vmem_shared>> -> memref<20480xi32, #tpu.memory_space<vmem_shared>>
    tpu.enqueue_indirect_dma source(%dma_start3A_911 : memref<128xi32, #tpu.memory_space<vmem>>) target(%dma_start3A_916 : memref<20480xi32, #tpu.memory_space<vmem_shared>>) offsets(%dma_start3A_914 : memref<128xi32, #tpu.memory_space<vmem>>) semaphore(%arg28 : memref<!tpu.dma_semaphore, #tpu.memory_space<semaphore_mem>>)
    %dma_start3A_917 = arith.constant 9 : i32
    %dma_start3A_918 = arith.constant 1152 : i32
    %dma_start3A_919 = tpu.memref_slice %arg17[%dma_start3A_918] : memref<1280xi32, #tpu.memory_space<vmem>> -> memref<128xi32, #tpu.memory_space<vmem>>
    %dma_start3A_920 = arith.constant 0 : i32
    %dma_start3A_921 = tpu.memref_slice %arg24[%dma_start3A_917, %dma_start3A_920] : memref<10x128xi32, #tpu.memory_space<vmem>> -> memref<1x128xi32, #tpu.memory_space<vmem>>
    %dma_start3A_922 = tpu.memref_squeeze %dma_start3A_921 : memref<1x128xi32, #tpu.memory_space<vmem>> -> memref<128xi32, #tpu.memory_space<vmem>>
    %dma_start3A_923 = arith.constant 0 : i32
    %dma_start3A_924 = tpu.memref_slice %arg10[%dma_start3A_923] : memref<20480xi32, #tpu.memory_space<vmem_shared>> -> memref<20480xi32, #tpu.memory_space<vmem_shared>>
    tpu.enqueue_indirect_dma source(%dma_start3A_919 : memref<128xi32, #tpu.memory_space<vmem>>) target(%dma_start3A_924 : memref<20480xi32, #tpu.memory_space<vmem_shared>>) offsets(%dma_start3A_922 : memref<128xi32, #tpu.memory_space<vmem>>) semaphore(%arg28 : memref<!tpu.dma_semaphore, #tpu.memory_space<semaphore_mem>>)
    %dma_start3A_925 = arith.constant 9 : i32
    %dma_start3A_926 = arith.constant 1152 : i32
    %dma_start3A_927 = tpu.memref_slice %arg18[%dma_start3A_926] : memref<1280xi32, #tpu.memory_space<vmem>> -> memref<128xi32, #tpu.memory_space<vmem>>
    %dma_start3A_928 = arith.constant 0 : i32
    %dma_start3A_929 = tpu.memref_slice %arg24[%dma_start3A_925, %dma_start3A_928] : memref<10x128xi32, #tpu.memory_space<vmem>> -> memref<1x128xi32, #tpu.memory_space<vmem>>
    %dma_start3A_930 = tpu.memref_squeeze %dma_start3A_929 : memref<1x128xi32, #tpu.memory_space<vmem>> -> memref<128xi32, #tpu.memory_space<vmem>>
    %dma_start3A_931 = arith.constant 0 : i32
    %dma_start3A_932 = tpu.memref_slice %arg11[%dma_start3A_931] : memref<20480xi32, #tpu.memory_space<vmem_shared>> -> memref<20480xi32, #tpu.memory_space<vmem_shared>>
    tpu.enqueue_indirect_dma source(%dma_start3A_927 : memref<128xi32, #tpu.memory_space<vmem>>) target(%dma_start3A_932 : memref<20480xi32, #tpu.memory_space<vmem_shared>>) offsets(%dma_start3A_930 : memref<128xi32, #tpu.memory_space<vmem>>) semaphore(%arg28 : memref<!tpu.dma_semaphore, #tpu.memory_space<semaphore_mem>>)
    %dma_wait3A_933 = arith.constant 0 : i32
    %dma_wait3A_934 = arith.constant 0 : i32
    %dma_wait3A_935 = tpu.memref_slice %arg17[%dma_wait3A_934] : memref<1280xi32, #tpu.memory_space<vmem>> -> memref<128xi32, #tpu.memory_space<vmem>>
    %dma_wait3A_936 = arith.constant 0 : i32
    %dma_wait3A_937 = tpu.memref_slice %arg24[%dma_wait3A_933, %dma_wait3A_936] : memref<10x128xi32, #tpu.memory_space<vmem>> -> memref<1x128xi32, #tpu.memory_space<vmem>>
    %dma_wait3A_938 = tpu.memref_squeeze %dma_wait3A_937 : memref<1x128xi32, #tpu.memory_space<vmem>> -> memref<128xi32, #tpu.memory_space<vmem>>
    %dma_wait3A_939 = arith.constant 0 : i32
    %dma_wait3A_940 = tpu.memref_slice %arg10[%dma_wait3A_939] : memref<20480xi32, #tpu.memory_space<vmem_shared>> -> memref<20480xi32, #tpu.memory_space<vmem_shared>>
    tpu.wait_indirect_dma semaphore(%arg28 : memref<!tpu.dma_semaphore, #tpu.memory_space<semaphore_mem>>) src(%dma_wait3A_935 : memref<128xi32, #tpu.memory_space<vmem>>) dst(%dma_wait3A_940 : memref<20480xi32, #tpu.memory_space<vmem_shared>>)
    %dma_wait3A_941 = arith.constant 0 : i32
    %dma_wait3A_942 = arith.constant 0 : i32
    %dma_wait3A_943 = tpu.memref_slice %arg18[%dma_wait3A_942] : memref<1280xi32, #tpu.memory_space<vmem>> -> memref<128xi32, #tpu.memory_space<vmem>>
    %dma_wait3A_944 = arith.constant 0 : i32
    %dma_wait3A_945 = tpu.memref_slice %arg24[%dma_wait3A_941, %dma_wait3A_944] : memref<10x128xi32, #tpu.memory_space<vmem>> -> memref<1x128xi32, #tpu.memory_space<vmem>>
    %dma_wait3A_946 = tpu.memref_squeeze %dma_wait3A_945 : memref<1x128xi32, #tpu.memory_space<vmem>> -> memref<128xi32, #tpu.memory_space<vmem>>
    %dma_wait3A_947 = arith.constant 0 : i32
    %dma_wait3A_948 = tpu.memref_slice %arg11[%dma_wait3A_947] : memref<20480xi32, #tpu.memory_space<vmem_shared>> -> memref<20480xi32, #tpu.memory_space<vmem_shared>>
    tpu.wait_indirect_dma semaphore(%arg28 : memref<!tpu.dma_semaphore, #tpu.memory_space<semaphore_mem>>) src(%dma_wait3A_943 : memref<128xi32, #tpu.memory_space<vmem>>) dst(%dma_wait3A_948 : memref<20480xi32, #tpu.memory_space<vmem_shared>>)
    %dma_wait3A_949 = arith.constant 1 : i32
    %dma_wait3A_950 = arith.constant 128 : i32
    %dma_wait3A_951 = tpu.memref_slice %arg17[%dma_wait3A_950] : memref<1280xi32, #tpu.memory_space<vmem>> -> memref<128xi32, #tpu.memory_space<vmem>>
    %dma_wait3A_952 = arith.constant 0 : i32
    %dma_wait3A_953 = tpu.memref_slice %arg24[%dma_wait3A_949, %dma_wait3A_952] : memref<10x128xi32, #tpu.memory_space<vmem>> -> memref<1x128xi32, #tpu.memory_space<vmem>>
    %dma_wait3A_954 = tpu.memref_squeeze %dma_wait3A_953 : memref<1x128xi32, #tpu.memory_space<vmem>> -> memref<128xi32, #tpu.memory_space<vmem>>
    %dma_wait3A_955 = arith.constant 0 : i32
    %dma_wait3A_956 = tpu.memref_slice %arg10[%dma_wait3A_955] : memref<20480xi32, #tpu.memory_space<vmem_shared>> -> memref<20480xi32, #tpu.memory_space<vmem_shared>>
    tpu.wait_indirect_dma semaphore(%arg28 : memref<!tpu.dma_semaphore, #tpu.memory_space<semaphore_mem>>) src(%dma_wait3A_951 : memref<128xi32, #tpu.memory_space<vmem>>) dst(%dma_wait3A_956 : memref<20480xi32, #tpu.memory_space<vmem_shared>>)
    %dma_wait3A_957 = arith.constant 1 : i32
    %dma_wait3A_958 = arith.constant 128 : i32
    %dma_wait3A_959 = tpu.memref_slice %arg18[%dma_wait3A_958] : memref<1280xi32, #tpu.memory_space<vmem>> -> memref<128xi32, #tpu.memory_space<vmem>>
    %dma_wait3A_960 = arith.constant 0 : i32
    %dma_wait3A_961 = tpu.memref_slice %arg24[%dma_wait3A_957, %dma_wait3A_960] : memref<10x128xi32, #tpu.memory_space<vmem>> -> memref<1x128xi32, #tpu.memory_space<vmem>>
    %dma_wait3A_962 = tpu.memref_squeeze %dma_wait3A_961 : memref<1x128xi32, #tpu.memory_space<vmem>> -> memref<128xi32, #tpu.memory_space<vmem>>
    %dma_wait3A_963 = arith.constant 0 : i32
    %dma_wait3A_964 = tpu.memref_slice %arg11[%dma_wait3A_963] : memref<20480xi32, #tpu.memory_space<vmem_shared>> -> memref<20480xi32, #tpu.memory_space<vmem_shared>>
    tpu.wait_indirect_dma semaphore(%arg28 : memref<!tpu.dma_semaphore, #tpu.memory_space<semaphore_mem>>) src(%dma_wait3A_959 : memref<128xi32, #tpu.memory_space<vmem>>) dst(%dma_wait3A_964 : memref<20480xi32, #tpu.memory_space<vmem_shared>>)
    %dma_wait3A_965 = arith.constant 2 : i32
    %dma_wait3A_966 = arith.constant 256 : i32
    %dma_wait3A_967 = tpu.memref_slice %arg17[%dma_wait3A_966] : memref<1280xi32, #tpu.memory_space<vmem>> -> memref<128xi32, #tpu.memory_space<vmem>>
    %dma_wait3A_968 = arith.constant 0 : i32
    %dma_wait3A_969 = tpu.memref_slice %arg24[%dma_wait3A_965, %dma_wait3A_968] : memref<10x128xi32, #tpu.memory_space<vmem>> -> memref<1x128xi32, #tpu.memory_space<vmem>>
    %dma_wait3A_970 = tpu.memref_squeeze %dma_wait3A_969 : memref<1x128xi32, #tpu.memory_space<vmem>> -> memref<128xi32, #tpu.memory_space<vmem>>
    %dma_wait3A_971 = arith.constant 0 : i32
    %dma_wait3A_972 = tpu.memref_slice %arg10[%dma_wait3A_971] : memref<20480xi32, #tpu.memory_space<vmem_shared>> -> memref<20480xi32, #tpu.memory_space<vmem_shared>>
    tpu.wait_indirect_dma semaphore(%arg28 : memref<!tpu.dma_semaphore, #tpu.memory_space<semaphore_mem>>) src(%dma_wait3A_967 : memref<128xi32, #tpu.memory_space<vmem>>) dst(%dma_wait3A_972 : memref<20480xi32, #tpu.memory_space<vmem_shared>>)
    %dma_wait3A_973 = arith.constant 2 : i32
    %dma_wait3A_974 = arith.constant 256 : i32
    %dma_wait3A_975 = tpu.memref_slice %arg18[%dma_wait3A_974] : memref<1280xi32, #tpu.memory_space<vmem>> -> memref<128xi32, #tpu.memory_space<vmem>>
    %dma_wait3A_976 = arith.constant 0 : i32
    %dma_wait3A_977 = tpu.memref_slice %arg24[%dma_wait3A_973, %dma_wait3A_976] : memref<10x128xi32, #tpu.memory_space<vmem>> -> memref<1x128xi32, #tpu.memory_space<vmem>>
    %dma_wait3A_978 = tpu.memref_squeeze %dma_wait3A_977 : memref<1x128xi32, #tpu.memory_space<vmem>> -> memref<128xi32, #tpu.memory_space<vmem>>
    %dma_wait3A_979 = arith.constant 0 : i32
    %dma_wait3A_980 = tpu.memref_slice %arg11[%dma_wait3A_979] : memref<20480xi32, #tpu.memory_space<vmem_shared>> -> memref<20480xi32, #tpu.memory_space<vmem_shared>>
    tpu.wait_indirect_dma semaphore(%arg28 : memref<!tpu.dma_semaphore, #tpu.memory_space<semaphore_mem>>) src(%dma_wait3A_975 : memref<128xi32, #tpu.memory_space<vmem>>) dst(%dma_wait3A_980 : memref<20480xi32, #tpu.memory_space<vmem_shared>>)
    %dma_wait3A_981 = arith.constant 3 : i32
    %dma_wait3A_982 = arith.constant 384 : i32
    %dma_wait3A_983 = tpu.memref_slice %arg17[%dma_wait3A_982] : memref<1280xi32, #tpu.memory_space<vmem>> -> memref<128xi32, #tpu.memory_space<vmem>>
    %dma_wait3A_984 = arith.constant 0 : i32
    %dma_wait3A_985 = tpu.memref_slice %arg24[%dma_wait3A_981, %dma_wait3A_984] : memref<10x128xi32, #tpu.memory_space<vmem>> -> memref<1x128xi32, #tpu.memory_space<vmem>>
    %dma_wait3A_986 = tpu.memref_squeeze %dma_wait3A_985 : memref<1x128xi32, #tpu.memory_space<vmem>> -> memref<128xi32, #tpu.memory_space<vmem>>
    %dma_wait3A_987 = arith.constant 0 : i32
    %dma_wait3A_988 = tpu.memref_slice %arg10[%dma_wait3A_987] : memref<20480xi32, #tpu.memory_space<vmem_shared>> -> memref<20480xi32, #tpu.memory_space<vmem_shared>>
    tpu.wait_indirect_dma semaphore(%arg28 : memref<!tpu.dma_semaphore, #tpu.memory_space<semaphore_mem>>) src(%dma_wait3A_983 : memref<128xi32, #tpu.memory_space<vmem>>) dst(%dma_wait3A_988 : memref<20480xi32, #tpu.memory_space<vmem_shared>>)
    %dma_wait3A_989 = arith.constant 3 : i32
    %dma_wait3A_990 = arith.constant 384 : i32
    %dma_wait3A_991 = tpu.memref_slice %arg18[%dma_wait3A_990] : memref<1280xi32, #tpu.memory_space<vmem>> -> memref<128xi32, #tpu.memory_space<vmem>>
    %dma_wait3A_992 = arith.constant 0 : i32
    %dma_wait3A_993 = tpu.memref_slice %arg24[%dma_wait3A_989, %dma_wait3A_992] : memref<10x128xi32, #tpu.memory_space<vmem>> -> memref<1x128xi32, #tpu.memory_space<vmem>>
    %dma_wait3A_994 = tpu.memref_squeeze %dma_wait3A_993 : memref<1x128xi32, #tpu.memory_space<vmem>> -> memref<128xi32, #tpu.memory_space<vmem>>
    %dma_wait3A_995 = arith.constant 0 : i32
    %dma_wait3A_996 = tpu.memref_slice %arg11[%dma_wait3A_995] : memref<20480xi32, #tpu.memory_space<vmem_shared>> -> memref<20480xi32, #tpu.memory_space<vmem_shared>>
    tpu.wait_indirect_dma semaphore(%arg28 : memref<!tpu.dma_semaphore, #tpu.memory_space<semaphore_mem>>) src(%dma_wait3A_991 : memref<128xi32, #tpu.memory_space<vmem>>) dst(%dma_wait3A_996 : memref<20480xi32, #tpu.memory_space<vmem_shared>>)
    %dma_wait3A_997 = arith.constant 4 : i32
    %dma_wait3A_998 = arith.constant 512 : i32
    %dma_wait3A_999 = tpu.memref_slice %arg17[%dma_wait3A_998] : memref<1280xi32, #tpu.memory_space<vmem>> -> memref<128xi32, #tpu.memory_space<vmem>>
    %dma_wait3A_1000 = arith.constant 0 : i32
    %dma_wait3A_1001 = tpu.memref_slice %arg24[%dma_wait3A_997, %dma_wait3A_1000] : memref<10x128xi32, #tpu.memory_space<vmem>> -> memref<1x128xi32, #tpu.memory_space<vmem>>
    %dma_wait3A_1002 = tpu.memref_squeeze %dma_wait3A_1001 : memref<1x128xi32, #tpu.memory_space<vmem>> -> memref<128xi32, #tpu.memory_space<vmem>>
    %dma_wait3A_1003 = arith.constant 0 : i32
    %dma_wait3A_1004 = tpu.memref_slice %arg10[%dma_wait3A_1003] : memref<20480xi32, #tpu.memory_space<vmem_shared>> -> memref<20480xi32, #tpu.memory_space<vmem_shared>>
    tpu.wait_indirect_dma semaphore(%arg28 : memref<!tpu.dma_semaphore, #tpu.memory_space<semaphore_mem>>) src(%dma_wait3A_999 : memref<128xi32, #tpu.memory_space<vmem>>) dst(%dma_wait3A_1004 : memref<20480xi32, #tpu.memory_space<vmem_shared>>)
    %dma_wait3A_1005 = arith.constant 4 : i32
    %dma_wait3A_1006 = arith.constant 512 : i32
    %dma_wait3A_1007 = tpu.memref_slice %arg18[%dma_wait3A_1006] : memref<1280xi32, #tpu.memory_space<vmem>> -> memref<128xi32, #tpu.memory_space<vmem>>
    %dma_wait3A_1008 = arith.constant 0 : i32
    %dma_wait3A_1009 = tpu.memref_slice %arg24[%dma_wait3A_1005, %dma_wait3A_1008] : memref<10x128xi32, #tpu.memory_space<vmem>> -> memref<1x128xi32, #tpu.memory_space<vmem>>
    %dma_wait3A_1010 = tpu.memref_squeeze %dma_wait3A_1009 : memref<1x128xi32, #tpu.memory_space<vmem>> -> memref<128xi32, #tpu.memory_space<vmem>>
    %dma_wait3A_1011 = arith.constant 0 : i32
    %dma_wait3A_1012 = tpu.memref_slice %arg11[%dma_wait3A_1011] : memref<20480xi32, #tpu.memory_space<vmem_shared>> -> memref<20480xi32, #tpu.memory_space<vmem_shared>>
    tpu.wait_indirect_dma semaphore(%arg28 : memref<!tpu.dma_semaphore, #tpu.memory_space<semaphore_mem>>) src(%dma_wait3A_1007 : memref<128xi32, #tpu.memory_space<vmem>>) dst(%dma_wait3A_1012 : memref<20480xi32, #tpu.memory_space<vmem_shared>>)
    %dma_wait3A_1013 = arith.constant 5 : i32
    %dma_wait3A_1014 = arith.constant 640 : i32
    %dma_wait3A_1015 = tpu.memref_slice %arg17[%dma_wait3A_1014] : memref<1280xi32, #tpu.memory_space<vmem>> -> memref<128xi32, #tpu.memory_space<vmem>>
    %dma_wait3A_1016 = arith.constant 0 : i32
    %dma_wait3A_1017 = tpu.memref_slice %arg24[%dma_wait3A_1013, %dma_wait3A_1016] : memref<10x128xi32, #tpu.memory_space<vmem>> -> memref<1x128xi32, #tpu.memory_space<vmem>>
    %dma_wait3A_1018 = tpu.memref_squeeze %dma_wait3A_1017 : memref<1x128xi32, #tpu.memory_space<vmem>> -> memref<128xi32, #tpu.memory_space<vmem>>
    %dma_wait3A_1019 = arith.constant 0 : i32
    %dma_wait3A_1020 = tpu.memref_slice %arg10[%dma_wait3A_1019] : memref<20480xi32, #tpu.memory_space<vmem_shared>> -> memref<20480xi32, #tpu.memory_space<vmem_shared>>
    tpu.wait_indirect_dma semaphore(%arg28 : memref<!tpu.dma_semaphore, #tpu.memory_space<semaphore_mem>>) src(%dma_wait3A_1015 : memref<128xi32, #tpu.memory_space<vmem>>) dst(%dma_wait3A_1020 : memref<20480xi32, #tpu.memory_space<vmem_shared>>)
    %dma_wait3A_1021 = arith.constant 5 : i32
    %dma_wait3A_1022 = arith.constant 640 : i32
    %dma_wait3A_1023 = tpu.memref_slice %arg18[%dma_wait3A_1022] : memref<1280xi32, #tpu.memory_space<vmem>> -> memref<128xi32, #tpu.memory_space<vmem>>
    %dma_wait3A_1024 = arith.constant 0 : i32
    %dma_wait3A_1025 = tpu.memref_slice %arg24[%dma_wait3A_1021, %dma_wait3A_1024] : memref<10x128xi32, #tpu.memory_space<vmem>> -> memref<1x128xi32, #tpu.memory_space<vmem>>
    %dma_wait3A_1026 = tpu.memref_squeeze %dma_wait3A_1025 : memref<1x128xi32, #tpu.memory_space<vmem>> -> memref<128xi32, #tpu.memory_space<vmem>>
    %dma_wait3A_1027 = arith.constant 0 : i32
    %dma_wait3A_1028 = tpu.memref_slice %arg11[%dma_wait3A_1027] : memref<20480xi32, #tpu.memory_space<vmem_shared>> -> memref<20480xi32, #tpu.memory_space<vmem_shared>>
    tpu.wait_indirect_dma semaphore(%arg28 : memref<!tpu.dma_semaphore, #tpu.memory_space<semaphore_mem>>) src(%dma_wait3A_1023 : memref<128xi32, #tpu.memory_space<vmem>>) dst(%dma_wait3A_1028 : memref<20480xi32, #tpu.memory_space<vmem_shared>>)
    %dma_wait3A_1029 = arith.constant 6 : i32
    %dma_wait3A_1030 = arith.constant 768 : i32
    %dma_wait3A_1031 = tpu.memref_slice %arg17[%dma_wait3A_1030] : memref<1280xi32, #tpu.memory_space<vmem>> -> memref<128xi32, #tpu.memory_space<vmem>>
    %dma_wait3A_1032 = arith.constant 0 : i32
    %dma_wait3A_1033 = tpu.memref_slice %arg24[%dma_wait3A_1029, %dma_wait3A_1032] : memref<10x128xi32, #tpu.memory_space<vmem>> -> memref<1x128xi32, #tpu.memory_space<vmem>>
    %dma_wait3A_1034 = tpu.memref_squeeze %dma_wait3A_1033 : memref<1x128xi32, #tpu.memory_space<vmem>> -> memref<128xi32, #tpu.memory_space<vmem>>
    %dma_wait3A_1035 = arith.constant 0 : i32
    %dma_wait3A_1036 = tpu.memref_slice %arg10[%dma_wait3A_1035] : memref<20480xi32, #tpu.memory_space<vmem_shared>> -> memref<20480xi32, #tpu.memory_space<vmem_shared>>
    tpu.wait_indirect_dma semaphore(%arg28 : memref<!tpu.dma_semaphore, #tpu.memory_space<semaphore_mem>>) src(%dma_wait3A_1031 : memref<128xi32, #tpu.memory_space<vmem>>) dst(%dma_wait3A_1036 : memref<20480xi32, #tpu.memory_space<vmem_shared>>)
    %dma_wait3A_1037 = arith.constant 6 : i32
    %dma_wait3A_1038 = arith.constant 768 : i32
    %dma_wait3A_1039 = tpu.memref_slice %arg18[%dma_wait3A_1038] : memref<1280xi32, #tpu.memory_space<vmem>> -> memref<128xi32, #tpu.memory_space<vmem>>
    %dma_wait3A_1040 = arith.constant 0 : i32
    %dma_wait3A_1041 = tpu.memref_slice %arg24[%dma_wait3A_1037, %dma_wait3A_1040] : memref<10x128xi32, #tpu.memory_space<vmem>> -> memref<1x128xi32, #tpu.memory_space<vmem>>
    %dma_wait3A_1042 = tpu.memref_squeeze %dma_wait3A_1041 : memref<1x128xi32, #tpu.memory_space<vmem>> -> memref<128xi32, #tpu.memory_space<vmem>>
    %dma_wait3A_1043 = arith.constant 0 : i32
    %dma_wait3A_1044 = tpu.memref_slice %arg11[%dma_wait3A_1043] : memref<20480xi32, #tpu.memory_space<vmem_shared>> -> memref<20480xi32, #tpu.memory_space<vmem_shared>>
    tpu.wait_indirect_dma semaphore(%arg28 : memref<!tpu.dma_semaphore, #tpu.memory_space<semaphore_mem>>) src(%dma_wait3A_1039 : memref<128xi32, #tpu.memory_space<vmem>>) dst(%dma_wait3A_1044 : memref<20480xi32, #tpu.memory_space<vmem_shared>>)
    %dma_wait3A_1045 = arith.constant 7 : i32
    %dma_wait3A_1046 = arith.constant 896 : i32
    %dma_wait3A_1047 = tpu.memref_slice %arg17[%dma_wait3A_1046] : memref<1280xi32, #tpu.memory_space<vmem>> -> memref<128xi32, #tpu.memory_space<vmem>>
    %dma_wait3A_1048 = arith.constant 0 : i32
    %dma_wait3A_1049 = tpu.memref_slice %arg24[%dma_wait3A_1045, %dma_wait3A_1048] : memref<10x128xi32, #tpu.memory_space<vmem>> -> memref<1x128xi32, #tpu.memory_space<vmem>>
    %dma_wait3A_1050 = tpu.memref_squeeze %dma_wait3A_1049 : memref<1x128xi32, #tpu.memory_space<vmem>> -> memref<128xi32, #tpu.memory_space<vmem>>
    %dma_wait3A_1051 = arith.constant 0 : i32
    %dma_wait3A_1052 = tpu.memref_slice %arg10[%dma_wait3A_1051] : memref<20480xi32, #tpu.memory_space<vmem_shared>> -> memref<20480xi32, #tpu.memory_space<vmem_shared>>
    tpu.wait_indirect_dma semaphore(%arg28 : memref<!tpu.dma_semaphore, #tpu.memory_space<semaphore_mem>>) src(%dma_wait3A_1047 : memref<128xi32, #tpu.memory_space<vmem>>) dst(%dma_wait3A_1052 : memref<20480xi32, #tpu.memory_space<vmem_shared>>)
    %dma_wait3A_1053 = arith.constant 7 : i32
    %dma_wait3A_1054 = arith.constant 896 : i32
    %dma_wait3A_1055 = tpu.memref_slice %arg18[%dma_wait3A_1054] : memref<1280xi32, #tpu.memory_space<vmem>> -> memref<128xi32, #tpu.memory_space<vmem>>
    %dma_wait3A_1056 = arith.constant 0 : i32
    %dma_wait3A_1057 = tpu.memref_slice %arg24[%dma_wait3A_1053, %dma_wait3A_1056] : memref<10x128xi32, #tpu.memory_space<vmem>> -> memref<1x128xi32, #tpu.memory_space<vmem>>
    %dma_wait3A_1058 = tpu.memref_squeeze %dma_wait3A_1057 : memref<1x128xi32, #tpu.memory_space<vmem>> -> memref<128xi32, #tpu.memory_space<vmem>>
    %dma_wait3A_1059 = arith.constant 0 : i32
    %dma_wait3A_1060 = tpu.memref_slice %arg11[%dma_wait3A_1059] : memref<20480xi32, #tpu.memory_space<vmem_shared>> -> memref<20480xi32, #tpu.memory_space<vmem_shared>>
    tpu.wait_indirect_dma semaphore(%arg28 : memref<!tpu.dma_semaphore, #tpu.memory_space<semaphore_mem>>) src(%dma_wait3A_1055 : memref<128xi32, #tpu.memory_space<vmem>>) dst(%dma_wait3A_1060 : memref<20480xi32, #tpu.memory_space<vmem_shared>>)
    %dma_wait3A_1061 = arith.constant 8 : i32
    %dma_wait3A_1062 = arith.constant 1024 : i32
    %dma_wait3A_1063 = tpu.memref_slice %arg17[%dma_wait3A_1062] : memref<1280xi32, #tpu.memory_space<vmem>> -> memref<128xi32, #tpu.memory_space<vmem>>
    %dma_wait3A_1064 = arith.constant 0 : i32
    %dma_wait3A_1065 = tpu.memref_slice %arg24[%dma_wait3A_1061, %dma_wait3A_1064] : memref<10x128xi32, #tpu.memory_space<vmem>> -> memref<1x128xi32, #tpu.memory_space<vmem>>
    %dma_wait3A_1066 = tpu.memref_squeeze %dma_wait3A_1065 : memref<1x128xi32, #tpu.memory_space<vmem>> -> memref<128xi32, #tpu.memory_space<vmem>>
    %dma_wait3A_1067 = arith.constant 0 : i32
    %dma_wait3A_1068 = tpu.memref_slice %arg10[%dma_wait3A_1067] : memref<20480xi32, #tpu.memory_space<vmem_shared>> -> memref<20480xi32, #tpu.memory_space<vmem_shared>>
    tpu.wait_indirect_dma semaphore(%arg28 : memref<!tpu.dma_semaphore, #tpu.memory_space<semaphore_mem>>) src(%dma_wait3A_1063 : memref<128xi32, #tpu.memory_space<vmem>>) dst(%dma_wait3A_1068 : memref<20480xi32, #tpu.memory_space<vmem_shared>>)
    %dma_wait3A_1069 = arith.constant 8 : i32
    %dma_wait3A_1070 = arith.constant 1024 : i32
    %dma_wait3A_1071 = tpu.memref_slice %arg18[%dma_wait3A_1070] : memref<1280xi32, #tpu.memory_space<vmem>> -> memref<128xi32, #tpu.memory_space<vmem>>
    %dma_wait3A_1072 = arith.constant 0 : i32
    %dma_wait3A_1073 = tpu.memref_slice %arg24[%dma_wait3A_1069, %dma_wait3A_1072] : memref<10x128xi32, #tpu.memory_space<vmem>> -> memref<1x128xi32, #tpu.memory_space<vmem>>
    %dma_wait3A_1074 = tpu.memref_squeeze %dma_wait3A_1073 : memref<1x128xi32, #tpu.memory_space<vmem>> -> memref<128xi32, #tpu.memory_space<vmem>>
    %dma_wait3A_1075 = arith.constant 0 : i32
    %dma_wait3A_1076 = tpu.memref_slice %arg11[%dma_wait3A_1075] : memref<20480xi32, #tpu.memory_space<vmem_shared>> -> memref<20480xi32, #tpu.memory_space<vmem_shared>>
    tpu.wait_indirect_dma semaphore(%arg28 : memref<!tpu.dma_semaphore, #tpu.memory_space<semaphore_mem>>) src(%dma_wait3A_1071 : memref<128xi32, #tpu.memory_space<vmem>>) dst(%dma_wait3A_1076 : memref<20480xi32, #tpu.memory_space<vmem_shared>>)
    %dma_wait3A_1077 = arith.constant 9 : i32
    %dma_wait3A_1078 = arith.constant 1152 : i32
    %dma_wait3A_1079 = tpu.memref_slice %arg17[%dma_wait3A_1078] : memref<1280xi32, #tpu.memory_space<vmem>> -> memref<128xi32, #tpu.memory_space<vmem>>
    %dma_wait3A_1080 = arith.constant 0 : i32
    %dma_wait3A_1081 = tpu.memref_slice %arg24[%dma_wait3A_1077, %dma_wait3A_1080] : memref<10x128xi32, #tpu.memory_space<vmem>> -> memref<1x128xi32, #tpu.memory_space<vmem>>
    %dma_wait3A_1082 = tpu.memref_squeeze %dma_wait3A_1081 : memref<1x128xi32, #tpu.memory_space<vmem>> -> memref<128xi32, #tpu.memory_space<vmem>>
    %dma_wait3A_1083 = arith.constant 0 : i32
    %dma_wait3A_1084 = tpu.memref_slice %arg10[%dma_wait3A_1083] : memref<20480xi32, #tpu.memory_space<vmem_shared>> -> memref<20480xi32, #tpu.memory_space<vmem_shared>>
    tpu.wait_indirect_dma semaphore(%arg28 : memref<!tpu.dma_semaphore, #tpu.memory_space<semaphore_mem>>) src(%dma_wait3A_1079 : memref<128xi32, #tpu.memory_space<vmem>>) dst(%dma_wait3A_1084 : memref<20480xi32, #tpu.memory_space<vmem_shared>>)
    %dma_wait3A_1085 = arith.constant 9 : i32
    %dma_wait3A_1086 = arith.constant 1152 : i32
    %dma_wait3A_1087 = tpu.memref_slice %arg18[%dma_wait3A_1086] : memref<1280xi32, #tpu.memory_space<vmem>> -> memref<128xi32, #tpu.memory_space<vmem>>
    %dma_wait3A_1088 = arith.constant 0 : i32
    %dma_wait3A_1089 = tpu.memref_slice %arg24[%dma_wait3A_1085, %dma_wait3A_1088] : memref<10x128xi32, #tpu.memory_space<vmem>> -> memref<1x128xi32, #tpu.memory_space<vmem>>
    %dma_wait3A_1090 = tpu.memref_squeeze %dma_wait3A_1089 : memref<1x128xi32, #tpu.memory_space<vmem>> -> memref<128xi32, #tpu.memory_space<vmem>>
    %dma_wait3A_1091 = arith.constant 0 : i32
    %dma_wait3A_1092 = tpu.memref_slice %arg11[%dma_wait3A_1091] : memref<20480xi32, #tpu.memory_space<vmem_shared>> -> memref<20480xi32, #tpu.memory_space<vmem_shared>>
    tpu.wait_indirect_dma semaphore(%arg28 : memref<!tpu.dma_semaphore, #tpu.memory_space<semaphore_mem>>) src(%dma_wait3A_1087 : memref<128xi32, #tpu.memory_space<vmem>>) dst(%dma_wait3A_1092 : memref<20480xi32, #tpu.memory_space<vmem_shared>>)
    %barrier3A_1093 = arith.constant 0 : index
    tpu.barrier barrier_id(%barrier3A_1093)
    %mul3A_1094 = arith.constant 16 : i32
    %mul3A_1095 = arith.muli %arg0, %mul3A_1094 : i32
    %add3A = arith.addi %mul3A_1095, %arg1 : i32
    %mul3A_1096 = arith.constant 640 : i32
    %mul3A_1097 = arith.muli %add3A, %mul3A_1096 : i32
    "tpu.region"() ({
      %run_scoped3A = tpu.sem_alloc : memref<!tpu.dma_semaphore, #tpu.memory_space<semaphore_mem>>
      %dma_start3A_1293 = tpu.memref_slice %arg11[%mul3A_1097] : memref<20480xi32, #tpu.memory_space<vmem_shared>> -> memref<640xi32, #tpu.memory_space<vmem_shared>>
      %dma_start3A_1294 = tpu.memref_slice %arg11[%mul3A_1097] : memref<20480xi32, #tpu.memory_space<vmem_shared>> -> memref<640xi32, #tpu.memory_space<vmem_shared>>
      tpu.enqueue_dma source(%dma_start3A_1294 : memref<640xi32, #tpu.memory_space<vmem_shared>>) target(%arg25 : memref<640xi32, #tpu.memory_space<vmem>>) target_semaphore(%run_scoped3A : memref<!tpu.dma_semaphore, #tpu.memory_space<semaphore_mem>>)
      %dma_wait3A_1295 = tpu.memref_slice %arg11[%mul3A_1097] : memref<20480xi32, #tpu.memory_space<vmem_shared>> -> memref<640xi32, #tpu.memory_space<vmem_shared>>
      %dma_wait3A_1296 = tpu.memref_slice %arg11[%mul3A_1097] : memref<20480xi32, #tpu.memory_space<vmem_shared>> -> memref<640xi32, #tpu.memory_space<vmem_shared>>
      tpu.wait_dma2 semaphore(%run_scoped3A : memref<!tpu.dma_semaphore, #tpu.memory_space<semaphore_mem>>) src(%dma_wait3A_1296 : memref<640xi32, #tpu.memory_space<vmem_shared>>) dst(%arg25 : memref<640xi32, #tpu.memory_space<vmem>>)
      tpu.yield
    }) : () -> ()
    %scan3A_1098 = arith.constant 0 : i32
    %scan3A_1099 = arith.constant 0 : i32
    %scan3A_1100 = arith.constant 40 : i32
    %scan3A_1101 = arith.addi %scan3A_1099, %scan3A_1100 : i32
    %scan3A_1102 = arith.constant 1 : i32
    scf.for %scan3A_1293 = %scan3A_1099 to %scan3A_1101 step %scan3A_1102  : i32 {
      %mul3A_1294 = arith.constant 16 : i32
      %mul3A_1295 = arith.muli %scan3A_1293, %mul3A_1294 : i32
      %get3A = arith.index_cast %mul3A_1295 : i32 to index
      %get3A_1296 = tpu.vector_load %arg25[%get3A] {strides = array<i32>} : memref<640xi32, #tpu.memory_space<vmem>>, vector<16xi32>,
      %min3A = arith.constant 19999 : i32
      %min3A_1297 = vector.broadcast %min3A : i32 to vector<16xi32>
      %min3A_1298 = arith.minsi %get3A_1296, %min3A_1297 : vector<16xi32>
      %swap3A = arith.index_cast %mul3A_1295 : i32 to index
      %swap3A_1299 = tpu.vector_load %arg25[%swap3A] {strides = array<i32>} : memref<640xi32, #tpu.memory_space<vmem>>, vector<16xi32>,
      tpu.vector_store %arg25[%swap3A], %min3A_1298 {strides = array<i32>} : memref<640xi32, #tpu.memory_space<vmem>>, vector<16xi32>,
    }
    %scan3A_1103 = arith.constant 40 : i32
    %dma_start3A_1104 = arith.constant 0 : i32
    %dma_start3A_1105 = arith.constant 0 : i32
    %dma_start3A_1106 = arith.constant 0 : i32
    %dma_start3A_1107 = tpu.memref_slice %arg26[%dma_start3A_1104, %dma_start3A_1105, %dma_start3A_1106] : memref<2x128x128xf32, #tpu.memory_space<vmem>> -> memref<1x128x128xf32, #tpu.memory_space<vmem>>
    %dma_start3A_1108 = tpu.memref_squeeze %dma_start3A_1107 : memref<1x128x128xf32, #tpu.memory_space<vmem>> -> memref<128x128xf32, #tpu.memory_space<vmem>>
    %dma_start3A_1109 = arith.constant 0 : i32
    %dma_start3A_1110 = tpu.memref_slice %arg25[%dma_start3A_1109] : memref<640xi32, #tpu.memory_space<vmem>> -> memref<128xi32, #tpu.memory_space<vmem>>
    %dma_start3A_1111 = arith.constant 0 : i32
    %dma_start3A_1112 = arith.constant 0 : i32
    %dma_start3A_1113 = tpu.memref_slice %arg6[%dma_start3A_1111, %dma_start3A_1112] : memref<20000x128xf32, #tpu.memory_space<hbm>> -> memref<20000x128xf32, #tpu.memory_space<hbm>>
    tpu.enqueue_indirect_dma source(%dma_start3A_1113 : memref<20000x128xf32, #tpu.memory_space<hbm>>) target(%dma_start3A_1108 : memref<128x128xf32, #tpu.memory_space<vmem>>) offsets(%dma_start3A_1110 : memref<128xi32, #tpu.memory_space<vmem>>) semaphore(%arg29 : memref<!tpu.dma_semaphore, #tpu.memory_space<semaphore_mem>>)
    %dma_wait3A_1114 = arith.constant 0 : i32
    %dma_wait3A_1115 = arith.constant 0 : i32
    %dma_wait3A_1116 = arith.constant 0 : i32
    %dma_wait3A_1117 = tpu.memref_slice %arg26[%dma_wait3A_1114, %dma_wait3A_1115, %dma_wait3A_1116] : memref<2x128x128xf32, #tpu.memory_space<vmem>> -> memref<1x128x128xf32, #tpu.memory_space<vmem>>
    %dma_wait3A_1118 = tpu.memref_squeeze %dma_wait3A_1117 : memref<1x128x128xf32, #tpu.memory_space<vmem>> -> memref<128x128xf32, #tpu.memory_space<vmem>>
    %dma_wait3A_1119 = arith.constant 0 : i32
    %dma_wait3A_1120 = tpu.memref_slice %arg25[%dma_wait3A_1119] : memref<640xi32, #tpu.memory_space<vmem>> -> memref<128xi32, #tpu.memory_space<vmem>>
    %dma_wait3A_1121 = arith.constant 0 : i32
    %dma_wait3A_1122 = arith.constant 0 : i32
    %dma_wait3A_1123 = tpu.memref_slice %arg6[%dma_wait3A_1121, %dma_wait3A_1122] : memref<20000x128xf32, #tpu.memory_space<hbm>> -> memref<20000x128xf32, #tpu.memory_space<hbm>>
    tpu.wait_indirect_dma semaphore(%arg29 : memref<!tpu.dma_semaphore, #tpu.memory_space<semaphore_mem>>) src(%dma_wait3A_1123 : memref<20000x128xf32, #tpu.memory_space<hbm>>) dst(%dma_wait3A_1118 : memref<128x128xf32, #tpu.memory_space<vmem>>)
    %dma_start3A_1124 = arith.constant 1 : i32
    %dma_start3A_1125 = arith.constant 0 : i32
    %dma_start3A_1126 = arith.constant 0 : i32
    %dma_start3A_1127 = tpu.memref_slice %arg26[%dma_start3A_1124, %dma_start3A_1125, %dma_start3A_1126] : memref<2x128x128xf32, #tpu.memory_space<vmem>> -> memref<1x128x128xf32, #tpu.memory_space<vmem>>
    %dma_start3A_1128 = tpu.memref_squeeze %dma_start3A_1127 : memref<1x128x128xf32, #tpu.memory_space<vmem>> -> memref<128x128xf32, #tpu.memory_space<vmem>>
    %dma_start3A_1129 = arith.constant 128 : i32
    %dma_start3A_1130 = tpu.memref_slice %arg25[%dma_start3A_1129] : memref<640xi32, #tpu.memory_space<vmem>> -> memref<128xi32, #tpu.memory_space<vmem>>
    %dma_start3A_1131 = arith.constant 0 : i32
    %dma_start3A_1132 = arith.constant 0 : i32
    %dma_start3A_1133 = tpu.memref_slice %arg6[%dma_start3A_1131, %dma_start3A_1132] : memref<20000x128xf32, #tpu.memory_space<hbm>> -> memref<20000x128xf32, #tpu.memory_space<hbm>>
    tpu.enqueue_indirect_dma source(%dma_start3A_1133 : memref<20000x128xf32, #tpu.memory_space<hbm>>) target(%dma_start3A_1128 : memref<128x128xf32, #tpu.memory_space<vmem>>) offsets(%dma_start3A_1130 : memref<128xi32, #tpu.memory_space<vmem>>) semaphore(%arg29 : memref<!tpu.dma_semaphore, #tpu.memory_space<semaphore_mem>>)
    %add3A_1134 = arith.constant 0 : i32
    %add3A_1135 = arith.addi %mul3A_1097, %add3A_1134 : i32
    %add3A_1136 = arith.constant 128 : i32
    %add3A_1137 = arith.addi %add3A_1135, %add3A_1136 : i32
    %le3A = arith.constant 20000 : i32
    %le3A_1138 = arith.cmpi sle, %add3A_1137, %le3A : i32
    %convert_element_type3A = arith.extui %le3A_1138 : i1 to i32
    %cond3A = arith.constant 0 : i32
    %cond3A_1139 = arith.cmpi ne, %convert_element_type3A, %cond3A : i32
    scf.if %cond3A_1139 {
      %run_scoped3A = arith.constant 0 : i32
      "tpu.region"() ({
        %run_scoped3A_1293 = tpu.sem_alloc : memref<!tpu.dma_semaphore, #tpu.memory_space<semaphore_mem>>
        %dma_start3A_1294 = arith.constant 0 : i32
        %dma_start3A_1295 = arith.constant 0 : i32
        %dma_start3A_1296 = tpu.memref_slice %arg26[%run_scoped3A, %dma_start3A_1294, %dma_start3A_1295] : memref<2x128x128xf32, #tpu.memory_space<vmem>> -> memref<1x128x128xf32, #tpu.memory_space<vmem>>
        %dma_start3A_1297 = tpu.memref_squeeze %dma_start3A_1296 : memref<1x128x128xf32, #tpu.memory_space<vmem>> -> memref<128x128xf32, #tpu.memory_space<vmem>>
        %dma_start3A_1298 = arith.constant 0 : i32
        %dma_start3A_1299 = tpu.memref_slice %arg7[%add3A_1135, %dma_start3A_1298] : memref<20000x128xf32, #tpu.memory_space<hbm>> -> memref<128x128xf32, #tpu.memory_space<hbm>>
        %dma_start3A_1300 = arith.constant 0 : i32
        %dma_start3A_1301 = tpu.memref_slice %arg7[%add3A_1135, %dma_start3A_1300] : memref<20000x128xf32, #tpu.memory_space<hbm>> -> memref<128x128xf32, #tpu.memory_space<hbm>>
        %dma_start3A_1302 = arith.constant 0 : i32
        %dma_start3A_1303 = arith.constant 0 : i32
        %dma_start3A_1304 = tpu.memref_slice %arg26[%run_scoped3A, %dma_start3A_1302, %dma_start3A_1303] : memref<2x128x128xf32, #tpu.memory_space<vmem>> -> memref<1x128x128xf32, #tpu.memory_space<vmem>>
        %dma_start3A_1305 = tpu.memref_squeeze %dma_start3A_1304 : memref<1x128x128xf32, #tpu.memory_space<vmem>> -> memref<128x128xf32, #tpu.memory_space<vmem>>
        tpu.enqueue_dma source(%dma_start3A_1305 : memref<128x128xf32, #tpu.memory_space<vmem>>) target(%dma_start3A_1301 : memref<128x128xf32, #tpu.memory_space<hbm>>) target_semaphore(%run_scoped3A_1293 : memref<!tpu.dma_semaphore, #tpu.memory_space<semaphore_mem>>)
        %dma_wait3A_1306 = arith.constant 0 : i32
        %dma_wait3A_1307 = arith.constant 0 : i32
        %dma_wait3A_1308 = tpu.memref_slice %arg26[%run_scoped3A, %dma_wait3A_1306, %dma_wait3A_1307] : memref<2x128x128xf32, #tpu.memory_space<vmem>> -> memref<1x128x128xf32, #tpu.memory_space<vmem>>
        %dma_wait3A_1309 = tpu.memref_squeeze %dma_wait3A_1308 : memref<1x128x128xf32, #tpu.memory_space<vmem>> -> memref<128x128xf32, #tpu.memory_space<vmem>>
        %dma_wait3A_1310 = arith.constant 0 : i32
        %dma_wait3A_1311 = tpu.memref_slice %arg7[%add3A_1135, %dma_wait3A_1310] : memref<20000x128xf32, #tpu.memory_space<hbm>> -> memref<128x128xf32, #tpu.memory_space<hbm>>
        %dma_wait3A_1312 = arith.constant 0 : i32
        %dma_wait3A_1313 = tpu.memref_slice %arg7[%add3A_1135, %dma_wait3A_1312] : memref<20000x128xf32, #tpu.memory_space<hbm>> -> memref<128x128xf32, #tpu.memory_space<hbm>>
        %dma_wait3A_1314 = arith.constant 0 : i32
        %dma_wait3A_1315 = arith.constant 0 : i32
        %dma_wait3A_1316 = tpu.memref_slice %arg26[%run_scoped3A, %dma_wait3A_1314, %dma_wait3A_1315] : memref<2x128x128xf32, #tpu.memory_space<vmem>> -> memref<1x128x128xf32, #tpu.memory_space<vmem>>
        %dma_wait3A_1317 = tpu.memref_squeeze %dma_wait3A_1316 : memref<1x128x128xf32, #tpu.memory_space<vmem>> -> memref<128x128xf32, #tpu.memory_space<vmem>>
        tpu.wait_dma2 semaphore(%run_scoped3A_1293 : memref<!tpu.dma_semaphore, #tpu.memory_space<semaphore_mem>>) src(%dma_wait3A_1317 : memref<128x128xf32, #tpu.memory_space<vmem>>) dst(%dma_wait3A_1313 : memref<128x128xf32, #tpu.memory_space<hbm>>)
        tpu.yield
      }) : () -> ()
    } else {
    }
    %lt3A = arith.constant 20000 : i32
    %lt3A_1140 = arith.cmpi slt, %add3A_1135, %lt3A : i32
    %add3A_1141 = arith.constant 128 : i32
    %add3A_1142 = arith.addi %add3A_1135, %add3A_1141 : i32
    %gt3A = arith.constant 20000 : i32
    %gt3A_1143 = arith.cmpi sgt, %add3A_1142, %gt3A : i32
    %and3A = arith.andi %lt3A_1140, %gt3A_1143 : i1
    %convert_element_type3A_1144 = arith.extui %and3A : i1 to i32
    %cond3A_1145 = arith.constant 0 : i32
    %cond3A_1146 = arith.cmpi ne, %convert_element_type3A_1144, %cond3A_1145 : i32
    scf.if %cond3A_1146 {
      %run_scoped3A = arith.constant 0 : i32
      "tpu.region"() ({
        %run_scoped3A_1293 = tpu.sem_alloc : memref<!tpu.dma_semaphore, #tpu.memory_space<semaphore_mem>>
        %dma_start3A_1294 = arith.constant 0 : i32
        %dma_start3A_1295 = arith.constant 0 : i32
        %dma_start3A_1296 = tpu.memref_slice %arg26[%run_scoped3A, %dma_start3A_1294, %dma_start3A_1295] : memref<2x128x128xf32, #tpu.memory_space<vmem>> -> memref<1x32x128xf32, #tpu.memory_space<vmem>>
        %dma_start3A_1297 = tpu.memref_squeeze %dma_start3A_1296 : memref<1x32x128xf32, #tpu.memory_space<vmem>> -> memref<32x128xf32, #tpu.memory_space<vmem>>
        %dma_start3A_1298 = arith.constant 0 : i32
        %dma_start3A_1299 = tpu.memref_slice %arg7[%add3A_1135, %dma_start3A_1298] : memref<20000x128xf32, #tpu.memory_space<hbm>> -> memref<32x128xf32, #tpu.memory_space<hbm>>
        %dma_start3A_1300 = arith.constant 0 : i32
        %dma_start3A_1301 = tpu.memref_slice %arg7[%add3A_1135, %dma_start3A_1300] : memref<20000x128xf32, #tpu.memory_space<hbm>> -> memref<32x128xf32, #tpu.memory_space<hbm>>
        %dma_start3A_1302 = arith.constant 0 : i32
        %dma_start3A_1303 = arith.constant 0 : i32
        %dma_start3A_1304 = tpu.memref_slice %arg26[%run_scoped3A, %dma_start3A_1302, %dma_start3A_1303] : memref<2x128x128xf32, #tpu.memory_space<vmem>> -> memref<1x32x128xf32, #tpu.memory_space<vmem>>
        %dma_start3A_1305 = tpu.memref_squeeze %dma_start3A_1304 : memref<1x32x128xf32, #tpu.memory_space<vmem>> -> memref<32x128xf32, #tpu.memory_space<vmem>>
        tpu.enqueue_dma source(%dma_start3A_1305 : memref<32x128xf32, #tpu.memory_space<vmem>>) target(%dma_start3A_1301 : memref<32x128xf32, #tpu.memory_space<hbm>>) target_semaphore(%run_scoped3A_1293 : memref<!tpu.dma_semaphore, #tpu.memory_space<semaphore_mem>>)
        %dma_wait3A_1306 = arith.constant 0 : i32
        %dma_wait3A_1307 = arith.constant 0 : i32
        %dma_wait3A_1308 = tpu.memref_slice %arg26[%run_scoped3A, %dma_wait3A_1306, %dma_wait3A_1307] : memref<2x128x128xf32, #tpu.memory_space<vmem>> -> memref<1x32x128xf32, #tpu.memory_space<vmem>>
        %dma_wait3A_1309 = tpu.memref_squeeze %dma_wait3A_1308 : memref<1x32x128xf32, #tpu.memory_space<vmem>> -> memref<32x128xf32, #tpu.memory_space<vmem>>
        %dma_wait3A_1310 = arith.constant 0 : i32
        %dma_wait3A_1311 = tpu.memref_slice %arg7[%add3A_1135, %dma_wait3A_1310] : memref<20000x128xf32, #tpu.memory_space<hbm>> -> memref<32x128xf32, #tpu.memory_space<hbm>>
        %dma_wait3A_1312 = arith.constant 0 : i32
        %dma_wait3A_1313 = tpu.memref_slice %arg7[%add3A_1135, %dma_wait3A_1312] : memref<20000x128xf32, #tpu.memory_space<hbm>> -> memref<32x128xf32, #tpu.memory_space<hbm>>
        %dma_wait3A_1314 = arith.constant 0 : i32
        %dma_wait3A_1315 = arith.constant 0 : i32
        %dma_wait3A_1316 = tpu.memref_slice %arg26[%run_scoped3A, %dma_wait3A_1314, %dma_wait3A_1315] : memref<2x128x128xf32, #tpu.memory_space<vmem>> -> memref<1x32x128xf32, #tpu.memory_space<vmem>>
        %dma_wait3A_1317 = tpu.memref_squeeze %dma_wait3A_1316 : memref<1x32x128xf32, #tpu.memory_space<vmem>> -> memref<32x128xf32, #tpu.memory_space<vmem>>
        tpu.wait_dma2 semaphore(%run_scoped3A_1293 : memref<!tpu.dma_semaphore, #tpu.memory_space<semaphore_mem>>) src(%dma_wait3A_1317 : memref<32x128xf32, #tpu.memory_space<vmem>>) dst(%dma_wait3A_1313 : memref<32x128xf32, #tpu.memory_space<hbm>>)
        tpu.yield
      }) : () -> ()
    } else {
    }
    %dma_wait3A_1147 = arith.constant 1 : i32
    %dma_wait3A_1148 = arith.constant 0 : i32
    %dma_wait3A_1149 = arith.constant 0 : i32
    %dma_wait3A_1150 = tpu.memref_slice %arg26[%dma_wait3A_1147, %dma_wait3A_1148, %dma_wait3A_1149] : memref<2x128x128xf32, #tpu.memory_space<vmem>> -> memref<1x128x128xf32, #tpu.memory_space<vmem>>
    %dma_wait3A_1151 = tpu.memref_squeeze %dma_wait3A_1150 : memref<1x128x128xf32, #tpu.memory_space<vmem>> -> memref<128x128xf32, #tpu.memory_space<vmem>>
    %dma_wait3A_1152 = arith.constant 128 : i32
    %dma_wait3A_1153 = tpu.memref_slice %arg25[%dma_wait3A_1152] : memref<640xi32, #tpu.memory_space<vmem>> -> memref<128xi32, #tpu.memory_space<vmem>>
    %dma_wait3A_1154 = arith.constant 0 : i32
    %dma_wait3A_1155 = arith.constant 0 : i32
    %dma_wait3A_1156 = tpu.memref_slice %arg6[%dma_wait3A_1154, %dma_wait3A_1155] : memref<20000x128xf32, #tpu.memory_space<hbm>> -> memref<20000x128xf32, #tpu.memory_space<hbm>>
    tpu.wait_indirect_dma semaphore(%arg29 : memref<!tpu.dma_semaphore, #tpu.memory_space<semaphore_mem>>) src(%dma_wait3A_1156 : memref<20000x128xf32, #tpu.memory_space<hbm>>) dst(%dma_wait3A_1151 : memref<128x128xf32, #tpu.memory_space<vmem>>)
    %dma_start3A_1157 = arith.constant 0 : i32
    %dma_start3A_1158 = arith.constant 0 : i32
    %dma_start3A_1159 = arith.constant 0 : i32
    %dma_start3A_1160 = tpu.memref_slice %arg26[%dma_start3A_1157, %dma_start3A_1158, %dma_start3A_1159] : memref<2x128x128xf32, #tpu.memory_space<vmem>> -> memref<1x128x128xf32, #tpu.memory_space<vmem>>
    %dma_start3A_1161 = tpu.memref_squeeze %dma_start3A_1160 : memref<1x128x128xf32, #tpu.memory_space<vmem>> -> memref<128x128xf32, #tpu.memory_space<vmem>>
    %dma_start3A_1162 = arith.constant 256 : i32
    %dma_start3A_1163 = tpu.memref_slice %arg25[%dma_start3A_1162] : memref<640xi32, #tpu.memory_space<vmem>> -> memref<128xi32, #tpu.memory_space<vmem>>
    %dma_start3A_1164 = arith.constant 0 : i32
    %dma_start3A_1165 = arith.constant 0 : i32
    %dma_start3A_1166 = tpu.memref_slice %arg6[%dma_start3A_1164, %dma_start3A_1165] : memref<20000x128xf32, #tpu.memory_space<hbm>> -> memref<20000x128xf32, #tpu.memory_space<hbm>>
    tpu.enqueue_indirect_dma source(%dma_start3A_1166 : memref<20000x128xf32, #tpu.memory_space<hbm>>) target(%dma_start3A_1161 : memref<128x128xf32, #tpu.memory_space<vmem>>) offsets(%dma_start3A_1163 : memref<128xi32, #tpu.memory_space<vmem>>) semaphore(%arg29 : memref<!tpu.dma_semaphore, #tpu.memory_space<semaphore_mem>>)
    %add3A_1167 = arith.constant 128 : i32
    %add3A_1168 = arith.addi %mul3A_1097, %add3A_1167 : i32
    %add3A_1169 = arith.constant 128 : i32
    %add3A_1170 = arith.addi %add3A_1168, %add3A_1169 : i32
    %le3A_1171 = arith.constant 20000 : i32
    %le3A_1172 = arith.cmpi sle, %add3A_1170, %le3A_1171 : i32
    %convert_element_type3A_1173 = arith.extui %le3A_1172 : i1 to i32
    %cond3A_1174 = arith.constant 0 : i32
    %cond3A_1175 = arith.cmpi ne, %convert_element_type3A_1173, %cond3A_1174 : i32
    scf.if %cond3A_1175 {
      %run_scoped3A = arith.constant 1 : i32
      "tpu.region"() ({
        %run_scoped3A_1293 = tpu.sem_alloc : memref<!tpu.dma_semaphore, #tpu.memory_space<semaphore_mem>>
        %dma_start3A_1294 = arith.constant 0 : i32
        %dma_start3A_1295 = arith.constant 0 : i32
        %dma_start3A_1296 = tpu.memref_slice %arg26[%run_scoped3A, %dma_start3A_1294, %dma_start3A_1295] : memref<2x128x128xf32, #tpu.memory_space<vmem>> -> memref<1x128x128xf32, #tpu.memory_space<vmem>>
        %dma_start3A_1297 = tpu.memref_squeeze %dma_start3A_1296 : memref<1x128x128xf32, #tpu.memory_space<vmem>> -> memref<128x128xf32, #tpu.memory_space<vmem>>
        %dma_start3A_1298 = arith.constant 0 : i32
        %dma_start3A_1299 = tpu.memref_slice %arg7[%add3A_1168, %dma_start3A_1298] : memref<20000x128xf32, #tpu.memory_space<hbm>> -> memref<128x128xf32, #tpu.memory_space<hbm>>
        %dma_start3A_1300 = arith.constant 0 : i32
        %dma_start3A_1301 = tpu.memref_slice %arg7[%add3A_1168, %dma_start3A_1300] : memref<20000x128xf32, #tpu.memory_space<hbm>> -> memref<128x128xf32, #tpu.memory_space<hbm>>
        %dma_start3A_1302 = arith.constant 0 : i32
        %dma_start3A_1303 = arith.constant 0 : i32
        %dma_start3A_1304 = tpu.memref_slice %arg26[%run_scoped3A, %dma_start3A_1302, %dma_start3A_1303] : memref<2x128x128xf32, #tpu.memory_space<vmem>> -> memref<1x128x128xf32, #tpu.memory_space<vmem>>
        %dma_start3A_1305 = tpu.memref_squeeze %dma_start3A_1304 : memref<1x128x128xf32, #tpu.memory_space<vmem>> -> memref<128x128xf32, #tpu.memory_space<vmem>>
        tpu.enqueue_dma source(%dma_start3A_1305 : memref<128x128xf32, #tpu.memory_space<vmem>>) target(%dma_start3A_1301 : memref<128x128xf32, #tpu.memory_space<hbm>>) target_semaphore(%run_scoped3A_1293 : memref<!tpu.dma_semaphore, #tpu.memory_space<semaphore_mem>>)
        %dma_wait3A_1306 = arith.constant 0 : i32
        %dma_wait3A_1307 = arith.constant 0 : i32
        %dma_wait3A_1308 = tpu.memref_slice %arg26[%run_scoped3A, %dma_wait3A_1306, %dma_wait3A_1307] : memref<2x128x128xf32, #tpu.memory_space<vmem>> -> memref<1x128x128xf32, #tpu.memory_space<vmem>>
        %dma_wait3A_1309 = tpu.memref_squeeze %dma_wait3A_1308 : memref<1x128x128xf32, #tpu.memory_space<vmem>> -> memref<128x128xf32, #tpu.memory_space<vmem>>
        %dma_wait3A_1310 = arith.constant 0 : i32
        %dma_wait3A_1311 = tpu.memref_slice %arg7[%add3A_1168, %dma_wait3A_1310] : memref<20000x128xf32, #tpu.memory_space<hbm>> -> memref<128x128xf32, #tpu.memory_space<hbm>>
        %dma_wait3A_1312 = arith.constant 0 : i32
        %dma_wait3A_1313 = tpu.memref_slice %arg7[%add3A_1168, %dma_wait3A_1312] : memref<20000x128xf32, #tpu.memory_space<hbm>> -> memref<128x128xf32, #tpu.memory_space<hbm>>
        %dma_wait3A_1314 = arith.constant 0 : i32
        %dma_wait3A_1315 = arith.constant 0 : i32
        %dma_wait3A_1316 = tpu.memref_slice %arg26[%run_scoped3A, %dma_wait3A_1314, %dma_wait3A_1315] : memref<2x128x128xf32, #tpu.memory_space<vmem>> -> memref<1x128x128xf32, #tpu.memory_space<vmem>>
        %dma_wait3A_1317 = tpu.memref_squeeze %dma_wait3A_1316 : memref<1x128x128xf32, #tpu.memory_space<vmem>> -> memref<128x128xf32, #tpu.memory_space<vmem>>
        tpu.wait_dma2 semaphore(%run_scoped3A_1293 : memref<!tpu.dma_semaphore, #tpu.memory_space<semaphore_mem>>) src(%dma_wait3A_1317 : memref<128x128xf32, #tpu.memory_space<vmem>>) dst(%dma_wait3A_1313 : memref<128x128xf32, #tpu.memory_space<hbm>>)
        tpu.yield
      }) : () -> ()
    } else {
    }
    %lt3A_1176 = arith.constant 20000 : i32
    %lt3A_1177 = arith.cmpi slt, %add3A_1168, %lt3A_1176 : i32
    %add3A_1178 = arith.constant 128 : i32
    %add3A_1179 = arith.addi %add3A_1168, %add3A_1178 : i32
    %gt3A_1180 = arith.constant 20000 : i32
    %gt3A_1181 = arith.cmpi sgt, %add3A_1179, %gt3A_1180 : i32
    %and3A_1182 = arith.andi %lt3A_1177, %gt3A_1181 : i1
    %convert_element_type3A_1183 = arith.extui %and3A_1182 : i1 to i32
    %cond3A_1184 = arith.constant 0 : i32
    %cond3A_1185 = arith.cmpi ne, %convert_element_type3A_1183, %cond3A_1184 : i32
    scf.if %cond3A_1185 {
      %run_scoped3A = arith.constant 1 : i32
      "tpu.region"() ({
        %run_scoped3A_1293 = tpu.sem_alloc : memref<!tpu.dma_semaphore, #tpu.memory_space<semaphore_mem>>
        %dma_start3A_1294 = arith.constant 0 : i32
        %dma_start3A_1295 = arith.constant 0 : i32
        %dma_start3A_1296 = tpu.memref_slice %arg26[%run_scoped3A, %dma_start3A_1294, %dma_start3A_1295] : memref<2x128x128xf32, #tpu.memory_space<vmem>> -> memref<1x32x128xf32, #tpu.memory_space<vmem>>
        %dma_start3A_1297 = tpu.memref_squeeze %dma_start3A_1296 : memref<1x32x128xf32, #tpu.memory_space<vmem>> -> memref<32x128xf32, #tpu.memory_space<vmem>>
        %dma_start3A_1298 = arith.constant 0 : i32
        %dma_start3A_1299 = tpu.memref_slice %arg7[%add3A_1168, %dma_start3A_1298] : memref<20000x128xf32, #tpu.memory_space<hbm>> -> memref<32x128xf32, #tpu.memory_space<hbm>>
        %dma_start3A_1300 = arith.constant 0 : i32
        %dma_start3A_1301 = tpu.memref_slice %arg7[%add3A_1168, %dma_start3A_1300] : memref<20000x128xf32, #tpu.memory_space<hbm>> -> memref<32x128xf32, #tpu.memory_space<hbm>>
        %dma_start3A_1302 = arith.constant 0 : i32
        %dma_start3A_1303 = arith.constant 0 : i32
        %dma_start3A_1304 = tpu.memref_slice %arg26[%run_scoped3A, %dma_start3A_1302, %dma_start3A_1303] : memref<2x128x128xf32, #tpu.memory_space<vmem>> -> memref<1x32x128xf32, #tpu.memory_space<vmem>>
        %dma_start3A_1305 = tpu.memref_squeeze %dma_start3A_1304 : memref<1x32x128xf32, #tpu.memory_space<vmem>> -> memref<32x128xf32, #tpu.memory_space<vmem>>
        tpu.enqueue_dma source(%dma_start3A_1305 : memref<32x128xf32, #tpu.memory_space<vmem>>) target(%dma_start3A_1301 : memref<32x128xf32, #tpu.memory_space<hbm>>) target_semaphore(%run_scoped3A_1293 : memref<!tpu.dma_semaphore, #tpu.memory_space<semaphore_mem>>)
        %dma_wait3A_1306 = arith.constant 0 : i32
        %dma_wait3A_1307 = arith.constant 0 : i32
        %dma_wait3A_1308 = tpu.memref_slice %arg26[%run_scoped3A, %dma_wait3A_1306, %dma_wait3A_1307] : memref<2x128x128xf32, #tpu.memory_space<vmem>> -> memref<1x32x128xf32, #tpu.memory_space<vmem>>
        %dma_wait3A_1309 = tpu.memref_squeeze %dma_wait3A_1308 : memref<1x32x128xf32, #tpu.memory_space<vmem>> -> memref<32x128xf32, #tpu.memory_space<vmem>>
        %dma_wait3A_1310 = arith.constant 0 : i32
        %dma_wait3A_1311 = tpu.memref_slice %arg7[%add3A_1168, %dma_wait3A_1310] : memref<20000x128xf32, #tpu.memory_space<hbm>> -> memref<32x128xf32, #tpu.memory_space<hbm>>
        %dma_wait3A_1312 = arith.constant 0 : i32
        %dma_wait3A_1313 = tpu.memref_slice %arg7[%add3A_1168, %dma_wait3A_1312] : memref<20000x128xf32, #tpu.memory_space<hbm>> -> memref<32x128xf32, #tpu.memory_space<hbm>>
        %dma_wait3A_1314 = arith.constant 0 : i32
        %dma_wait3A_1315 = arith.constant 0 : i32
        %dma_wait3A_1316 = tpu.memref_slice %arg26[%run_scoped3A, %dma_wait3A_1314, %dma_wait3A_1315] : memref<2x128x128xf32, #tpu.memory_space<vmem>> -> memref<1x32x128xf32, #tpu.memory_space<vmem>>
        %dma_wait3A_1317 = tpu.memref_squeeze %dma_wait3A_1316 : memref<1x32x128xf32, #tpu.memory_space<vmem>> -> memref<32x128xf32, #tpu.memory_space<vmem>>
        tpu.wait_dma2 semaphore(%run_scoped3A_1293 : memref<!tpu.dma_semaphore, #tpu.memory_space<semaphore_mem>>) src(%dma_wait3A_1317 : memref<32x128xf32, #tpu.memory_space<vmem>>) dst(%dma_wait3A_1313 : memref<32x128xf32, #tpu.memory_space<hbm>>)
        tpu.yield
      }) : () -> ()
    } else {
    }
    %dma_wait3A_1186 = arith.constant 0 : i32
    %dma_wait3A_1187 = arith.constant 0 : i32
    %dma_wait3A_1188 = arith.constant 0 : i32
    %dma_wait3A_1189 = tpu.memref_slice %arg26[%dma_wait3A_1186, %dma_wait3A_1187, %dma_wait3A_1188] : memref<2x128x128xf32, #tpu.memory_space<vmem>> -> memref<1x128x128xf32, #tpu.memory_space<vmem>>
    %dma_wait3A_1190 = tpu.memref_squeeze %dma_wait3A_1189 : memref<1x128x128xf32, #tpu.memory_space<vmem>> -> memref<128x128xf32, #tpu.memory_space<vmem>>
    %dma_wait3A_1191 = arith.constant 256 : i32
    %dma_wait3A_1192 = tpu.memref_slice %arg25[%dma_wait3A_1191] : memref<640xi32, #tpu.memory_space<vmem>> -> memref<128xi32, #tpu.memory_space<vmem>>
    %dma_wait3A_1193 = arith.constant 0 : i32
    %dma_wait3A_1194 = arith.constant 0 : i32
    %dma_wait3A_1195 = tpu.memref_slice %arg6[%dma_wait3A_1193, %dma_wait3A_1194] : memref<20000x128xf32, #tpu.memory_space<hbm>> -> memref<20000x128xf32, #tpu.memory_space<hbm>>
    tpu.wait_indirect_dma semaphore(%arg29 : memref<!tpu.dma_semaphore, #tpu.memory_space<semaphore_mem>>) src(%dma_wait3A_1195 : memref<20000x128xf32, #tpu.memory_space<hbm>>) dst(%dma_wait3A_1190 : memref<128x128xf32, #tpu.memory_space<vmem>>)
    %dma_start3A_1196 = arith.constant 1 : i32
    %dma_start3A_1197 = arith.constant 0 : i32
    %dma_start3A_1198 = arith.constant 0 : i32
    %dma_start3A_1199 = tpu.memref_slice %arg26[%dma_start3A_1196, %dma_start3A_1197, %dma_start3A_1198] : memref<2x128x128xf32, #tpu.memory_space<vmem>> -> memref<1x128x128xf32, #tpu.memory_space<vmem>>
    %dma_start3A_1200 = tpu.memref_squeeze %dma_start3A_1199 : memref<1x128x128xf32, #tpu.memory_space<vmem>> -> memref<128x128xf32, #tpu.memory_space<vmem>>
    %dma_start3A_1201 = arith.constant 384 : i32
    %dma_start3A_1202 = tpu.memref_slice %arg25[%dma_start3A_1201] : memref<640xi32, #tpu.memory_space<vmem>> -> memref<128xi32, #tpu.memory_space<vmem>>
    %dma_start3A_1203 = arith.constant 0 : i32
    %dma_start3A_1204 = arith.constant 0 : i32
    %dma_start3A_1205 = tpu.memref_slice %arg6[%dma_start3A_1203, %dma_start3A_1204] : memref<20000x128xf32, #tpu.memory_space<hbm>> -> memref<20000x128xf32, #tpu.memory_space<hbm>>
    tpu.enqueue_indirect_dma source(%dma_start3A_1205 : memref<20000x128xf32, #tpu.memory_space<hbm>>) target(%dma_start3A_1200 : memref<128x128xf32, #tpu.memory_space<vmem>>) offsets(%dma_start3A_1202 : memref<128xi32, #tpu.memory_space<vmem>>) semaphore(%arg29 : memref<!tpu.dma_semaphore, #tpu.memory_space<semaphore_mem>>)
    %add3A_1206 = arith.constant 256 : i32
    %add3A_1207 = arith.addi %mul3A_1097, %add3A_1206 : i32
    %add3A_1208 = arith.constant 128 : i32
    %add3A_1209 = arith.addi %add3A_1207, %add3A_1208 : i32
    %le3A_1210 = arith.constant 20000 : i32
    %le3A_1211 = arith.cmpi sle, %add3A_1209, %le3A_1210 : i32
    %convert_element_type3A_1212 = arith.extui %le3A_1211 : i1 to i32
    %cond3A_1213 = arith.constant 0 : i32
    %cond3A_1214 = arith.cmpi ne, %convert_element_type3A_1212, %cond3A_1213 : i32
    scf.if %cond3A_1214 {
      %run_scoped3A = arith.constant 0 : i32
      "tpu.region"() ({
        %run_scoped3A_1293 = tpu.sem_alloc : memref<!tpu.dma_semaphore, #tpu.memory_space<semaphore_mem>>
        %dma_start3A_1294 = arith.constant 0 : i32
        %dma_start3A_1295 = arith.constant 0 : i32
        %dma_start3A_1296 = tpu.memref_slice %arg26[%run_scoped3A, %dma_start3A_1294, %dma_start3A_1295] : memref<2x128x128xf32, #tpu.memory_space<vmem>> -> memref<1x128x128xf32, #tpu.memory_space<vmem>>
        %dma_start3A_1297 = tpu.memref_squeeze %dma_start3A_1296 : memref<1x128x128xf32, #tpu.memory_space<vmem>> -> memref<128x128xf32, #tpu.memory_space<vmem>>
        %dma_start3A_1298 = arith.constant 0 : i32
        %dma_start3A_1299 = tpu.memref_slice %arg7[%add3A_1207, %dma_start3A_1298] : memref<20000x128xf32, #tpu.memory_space<hbm>> -> memref<128x128xf32, #tpu.memory_space<hbm>>
        %dma_start3A_1300 = arith.constant 0 : i32
        %dma_start3A_1301 = tpu.memref_slice %arg7[%add3A_1207, %dma_start3A_1300] : memref<20000x128xf32, #tpu.memory_space<hbm>> -> memref<128x128xf32, #tpu.memory_space<hbm>>
        %dma_start3A_1302 = arith.constant 0 : i32
        %dma_start3A_1303 = arith.constant 0 : i32
        %dma_start3A_1304 = tpu.memref_slice %arg26[%run_scoped3A, %dma_start3A_1302, %dma_start3A_1303] : memref<2x128x128xf32, #tpu.memory_space<vmem>> -> memref<1x128x128xf32, #tpu.memory_space<vmem>>
        %dma_start3A_1305 = tpu.memref_squeeze %dma_start3A_1304 : memref<1x128x128xf32, #tpu.memory_space<vmem>> -> memref<128x128xf32, #tpu.memory_space<vmem>>
        tpu.enqueue_dma source(%dma_start3A_1305 : memref<128x128xf32, #tpu.memory_space<vmem>>) target(%dma_start3A_1301 : memref<128x128xf32, #tpu.memory_space<hbm>>) target_semaphore(%run_scoped3A_1293 : memref<!tpu.dma_semaphore, #tpu.memory_space<semaphore_mem>>)
        %dma_wait3A_1306 = arith.constant 0 : i32
        %dma_wait3A_1307 = arith.constant 0 : i32
        %dma_wait3A_1308 = tpu.memref_slice %arg26[%run_scoped3A, %dma_wait3A_1306, %dma_wait3A_1307] : memref<2x128x128xf32, #tpu.memory_space<vmem>> -> memref<1x128x128xf32, #tpu.memory_space<vmem>>
        %dma_wait3A_1309 = tpu.memref_squeeze %dma_wait3A_1308 : memref<1x128x128xf32, #tpu.memory_space<vmem>> -> memref<128x128xf32, #tpu.memory_space<vmem>>
        %dma_wait3A_1310 = arith.constant 0 : i32
        %dma_wait3A_1311 = tpu.memref_slice %arg7[%add3A_1207, %dma_wait3A_1310] : memref<20000x128xf32, #tpu.memory_space<hbm>> -> memref<128x128xf32, #tpu.memory_space<hbm>>
        %dma_wait3A_1312 = arith.constant 0 : i32
        %dma_wait3A_1313 = tpu.memref_slice %arg7[%add3A_1207, %dma_wait3A_1312] : memref<20000x128xf32, #tpu.memory_space<hbm>> -> memref<128x128xf32, #tpu.memory_space<hbm>>
        %dma_wait3A_1314 = arith.constant 0 : i32
        %dma_wait3A_1315 = arith.constant 0 : i32
        %dma_wait3A_1316 = tpu.memref_slice %arg26[%run_scoped3A, %dma_wait3A_1314, %dma_wait3A_1315] : memref<2x128x128xf32, #tpu.memory_space<vmem>> -> memref<1x128x128xf32, #tpu.memory_space<vmem>>
        %dma_wait3A_1317 = tpu.memref_squeeze %dma_wait3A_1316 : memref<1x128x128xf32, #tpu.memory_space<vmem>> -> memref<128x128xf32, #tpu.memory_space<vmem>>
        tpu.wait_dma2 semaphore(%run_scoped3A_1293 : memref<!tpu.dma_semaphore, #tpu.memory_space<semaphore_mem>>) src(%dma_wait3A_1317 : memref<128x128xf32, #tpu.memory_space<vmem>>) dst(%dma_wait3A_1313 : memref<128x128xf32, #tpu.memory_space<hbm>>)
        tpu.yield
      }) : () -> ()
    } else {
    }
    %lt3A_1215 = arith.constant 20000 : i32
    %lt3A_1216 = arith.cmpi slt, %add3A_1207, %lt3A_1215 : i32
    %add3A_1217 = arith.constant 128 : i32
    %add3A_1218 = arith.addi %add3A_1207, %add3A_1217 : i32
    %gt3A_1219 = arith.constant 20000 : i32
    %gt3A_1220 = arith.cmpi sgt, %add3A_1218, %gt3A_1219 : i32
    %and3A_1221 = arith.andi %lt3A_1216, %gt3A_1220 : i1
    %convert_element_type3A_1222 = arith.extui %and3A_1221 : i1 to i32
    %cond3A_1223 = arith.constant 0 : i32
    %cond3A_1224 = arith.cmpi ne, %convert_element_type3A_1222, %cond3A_1223 : i32
    scf.if %cond3A_1224 {
      %run_scoped3A = arith.constant 0 : i32
      "tpu.region"() ({
        %run_scoped3A_1293 = tpu.sem_alloc : memref<!tpu.dma_semaphore, #tpu.memory_space<semaphore_mem>>
        %dma_start3A_1294 = arith.constant 0 : i32
        %dma_start3A_1295 = arith.constant 0 : i32
        %dma_start3A_1296 = tpu.memref_slice %arg26[%run_scoped3A, %dma_start3A_1294, %dma_start3A_1295] : memref<2x128x128xf32, #tpu.memory_space<vmem>> -> memref<1x32x128xf32, #tpu.memory_space<vmem>>
        %dma_start3A_1297 = tpu.memref_squeeze %dma_start3A_1296 : memref<1x32x128xf32, #tpu.memory_space<vmem>> -> memref<32x128xf32, #tpu.memory_space<vmem>>
        %dma_start3A_1298 = arith.constant 0 : i32
        %dma_start3A_1299 = tpu.memref_slice %arg7[%add3A_1207, %dma_start3A_1298] : memref<20000x128xf32, #tpu.memory_space<hbm>> -> memref<32x128xf32, #tpu.memory_space<hbm>>
        %dma_start3A_1300 = arith.constant 0 : i32
        %dma_start3A_1301 = tpu.memref_slice %arg7[%add3A_1207, %dma_start3A_1300] : memref<20000x128xf32, #tpu.memory_space<hbm>> -> memref<32x128xf32, #tpu.memory_space<hbm>>
        %dma_start3A_1302 = arith.constant 0 : i32
        %dma_start3A_1303 = arith.constant 0 : i32
        %dma_start3A_1304 = tpu.memref_slice %arg26[%run_scoped3A, %dma_start3A_1302, %dma_start3A_1303] : memref<2x128x128xf32, #tpu.memory_space<vmem>> -> memref<1x32x128xf32, #tpu.memory_space<vmem>>
        %dma_start3A_1305 = tpu.memref_squeeze %dma_start3A_1304 : memref<1x32x128xf32, #tpu.memory_space<vmem>> -> memref<32x128xf32, #tpu.memory_space<vmem>>
        tpu.enqueue_dma source(%dma_start3A_1305 : memref<32x128xf32, #tpu.memory_space<vmem>>) target(%dma_start3A_1301 : memref<32x128xf32, #tpu.memory_space<hbm>>) target_semaphore(%run_scoped3A_1293 : memref<!tpu.dma_semaphore, #tpu.memory_space<semaphore_mem>>)
        %dma_wait3A_1306 = arith.constant 0 : i32
        %dma_wait3A_1307 = arith.constant 0 : i32
        %dma_wait3A_1308 = tpu.memref_slice %arg26[%run_scoped3A, %dma_wait3A_1306, %dma_wait3A_1307] : memref<2x128x128xf32, #tpu.memory_space<vmem>> -> memref<1x32x128xf32, #tpu.memory_space<vmem>>
        %dma_wait3A_1309 = tpu.memref_squeeze %dma_wait3A_1308 : memref<1x32x128xf32, #tpu.memory_space<vmem>> -> memref<32x128xf32, #tpu.memory_space<vmem>>
        %dma_wait3A_1310 = arith.constant 0 : i32
        %dma_wait3A_1311 = tpu.memref_slice %arg7[%add3A_1207, %dma_wait3A_1310] : memref<20000x128xf32, #tpu.memory_space<hbm>> -> memref<32x128xf32, #tpu.memory_space<hbm>>
        %dma_wait3A_1312 = arith.constant 0 : i32
        %dma_wait3A_1313 = tpu.memref_slice %arg7[%add3A_1207, %dma_wait3A_1312] : memref<20000x128xf32, #tpu.memory_space<hbm>> -> memref<32x128xf32, #tpu.memory_space<hbm>>
        %dma_wait3A_1314 = arith.constant 0 : i32
        %dma_wait3A_1315 = arith.constant 0 : i32
        %dma_wait3A_1316 = tpu.memref_slice %arg26[%run_scoped3A, %dma_wait3A_1314, %dma_wait3A_1315] : memref<2x128x128xf32, #tpu.memory_space<vmem>> -> memref<1x32x128xf32, #tpu.memory_space<vmem>>
        %dma_wait3A_1317 = tpu.memref_squeeze %dma_wait3A_1316 : memref<1x32x128xf32, #tpu.memory_space<vmem>> -> memref<32x128xf32, #tpu.memory_space<vmem>>
        tpu.wait_dma2 semaphore(%run_scoped3A_1293 : memref<!tpu.dma_semaphore, #tpu.memory_space<semaphore_mem>>) src(%dma_wait3A_1317 : memref<32x128xf32, #tpu.memory_space<vmem>>) dst(%dma_wait3A_1313 : memref<32x128xf32, #tpu.memory_space<hbm>>)
        tpu.yield
      }) : () -> ()
    } else {
    }
    %dma_wait3A_1225 = arith.constant 1 : i32
    %dma_wait3A_1226 = arith.constant 0 : i32
    %dma_wait3A_1227 = arith.constant 0 : i32
    %dma_wait3A_1228 = tpu.memref_slice %arg26[%dma_wait3A_1225, %dma_wait3A_1226, %dma_wait3A_1227] : memref<2x128x128xf32, #tpu.memory_space<vmem>> -> memref<1x128x128xf32, #tpu.memory_space<vmem>>
    %dma_wait3A_1229 = tpu.memref_squeeze %dma_wait3A_1228 : memref<1x128x128xf32, #tpu.memory_space<vmem>> -> memref<128x128xf32, #tpu.memory_space<vmem>>
    %dma_wait3A_1230 = arith.constant 384 : i32
    %dma_wait3A_1231 = tpu.memref_slice %arg25[%dma_wait3A_1230] : memref<640xi32, #tpu.memory_space<vmem>> -> memref<128xi32, #tpu.memory_space<vmem>>
    %dma_wait3A_1232 = arith.constant 0 : i32
    %dma_wait3A_1233 = arith.constant 0 : i32
    %dma_wait3A_1234 = tpu.memref_slice %arg6[%dma_wait3A_1232, %dma_wait3A_1233] : memref<20000x128xf32, #tpu.memory_space<hbm>> -> memref<20000x128xf32, #tpu.memory_space<hbm>>
    tpu.wait_indirect_dma semaphore(%arg29 : memref<!tpu.dma_semaphore, #tpu.memory_space<semaphore_mem>>) src(%dma_wait3A_1234 : memref<20000x128xf32, #tpu.memory_space<hbm>>) dst(%dma_wait3A_1229 : memref<128x128xf32, #tpu.memory_space<vmem>>)
    %dma_start3A_1235 = arith.constant 0 : i32
    %dma_start3A_1236 = arith.constant 0 : i32
    %dma_start3A_1237 = arith.constant 0 : i32
    %dma_start3A_1238 = tpu.memref_slice %arg26[%dma_start3A_1235, %dma_start3A_1236, %dma_start3A_1237] : memref<2x128x128xf32, #tpu.memory_space<vmem>> -> memref<1x128x128xf32, #tpu.memory_space<vmem>>
    %dma_start3A_1239 = tpu.memref_squeeze %dma_start3A_1238 : memref<1x128x128xf32, #tpu.memory_space<vmem>> -> memref<128x128xf32, #tpu.memory_space<vmem>>
    %dma_start3A_1240 = arith.constant 512 : i32
    %dma_start3A_1241 = tpu.memref_slice %arg25[%dma_start3A_1240] : memref<640xi32, #tpu.memory_space<vmem>> -> memref<128xi32, #tpu.memory_space<vmem>>
    %dma_start3A_1242 = arith.constant 0 : i32
    %dma_start3A_1243 = arith.constant 0 : i32
    %dma_start3A_1244 = tpu.memref_slice %arg6[%dma_start3A_1242, %dma_start3A_1243] : memref<20000x128xf32, #tpu.memory_space<hbm>> -> memref<20000x128xf32, #tpu.memory_space<hbm>>
    tpu.enqueue_indirect_dma source(%dma_start3A_1244 : memref<20000x128xf32, #tpu.memory_space<hbm>>) target(%dma_start3A_1239 : memref<128x128xf32, #tpu.memory_space<vmem>>) offsets(%dma_start3A_1241 : memref<128xi32, #tpu.memory_space<vmem>>) semaphore(%arg29 : memref<!tpu.dma_semaphore, #tpu.memory_space<semaphore_mem>>)
    %add3A_1245 = arith.constant 384 : i32
    %add3A_1246 = arith.addi %mul3A_1097, %add3A_1245 : i32
    %add3A_1247 = arith.constant 128 : i32
    %add3A_1248 = arith.addi %add3A_1246, %add3A_1247 : i32
    %le3A_1249 = arith.constant 20000 : i32
    %le3A_1250 = arith.cmpi sle, %add3A_1248, %le3A_1249 : i32
    %convert_element_type3A_1251 = arith.extui %le3A_1250 : i1 to i32
    %cond3A_1252 = arith.constant 0 : i32
    %cond3A_1253 = arith.cmpi ne, %convert_element_type3A_1251, %cond3A_1252 : i32
    scf.if %cond3A_1253 {
      %run_scoped3A = arith.constant 1 : i32
      "tpu.region"() ({
        %run_scoped3A_1293 = tpu.sem_alloc : memref<!tpu.dma_semaphore, #tpu.memory_space<semaphore_mem>>
        %dma_start3A_1294 = arith.constant 0 : i32
        %dma_start3A_1295 = arith.constant 0 : i32
        %dma_start3A_1296 = tpu.memref_slice %arg26[%run_scoped3A, %dma_start3A_1294, %dma_start3A_1295] : memref<2x128x128xf32, #tpu.memory_space<vmem>> -> memref<1x128x128xf32, #tpu.memory_space<vmem>>
        %dma_start3A_1297 = tpu.memref_squeeze %dma_start3A_1296 : memref<1x128x128xf32, #tpu.memory_space<vmem>> -> memref<128x128xf32, #tpu.memory_space<vmem>>
        %dma_start3A_1298 = arith.constant 0 : i32
        %dma_start3A_1299 = tpu.memref_slice %arg7[%add3A_1246, %dma_start3A_1298] : memref<20000x128xf32, #tpu.memory_space<hbm>> -> memref<128x128xf32, #tpu.memory_space<hbm>>
        %dma_start3A_1300 = arith.constant 0 : i32
        %dma_start3A_1301 = tpu.memref_slice %arg7[%add3A_1246, %dma_start3A_1300] : memref<20000x128xf32, #tpu.memory_space<hbm>> -> memref<128x128xf32, #tpu.memory_space<hbm>>
        %dma_start3A_1302 = arith.constant 0 : i32
        %dma_start3A_1303 = arith.constant 0 : i32
        %dma_start3A_1304 = tpu.memref_slice %arg26[%run_scoped3A, %dma_start3A_1302, %dma_start3A_1303] : memref<2x128x128xf32, #tpu.memory_space<vmem>> -> memref<1x128x128xf32, #tpu.memory_space<vmem>>
        %dma_start3A_1305 = tpu.memref_squeeze %dma_start3A_1304 : memref<1x128x128xf32, #tpu.memory_space<vmem>> -> memref<128x128xf32, #tpu.memory_space<vmem>>
        tpu.enqueue_dma source(%dma_start3A_1305 : memref<128x128xf32, #tpu.memory_space<vmem>>) target(%dma_start3A_1301 : memref<128x128xf32, #tpu.memory_space<hbm>>) target_semaphore(%run_scoped3A_1293 : memref<!tpu.dma_semaphore, #tpu.memory_space<semaphore_mem>>)
        %dma_wait3A_1306 = arith.constant 0 : i32
        %dma_wait3A_1307 = arith.constant 0 : i32
        %dma_wait3A_1308 = tpu.memref_slice %arg26[%run_scoped3A, %dma_wait3A_1306, %dma_wait3A_1307] : memref<2x128x128xf32, #tpu.memory_space<vmem>> -> memref<1x128x128xf32, #tpu.memory_space<vmem>>
        %dma_wait3A_1309 = tpu.memref_squeeze %dma_wait3A_1308 : memref<1x128x128xf32, #tpu.memory_space<vmem>> -> memref<128x128xf32, #tpu.memory_space<vmem>>
        %dma_wait3A_1310 = arith.constant 0 : i32
        %dma_wait3A_1311 = tpu.memref_slice %arg7[%add3A_1246, %dma_wait3A_1310] : memref<20000x128xf32, #tpu.memory_space<hbm>> -> memref<128x128xf32, #tpu.memory_space<hbm>>
        %dma_wait3A_1312 = arith.constant 0 : i32
        %dma_wait3A_1313 = tpu.memref_slice %arg7[%add3A_1246, %dma_wait3A_1312] : memref<20000x128xf32, #tpu.memory_space<hbm>> -> memref<128x128xf32, #tpu.memory_space<hbm>>
        %dma_wait3A_1314 = arith.constant 0 : i32
        %dma_wait3A_1315 = arith.constant 0 : i32
        %dma_wait3A_1316 = tpu.memref_slice %arg26[%run_scoped3A, %dma_wait3A_1314, %dma_wait3A_1315] : memref<2x128x128xf32, #tpu.memory_space<vmem>> -> memref<1x128x128xf32, #tpu.memory_space<vmem>>
        %dma_wait3A_1317 = tpu.memref_squeeze %dma_wait3A_1316 : memref<1x128x128xf32, #tpu.memory_space<vmem>> -> memref<128x128xf32, #tpu.memory_space<vmem>>
        tpu.wait_dma2 semaphore(%run_scoped3A_1293 : memref<!tpu.dma_semaphore, #tpu.memory_space<semaphore_mem>>) src(%dma_wait3A_1317 : memref<128x128xf32, #tpu.memory_space<vmem>>) dst(%dma_wait3A_1313 : memref<128x128xf32, #tpu.memory_space<hbm>>)
        tpu.yield
      }) : () -> ()
    } else {
    }
    %lt3A_1254 = arith.constant 20000 : i32
    %lt3A_1255 = arith.cmpi slt, %add3A_1246, %lt3A_1254 : i32
    %add3A_1256 = arith.constant 128 : i32
    %add3A_1257 = arith.addi %add3A_1246, %add3A_1256 : i32
    %gt3A_1258 = arith.constant 20000 : i32
    %gt3A_1259 = arith.cmpi sgt, %add3A_1257, %gt3A_1258 : i32
    %and3A_1260 = arith.andi %lt3A_1255, %gt3A_1259 : i1
    %convert_element_type3A_1261 = arith.extui %and3A_1260 : i1 to i32
    %cond3A_1262 = arith.constant 0 : i32
    %cond3A_1263 = arith.cmpi ne, %convert_element_type3A_1261, %cond3A_1262 : i32
    scf.if %cond3A_1263 {
      %run_scoped3A = arith.constant 1 : i32
      "tpu.region"() ({
        %run_scoped3A_1293 = tpu.sem_alloc : memref<!tpu.dma_semaphore, #tpu.memory_space<semaphore_mem>>
        %dma_start3A_1294 = arith.constant 0 : i32
        %dma_start3A_1295 = arith.constant 0 : i32
        %dma_start3A_1296 = tpu.memref_slice %arg26[%run_scoped3A, %dma_start3A_1294, %dma_start3A_1295] : memref<2x128x128xf32, #tpu.memory_space<vmem>> -> memref<1x32x128xf32, #tpu.memory_space<vmem>>
        %dma_start3A_1297 = tpu.memref_squeeze %dma_start3A_1296 : memref<1x32x128xf32, #tpu.memory_space<vmem>> -> memref<32x128xf32, #tpu.memory_space<vmem>>
        %dma_start3A_1298 = arith.constant 0 : i32
        %dma_start3A_1299 = tpu.memref_slice %arg7[%add3A_1246, %dma_start3A_1298] : memref<20000x128xf32, #tpu.memory_space<hbm>> -> memref<32x128xf32, #tpu.memory_space<hbm>>
        %dma_start3A_1300 = arith.constant 0 : i32
        %dma_start3A_1301 = tpu.memref_slice %arg7[%add3A_1246, %dma_start3A_1300] : memref<20000x128xf32, #tpu.memory_space<hbm>> -> memref<32x128xf32, #tpu.memory_space<hbm>>
        %dma_start3A_1302 = arith.constant 0 : i32
        %dma_start3A_1303 = arith.constant 0 : i32
        %dma_start3A_1304 = tpu.memref_slice %arg26[%run_scoped3A, %dma_start3A_1302, %dma_start3A_1303] : memref<2x128x128xf32, #tpu.memory_space<vmem>> -> memref<1x32x128xf32, #tpu.memory_space<vmem>>
        %dma_start3A_1305 = tpu.memref_squeeze %dma_start3A_1304 : memref<1x32x128xf32, #tpu.memory_space<vmem>> -> memref<32x128xf32, #tpu.memory_space<vmem>>
        tpu.enqueue_dma source(%dma_start3A_1305 : memref<32x128xf32, #tpu.memory_space<vmem>>) target(%dma_start3A_1301 : memref<32x128xf32, #tpu.memory_space<hbm>>) target_semaphore(%run_scoped3A_1293 : memref<!tpu.dma_semaphore, #tpu.memory_space<semaphore_mem>>)
        %dma_wait3A_1306 = arith.constant 0 : i32
        %dma_wait3A_1307 = arith.constant 0 : i32
        %dma_wait3A_1308 = tpu.memref_slice %arg26[%run_scoped3A, %dma_wait3A_1306, %dma_wait3A_1307] : memref<2x128x128xf32, #tpu.memory_space<vmem>> -> memref<1x32x128xf32, #tpu.memory_space<vmem>>
        %dma_wait3A_1309 = tpu.memref_squeeze %dma_wait3A_1308 : memref<1x32x128xf32, #tpu.memory_space<vmem>> -> memref<32x128xf32, #tpu.memory_space<vmem>>
        %dma_wait3A_1310 = arith.constant 0 : i32
        %dma_wait3A_1311 = tpu.memref_slice %arg7[%add3A_1246, %dma_wait3A_1310] : memref<20000x128xf32, #tpu.memory_space<hbm>> -> memref<32x128xf32, #tpu.memory_space<hbm>>
        %dma_wait3A_1312 = arith.constant 0 : i32
        %dma_wait3A_1313 = tpu.memref_slice %arg7[%add3A_1246, %dma_wait3A_1312] : memref<20000x128xf32, #tpu.memory_space<hbm>> -> memref<32x128xf32, #tpu.memory_space<hbm>>
        %dma_wait3A_1314 = arith.constant 0 : i32
        %dma_wait3A_1315 = arith.constant 0 : i32
        %dma_wait3A_1316 = tpu.memref_slice %arg26[%run_scoped3A, %dma_wait3A_1314, %dma_wait3A_1315] : memref<2x128x128xf32, #tpu.memory_space<vmem>> -> memref<1x32x128xf32, #tpu.memory_space<vmem>>
        %dma_wait3A_1317 = tpu.memref_squeeze %dma_wait3A_1316 : memref<1x32x128xf32, #tpu.memory_space<vmem>> -> memref<32x128xf32, #tpu.memory_space<vmem>>
        tpu.wait_dma2 semaphore(%run_scoped3A_1293 : memref<!tpu.dma_semaphore, #tpu.memory_space<semaphore_mem>>) src(%dma_wait3A_1317 : memref<32x128xf32, #tpu.memory_space<vmem>>) dst(%dma_wait3A_1313 : memref<32x128xf32, #tpu.memory_space<hbm>>)
        tpu.yield
      }) : () -> ()
    } else {
    }
    %dma_wait3A_1264 = arith.constant 0 : i32
    %dma_wait3A_1265 = arith.constant 0 : i32
    %dma_wait3A_1266 = arith.constant 0 : i32
    %dma_wait3A_1267 = tpu.memref_slice %arg26[%dma_wait3A_1264, %dma_wait3A_1265, %dma_wait3A_1266] : memref<2x128x128xf32, #tpu.memory_space<vmem>> -> memref<1x128x128xf32, #tpu.memory_space<vmem>>
    %dma_wait3A_1268 = tpu.memref_squeeze %dma_wait3A_1267 : memref<1x128x128xf32, #tpu.memory_space<vmem>> -> memref<128x128xf32, #tpu.memory_space<vmem>>
    %dma_wait3A_1269 = arith.constant 512 : i32
    %dma_wait3A_1270 = tpu.memref_slice %arg25[%dma_wait3A_1269] : memref<640xi32, #tpu.memory_space<vmem>> -> memref<128xi32, #tpu.memory_space<vmem>>
    %dma_wait3A_1271 = arith.constant 0 : i32
    %dma_wait3A_1272 = arith.constant 0 : i32
    %dma_wait3A_1273 = tpu.memref_slice %arg6[%dma_wait3A_1271, %dma_wait3A_1272] : memref<20000x128xf32, #tpu.memory_space<hbm>> -> memref<20000x128xf32, #tpu.memory_space<hbm>>
    tpu.wait_indirect_dma semaphore(%arg29 : memref<!tpu.dma_semaphore, #tpu.memory_space<semaphore_mem>>) src(%dma_wait3A_1273 : memref<20000x128xf32, #tpu.memory_space<hbm>>) dst(%dma_wait3A_1268 : memref<128x128xf32, #tpu.memory_space<vmem>>)
    %add3A_1274 = arith.constant 512 : i32
    %add3A_1275 = arith.addi %mul3A_1097, %add3A_1274 : i32
    %add3A_1276 = arith.constant 128 : i32
    %add3A_1277 = arith.addi %add3A_1275, %add3A_1276 : i32
    %le3A_1278 = arith.constant 20000 : i32
    %le3A_1279 = arith.cmpi sle, %add3A_1277, %le3A_1278 : i32
    %convert_element_type3A_1280 = arith.extui %le3A_1279 : i1 to i32
    %cond3A_1281 = arith.constant 0 : i32
    %cond3A_1282 = arith.cmpi ne, %convert_element_type3A_1280, %cond3A_1281 : i32
    scf.if %cond3A_1282 {
      %run_scoped3A = arith.constant 0 : i32
      "tpu.region"() ({
        %run_scoped3A_1293 = tpu.sem_alloc : memref<!tpu.dma_semaphore, #tpu.memory_space<semaphore_mem>>
        %dma_start3A_1294 = arith.constant 0 : i32
        %dma_start3A_1295 = arith.constant 0 : i32
        %dma_start3A_1296 = tpu.memref_slice %arg26[%run_scoped3A, %dma_start3A_1294, %dma_start3A_1295] : memref<2x128x128xf32, #tpu.memory_space<vmem>> -> memref<1x128x128xf32, #tpu.memory_space<vmem>>
        %dma_start3A_1297 = tpu.memref_squeeze %dma_start3A_1296 : memref<1x128x128xf32, #tpu.memory_space<vmem>> -> memref<128x128xf32, #tpu.memory_space<vmem>>
        %dma_start3A_1298 = arith.constant 0 : i32
        %dma_start3A_1299 = tpu.memref_slice %arg7[%add3A_1275, %dma_start3A_1298] : memref<20000x128xf32, #tpu.memory_space<hbm>> -> memref<128x128xf32, #tpu.memory_space<hbm>>
        %dma_start3A_1300 = arith.constant 0 : i32
        %dma_start3A_1301 = tpu.memref_slice %arg7[%add3A_1275, %dma_start3A_1300] : memref<20000x128xf32, #tpu.memory_space<hbm>> -> memref<128x128xf32, #tpu.memory_space<hbm>>
        %dma_start3A_1302 = arith.constant 0 : i32
        %dma_start3A_1303 = arith.constant 0 : i32
        %dma_start3A_1304 = tpu.memref_slice %arg26[%run_scoped3A, %dma_start3A_1302, %dma_start3A_1303] : memref<2x128x128xf32, #tpu.memory_space<vmem>> -> memref<1x128x128xf32, #tpu.memory_space<vmem>>
        %dma_start3A_1305 = tpu.memref_squeeze %dma_start3A_1304 : memref<1x128x128xf32, #tpu.memory_space<vmem>> -> memref<128x128xf32, #tpu.memory_space<vmem>>
        tpu.enqueue_dma source(%dma_start3A_1305 : memref<128x128xf32, #tpu.memory_space<vmem>>) target(%dma_start3A_1301 : memref<128x128xf32, #tpu.memory_space<hbm>>) target_semaphore(%run_scoped3A_1293 : memref<!tpu.dma_semaphore, #tpu.memory_space<semaphore_mem>>)
        %dma_wait3A_1306 = arith.constant 0 : i32
        %dma_wait3A_1307 = arith.constant 0 : i32
        %dma_wait3A_1308 = tpu.memref_slice %arg26[%run_scoped3A, %dma_wait3A_1306, %dma_wait3A_1307] : memref<2x128x128xf32, #tpu.memory_space<vmem>> -> memref<1x128x128xf32, #tpu.memory_space<vmem>>
        %dma_wait3A_1309 = tpu.memref_squeeze %dma_wait3A_1308 : memref<1x128x128xf32, #tpu.memory_space<vmem>> -> memref<128x128xf32, #tpu.memory_space<vmem>>
        %dma_wait3A_1310 = arith.constant 0 : i32
        %dma_wait3A_1311 = tpu.memref_slice %arg7[%add3A_1275, %dma_wait3A_1310] : memref<20000x128xf32, #tpu.memory_space<hbm>> -> memref<128x128xf32, #tpu.memory_space<hbm>>
        %dma_wait3A_1312 = arith.constant 0 : i32
        %dma_wait3A_1313 = tpu.memref_slice %arg7[%add3A_1275, %dma_wait3A_1312] : memref<20000x128xf32, #tpu.memory_space<hbm>> -> memref<128x128xf32, #tpu.memory_space<hbm>>
        %dma_wait3A_1314 = arith.constant 0 : i32
        %dma_wait3A_1315 = arith.constant 0 : i32
        %dma_wait3A_1316 = tpu.memref_slice %arg26[%run_scoped3A, %dma_wait3A_1314, %dma_wait3A_1315] : memref<2x128x128xf32, #tpu.memory_space<vmem>> -> memref<1x128x128xf32, #tpu.memory_space<vmem>>
        %dma_wait3A_1317 = tpu.memref_squeeze %dma_wait3A_1316 : memref<1x128x128xf32, #tpu.memory_space<vmem>> -> memref<128x128xf32, #tpu.memory_space<vmem>>
        tpu.wait_dma2 semaphore(%run_scoped3A_1293 : memref<!tpu.dma_semaphore, #tpu.memory_space<semaphore_mem>>) src(%dma_wait3A_1317 : memref<128x128xf32, #tpu.memory_space<vmem>>) dst(%dma_wait3A_1313 : memref<128x128xf32, #tpu.memory_space<hbm>>)
        tpu.yield
      }) : () -> ()
    } else {
    }
    %lt3A_1283 = arith.constant 20000 : i32
    %lt3A_1284 = arith.cmpi slt, %add3A_1275, %lt3A_1283 : i32
    %add3A_1285 = arith.constant 128 : i32
    %add3A_1286 = arith.addi %add3A_1275, %add3A_1285 : i32
    %gt3A_1287 = arith.constant 20000 : i32
    %gt3A_1288 = arith.cmpi sgt, %add3A_1286, %gt3A_1287 : i32
    %and3A_1289 = arith.andi %lt3A_1284, %gt3A_1288 : i1
    %convert_element_type3A_1290 = arith.extui %and3A_1289 : i1 to i32
    %cond3A_1291 = arith.constant 0 : i32
    %cond3A_1292 = arith.cmpi ne, %convert_element_type3A_1290, %cond3A_1291 : i32
    scf.if %cond3A_1292 {
      %run_scoped3A = arith.constant 0 : i32
      "tpu.region"() ({
        %run_scoped3A_1293 = tpu.sem_alloc : memref<!tpu.dma_semaphore, #tpu.memory_space<semaphore_mem>>
        %dma_start3A_1294 = arith.constant 0 : i32
        %dma_start3A_1295 = arith.constant 0 : i32
        %dma_start3A_1296 = tpu.memref_slice %arg26[%run_scoped3A, %dma_start3A_1294, %dma_start3A_1295] : memref<2x128x128xf32, #tpu.memory_space<vmem>> -> memref<1x32x128xf32, #tpu.memory_space<vmem>>
        %dma_start3A_1297 = tpu.memref_squeeze %dma_start3A_1296 : memref<1x32x128xf32, #tpu.memory_space<vmem>> -> memref<32x128xf32, #tpu.memory_space<vmem>>
        %dma_start3A_1298 = arith.constant 0 : i32
        %dma_start3A_1299 = tpu.memref_slice %arg7[%add3A_1275, %dma_start3A_1298] : memref<20000x128xf32, #tpu.memory_space<hbm>> -> memref<32x128xf32, #tpu.memory_space<hbm>>
        %dma_start3A_1300 = arith.constant 0 : i32
        %dma_start3A_1301 = tpu.memref_slice %arg7[%add3A_1275, %dma_start3A_1300] : memref<20000x128xf32, #tpu.memory_space<hbm>> -> memref<32x128xf32, #tpu.memory_space<hbm>>
        %dma_start3A_1302 = arith.constant 0 : i32
        %dma_start3A_1303 = arith.constant 0 : i32
        %dma_start3A_1304 = tpu.memref_slice %arg26[%run_scoped3A, %dma_start3A_1302, %dma_start3A_1303] : memref<2x128x128xf32, #tpu.memory_space<vmem>> -> memref<1x32x128xf32, #tpu.memory_space<vmem>>
        %dma_start3A_1305 = tpu.memref_squeeze %dma_start3A_1304 : memref<1x32x128xf32, #tpu.memory_space<vmem>> -> memref<32x128xf32, #tpu.memory_space<vmem>>
        tpu.enqueue_dma source(%dma_start3A_1305 : memref<32x128xf32, #tpu.memory_space<vmem>>) target(%dma_start3A_1301 : memref<32x128xf32, #tpu.memory_space<hbm>>) target_semaphore(%run_scoped3A_1293 : memref<!tpu.dma_semaphore, #tpu.memory_space<semaphore_mem>>)
        %dma_wait3A_1306 = arith.constant 0 : i32
        %dma_wait3A_1307 = arith.constant 0 : i32
        %dma_wait3A_1308 = tpu.memref_slice %arg26[%run_scoped3A, %dma_wait3A_1306, %dma_wait3A_1307] : memref<2x128x128xf32, #tpu.memory_space<vmem>> -> memref<1x32x128xf32, #tpu.memory_space<vmem>>
        %dma_wait3A_1309 = tpu.memref_squeeze %dma_wait3A_1308 : memref<1x32x128xf32, #tpu.memory_space<vmem>> -> memref<32x128xf32, #tpu.memory_space<vmem>>
        %dma_wait3A_1310 = arith.constant 0 : i32
        %dma_wait3A_1311 = tpu.memref_slice %arg7[%add3A_1275, %dma_wait3A_1310] : memref<20000x128xf32, #tpu.memory_space<hbm>> -> memref<32x128xf32, #tpu.memory_space<hbm>>
        %dma_wait3A_1312 = arith.constant 0 : i32
        %dma_wait3A_1313 = tpu.memref_slice %arg7[%add3A_1275, %dma_wait3A_1312] : memref<20000x128xf32, #tpu.memory_space<hbm>> -> memref<32x128xf32, #tpu.memory_space<hbm>>
        %dma_wait3A_1314 = arith.constant 0 : i32
        %dma_wait3A_1315 = arith.constant 0 : i32
        %dma_wait3A_1316 = tpu.memref_slice %arg26[%run_scoped3A, %dma_wait3A_1314, %dma_wait3A_1315] : memref<2x128x128xf32, #tpu.memory_space<vmem>> -> memref<1x32x128xf32, #tpu.memory_space<vmem>>
        %dma_wait3A_1317 = tpu.memref_squeeze %dma_wait3A_1316 : memref<1x32x128xf32, #tpu.memory_space<vmem>> -> memref<32x128xf32, #tpu.memory_space<vmem>>
        tpu.wait_dma2 semaphore(%run_scoped3A_1293 : memref<!tpu.dma_semaphore, #tpu.memory_space<semaphore_mem>>) src(%dma_wait3A_1317 : memref<32x128xf32, #tpu.memory_space<vmem>>) dst(%dma_wait3A_1313 : memref<32x128xf32, #tpu.memory_space<hbm>>)
        tpu.yield
      }) : () -> ()
    } else {
    }
    return
  }
}

module attributes {stable_mosaic.version = 14 : i64} {
  func.func @_rel_exp_body(%arg0: i32, %arg1: memref<2000x51xf32, #tpu.memory_space<vmem>>, %arg2: memref<2000x51xf32, #tpu.memory_space<vmem>>) attributes {dimension_semantics = [#tpu.dimension_semantics<arbitrary>], iteration_bounds = array<i64: 10>, scalar_prefetch = 0 : i64, scratch_operands = 0 : i64, tpu.core_type = #tpu.core_type<tc>, window_params = [{transform_indices = @transform_0, window_bounds = array<i64: 2000, 51>}, {transform_indices = @transform_1, window_bounds = array<i64: 2000, 51>}]} {
    %get3A = arith.constant 0 : index
    %get3A_0 = arith.constant 0 : index
    %get3A_1 = vector.load %arg1[%get3A, %get3A_0] : memref<2000x51xf32, #tpu.memory_space<vmem>>, vector<2000x51xf32>
    %reduce_max3A = arith.constant dense<0xFF800000> : vector<2000xf32>
    %reduce_max3A_2 = vector.multi_reduction <maximumf>, %get3A_1, %reduce_max3A [1] : vector<2000x51xf32> to vector<2000xf32>
    %broadcast_in_dim3A = vector.shape_cast %reduce_max3A_2 : vector<2000xf32> to vector<2000x1xf32>
    %sub3A = vector.broadcast %broadcast_in_dim3A : vector<2000x1xf32> to vector<2000x51xf32>
    %sub3A_3 = arith.subf %get3A_1, %sub3A : vector<2000x51xf32>
    %exp3A = math.exp %sub3A_3 : vector<2000x51xf32>
    %swap3A = arith.constant 0 : index
    %swap3A_4 = arith.constant 0 : index
    %swap3A_5 = vector.load %arg2[%swap3A, %swap3A_4] : memref<2000x51xf32, #tpu.memory_space<vmem>>, vector<2000x51xf32>
    tpu.vector_store %arg2[%swap3A, %swap3A_4], %exp3A {strides = array<i32>} : memref<2000x51xf32, #tpu.memory_space<vmem>>, vector<2000x51xf32>,
    return
  }
  func.func @transform_0(%arg0: i32) -> (i32, i32) {
    %c0_i32 = arith.constant 0 : i32
    %c0_i32_0 = arith.constant 0 : i32
    return %arg0, %c0_i32 : i32, i32
  }
  func.func @transform_1(%arg0: i32) -> (i32, i32) {
    %c0_i32 = arith.constant 0 : i32
    %c0_i32_0 = arith.constant 0 : i32
    return %arg0, %c0_i32 : i32, i32
  }
}

module attributes {stable_mosaic.version = 14 : i64} {
  func.func @_rel_finish_body(%arg0: i32, %arg1: memref<2000x51xf32, #tpu.memory_space<vmem>>, %arg2: memref<2000x1xf32, #tpu.memory_space<vmem>>, %arg3: memref<2000x1xi32, #tpu.memory_space<vmem>>, %arg4: memref<2000x1xi32, #tpu.memory_space<vmem>>, %arg5: memref<2000x128xf32, #tpu.memory_space<vmem>>, %arg6: memref<2000x1xf32, #tpu.memory_space<vmem>>) attributes {dimension_semantics = [#tpu.dimension_semantics<arbitrary>], iteration_bounds = array<i64: 10>, scalar_prefetch = 0 : i64, scratch_operands = 0 : i64, tpu.core_type = #tpu.core_type<tc>, window_params = [{transform_indices = @transform_0, window_bounds = array<i64: 2000, 51>}, {transform_indices = @transform_1, window_bounds = array<i64: 2000, 1>}, {transform_indices = @transform_2, window_bounds = array<i64: 2000, 1>}, {transform_indices = @transform_3, window_bounds = array<i64: 2000, 1>}, {transform_indices = @transform_4, window_bounds = array<i64: 2000, 128>}, {transform_indices = @transform_5, window_bounds = array<i64: 2000, 1>}]} {
    %get3A = arith.constant 0 : index
    %get3A_0 = arith.constant 0 : index
    %get3A_1 = vector.load %arg1[%get3A, %get3A_0] : memref<2000x51xf32, #tpu.memory_space<vmem>>, vector<2000x51xf32>
    %get3A_2 = arith.constant 0 : index
    %get3A_3 = arith.constant 0 : index
    %get3A_4 = vector.load %arg2[%get3A_2, %get3A_3] : memref<2000x1xf32, #tpu.memory_space<vmem>>, vector<2000x1xf32>
    %div3A = vector.broadcast %get3A_4 : vector<2000x1xf32> to vector<2000x51xf32>
    %div3A_5 = arith.divf %get3A_1, %div3A : vector<2000x51xf32>
    %slice3A = vector.extract_strided_slice %div3A_5 {offsets = [0, 1], sizes = [2000, 50], strides = [1, 1]} : vector<2000x51xf32> to vector<2000x50xf32>
    %reduce_max3A = arith.constant dense<0xFF800000> : vector<2000xf32>
    %reduce_max3A_6 = vector.multi_reduction <maximumf>, %slice3A, %reduce_max3A [1] : vector<2000x50xf32> to vector<2000xf32>
    %iota3A = tpu.iota {dimensions = array<i32: 1>} : vector<2000x50xi32>
    %broadcast_in_dim3A = vector.shape_cast %reduce_max3A_6 : vector<2000xf32> to vector<2000x1xf32>
    %eq3A = vector.broadcast %broadcast_in_dim3A : vector<2000x1xf32> to vector<2000x50xf32>
    %eq3A_7 = arith.cmpf oeq, %slice3A, %eq3A : vector<2000x50xf32>
    %jit3A = arith.constant 50 : i32
    %broadcast_in_dim3A_8 = vector.broadcast %jit3A : i32 to vector<2000x50xi32>
    %select_n3A = arith.select %eq3A_7, %iota3A, %broadcast_in_dim3A_8 : vector<2000x50xi1>, vector<2000x50xi32>
    %reduce_min3A = arith.constant dense<2147483647> : vector<2000xi32>
    %reduce_min3A_9 = vector.multi_reduction <minsi>, %select_n3A, %reduce_min3A [1] : vector<2000x50xi32> to vector<2000xi32>
    %add3A = arith.constant 1 : i32
    %add3A_10 = vector.broadcast %add3A : i32 to vector<2000xi32>
    %add3A_11 = arith.addi %reduce_min3A_9, %add3A_10 : vector<2000xi32>
    %broadcast_in_dim3A_12 = vector.shape_cast %add3A_11 : vector<2000xi32> to vector<2000x1xi32>
    %broadcast_in_dim3A_13 = arith.constant 0.000000e+00 : f32
    %broadcast_in_dim3A_14 = vector.broadcast %broadcast_in_dim3A_13 : f32 to vector<2000x74xf32>
    %get3A_15 = arith.constant 0 : index
    %get3A_16 = arith.constant 0 : index
    %get3A_17 = vector.load %arg3[%get3A_15, %get3A_16] : memref<2000x1xi32, #tpu.memory_space<vmem>>, vector<2000x1xi32>
    %bitcast_convert_type3A = tpu.bitcast %get3A_17 : vector<2000x1xi32> -> vector<2000x1xf32>
    %get3A_18 = arith.constant 0 : index
    %get3A_19 = arith.constant 0 : index
    %get3A_20 = vector.load %arg4[%get3A_18, %get3A_19] : memref<2000x1xi32, #tpu.memory_space<vmem>>, vector<2000x1xi32>
    %bitcast_convert_type3A_21 = tpu.bitcast %get3A_20 : vector<2000x1xi32> -> vector<2000x1xf32>
    %bitcast_convert_type3A_22 = tpu.bitcast %broadcast_in_dim3A_12 : vector<2000x1xi32> -> vector<2000x1xf32>
    %concatenate3A = tpu.concatenate %div3A_5, %bitcast_convert_type3A, %bitcast_convert_type3A_21, %bitcast_convert_type3A_22, %broadcast_in_dim3A_14 in 1 : vector<2000x51xf32>, vector<2000x1xf32>, vector<2000x1xf32>, vector<2000x1xf32>, vector<2000x74xf32> -> vector<2000x128xf32>
    %swap3A = arith.constant 0 : index
    %swap3A_23 = arith.constant 0 : index
    %swap3A_24 = vector.load %arg5[%swap3A, %swap3A_23] : memref<2000x128xf32, #tpu.memory_space<vmem>>, vector<2000x128xf32>
    tpu.vector_store %arg5[%swap3A, %swap3A_23], %concatenate3A {strides = array<i32>} : memref<2000x128xf32, #tpu.memory_space<vmem>>, vector<2000x128xf32>,
    %broadcast_in_dim3A_25 = vector.shape_cast %reduce_max3A_6 : vector<2000xf32> to vector<2000x1xf32>
    %swap3A_26 = arith.constant 0 : index
    %swap3A_27 = arith.constant 0 : index
    %swap3A_28 = vector.load %arg6[%swap3A_26, %swap3A_27] : memref<2000x1xf32, #tpu.memory_space<vmem>>, vector<2000x1xf32>
    tpu.vector_store %arg6[%swap3A_26, %swap3A_27], %broadcast_in_dim3A_25 {strides = array<i32>} : memref<2000x1xf32, #tpu.memory_space<vmem>>, vector<2000x1xf32>,
    return
  }
  func.func @transform_0(%arg0: i32) -> (i32, i32) {
    %c0_i32 = arith.constant 0 : i32
    %c0_i32_0 = arith.constant 0 : i32
    return %arg0, %c0_i32 : i32, i32
  }
  func.func @transform_1(%arg0: i32) -> (i32, i32) {
    %c0_i32 = arith.constant 0 : i32
    %c0_i32_0 = arith.constant 0 : i32
    return %arg0, %c0_i32 : i32, i32
  }
  func.func @transform_2(%arg0: i32) -> (i32, i32) {
    %c0_i32 = arith.constant 0 : i32
    %c0_i32_0 = arith.constant 0 : i32
    return %arg0, %c0_i32 : i32, i32
  }
  func.func @transform_3(%arg0: i32) -> (i32, i32) {
    %c0_i32 = arith.constant 0 : i32
    %c0_i32_0 = arith.constant 0 : i32
    return %arg0, %c0_i32 : i32, i32
  }
  func.func @transform_4(%arg0: i32) -> (i32, i32) {
    %c0_i32 = arith.constant 0 : i32
    %c0_i32_0 = arith.constant 0 : i32
    return %arg0, %c0_i32 : i32, i32
  }
  func.func @transform_5(%arg0: i32) -> (i32, i32) {
    %c0_i32 = arith.constant 0 : i32
    %c0_i32_0 = arith.constant 0 : i32
    return %arg0, %c0_i32 : i32, i32
  }
}

</mosaic_0001>

<sc_bundles>
// kernel: kernel.5.cloned.1.call-start
scs
__scs_entry_jumppad:
0x0: {  	(pc) =	sbr.rel $0x88, $3  }
0x1: {  	(tag) =	ssettag $0x0;
	lr =	simm.s32 $0x1  }
0x2: {  	[smem:$0x3F9E] =	sst lr;
	_ =	strace $0xD0000000  }
0x3: {  	_ = 	snop  }
0x4: {  	_ = 	snop  }
0x5: {  	_ = 	snop  }
0x6: {  	_ = 	snop  }
0x7: {  	_ = 	snop  }
__scs_overlays_trampoline_lowered:
0x8: {  	[smem:$0x3FAD] =	sst s0  }
0x9: {  	[smem:$0x3FAE] =	sst s1  }
0xa: {  	[smem:$0x3FAF] =	sst s2  }
0xb: {  	[smem:$0x3FB0] =	sst s3  }
0xc: {  	[smem:$0x3FB1] =	sst s4  }
0xd: {  	[smem:$0x3FB2] =	sst s5  }
0xe: {  	[smem:$0x3FB3] =	sst s6  }
0xf: {  	[smem:$0x3FB4] =	sst s7  }
0x10: {  	[smem:$0x3FB5] =	sst s8  }
0x11: {  	[smem:$0x3FB6] =	sst s9;
	s0 =	simm.s32 @!p0 $0x0  }
0x12: {  	s1 =	sld [smem:$0x3F9C];
	s0 =	simm.s32 @p0 $0x1  }
0x13: {  	[smem:$0x3FB7] =	sst s0;
	s0 =	simm.s32 @!p1 $0x0  }
0x14: {  	s2 =	sld [smem:$0x3F9B];
	s0 =	simm.s32 @p1 $0x1  }
0x15: {  	[smem:$0x3FB8] =	sst s0;
	s0 =	simm.s32 @!p2 $0x0  }
0x16: {  	s3 =	sld [smem:$0x3FDB];
	s0 =	simm.s32 @p2 $0x1  }
0x17: {  	s4 =	simm.s32 $0x1BF5;
	[smem:$0x3FBA] =	sst s0  }
0x18: {  	s0 =	sld [smem:$0x3F9D];
	_ =	swait.ge [sflag:s4], $0x0  }
0x19: {  	s7 =	sld [smem:$0x3F9E]  }
0x1a: {  	s8 =	sadd.s32 $0xFFFFE003, lr  }
0x1b: {  	s9 =	sadd.s32 $0xFFFFFEF7, lr;
	s5 =	simm.s32 $0xFFFFFFFF;
	p2 =	slt.u32 s8, $0xFFFFF086  }
0x1c: {  	p1 =	slt.u32 s9, $0xF7A;
	s5 =	simm.s32 @!p2 $0x0  }
0x1d: {  	s5 =	simm.s32 @p1 $0x1;
	p0 =	seq.s32 s7, s2  }
0x1e: {  	s7 =	smul.u32 @!p0 $0xF7A, s2;
	p2 =	seq.s32 @!p0 s5, $0x0  }
0x1f: {  	s9 =	smul.u32 $0xF7A, s1;
	s8 =	simm.s32 @!p0 $0x1BF5;
	p2 =	por !p2, p0  }
0x20: {  	[sflag:s8] =	ssyncset.s32 @!p0 $0xFFFFF086;
	s6 =	sadd.s32 @!p0 s3, s7;
	s7 =	simm.s32 @!p0 $0x108  }
0x21: {  	s3 =	sadd.s32 s3, s9;
	s6 =	sadd.s32 @!p0 $0x88, s6;
	s7 =	simm.s32 @p2 $0x1082  }
0x22: {  	[simem:s7], [sflag:s8] =	dma.local @!p0 [hbm:s6], $0xF7A  }
0x23: {  	s9 =	sor.u32 $0xD0000000, s2;
	s6 =	simm.s32 $0x108;
	_ =	swait.ge @!p0 [sflag:s8], $0x0  }
0x24: {  	s3 =	sadd.s32 $0x88, s3;
	s6 =	simm.s32 @!p1 $0x1082;
	[sflag:s4] =	ssyncset.s32 $0xFFFFF086  }
0x25: {  	[simem:s6], [sflag:s4] =	dma.local [hbm:s3], $0xF7A  }
0x26: {  	[smem:$0x3F9E] =	sst s1;
	(tag) =	ssettag s2;
	_ =	strace s9  }
0x27: {  	s1 =	sld [smem:$0x3FAE]  }
0x28: {  	s2 =	sld [smem:$0x3FAF]  }
0x29: {  	s4 =	sld [smem:$0x3FB1]  }
0x2a: {  	p0 =	seq.s32 s5, $0x0;
	s5 =	sld [smem:$0x3FB2]  }
0x2b: {  	s6 =	sld [smem:$0x3FB3]  }
0x2c: {  	s7 =	sld [smem:$0x3FB4]  }
0x2d: {  	s3 =	simm.s32 $0x108;
	s8 =	sld [smem:$0x3FB5]  }
0x2e: {  	s3 =	simm.s32 @!p0 $0x1082;
	s9 =	sld [smem:$0x3FB6]  }
0x2f: {  	lr =	sadd.s32 s0, s3;
	s0 =	sld [smem:$0x3FAD]  }
0x30: {  	s3 =	sld [smem:$0x3FB0]  }
0x31: {  	[smem:$0x3FB9] =	sst s10  }
0x32: {  	s10 =	sld [smem:$0x3FB7];
	_ =	sdelay $0x3  }
0x33: {  	p0 =	seq.s32 s10, $0x1;
	s10 =	sld [smem:$0x3FB9];
	_ =	sdelay $0x3  }
0x34: {  	[smem:$0x3FB9] =	sst s10  }
0x35: {  	s10 =	sld [smem:$0x3FB8];
	_ =	sdelay $0x3  }
0x36: {  	p1 =	seq.s32 s10, $0x1;
	s10 =	sld [smem:$0x3FB9];
	_ =	sdelay $0x3  }
0x37: {  	[smem:$0x3FB9] =	sst s10  }
0x38: {  	s10 =	sld [smem:$0x3FBA]  }
0x39: {  	_ = 	snop;
	(pc) =	sbr.ind lr, $3  }
0x3a: {  	_ = 	snop  }
0x3b: {  	_ = 	snop  }
0x3c: {  	p2 =	seq.s32 s10, $0x1;
	s10 =	sld [smem:$0x3FB9]  }
0x3d: {  	_ =	shalt  }
0x3e: {  	_ =	shalt  }
0x3f: {  	_ =	shalt  }
0x40: {  	_ =	shalt  }
0x41: {  	_ =	shalt  }
0x42: {  	_ =	shalt  }
0x43: {  	_ =	shalt  }
0x44: {  	_ =	shalt  }
0x45: {  	_ =	shalt  }
0x46: {  	_ =	shalt  }
0x47: {  	_ =	shalt  }
0x48: {  	_ =	shalt  }
0x49: {  	_ =	shalt  }
0x4a: {  	_ =	shalt  }
0x4b: {  	_ =	shalt  }
0x4c: {  	_ =	shalt  }
0x4d: {  	_ =	shalt  }
0x4e: {  	_ =	shalt  }
0x4f: {  	_ =	shalt  }
0x50: {  	_ =	shalt  }
0x51: {  	_ =	shalt  }
0x52: {  	_ =	shalt  }
0x53: {  	_ =	shalt  }
0x54: {  	_ =	shalt  }
0x55: {  	_ =	shalt  }
0x56: {  	_ =	shalt  }
0x57: {  	_ =	shalt  }
0x58: {  	_ =	shalt  }
0x59: {  	_ =	shalt  }
0x5a: {  	_ =	shalt  }
0x5b: {  	_ =	shalt  }
0x5c: {  	_ =	shalt  }
0x5d: {  	_ =	shalt  }
0x5e: {  	_ =	shalt  }
0x5f: {  	_ =	shalt  }
0x60: {  	_ =	shalt  }
0x61: {  	_ =	shalt  }
0x62: {  	_ =	shalt  }
0x63: {  	_ =	shalt  }
0x64: {  	_ =	shalt  }
0x65: {  	_ =	shalt  }
0x66: {  	_ =	shalt  }
0x67: {  	_ =	shalt  }
0x68: {  	_ =	shalt  }
0x69: {  	_ =	shalt  }
0x6a: {  	_ =	shalt  }
0x6b: {  	_ =	shalt  }
0x6c: {  	_ =	shalt  }
0x6d: {  	_ =	shalt  }
0x6e: {  	_ =	shalt  }
0x6f: {  	_ =	shalt  }
0x70: {  	_ =	shalt  }
0x71: {  	_ =	shalt  }
0x72: {  	_ =	shalt  }
0x73: {  	_ =	shalt  }
0x74: {  	_ =	shalt  }
0x75: {  	_ =	shalt  }
0x76: {  	_ =	shalt  }
0x77: {  	_ =	shalt  }
0x78: {  	_ =	shalt  }
0x79: {  	_ =	shalt  }
0x7a: {  	_ =	shalt  }
0x7b: {  	_ =	shalt  }
0x7c: {  	_ =	shalt  }
0x7d: {  	_ =	shalt  }
0x7e: {  	_ =	shalt  }
0x7f: {  	_ =	shalt  }
0x80: {  	_ =	shalt  }
0x81: {  	_ =	shalt  }
0x82: {  	_ =	shalt  }
0x83: {  	_ =	shalt  }
0x84: {  	_ =	shalt  }
0x85: {  	_ =	shalt  }
0x86: {  	_ =	shalt  }
0x87: {  	_ =	shalt  }
.Lfunc_end0:
.L_simem_size_0:
called_computation_lowered:
.L_overlay_start_0:
0x88: {  	s2 =	sld [smem:$0x3FD9]  }
0x89: {  	s3 =	sld [smem:$0x3FFE];
	_ =	sdelay $0x1  }
0x8a: {  	s1 =	srdreg.scid  }
0x8b: {  	s0 =	sand.u32 $0x1, s1  }
0x8c: {  	s14 =	sshll.u32 s0, $0xA;
	s2 =	sadd.s32 s3, s2  }
0x8d: {  	s2 =	sadd.s32 s2, s14  }
0x8e: {  	[smem:$0x3FC5] =	sst s2  }
0x8f: {  	_ = 	snop  }
0x90: {  	s2 =	sld [smem:$0x3FD0];
	_ =	sdelay $0x2  }
0x91: {  	s15 =	simm.s32 $0xA;
	s4 =	simm.s32 $0x10  }
0x92: {  	[smem:s4], [sflag:s15] =	dma.local [hbm:s2], $0x1  }
0x93: {  	_ =	swait.eq [sflag:s15], $0x1  }
0x94: {  	s16 =	sld [smem:$0x12];
	[sflag:s15] =	ssyncset.done $0x0  }
0x95: {  	s17 =	sld [smem:$0x13];
	[sflag:s15] =	ssyncadd.s32 $0xFFFFFFFF  }
0x96: {  	s18 =	sld [smem:$0x14];
	(tm) =	ssettm $0x1  }
0x97: {  	s5 =	sld [smem:$0x3FFB];
	_ =	sdelay $0x3  }
0x98: {  	_ =	strace s5  }
0x99: {  	s5 =	sld [smem:$0x3FFC];
	_ =	sdelay $0x3  }
0x9a: {  	_ =	strace s5  }
0x9b: {  	s5 =	sld [smem:$0x3FFD];
	_ =	sdelay $0x3  }
0x9c: {  	_ =	strace s5  }
0x9d: {  	_ =	strace $0x8FFFFFFF  }
0x9e: {  	s19 =	sld [smem:$0x3FDB];
	_ =	sdelay $0x1  }
0x9f: {  	s6 =	simm.s32 $_scs_section_size  }
0xa0: {  	s7 =	simm.s32 $_size__tile_overlayer_lowered;
	s8 =	simm.s32 $_tile_overlayer_lowered  }
0xa1: {  	s22 =	simm.s32 $0x1BFF;
	s21 =	sshll.u32 s8, $0x1;
	s5 =	sadd.s32 s6, s19  }
0xa2: {  	s9 =	simm.s32 $0x0;
	s20 =	sshll.u32 s7, $0x1;
	s7 =	sadd.s32 s21, s5  }
0xa3: {  	[timem:s9], [sflag:s22] =	dma.local [hbm:s7], s20  }
0xa4: {  	_ =	swait.ge [sflag:s22], s20  }
0xa5: {  	s6 =	ssub.s32 $0x0, s20;
	[sflag:s22] =	ssyncset.done $0x0  }
0xa6: {  	[sflag:s22] =	ssyncadd.s32 s6;
	_ =	sdelay $0x1  }
0xa7: {  	s23 =	simm.s32 $0x1B8B  }
0xa8: {  	_ =	swait.ge [sflag:s23], $0x1  }
0xa9: {  	[sflag:s23] =	ssyncset.done $0x0  }
0xaa: {  	s25 =	simm.s32 $0x1B8E;
	s24 =	sld [smem:$0x3FFE];
	[sflag:s23] =	ssyncadd.s32 $0xFFFFFFFF  }
0xab: {  	s26 =	simm.s32 $execute0_lowered;
	[smem:$0x3FD2] =	sst s25  }
0xac: {  	s7 =	sshll.u32 s26, $0x1;
	_ =	strace $0x80000046;
	[dreg:$0x1] =	wrdreg $0xFFFFFFFF  }
0xad: {  	s28 =	simm.s32 $_size_execute0_lowered;
	s5 =	sadd.s32 s5, s7;
	[dreg:$0x0] =	wrdreg $0x0  }
0xae: {  	s7 =	sshll.u32 s28, $0x1;
	[dreg:$0x2] =	wrdreg s5  }
0xaf: {  	[dreg:$0x3] =	wrdreg s7  }
0xb0: {  	[dreg:$0x4] =	wrdreg $0xC0  }
0xb1: {  	_ =	task [dreg:s9], $0x5FFFF  }
0xb2: {  	[dreg:$0x1] =	wrdreg $0xFFFFFFFF  }
0xb3: {  	[dreg:$0x0] =	wrdreg $0x60  }
0xb4: {  	[dreg:$0x2] =	wrdreg s18  }
0xb5: {  	[dreg:$0x3] =	wrdreg s24  }
0xb6: {  	[dreg:$0x4] =	wrdreg s17  }
0xb7: {  	[dreg:$0x5] =	wrdreg s16  }
0xb8: {  	[dreg:$0x6] =	wrdreg $0x0  }
0xb9: {  	[dreg:$0x7] =	wrdreg $0x5000  }
0xba: {  	[dreg:$0x8] =	wrdreg $0x14000  }
0xbb: {  	[dreg:$0x9] =	wrdreg $0xA000  }
0xbc: {  	[dreg:$0xa] =	wrdreg $0xF000  }
0xbd: {  	[dreg:$0xb] =	wrdreg $0x9  }
0xbe: {  	_ =	task.clear_ibuf [dreg:s9], $0xCFFFF;
	_ =	strace $0x90000046  }
0xbf: {  	s29 =	simm.s32 $0x9;
	_ =	strace $0x80000048  }
0xc0: {  	_ =	swait.ge [sflag:s29], $0x1  }
0xc1: {  	[sflag:s29] =	ssyncadd.s32 $0xFFFFFFFF  }
0xc2: {  	_ =	strace $0x90000048  }
0xc3: {  	_ =	sfence  }
0xc4: {  	s30 =	sld [smem:$0x0];
	_ =	sdelay $0x2  }
0xc5: {  	s31 =	sshll.u32 s1, $0xD;
	s1 =	sshrl.u32 s1, $0x2  }
0xc6: {  	s3 =	sand.u32 $0x4000, s31;
	s1 =	sadd.s32 s1, s30  }
0xc7: {  	s0 =	sor.u32 s3, s0;
	s1 =	sshll.u32 s1, $0x11  }
0xc8: {  	s0 =	sor.u32 s1, s0  }
0xc9: {  	s0 =	sadd.s32 $0x8F2B, s0  }
0xca: {  	[sflag:s0] =	ssyncadd.remote.s32 $0x1  }
0xcb: {  	_ =	sfence.sel $0xFFFF  }
0xcc: {  	[dreg:$0x0] =	wrdreg $0xFFFFFFFF;
	(pc) =	sbr.abs _section_cstart, $3  }
0xcd: {  	[dreg:$0x1] =	wrdreg $0xFFFFFFFF  }
0xce: {  	_ =	task.clear_ibuf [dreg:s9], $0x2FFFF;
	_ =	strace $0x9FFFFFFF  }
0xcf: {  	(tm) =	ssettm $0x7FFFFFFF  }
tec
execute0_lowered:
.L_overlay_start_1:
0x0: {  	(tag) =	ssettag $0x1  }
0x1: {  	s0 =	rddreg [dreg:$0x0]  }
0x2: {  	s12 =	rddreg [dreg:$0x1]  }
0x3: {  	s3 =	rddreg [dreg:$0x2]  }
0x4: {  	s4 =	rddreg [dreg:$0x3]  }
0x5: {  	s1 =	rddreg [dreg:$0x4]  }
0x6: {  	s2 =	rddreg [dreg:$0x5]  }
0x7: {  	s14 =	rddreg [dreg:$0x6]  }
0x8: {  	s5 =	srdreg.scid;
	s6 =	rddreg [dreg:$0x7]  }
0x9: {  	s13 =	stileid.u32;
	s7 =	rddreg [dreg:$0x8];
	s16 =	simm.s32 $0x0  }
0xa: {  	s28 =	simm.s32 $0x1C00;
	s29 =	simm.s32 $0x4;
	s30 =	simm.s32 $0x3400  }
0xb: {  	s31 =	simm.s32 $0x3900;
	s5 =	sand.u32 $0x1, s5;
	[smem:$0x7FF] =	sst s16  }
0xc: {  	s15 =	smul.u32 $0x500, s13;
	s10 =	sadd.s32 $0x4E200, s12;
	s24 =	sshll.u32 s13, $0xB  }
0xd: {  	p6 =	seq.s32 s13, $0xF;
	p1 =	sgt.u32 s13, $0xD;
	p2 =	sgt.u32 s13, $0xC  }
0xe: {  	p3 =	sgt.u32 s13, $0xB;
	p4 =	sgt.u32 s13, $0x9;
	p5 =	sgt.u32 s13, $0x8  }
0xf: {  	s8 =	sshll.u32 s5, $0x4;
	_ =	strace $0x80000047;
	s5 =	ssub.s32 $0x2, s5  }
0x10: {  	[dreg:$0xb] =	wrdreg s10;
	s8 =	sor.u32 s13, s8;
	s21 =	sshrl.u32 s5, $0x1  }
0x11: {  	s11 =	sshrl.u32 s15, $0x3;
	s26 =	sadd.s32 s15, s1;
	s10 =	sadd.s32 s15, s2  }
0x12: {  	[dreg:$0xa] =	wrdreg s15;
	s0 =	sadd.s32 s0, s11;
	s25 =	smul.u32 $0x280, s8  }
0x13: {  	s22 =	sadd.s32 s3, s11;
	s23 =	sadd.s32 s4, s11;
	p0 =	seq.s32 s8, $0x1F  }
0x14: {  	[dreg:$0xc] =	wrdreg s0;
	s4 =	simm.s32 @!p0 $0x0;
	s18 =	sadd.s32 $0xFFFFB35F, s25  }
0x15: {  	s0 =	sadd.s32 s24, s14;
	s4 =	simm.s32 @p0 $0x1;
	p0 =	sgt.u32 s18, $0x7E  }
0x16: {  	[dreg:$0x11] =	wrdreg s0;
	s20 =	sadd.s32 $0xFFFFB3DF, s25;
	s0 =	simm.s32 @!p0 $0x0  }
0x17: {  	[dreg:$0xd] =	wrdreg s22;
	s0 =	simm.s32 @p0 $0x1;
	p0 =	sgt.u32 s20, $0x7E  }
0x18: {  	s22 =	sadd.s32 $0xFFFFB45F, s25;
	[smem:$0x7EC] =	sst s0;
	s0 =	simm.s32 @!p0 $0x0  }
0x19: {  	[dreg:$0xf] =	wrdreg s26;
	s0 =	simm.s32 @p0 $0x1;
	p0 =	sgt.u32 s22, $0x7E  }
0x1a: {  	s9 =	smul.u32 $0x2800, s8;
	[smem:$0x7ED] =	sst s0;
	s0 =	simm.s32 @!p0 $0x0  }
0x1b: {  	[dreg:$0x10] =	wrdreg s10;
	s0 =	simm.s32 @p0 $0x1;
	p0 =	seq.s32 s13, $0x0  }
0x1c: {  	s5 =	ssub.s32 s5, s21;
	[smem:$0x7EE] =	sst s0;
	s0 =	simm.s32 @!p0 $0x0  }
0x1d: {  	s11 =	sadd.s32 s15, s6;
	s26 =	sadd.s32 $0x9C400, s12;
	s0 =	simm.s32 @p0 $0x1  }
0x1e: {  	s3 =	simm.s32 $0x2F00;
	[smem:$0x7EF] =	sst s0;
	s0 =	simm.s32 @!p5 $0x0  }
0x1f: {  	[dreg:$0xe] =	wrdreg s23;
	s0 =	simm.s32 @p5 $0x1;
	p5 =	sgt.u32 s13, $0x7  }
0x20: {  	s10 =	simm.s32 $0xD100;
	[smem:$0x7F0] =	sst s0;
	s0 =	simm.s32 @!p5 $0x0  }
0x21: {  	[dreg:$0x12] =	wrdreg s11;
	s0 =	simm.s32 @p5 $0x1;
	p5 =	sgt.u32 s13, $0x6  }
0x22: {  	s14 =	sadd.s32 s15, s7;
	[smem:$0x7F1] =	sst s0;
	s0 =	simm.s32 @!p5 $0x0  }
0x23: {  	[dreg:$0x1b] =	wrdreg s26;
	s0 =	simm.s32 @p5 $0x1;
	p5 =	sgt.u32 s13, $0x5  }
0x24: {  	s11 =	simm.s32 $0x80;
	[smem:$0x7F2] =	sst s0;
	s0 =	simm.s32 @!p5 $0x0  }
0x25: {  	[dreg:$0x13] =	wrdreg s14;
	s0 =	simm.s32 @p5 $0x1;
	p5 =	sgt.u32 s13, $0x4  }
0x26: {  	s15 =	sadd.s32 s25, s7;
	[smem:$0x7F3] =	sst s0;
	s0 =	simm.s32 @!p5 $0x0  }
0x27: {  	[dreg:$0x14] =	wrdreg s15;
	s0 =	simm.s32 @p5 $0x1;
	p5 =	sgt.u32 s13, $0x3  }
0x28: {  	s9 =	sadd.s32 s9, s12;
	[smem:$0x7F4] =	sst s0;
	s0 =	simm.s32 @!p5 $0x0  }
0x29: {  	[smem:$0x7EB] =	sst s4;
	s0 =	simm.s32 @p5 $0x1;
	p5 =	sgt.u32 s13, $0x2  }
0x2a: {  	s25 =	smax.u32 s5, $0x1;
	[smem:$0x7F5] =	sst s0;
	s0 =	simm.s32 @!p5 $0x0  }
0x2b: {  	[dreg:$0x1a] =	wrdreg s25;
	s0 =	simm.s32 @p5 $0x1;
	p5 =	sgt.u32 s13, $0x1  }
0x2c: {  	s17 =	sadd.s32 $0x4E400, s9;
	[smem:$0x7F6] =	sst s0;
	s0 =	simm.s32 @!p5 $0x0  }
0x2d: {  	s26 =	simm.s32 $0xDD80;
	[dreg:$0x15] =	wrdreg s17;
	s0 =	simm.s32 @p5 $0x1  }
0x2e: {  	s19 =	sadd.s32 $0x4EC00, s9;
	[smem:$0x7F7] =	sst s0;
	s0 =	simm.s32 @!p6 $0x0  }
0x2f: {  	s5 =	simm.s32 $0x1;
	[dreg:$0x16] =	wrdreg s19;
	s0 =	simm.s32 @p6 $0x1  }
0x30: {  	s21 =	sadd.s32 $0x4F400, s9;
	[smem:$0x7F8] =	sst s0;
	s0 =	simm.s32 @!p1 $0x0  }
0x31: {  	s23 =	sadd.s32 $0x4FC00, s9;
	[dreg:$0x17] =	wrdreg s21;
	s0 =	simm.s32 @p1 $0x1  }
0x32: {  	s24 =	sadd.s32 $0x50400, s9;
	[smem:$0x7F9] =	sst s0;
	s0 =	simm.s32 @!p2 $0x0  }
0x33: {  	s25 =	simm.s32 $0xDA80;
	[dreg:$0x18] =	wrdreg s23;
	s0 =	simm.s32 @p2 $0x1  }
0x34: {  	s18 =	simm.s32 $0xDC00;
	[smem:$0x7FA] =	sst s0;
	s0 =	simm.s32 @!p3 $0x0  }
0x35: {  	[dreg:$0x19] =	wrdreg s24;
	p0 =	sgt.u32 s13, $0xA;
	s0 =	simm.s32 @p3 $0x1  }
0x36: {  	s4 =	simm.s32 $0xDC80;
	[smem:$0x7FB] =	sst s0;
	s0 =	simm.s32 @!p0 $0x0  }
0x37: {  	s19 =	simm.s32 $0xD900;
	s17 =	simm.s32 $0xDB00;
	s0 =	simm.s32 @p0 $0x1  }
0x38: {  	s21 =	simm.s32 $0xDB80;
	[smem:$0x7FC] =	sst s0;
	s0 =	simm.s32 @!p4 $0x0  }
0x39: {  	s24 =	simm.s32 $0x3;
	s23 =	simm.s32 $0x0;
	s0 =	simm.s32 @p4 $0x1  }
0x3a: {  	v0 =	vlaneseq.u32;
	v1 =	vimm.s32 $0x0;
	s20 =	simm.s32 $0xDD00;
	s22 =	simm.s32 $0x2;
	[smem:$0x7FD] =	sst s0  }
.LBB2_1:
0x3b: {  	s0 =	rddreg [dreg:$0xb]  }
0x3c: {  	[tilespmem:s28], [sflag:$0x1] =	stream.linear.gather [hbm4b:s0+s16], $0x400, $0x38;
	[tilespmem:$0x16380] =	vst v63  }
0x3d: {  	s9 =	rddreg [dreg:$0xc];
	s8 =	simm.s32 $0x2000  }
0x3e: {  	[tilespmem:s8], [sflag:$0x1] =	stream.linear.gather [hbm4b:s9+s16], $0x500, $0x38;
	[tilespmem:$0x16380] =	vst v63  }
0x3f: {  	s12 =	rddreg [dreg:$0xd];
	s13 =	simm.s32 $0x2500  }
0x40: {  	[tilespmem:s13], [sflag:$0x1] =	stream.linear.gather [hbm4b:s12+s16], $0x500, $0x38;
	[tilespmem:$0x16380] =	vst v63  }
0x41: {  	s14 =	rddreg [dreg:$0xe];
	s15 =	simm.s32 $0x2A00  }
0x42: {  	[tilespmem:s15], [sflag:$0x1] =	stream.linear.gather [hbm4b:s14+s16], $0x500, $0x38;
	[tilespmem:$0x16380] =	vst v63  }
0x43: {  	_ =	swait.ge [sflag:s5], $0x400  }
0x44: {  	[sflag:s5] =	ssyncset.done $0x0  }
0x45: {  	[sflag:s5] =	ssyncadd.s32 $0xFFFFFC00  }
0x46: {  	_ =	swait.ge [sflag:s5], $0x500  }
0x47: {  	[sflag:s5] =	ssyncset.done $0x0  }
0x48: {  	[sflag:s5] =	ssyncadd.s32 $0xFFFFFB00  }
0x49: {  	_ =	swait.ge [sflag:s5], $0x500  }
0x4a: {  	[sflag:s5] =	ssyncset.done $0x0  }
0x4b: {  	[sflag:s5] =	ssyncadd.s32 $0xFFFFFB00  }
0x4c: {  	_ =	swait.ge [sflag:s5], $0x500  }
0x4d: {  	[sflag:s5] =	ssyncset.done $0x0  }
0x4e: {  	s0 =	simm.s32 $0x0;
	[sflag:s5] =	ssyncadd.s32 $0xFFFFFB00  }
0x4f: {  	v2 =	vld [tilespmem:s0+$0x2500];
	_ =	sdelay $0x1  }
0x50: {  	v3 =	vld [tilespmem:s0+$0x2A00];
	_ =	sdelay $0x4  }
0x51: {  	v4 =	vld [tilespmem:s0+$0x2000]  }
0x52: {  	v2 =	vld.idx.msk [tilespmem:v2+s28+$0x0], $0xffff  }
0x53: {  	s8 =	rddreg [dreg:$0xa]  }
0x54: {  	v5 =	vor.u32 s8, v0;
	v3 =	vld.idx.msk [tilespmem:v3+s28+$0x0], $0xffff  }
0x55: {  	s9 =	simm.s32 $0x10;
	s14 =	simm.s32 $0x80;
	[tilespmem:s0+$0x3400] =	vst v5  }
.LBB2_2:
0x56: {  	p5 =	sne.s32 s14, $0x13C0;
	v5 =	vld [tilespmem:s9+$0x2500]  }
0x57: {  	v2 =	vmul.f32 v4, v2  }
0x58: {  	v6 =	vld [tilespmem:s9+$0x2A00]  }
0x59: {  	v2 =	vmul.f32 v2, v3  }
0x5a: {  	v3 =	vmov s8  }
0x5b: {  	vm0 =	vlt.u32 v3, $0x4E20;
	v2 =	vxor.u32 $0xFFFFFFFF, v2  }
0x5c: {  	v2 =	vnsel vm0, $0xFFFFFFFF, v2  }
0x5d: {  	[tilespmem:s0+$0x2F00] =	vst v2;
	s0 =	smov.u32 s9  }
.Ltmp0:
0x5e: {  	s8 =	sadd.s32 $0x10, s8;
	v2 =	vld.idx.msk [tilespmem:v5+s28+$0x0], $0xffff;
	(pc) =	sbr.rel @p5 .LBB2_2-.Ltmp0, $3  }
0x5f: {  	v5 =	vor.u32 s8, v0;
	v4 =	vld [tilespmem:s0+$0x2000]  }
0x60: {  	v3 =	vld.idx.msk [tilespmem:v6+s28+$0x0], $0xffff;
	[tilespmem:s0+$0x3400] =	vst v5;
	_ =	sdelay $0x1  }
0x61: {  	s9 =	sshra.s32 s14, $0x2;
	s14 =	sadd.s32 $0x40, s14  }
0x62: {  	v5 =	vld [tilespmem:s9+$0x2500]  }
0x63: {  	v2 =	vmul.f32 v4, v2;
	_ =	sdelay $0x1  }
0x64: {  	v62 =	vld [tilespmem:s9+$0x2A00];
	v2 =	vmul.f32 v2, v3  }
0x65: {  	v3 =	vmov s8  }
0x66: {  	vm0 =	vlt.u32 v3, $0x4E20;
	v2 =	vxor.u32 $0xFFFFFFFF, v2  }
0x67: {  	v2 =	vnsel vm0, $0xFFFFFFFF, v2  }
0x68: {  	[tilespmem:s0+$0x2F00] =	vst v2  }
0x69: {  	v2 =	vld.idx.msk [tilespmem:v5+s28+$0x0], $0xffff  }
0x6a: {  	v3 =	vld [tilespmem:s9+$0x2000];
	_ =	sdelay $0x1  }
0x6b: {  	v4 =	vld.idx.msk [tilespmem:v62+s28+$0x0], $0xffff;
	_ =	sdelay $0x2  }
0x6c: {  	v2 =	vmul.f32 v3, v2;
	_ =	sdelay $0x1  }
0x6d: {  	s14 =	sadd.s32 $0x10, s8;
	v2 =	vmul.f32 v2, v4  }
0x6e: {  	v3 =	vmov s14  }
0x6f: {  	v63 =	vor.u32 s14, v0;
	vm15 =	vlt.u32 v3, $0x4E20;
	v2 =	vxor.u32 $0xFFFFFFFF, v2  }
0x70: {  	[tilespmem:s9+$0x3400] =	vst v63;
	v2 =	vnsel vm15, $0xFFFFFFFF, v2  }
0x71: {  	s15 =	rddreg [dreg:$0xf];
	[tilespmem:s9+$0x2F00] =	vst v2  }
0x72: {  	[spmem:s15] =	stream.linear.scatter [tilespmem:s3], [sflag:$0x4], $0x500, $0x38;
	[tilespmem:$0x16380] =	vst v63  }
0x73: {  	_ =	swait.ge [sflag:s29], $0x500  }
0x74: {  	[sflag:s29] =	ssyncset.done $0x0  }
0x75: {  	s16 =	rddreg [dreg:$0x10];
	[sflag:s29] =	ssyncadd.s32 $0xFFFFFB00  }
0x76: {  	[spmem:s16] =	stream.linear.scatter [tilespmem:s30], [sflag:$0x4], $0x500, $0x38;
	[tilespmem:$0x16380] =	vst v63  }
0x77: {  	_ =	swait.ge [sflag:s29], $0x500  }
0x78: {  	[sflag:s29] =	ssyncset.done $0x0  }
0x79: {  	[sflag:s29] =	ssyncadd.s32 $0xFFFFFB00  }
0x7a: {  	[bflag:$0x0] =	sbarrier.arrive $0xFFFF  }
0x7b: {  	[tilespmem:s3], [sflag:$0x4] =	stream.linear.gather [spmem:s15], $0x500, $0x38;
	[tilespmem:$0x16380] =	vst v63  }
0x7c: {  	_ =	swait.ge [sflag:s29], $0x500  }
0x7d: {  	[sflag:s29] =	ssyncset.done $0x0  }
0x7e: {  	s8 =	simm.s32 $0x0;
	s0 =	simm.s32 $0x40;
	[sflag:s29] =	ssyncadd.s32 $0xFFFFFB00  }
.LBB2_4:
0x7f: {  	p5 =	sne.s32 s0, $0x1FC0;
	[tilespmem:s8+$0x3900] =	vst v1;
	s8 =	smov.u32 s0;
	s0 =	sadd.s32 $0x40, s0  }
.Ltmp1:
0x80: {  	(pc) =	sbr.rel @p5 .LBB2_4-.Ltmp1, $2  }
0x81: {  	_ =	sdelay $0x2  }
0x82: {  	s8 =	sshra.s32 s8, $0x2  }
0x83: {  	[tilespmem:s8+$0x3900] =	vst v1;
	s8 =	simm.s32 $0x0;
	s0 =	simm.s32 $0x40  }
.LBB2_6:
0x84: {  	p5 =	sne.s32 s0, $0x13C0;
	v2 =	vld [tilespmem:s8+$0x2F00];
	_ =	sdelay $0x4  }
0x85: {  	v2 =	vand.u32 $0x7FF, v2  }
0x86: {  	(xrf1) =	vunique.msk.u32 $0xffff, v2;
	_ =	sdelay $0xd  }
0x87: {  	_, v3, vm0 =	vpop (xrf1);
	_ =	sdelay $0x1  }
.Ltmp2:
0x88: {  	(pc) =	sbr.rel @p5 .LBB2_6-.Ltmp2, $2  }
0x89: {  	_ =	sdelay $0x2  }
0x8a: {  	s8 =	sshra.s32 s0, $0x2;
	s0 =	sadd.s32 $0x40, s0;
	[tilespmem:v2+s31+$0x0] =	vst.idx.add.s32.msk vm0, v3  }
0x8b: {  	v2 =	vld [tilespmem:s8+$0x2F00];
	_ =	sdelay $0x4  }
0x8c: {  	v2 =	vand.u32 $0x7FF, v2  }
0x8d: {  	(xrf1) =	vunique.msk.u32 $0xffff, v2;
	_ =	sdelay $0xd  }
0x8e: {  	_, v3, vm0 =	vpop (xrf1);
	_ =	sdelay $0x5  }
0x8f: {  	s0 =	rddreg [dreg:$0x11];
	[tilespmem:v2+s31+$0x0] =	vst.idx.add.s32.msk vm0, v3  }
0x90: {  	[spmem:s0] =	stream.linear.scatter [tilespmem:s31], [sflag:$0x4], $0x800, $0x38;
	[tilespmem:$0x16380] =	vst v63  }
0x91: {  	_ =	swait.ge [sflag:s29], $0x800  }
0x92: {  	[sflag:s29] =	ssyncset.done $0x0  }
0x93: {  	[sflag:s29] =	ssyncadd.s32 $0xFFFFF800  }
0x94: {  	[bflag:$0x0] =	sbarrier.arrive $0xFFFF  }
0x95: {  	s8 =	simm.s32 $0x4100;
	s12 =	rddreg [dreg:$0x6]  }
0x96: {  	[tilespmem:s8], [sflag:$0x4] =	stream.linear.gather [spmem:s12], $0x8000, $0x38;
	[tilespmem:$0x16380] =	vst v63  }
0x97: {  	_ =	swait.ge [sflag:s29], $0x8000  }
0x98: {  	[sflag:s29] =	ssyncset.done $0x0  }
0x99: {  	s9 =	simm.s32 $0x0;
	[sflag:s29] =	ssyncadd.s32 $0xFFFF8000  }
0x9a: {  	s13 =	sand.u32 $0x7F0, s9;
	v2 =	vld [tilespmem:s8+$0x0]  }
0x9b: {  	v3 =	vld [tilespmem:s13+$0x4900]  }
0x9c: {  	v4 =	vld [tilespmem:s13+$0x5100]  }
0x9d: {  	v5 =	vld [tilespmem:s13+$0x5900]  }
0x9e: {  	v6 =	vld [tilespmem:s13+$0x6100]  }
0x9f: {  	v7 =	vld [tilespmem:s13+$0x6900]  }
0xa0: {  	v8 =	vld [tilespmem:s13+$0x7100]  }
0xa1: {  	v9 =	vld [tilespmem:s13+$0x7900];
	v2 =	vadd.s32 v2, v3  }
0xa2: {  	v10 =	vld [tilespmem:s13+$0x8100];
	v2 =	vadd.s32 v4, v2  }
0xa3: {  	v11 =	vld [tilespmem:s13+$0x8900];
	v2 =	vadd.s32 v5, v2  }
0xa4: {  	s12 =	sld [smem:$0x7F7];
	v12 =	vld [tilespmem:s13+$0x9100];
	v2 =	vadd.s32 v6, v2  }
0xa5: {  	s14 =	sld [smem:$0x7F6];
	v13 =	vld [tilespmem:s13+$0x9900];
	v2 =	vadd.s32 v7, v2  }
0xa6: {  	s15 =	sld [smem:$0x7F5];
	v14 =	vld [tilespmem:s13+$0xA100];
	v2 =	vadd.s32 v8, v2  }
0xa7: {  	s16 =	sld [smem:$0x7F4];
	v15 =	vld [tilespmem:s13+$0xA900];
	p5 =	seq.s32 s12, $0x1;
	v2 =	vadd.s32 v9, v2  }
0xa8: {  	v16 =	vld [tilespmem:s13+$0xB100];
	s12 =	sld [smem:$0x7F3];
	v3 =	vpsel !p5, $0x0, v3;
	p5 =	seq.s32 s14, $0x1;
	v2 =	vadd.s32 v10, v2  }
0xa9: {  	v56 =	vld [tilespmem:s13+$0xB900];
	s13 =	sld [smem:$0x7F2];
	v4 =	vpsel !p5, $0x0, v4;
	p5 =	seq.s32 s15, $0x1;
	v2 =	vadd.s32 v11, v2  }
0xaa: {  	s14 =	sld [smem:$0x7F1];
	v3 =	vadd.s32 v3, v4;
	v55 =	vpsel !p5, $0x0, v5;
	p5 =	seq.s32 s16, $0x1;
	v2 =	vadd.s32 v12, v2  }
0xab: {  	s15 =	sld [smem:$0x7F0];
	v3 =	vadd.s32 v55, v3;
	v57 =	vpsel !p5, $0x0, v6;
	p5 =	seq.s32 s12, $0x1;
	v2 =	vadd.s32 v13, v2  }
0xac: {  	v3 =	vadd.s32 v57, v3;
	v58 =	vpsel !p5, $0x0, v7;
	p5 =	seq.s32 s13, $0x1;
	v2 =	vadd.s32 v14, v2  }
0xad: {  	v3 =	vadd.s32 v58, v3;
	v59 =	vpsel !p5, $0x0, v8;
	p5 =	seq.s32 s14, $0x1;
	v2 =	vadd.s32 v15, v2  }
0xae: {  	v3 =	vadd.s32 v59, v3;
	v60 =	vpsel !p5, $0x0, v9;
	p5 =	seq.s32 s15, $0x1;
	v2 =	vadd.s32 v16, v2  }
0xaf: {  	s0 =	simm.s32 $0xC100;
	v3 =	vadd.s32 v60, v3;
	v61 =	vpsel !p5, $0x0, v10;
	v2 =	vadd.s32 v56, v2  }
0xb0: {  	v62 =	vpsel !p4, $0x0, v11;
	v3 =	vadd.s32 v61, v3;
	[tilespmem:s0+$0x0] =	vst v2  }
0xb1: {  	v2 =	vadd.s32 v62, v3;
	v3 =	vpsel !p0, $0x0, v12;
	v63 =	vld [tilespmem:s8+$0x0]  }
0xb2: {  	s16 =	sld [smem:$0x7EF];
	v2 =	vadd.s32 v3, v2;
	v3 =	vpsel !p3, $0x0, v13  }
0xb3: {  	v2 =	vadd.s32 v3, v2;
	v3 =	vpsel !p2, $0x0, v14  }
0xb4: {  	p3 =	por p2, p2;
	v2 =	vadd.s32 v3, v2;
	v3 =	vpsel !p1, $0x0, v15  }
0xb5: {  	p2 =	por p1, p1;
	p1 =	por p6, p6;
	v2 =	vadd.s32 v3, v2;
	v3 =	vpsel !p6, $0x0, v16;
	p6 =	seq.s32 s16, $0x1  }
0xb6: {  	v2 =	vadd.s32 v3, v2;
	v3 =	vpsel p6, $0x0, v63  }
0xb7: {  	p4 =	por p0, p0;
	s14 =	simm.s32 $0xC900;
	s15 =	simm.s32 $0x10;
	v2 =	vadd.s32 v3, v2  }
.LBB2_8:
0xb8: {  	[tilespmem:s14+$0x0] =	vst v2;
	s8 =	sadd.s32 $0x10, s8  }
0xb9: {  	s16 =	sand.u32 $0x7F0, s15;
	v2 =	vld [tilespmem:s8+$0x0]  }
0xba: {  	v3 =	vld [tilespmem:s16+$0x4900]  }
0xbb: {  	s12 =	sld [smem:$0x7F7]  }
0xbc: {  	s13 =	sld [smem:$0x7F6]  }
0xbd: {  	v4 =	vld [tilespmem:s16+$0x5100]  }
0xbe: {  	p0 =	seq.s32 s12, $0x1  }
0xbf: {  	v2 =	vadd.s32 v2, v3;
	v3 =	vpsel !p0, $0x0, v3;
	p0 =	seq.s32 s13, $0x1;
	s13 =	sld [smem:$0x7F5]  }
0xc0: {  	v5 =	vld [tilespmem:s16+$0x5900];
	_ =	sdelay $0x1  }
0xc1: {  	v2 =	vadd.s32 v4, v2;
	v4 =	vpsel !p0, $0x0, v4;
	p0 =	seq.s32 s13, $0x1;
	s13 =	sld [smem:$0x7F4]  }
0xc2: {  	v6 =	vld [tilespmem:s16+$0x6100];
	_ =	sdelay $0x1  }
0xc3: {  	v7 =	vld [tilespmem:s16+$0x6900];
	v44 =	vpsel !p0, $0x0, v5;
	p0 =	seq.s32 s13, $0x1;
	s13 =	sld [smem:$0x7F3]  }
0xc4: {  	v8 =	vld [tilespmem:s16+$0x7100]  }
0xc5: {  	v9 =	vld [tilespmem:s16+$0x7900]  }
0xc6: {  	v45 =	vld [tilespmem:s16+$0x8100];
	v2 =	vadd.s32 v5, v2;
	v46 =	vpsel !p0, $0x0, v6;
	p0 =	seq.s32 s13, $0x1;
	s13 =	sld [smem:$0x7F2]  }
0xc7: {  	v47 =	vld [tilespmem:s16+$0x8900];
	v2 =	vadd.s32 v6, v2  }
0xc8: {  	v49 =	vld [tilespmem:s16+$0x9100];
	v2 =	vadd.s32 v7, v2  }
0xc9: {  	v51 =	vld [tilespmem:s16+$0x9900];
	v2 =	vadd.s32 v8, v2;
	v48 =	vpsel !p0, $0x0, v7;
	p0 =	seq.s32 s13, $0x1;
	s13 =	sld [smem:$0x7F1]  }
0xca: {  	v53 =	vld [tilespmem:s16+$0xA100];
	v2 =	vadd.s32 v9, v2  }
0xcb: {  	v55 =	vld [tilespmem:s16+$0xA900];
	v2 =	vadd.s32 v45, v2  }
0xcc: {  	v57 =	vld [tilespmem:s16+$0xB100];
	v2 =	vadd.s32 v47, v2;
	v50 =	vpsel !p0, $0x0, v8;
	p0 =	seq.s32 s13, $0x1;
	s13 =	sld [smem:$0x7F0]  }
0xcd: {  	v59 =	vld [tilespmem:s16+$0xB900];
	v3 =	vadd.s32 v3, v4;
	v2 =	vadd.s32 v49, v2  }
0xce: {  	v3 =	vadd.s32 v44, v3;
	v2 =	vadd.s32 v51, v2  }
0xcf: {  	v3 =	vadd.s32 v46, v3;
	v2 =	vadd.s32 v53, v2;
	v52 =	vpsel !p0, $0x0, v9;
	p0 =	seq.s32 s13, $0x1;
	s13 =	sld [smem:$0x7FD]  }
0xd0: {  	v3 =	vadd.s32 v48, v3;
	v2 =	vadd.s32 v55, v2  }
0xd1: {  	s16 =	sld [smem:$0x7FB];
	v2 =	vadd.s32 v57, v2;
	v3 =	vadd.s32 v50, v3  }
0xd2: {  	s0 =	sadd.s32 $0x10, s0;
	v2 =	vadd.s32 v59, v2;
	v3 =	vadd.s32 v52, v3;
	v54 =	vpsel !p0, $0x0, v45;
	p0 =	seq.s32 s13, $0x1  }
0xd3: {  	[tilespmem:s0+$0x0] =	vst v2;
	v3 =	vadd.s32 v54, v3;
	v56 =	vpsel !p0, $0x0, v47  }
0xd4: {  	v58 =	vpsel !p4, $0x0, v49;
	v2 =	vld [tilespmem:s8+$0x0];
	p0 =	seq.s32 s16, $0x1;
	v3 =	vadd.s32 v56, v3  }
0xd5: {  	p5 =	sne.s32 s15, $0x7F0;
	v60 =	vpsel !p0, $0x0, v51;
	v3 =	vadd.s32 v58, v3  }
.Ltmp3:
0xd6: {  	v61 =	vpsel !p3, $0x0, v53;
	v3 =	vadd.s32 v60, v3;
	(pc) =	sbr.rel @p5 .LBB2_8-.Ltmp3, $4  }
0xd7: {  	v62 =	vpsel !p2, $0x0, v55;
	v3 =	vadd.s32 v61, v3  }
0xd8: {  	v63 =	vpsel !p1, $0x0, v57;
	v3 =	vadd.s32 v62, v3  }
0xd9: {  	v2 =	vpsel p6, $0x0, v2;
	v3 =	vadd.s32 v63, v3  }
0xda: {  	s14 =	sadd.s32 $0x10, s14;
	s15 =	sadd.s32 $0x10, s15;
	v2 =	vadd.s32 v2, v3  }
0xdb: {  	[tilespmem:s14+$0x0] =	vst v2;
	s14 =	simm.s32 $0x0  }
0xdc: {  	s0 =	simm.s32 $0x10;
	v4 =	vld [tilespmem:s14+$0xC100]  }
0xdd: {  	v2 =	vld [tilespmem:s0+$0xC100];
	_ =	sdelay $0x3  }
0xde: {  	(xrf0) =	vadd.scan.msk.s32 $0xffff, v4  }
0xdf: {  	(xrf0) =	vadd.scan.msk.s32 $0xffff, v2;
	_ =	sdelay $0x4  }
0xe0: {  	s8 =	simm.s32 $0x20;
	v5, _, _ =	vpop (xrf0)  }
0xe1: {  	v10 =	vld [tilespmem:s8+$0xC100];
	(v2sf) =	vpush v5, $0xF;
	v8, _, _ =	vpop (xrf0)  }
0xe2: {  	(v2sf) =	vpush v8, $0xF;
	_ =	sdelay $0x2  }
0xe3: {  	v11 =	vld [tilespmem:s14+$0xC900]  }
0xe4: {  	s15 =	simm.s32 $0x30;
	v3 =	vld [tilespmem:s0+$0xC900];
	(xrf0) =	vadd.scan.msk.s32 $0xffff, v10  }
0xe5: {  	v6 =	vld [tilespmem:s15+$0xC100]  }
0xe6: {  	v7 =	vld [tilespmem:s8+$0xC900]  }
0xe7: {  	v9 =	vld [tilespmem:s15+$0xC900];
	_ =	sdelay $0x1  }
0xe8: {  	s16 =	simm.s32 $0x100  }
.LBB2_10:
0xe9: {  	s12 =	sshra.s32 s16, $0x2;
	p5 =	sne.s32 s16, $0x1FC0;
	s16 =	sadd.s32 $0x40, s16;
	(xrf0) =	vadd.scan.msk.s32 $0xffff, v6;
	v12, _, _ =	vpop (xrf0);
	v13 =	vsub.s32 s9, v4;
	v4 =	vmov v2;
	v2 =	vmov v10  }
.Ltmp4:
0xea: {  	v10 =	vmovc v6;
	(v2sf) =	vpush v12, $0xF;
	v13 =	vadd.s32 v11, v13;
	v6 =	vld [tilespmem:s12+$0xC100];
	v11 =	vmovc v3;
	v3 =	vmov v7;
	(pc) =	sbr.rel @p5 .LBB2_10-.Ltmp4, $4  }
0xeb: {  	v7 =	vmovc v9;
	v13 =	vadd.s32 v5, v13;
	v5 =	vmov v8;
	v8 =	vmov v12;
	v9 =	vld [tilespmem:s12+$0xC900]  }
0xec: {  	[tilespmem:s14+$0xD100] =	vst v13;
	s14 =	smov.u32 s0;
	s0 =	smov.u32 s8;
	s8 =	smov.u32 s15  }
0xed: {  	s15 =	smov.u32 s12;
	s13 =	spop (v2sf)  }
0xee: {  	s9 =	sadd.s32 s9, s13  }
0xef: {  	(xrf0) =	vadd.scan.msk.s32 $0xffff, v6  }
0xf0: {  	v12, _, _ =	vpop (xrf0)  }
0xf1: {  	(v2sf) =	vpush v12, $0xF;
	_ =	sdelay $0x3  }
0xf2: {  	v13, _, _ =	vpop (xrf0)  }
0xf3: {  	(v2sf) =	vpush v13, $0xF;
	_ =	sdelay $0x7  }
0xf4: {  	s12 =	spop (v2sf)  }
0xf5: {  	v4 =	vsub.s32 s9, v4;
	s13 =	sadd.s32 s9, s12;
	s16 =	spop (v2sf)  }
0xf6: {  	v4 =	vadd.s32 v11, v4;
	v2 =	vsub.s32 s13, v2;
	s9 =	sadd.s32 s13, s16;
	s13 =	spop (v2sf)  }
0xf7: {  	v4 =	vadd.s32 v5, v4;
	v2 =	vadd.s32 v3, v2;
	v10 =	vsub.s32 s9, v10;
	s9 =	sadd.s32 s9, s13  }
0xf8: {  	[tilespmem:s14+$0xD100] =	vst v4;
	v2 =	vadd.s32 v8, v2;
	v3 =	vadd.s32 v7, v10;
	v63 =	vsub.s32 s9, v6  }
0xf9: {  	[tilespmem:s0+$0xD100] =	vst v2;
	v2 =	vadd.s32 v12, v3;
	v3 =	vadd.s32 v9, v63  }
0xfa: {  	[tilespmem:s8+$0xD100] =	vst v2;
	v2 =	vadd.s32 v13, v3  }
0xfb: {  	s0 =	rddreg [dreg:$0x10];
	[tilespmem:s15+$0xD100] =	vst v2;
	s14 =	spop (v2sf)  }
0xfc: {  	[tilespmem:s30], [sflag:$0x4] =	stream.linear.gather [spmem:s0], $0x500, $0x38;
	[tilespmem:$0x16380] =	vst v63  }
0xfd: {  	_ =	swait.ge [sflag:s29], $0x500  }
0xfe: {  	s15 =	sld [smem:$0x7F8]  }
0xff: {  	s16 =	sld [smem:$0x7F9]  }
0x100: {  	s13 =	sld [smem:$0x7FA]  }
0x101: {  	s14 =	sld [smem:$0x7FB]  }
0x102: {  	p6 =	seq.s32 s15, $0x1;
	s15 =	sld [smem:$0x7FC]  }
0x103: {  	p1 =	seq.s32 s16, $0x1;
	s16 =	sld [smem:$0x7FD]  }
0x104: {  	s8 =	simm.s32 $0x2F00;
	s9 =	simm.s32 $0x10;
	[sflag:s29] =	ssyncset.done $0x0  }
0x105: {  	s0 =	simm.s32 $0x0;
	[sflag:s29] =	ssyncadd.s32 $0xFFFFFB00;
	p2 =	seq.s32 s13, $0x1  }
0x106: {  	v2 =	vld [tilespmem:s8+$0x0];
	p3 =	seq.s32 s14, $0x1;
	p0 =	seq.s32 s15, $0x1;
	p4 =	seq.s32 s16, $0x1  }
.LBB2_12:
0x107: {  	p5 =	sne.s32 s9, $0x4F0;
	_ =	sdelay $0x3  }
0x108: {  	v2 =	vand.u32 $0x7FF, v2  }
0x109: {  	(xrf1) =	vunique.msk.u32 $0xffff, v2;
	_ =	sdelay $0xa  }
0x10a: {  	v3 =	vld.idx.msk [tilespmem:v2+s10+$0x0], $0xffff;
	_ =	sdelay $0x2  }
0x10b: {  	_, v4, vm0 =	vpop (xrf1);
	_ =	sdelay $0x2  }
.Ltmp5:
0x10c: {  	v3 =	vadd.s32 v3, v4;
	(pc) =	sbr.rel @p5 .LBB2_12-.Ltmp5, $4  }
0x10d: {  	s12 =	sand.u32 $0x7F0, s0;
	s0 =	smov.u32 s9;
	v4 =	vadd.s32 $0xFFFFFFFF, v3  }
0x10e: {  	[tilespmem:s12+$0xD900] =	vst v4  }
0x10f: {  	s8 =	sadd.s32 $0x10, s8;
	[tilespmem:v2+s10+$0x0] =	vst.idx.msk vm0, v3  }
0x110: {  	s9 =	sadd.s32 $0x10, s9;
	v2 =	vld [tilespmem:s8+$0x0]  }
0x111: {  	_ =	sdelay $0x3  }
0x112: {  	v2 =	vand.u32 $0x7FF, v2  }
0x113: {  	(xrf1) =	vunique.msk.u32 $0xffff, v2;
	_ =	sdelay $0xb  }
0x114: {  	v3 =	vld.idx.msk [tilespmem:v2+s10+$0x0], $0xffff;
	_ =	sdelay $0x1  }
0x115: {  	_, v4, vm0 =	vpop (xrf1);
	_ =	sdelay $0x2  }
0x116: {  	v3 =	vadd.s32 v3, v4  }
0x117: {  	s0 =	sand.u32 $0x7F0, s0;
	v4 =	vadd.s32 $0xFFFFFFFF, v3  }
0x118: {  	[tilespmem:s0+$0xD900] =	vst v4  }
0x119: {  	[tilespmem:v2+s10+$0x0] =	vst.idx.msk vm0, v3  }
0x11a: {  	[spmem:s6] =	stream.indirect.scatter [tilespmem:s3], [sflag:$0x2], $0x1, s19, s11, $0xb8;
	[tilespmem:$0x16380] =	vst v63  }
0x11b: {  	_ = 	snop  }
0x11c: {  	[spmem:s7] =	stream.indirect.scatter [tilespmem:s30], [sflag:$0x2], $0x1, s19, s11, $0xb8;
	[tilespmem:$0x16380] =	vst v63  }
0x11d: {  	s9 =	simm.s32 $0xD980;
	s8 =	simm.s32 $0x2F80  }
0x11e: {  	[spmem:s6] =	stream.indirect.scatter [tilespmem:s8], [sflag:$0x2], $0x1, s9, s11, $0xb8;
	[tilespmem:$0x16380] =	vst v63  }
0x11f: {  	s12 =	simm.s32 $0x3480  }
0x120: {  	[spmem:s7] =	stream.indirect.scatter [tilespmem:s12], [sflag:$0x2], $0x1, s9, s11, $0xb8;
	[tilespmem:$0x16380] =	vst v63  }
0x121: {  	s13 =	simm.s32 $0xDA00;
	s14 =	simm.s32 $0x3000  }
0x122: {  	[spmem:s6] =	stream.indirect.scatter [tilespmem:s14], [sflag:$0x2], $0x1, s13, s11, $0xb8;
	[tilespmem:$0x16380] =	vst v63  }
0x123: {  	s15 =	simm.s32 $0x3500  }
0x124: {  	[spmem:s7] =	stream.indirect.scatter [tilespmem:s15], [sflag:$0x2], $0x1, s13, s11, $0xb8;
	[tilespmem:$0x16380] =	vst v63  }
0x125: {  	s16 =	simm.s32 $0x3080  }
0x126: {  	[spmem:s6] =	stream.indirect.scatter [tilespmem:s16], [sflag:$0x2], $0x1, s25, s11, $0xb8;
	[tilespmem:$0x16380] =	vst v63  }
0x127: {  	s8 =	simm.s32 $0x3580  }
0x128: {  	[spmem:s7] =	stream.indirect.scatter [tilespmem:s8], [sflag:$0x2], $0x1, s25, s11, $0xb8;
	[tilespmem:$0x16380] =	vst v63  }
0x129: {  	s9 =	simm.s32 $0x3100  }
0x12a: {  	[spmem:s6] =	stream.indirect.scatter [tilespmem:s9], [sflag:$0x2], $0x1, s17, s11, $0xb8;
	[tilespmem:$0x16380] =	vst v63  }
0x12b: {  	s12 =	simm.s32 $0x3600  }
0x12c: {  	[spmem:s7] =	stream.indirect.scatter [tilespmem:s12], [sflag:$0x2], $0x1, s17, s11, $0xb8;
	[tilespmem:$0x16380] =	vst v63  }
0x12d: {  	s13 =	simm.s32 $0x3180  }
0x12e: {  	[spmem:s6] =	stream.indirect.scatter [tilespmem:s13], [sflag:$0x2], $0x1, s21, s11, $0xb8;
	[tilespmem:$0x16380] =	vst v63  }
0x12f: {  	s14 =	simm.s32 $0x3680  }
0x130: {  	[spmem:s7] =	stream.indirect.scatter [tilespmem:s14], [sflag:$0x2], $0x1, s21, s11, $0xb8;
	[tilespmem:$0x16380] =	vst v63  }
0x131: {  	s15 =	simm.s32 $0x3200  }
0x132: {  	[spmem:s6] =	stream.indirect.scatter [tilespmem:s15], [sflag:$0x2], $0x1, s18, s11, $0xb8;
	[tilespmem:$0x16380] =	vst v63  }
0x133: {  	s16 =	simm.s32 $0x3700  }
0x134: {  	[spmem:s7] =	stream.indirect.scatter [tilespmem:s16], [sflag:$0x2], $0x1, s18, s11, $0xb8;
	[tilespmem:$0x16380] =	vst v63  }
0x135: {  	s8 =	simm.s32 $0x3280  }
0x136: {  	[spmem:s6] =	stream.indirect.scatter [tilespmem:s8], [sflag:$0x2], $0x1, s4, s11, $0xb8;
	[tilespmem:$0x16380] =	vst v63  }
0x137: {  	s9 =	simm.s32 $0x3780  }
0x138: {  	[spmem:s7] =	stream.indirect.scatter [tilespmem:s9], [sflag:$0x2], $0x1, s4, s11, $0xb8;
	[tilespmem:$0x16380] =	vst v63  }
0x139: {  	s12 =	simm.s32 $0x3300  }
0x13a: {  	[spmem:s6] =	stream.indirect.scatter [tilespmem:s12], [sflag:$0x2], $0x1, s20, s11, $0xb8;
	[tilespmem:$0x16380] =	vst v63  }
0x13b: {  	s13 =	simm.s32 $0x3800  }
0x13c: {  	[spmem:s7] =	stream.indirect.scatter [tilespmem:s13], [sflag:$0x2], $0x1, s20, s11, $0xb8;
	[tilespmem:$0x16380] =	vst v63  }
0x13d: {  	s14 =	simm.s32 $0x3380  }
0x13e: {  	[spmem:s6] =	stream.indirect.scatter [tilespmem:s14], [sflag:$0x2], $0x1, s26, s11, $0xb8;
	[tilespmem:$0x16380] =	vst v63  }
0x13f: {  	s15 =	simm.s32 $0x3880  }
0x140: {  	[spmem:s7] =	stream.indirect.scatter [tilespmem:s15], [sflag:$0x2], $0x1, s26, s11, $0xb8;
	[tilespmem:$0x16380] =	vst v63  }
0x141: {  	_ =	swait.ge [sflag:s22], $0x80  }
0x142: {  	[sflag:s22] =	ssyncset.done $0x0  }
0x143: {  	[sflag:s22] =	ssyncadd.s32 $0xFFFFFF80  }
0x144: {  	_ =	swait.ge [sflag:s22], $0x80  }
0x145: {  	[sflag:s22] =	ssyncset.done $0x0  }
0x146: {  	[sflag:s22] =	ssyncadd.s32 $0xFFFFFF80  }
0x147: {  	_ =	swait.ge [sflag:s22], $0x80  }
0x148: {  	[sflag:s22] =	ssyncset.done $0x0  }
0x149: {  	[sflag:s22] =	ssyncadd.s32 $0xFFFFFF80  }
0x14a: {  	_ =	swait.ge [sflag:s22], $0x80  }
0x14b: {  	[sflag:s22] =	ssyncset.done $0x0  }
0x14c: {  	[sflag:s22] =	ssyncadd.s32 $0xFFFFFF80  }
0x14d: {  	_ =	swait.ge [sflag:s22], $0x80  }
0x14e: {  	[sflag:s22] =	ssyncset.done $0x0  }
0x14f: {  	[sflag:s22] =	ssyncadd.s32 $0xFFFFFF80  }
0x150: {  	_ =	swait.ge [sflag:s22], $0x80  }
0x151: {  	[sflag:s22] =	ssyncset.done $0x0  }
0x152: {  	[sflag:s22] =	ssyncadd.s32 $0xFFFFFF80  }
0x153: {  	_ =	swait.ge [sflag:s22], $0x80  }
0x154: {  	[sflag:s22] =	ssyncset.done $0x0  }
0x155: {  	[sflag:s22] =	ssyncadd.s32 $0xFFFFFF80  }
0x156: {  	_ =	swait.ge [sflag:s22], $0x80  }
0x157: {  	[sflag:s22] =	ssyncset.done $0x0  }
0x158: {  	[sflag:s22] =	ssyncadd.s32 $0xFFFFFF80  }
0x159: {  	_ =	swait.ge [sflag:s22], $0x80  }
0x15a: {  	[sflag:s22] =	ssyncset.done $0x0  }
0x15b: {  	[sflag:s22] =	ssyncadd.s32 $0xFFFFFF80  }
0x15c: {  	_ =	swait.ge [sflag:s22], $0x80  }
0x15d: {  	[sflag:s22] =	ssyncset.done $0x0  }
0x15e: {  	[sflag:s22] =	ssyncadd.s32 $0xFFFFFF80  }
0x15f: {  	_ =	swait.ge [sflag:s22], $0x80  }
0x160: {  	[sflag:s22] =	ssyncset.done $0x0  }
0x161: {  	[sflag:s22] =	ssyncadd.s32 $0xFFFFFF80  }
0x162: {  	_ =	swait.ge [sflag:s22], $0x80  }
0x163: {  	[sflag:s22] =	ssyncset.done $0x0  }
0x164: {  	[sflag:s22] =	ssyncadd.s32 $0xFFFFFF80  }
0x165: {  	_ =	swait.ge [sflag:s22], $0x80  }
0x166: {  	[sflag:s22] =	ssyncset.done $0x0  }
0x167: {  	[sflag:s22] =	ssyncadd.s32 $0xFFFFFF80  }
0x168: {  	_ =	swait.ge [sflag:s22], $0x80  }
0x169: {  	[sflag:s22] =	ssyncset.done $0x0  }
0x16a: {  	[sflag:s22] =	ssyncadd.s32 $0xFFFFFF80  }
0x16b: {  	_ =	swait.ge [sflag:s22], $0x80  }
0x16c: {  	[sflag:s22] =	ssyncset.done $0x0  }
0x16d: {  	[sflag:s22] =	ssyncadd.s32 $0xFFFFFF80  }
0x16e: {  	_ =	swait.ge [sflag:s22], $0x80  }
0x16f: {  	[sflag:s22] =	ssyncset.done $0x0  }
0x170: {  	[sflag:s22] =	ssyncadd.s32 $0xFFFFFF80  }
0x171: {  	_ =	swait.ge [sflag:s22], $0x80  }
0x172: {  	[sflag:s22] =	ssyncset.done $0x0  }
0x173: {  	[sflag:s22] =	ssyncadd.s32 $0xFFFFFF80  }
0x174: {  	_ =	swait.ge [sflag:s22], $0x80  }
0x175: {  	[sflag:s22] =	ssyncset.done $0x0  }
0x176: {  	[sflag:s22] =	ssyncadd.s32 $0xFFFFFF80  }
0x177: {  	_ =	swait.ge [sflag:s22], $0x80  }
0x178: {  	[sflag:s22] =	ssyncset.done $0x0  }
0x179: {  	[sflag:s22] =	ssyncadd.s32 $0xFFFFFF80  }
0x17a: {  	_ =	swait.ge [sflag:s22], $0x80  }
0x17b: {  	[sflag:s22] =	ssyncset.done $0x0  }
0x17c: {  	[sflag:s22] =	ssyncadd.s32 $0xFFFFFF80  }
0x17d: {  	[bflag:$0x0] =	sbarrier.arrive $0xFFFF  }
0x17e: {  	s16 =	rddreg [dreg:$0x12]  }
0x17f: {  	[tilespmem:s3], [sflag:$0x4] =	stream.linear.gather [spmem:s16], $0x500, $0x38;
	[tilespmem:$0x16380] =	vst v63  }
0x180: {  	_ =	swait.ge [sflag:s29], $0x500  }
0x181: {  	[sflag:s29] =	ssyncset.done $0x0  }
0x182: {  	s0 =	simm.s32 $0x40;
	s8 =	simm.s32 $0x0;
	[sflag:s29] =	ssyncadd.s32 $0xFFFFFB00  }
.LBB2_14:
0x183: {  	p5 =	sne.s32 s0, $0x1FC0;
	[tilespmem:s8+$0x3900] =	vst v1;
	s8 =	smov.u32 s0;
	s0 =	sadd.s32 $0x40, s0  }
.Ltmp6:
0x184: {  	(pc) =	sbr.rel @p5 .LBB2_14-.Ltmp6, $2  }
0x185: {  	_ =	sdelay $0x2  }
0x186: {  	s8 =	sshra.s32 s8, $0x2  }
0x187: {  	[tilespmem:s8+$0x3900] =	vst v1;
	s8 =	simm.s32 $0x0;
	s0 =	simm.s32 $0x40  }
.LBB2_16:
0x188: {  	p5 =	sne.s32 s0, $0x13C0;
	v2 =	vld [tilespmem:s8+$0x2F00];
	_ =	sdelay $0x4  }
0x189: {  	v2 =	vshrl.u32 v2, $0xB  }
0x18a: {  	v2 =	vand.u32 $0x7FF, v2  }
0x18b: {  	(xrf1) =	vunique.msk.u32 $0xffff, v2;
	_ =	sdelay $0xd  }
0x18c: {  	_, v3, vm0 =	vpop (xrf1);
	_ =	sdelay $0x1  }
.Ltmp7:
0x18d: {  	(pc) =	sbr.rel @p5 .LBB2_16-.Ltmp7, $2  }
0x18e: {  	_ =	sdelay $0x2  }
0x18f: {  	s8 =	sshra.s32 s0, $0x2;
	s0 =	sadd.s32 $0x40, s0;
	[tilespmem:v2+s31+$0x0] =	vst.idx.add.s32.msk vm0, v3  }
0x190: {  	v2 =	vld [tilespmem:s8+$0x2F00];
	_ =	sdelay $0x4  }
0x191: {  	v2 =	vshrl.u32 v2, $0xB  }
0x192: {  	v2 =	vand.u32 $0x7FF, v2  }
0x193: {  	(xrf1) =	vunique.msk.u32 $0xffff, v2;
	_ =	sdelay $0xd  }
0x194: {  	_, v3, vm0 =	vpop (xrf1);
	_ =	sdelay $0x5  }
0x195: {  	s0 =	rddreg [dreg:$0x11];
	[tilespmem:v2+s31+$0x0] =	vst.idx.add.s32.msk vm0, v3  }
0x196: {  	[spmem:s0] =	stream.linear.scatter [tilespmem:s31], [sflag:$0x4], $0x800, $0x38;
	[tilespmem:$0x16380] =	vst v63  }
0x197: {  	_ =	swait.ge [sflag:s29], $0x800  }
0x198: {  	[sflag:s29] =	ssyncset.done $0x0  }
0x199: {  	[sflag:s29] =	ssyncadd.s32 $0xFFFFF800  }
0x19a: {  	[bflag:$0x0] =	sbarrier.arrive $0xFFFF  }
0x19b: {  	s8 =	simm.s32 $0x4100;
	s12 =	rddreg [dreg:$0x6]  }
0x19c: {  	[tilespmem:s8], [sflag:$0x4] =	stream.linear.gather [spmem:s12], $0x8000, $0x38;
	[tilespmem:$0x16380] =	vst v63  }
0x19d: {  	_ =	swait.ge [sflag:s29], $0x8000  }
0x19e: {  	[sflag:s29] =	ssyncset.done $0x0  }
0x19f: {  	s9 =	simm.s32 $0x0;
	[sflag:s29] =	ssyncadd.s32 $0xFFFF8000  }
0x1a0: {  	s13 =	sand.u32 $0x7F0, s9;
	v2 =	vld [tilespmem:s8+$0x0]  }
0x1a1: {  	v3 =	vld [tilespmem:s13+$0x4900]  }
0x1a2: {  	v4 =	vld [tilespmem:s13+$0x5100]  }
0x1a3: {  	v5 =	vld [tilespmem:s13+$0x5900]  }
0x1a4: {  	v6 =	vld [tilespmem:s13+$0x6100]  }
0x1a5: {  	v7 =	vld [tilespmem:s13+$0x6900]  }
0x1a6: {  	v8 =	vld [tilespmem:s13+$0x7100]  }
0x1a7: {  	v9 =	vld [tilespmem:s13+$0x7900];
	v2 =	vadd.s32 v2, v3  }
0x1a8: {  	v10 =	vld [tilespmem:s13+$0x8100];
	v2 =	vadd.s32 v4, v2  }
0x1a9: {  	v11 =	vld [tilespmem:s13+$0x8900];
	v2 =	vadd.s32 v5, v2  }
0x1aa: {  	s12 =	sld [smem:$0x7F7];
	v12 =	vld [tilespmem:s13+$0x9100];
	v2 =	vadd.s32 v6, v2  }
0x1ab: {  	s14 =	sld [smem:$0x7F6];
	v13 =	vld [tilespmem:s13+$0x9900];
	v2 =	vadd.s32 v7, v2  }
0x1ac: {  	s15 =	sld [smem:$0x7F5];
	v14 =	vld [tilespmem:s13+$0xA100];
	v2 =	vadd.s32 v8, v2  }
0x1ad: {  	s16 =	sld [smem:$0x7F4];
	v15 =	vld [tilespmem:s13+$0xA900];
	p5 =	seq.s32 s12, $0x1;
	v2 =	vadd.s32 v9, v2  }
0x1ae: {  	v16 =	vld [tilespmem:s13+$0xB100];
	s12 =	sld [smem:$0x7F3];
	v3 =	vpsel !p5, $0x0, v3;
	p5 =	seq.s32 s14, $0x1;
	v2 =	vadd.s32 v10, v2  }
0x1af: {  	v56 =	vld [tilespmem:s13+$0xB900];
	s13 =	sld [smem:$0x7F2];
	v4 =	vpsel !p5, $0x0, v4;
	p5 =	seq.s32 s15, $0x1;
	v2 =	vadd.s32 v11, v2  }
0x1b0: {  	s14 =	sld [smem:$0x7F1];
	v3 =	vadd.s32 v3, v4;
	v55 =	vpsel !p5, $0x0, v5;
	p5 =	seq.s32 s16, $0x1;
	v2 =	vadd.s32 v12, v2  }
0x1b1: {  	s15 =	sld [smem:$0x7F0];
	v3 =	vadd.s32 v55, v3;
	v57 =	vpsel !p5, $0x0, v6;
	p5 =	seq.s32 s12, $0x1;
	v2 =	vadd.s32 v13, v2  }
0x1b2: {  	v3 =	vadd.s32 v57, v3;
	v58 =	vpsel !p5, $0x0, v7;
	p5 =	seq.s32 s13, $0x1;
	v2 =	vadd.s32 v14, v2  }
0x1b3: {  	v3 =	vadd.s32 v58, v3;
	v59 =	vpsel !p5, $0x0, v8;
	p5 =	seq.s32 s14, $0x1;
	v2 =	vadd.s32 v15, v2  }
0x1b4: {  	v3 =	vadd.s32 v59, v3;
	v60 =	vpsel !p5, $0x0, v9;
	p5 =	seq.s32 s15, $0x1;
	v2 =	vadd.s32 v16, v2  }
0x1b5: {  	s0 =	simm.s32 $0xC100;
	v3 =	vadd.s32 v60, v3;
	v61 =	vpsel !p5, $0x0, v10;
	v2 =	vadd.s32 v56, v2  }
0x1b6: {  	v62 =	vpsel !p4, $0x0, v11;
	v3 =	vadd.s32 v61, v3;
	[tilespmem:s0+$0x0] =	vst v2  }
0x1b7: {  	v2 =	vadd.s32 v62, v3;
	v3 =	vpsel !p0, $0x0, v12;
	v63 =	vld [tilespmem:s8+$0x0]  }
0x1b8: {  	s16 =	sld [smem:$0x7EF];
	v2 =	vadd.s32 v3, v2;
	v3 =	vpsel !p3, $0x0, v13  }
0x1b9: {  	v2 =	vadd.s32 v3, v2;
	v3 =	vpsel !p2, $0x0, v14  }
0x1ba: {  	v2 =	vadd.s32 v3, v2;
	v3 =	vpsel !p1, $0x0, v15  }
0x1bb: {  	v2 =	vadd.s32 v3, v2;
	v3 =	vpsel !p6, $0x0, v16;
	p6 =	seq.s32 s16, $0x1  }
0x1bc: {  	s14 =	simm.s32 $0xC900;
	s15 =	simm.s32 $0x10;
	v2 =	vadd.s32 v3, v2;
	v3 =	vpsel p6, $0x0, v63  }
0x1bd: {  	p0 =	por p3, p3;
	p3 =	por p2, p2;
	p2 =	por p1, p1;
	v2 =	vadd.s32 v3, v2  }
.LBB2_18:
0x1be: {  	[tilespmem:s14+$0x0] =	vst v2;
	s8 =	sadd.s32 $0x10, s8  }
0x1bf: {  	s12 =	sand.u32 $0x7F0, s15;
	v2 =	vld [tilespmem:s8+$0x0]  }
0x1c0: {  	v3 =	vld [tilespmem:s12+$0x4900]  }
0x1c1: {  	s13 =	sld [smem:$0x7F7]  }
0x1c2: {  	s16 =	sld [smem:$0x7F6]  }
0x1c3: {  	v4 =	vld [tilespmem:s12+$0x5100]  }
0x1c4: {  	p1 =	seq.s32 s13, $0x1  }
0x1c5: {  	v2 =	vadd.s32 v2, v3;
	v3 =	vpsel !p1, $0x0, v3;
	p1 =	seq.s32 s16, $0x1;
	s16 =	sld [smem:$0x7F5]  }
0x1c6: {  	v5 =	vld [tilespmem:s12+$0x5900];
	_ =	sdelay $0x1  }
0x1c7: {  	v2 =	vadd.s32 v4, v2;
	v4 =	vpsel !p1, $0x0, v4;
	p1 =	seq.s32 s16, $0x1;
	s16 =	sld [smem:$0x7F4]  }
0x1c8: {  	v6 =	vld [tilespmem:s12+$0x6100]  }
0x1c9: {  	v7 =	vld [tilespmem:s12+$0x6900]  }
0x1ca: {  	v8 =	vld [tilespmem:s12+$0x7100];
	v44 =	vpsel !p1, $0x0, v5;
	p1 =	seq.s32 s16, $0x1;
	s16 =	sld [smem:$0x7F3]  }
0x1cb: {  	v9 =	vld [tilespmem:s12+$0x7900]  }
0x1cc: {  	v45 =	vld [tilespmem:s12+$0x8100];
	v2 =	vadd.s32 v5, v2  }
0x1cd: {  	v47 =	vld [tilespmem:s12+$0x8900];
	v2 =	vadd.s32 v6, v2;
	v46 =	vpsel !p1, $0x0, v6;
	p1 =	seq.s32 s16, $0x1;
	s16 =	sld [smem:$0x7F2]  }
0x1ce: {  	v49 =	vld [tilespmem:s12+$0x9100];
	v2 =	vadd.s32 v7, v2  }
0x1cf: {  	v51 =	vld [tilespmem:s12+$0x9900];
	v2 =	vadd.s32 v8, v2  }
0x1d0: {  	v53 =	vld [tilespmem:s12+$0xA100];
	v2 =	vadd.s32 v9, v2;
	v48 =	vpsel !p1, $0x0, v7;
	p1 =	seq.s32 s16, $0x1;
	s16 =	sld [smem:$0x7F1]  }
0x1d1: {  	v55 =	vld [tilespmem:s12+$0xA900];
	v2 =	vadd.s32 v45, v2  }
0x1d2: {  	v57 =	vld [tilespmem:s12+$0xB100];
	v2 =	vadd.s32 v47, v2  }
0x1d3: {  	v59 =	vld [tilespmem:s12+$0xB900];
	v3 =	vadd.s32 v3, v4;
	v2 =	vadd.s32 v49, v2;
	v50 =	vpsel !p1, $0x0, v8;
	p1 =	seq.s32 s16, $0x1;
	s16 =	sld [smem:$0x7F0]  }
0x1d4: {  	v3 =	vadd.s32 v44, v3;
	v2 =	vadd.s32 v51, v2  }
0x1d5: {  	v3 =	vadd.s32 v46, v3;
	v2 =	vadd.s32 v53, v2  }
0x1d6: {  	v3 =	vadd.s32 v48, v3;
	v2 =	vadd.s32 v55, v2;
	v52 =	vpsel !p1, $0x0, v9;
	p1 =	seq.s32 s16, $0x1;
	s16 =	sld [smem:$0x7FC]  }
0x1d7: {  	v2 =	vadd.s32 v57, v2;
	v3 =	vadd.s32 v50, v3  }
0x1d8: {  	s0 =	sadd.s32 $0x10, s0;
	v2 =	vadd.s32 v59, v2;
	v3 =	vadd.s32 v52, v3;
	v54 =	vpsel !p1, $0x0, v45  }
0x1d9: {  	v56 =	vpsel !p4, $0x0, v47;
	[tilespmem:s0+$0x0] =	vst v2;
	v3 =	vadd.s32 v54, v3;
	p1 =	seq.s32 s16, $0x1  }
0x1da: {  	v2 =	vld [tilespmem:s8+$0x0];
	v3 =	vadd.s32 v56, v3;
	s16 =	sld [smem:$0x7F8];
	v58 =	vpsel !p1, $0x0, v49  }
0x1db: {  	p5 =	sne.s32 s15, $0x7F0;
	v60 =	vpsel !p0, $0x0, v51;
	v3 =	vadd.s32 v58, v3  }
.Ltmp8:
0x1dc: {  	v61 =	vpsel !p3, $0x0, v53;
	v3 =	vadd.s32 v60, v3;
	(pc) =	sbr.rel @p5 .LBB2_18-.Ltmp8, $4  }
0x1dd: {  	v62 =	vpsel !p2, $0x0, v55;
	p1 =	seq.s32 s16, $0x1;
	v3 =	vadd.s32 v61, v3  }
0x1de: {  	v63 =	vpsel !p1, $0x0, v57;
	v3 =	vadd.s32 v62, v3  }
0x1df: {  	v2 =	vpsel p6, $0x0, v2;
	v3 =	vadd.s32 v63, v3  }
0x1e0: {  	s14 =	sadd.s32 $0x10, s14;
	s15 =	sadd.s32 $0x10, s15;
	v2 =	vadd.s32 v2, v3  }
0x1e1: {  	[tilespmem:s14+$0x0] =	vst v2;
	s14 =	simm.s32 $0x0  }
0x1e2: {  	s0 =	simm.s32 $0x10;
	v4 =	vld [tilespmem:s14+$0xC100]  }
0x1e3: {  	v2 =	vld [tilespmem:s0+$0xC100];
	_ =	sdelay $0x3  }
0x1e4: {  	(xrf0) =	vadd.scan.msk.s32 $0xffff, v4  }
0x1e5: {  	(xrf0) =	vadd.scan.msk.s32 $0xffff, v2;
	_ =	sdelay $0x4  }
0x1e6: {  	s8 =	simm.s32 $0x20;
	v5, _, _ =	vpop (xrf0)  }
0x1e7: {  	v10 =	vld [tilespmem:s8+$0xC100];
	(v2sf) =	vpush v5, $0xF;
	v8, _, _ =	vpop (xrf0)  }
0x1e8: {  	(v2sf) =	vpush v8, $0xF;
	_ =	sdelay $0x2  }
0x1e9: {  	v11 =	vld [tilespmem:s14+$0xC900]  }
0x1ea: {  	s15 =	simm.s32 $0x30;
	v3 =	vld [tilespmem:s0+$0xC900];
	(xrf0) =	vadd.scan.msk.s32 $0xffff, v10  }
0x1eb: {  	v6 =	vld [tilespmem:s15+$0xC100]  }
0x1ec: {  	v7 =	vld [tilespmem:s8+$0xC900]  }
0x1ed: {  	v9 =	vld [tilespmem:s15+$0xC900];
	_ =	sdelay $0x1  }
0x1ee: {  	s16 =	simm.s32 $0x100  }
.LBB2_20:
0x1ef: {  	s12 =	sshra.s32 s16, $0x2;
	p5 =	sne.s32 s16, $0x1FC0;
	s16 =	sadd.s32 $0x40, s16;
	(xrf0) =	vadd.scan.msk.s32 $0xffff, v6;
	v12, _, _ =	vpop (xrf0);
	v13 =	vsub.s32 s9, v4;
	v4 =	vmov v2;
	v2 =	vmov v10  }
.Ltmp9:
0x1f0: {  	v10 =	vmovc v6;
	(v2sf) =	vpush v12, $0xF;
	v13 =	vadd.s32 v11, v13;
	v6 =	vld [tilespmem:s12+$0xC100];
	v11 =	vmovc v3;
	v3 =	vmov v7;
	(pc) =	sbr.rel @p5 .LBB2_20-.Ltmp9, $4  }
0x1f1: {  	v7 =	vmovc v9;
	v13 =	vadd.s32 v5, v13;
	v5 =	vmov v8;
	v8 =	vmov v12;
	v9 =	vld [tilespmem:s12+$0xC900]  }
0x1f2: {  	[tilespmem:s14+$0xD100] =	vst v13;
	s14 =	smov.u32 s0;
	s0 =	smov.u32 s8;
	s8 =	smov.u32 s15  }
0x1f3: {  	s15 =	smov.u32 s12;
	s13 =	spop (v2sf)  }
0x1f4: {  	s9 =	sadd.s32 s9, s13  }
0x1f5: {  	(xrf0) =	vadd.scan.msk.s32 $0xffff, v6  }
0x1f6: {  	v12, _, _ =	vpop (xrf0)  }
0x1f7: {  	(v2sf) =	vpush v12, $0xF;
	_ =	sdelay $0x3  }
0x1f8: {  	v13, _, _ =	vpop (xrf0)  }
0x1f9: {  	(v2sf) =	vpush v13, $0xF;
	_ =	sdelay $0x7  }
0x1fa: {  	s12 =	spop (v2sf)  }
0x1fb: {  	v4 =	vsub.s32 s9, v4;
	s13 =	sadd.s32 s9, s12;
	s16 =	spop (v2sf)  }
0x1fc: {  	v4 =	vadd.s32 v11, v4;
	v2 =	vsub.s32 s13, v2;
	s9 =	sadd.s32 s13, s16;
	s13 =	spop (v2sf)  }
0x1fd: {  	v4 =	vadd.s32 v5, v4;
	v2 =	vadd.s32 v3, v2;
	v10 =	vsub.s32 s9, v10;
	s9 =	sadd.s32 s9, s13  }
0x1fe: {  	[tilespmem:s14+$0xD100] =	vst v4;
	v2 =	vadd.s32 v8, v2;
	v3 =	vadd.s32 v7, v10;
	v63 =	vsub.s32 s9, v6  }
0x1ff: {  	[tilespmem:s0+$0xD100] =	vst v2;
	v2 =	vadd.s32 v12, v3;
	v3 =	vadd.s32 v9, v63  }
0x200: {  	[tilespmem:s8+$0xD100] =	vst v2;
	v2 =	vadd.s32 v13, v3  }
0x201: {  	s0 =	rddreg [dreg:$0x13];
	[tilespmem:s15+$0xD100] =	vst v2;
	s14 =	spop (v2sf)  }
0x202: {  	[tilespmem:s30], [sflag:$0x4] =	stream.linear.gather [spmem:s0], $0x500, $0x38;
	[tilespmem:$0x16380] =	vst v63  }
0x203: {  	_ =	swait.ge [sflag:s29], $0x500  }
0x204: {  	s15 =	sld [smem:$0x7F8]  }
0x205: {  	s16 =	sld [smem:$0x7F9]  }
0x206: {  	s13 =	sld [smem:$0x7FA]  }
0x207: {  	s14 =	sld [smem:$0x7FB]  }
0x208: {  	p6 =	seq.s32 s15, $0x1;
	s15 =	sld [smem:$0x7FC]  }
0x209: {  	p1 =	seq.s32 s16, $0x1;
	s16 =	sld [smem:$0x7FD]  }
0x20a: {  	s8 =	simm.s32 $0x2F00;
	s9 =	simm.s32 $0x10;
	[sflag:s29] =	ssyncset.done $0x0  }
0x20b: {  	s0 =	simm.s32 $0x0;
	[sflag:s29] =	ssyncadd.s32 $0xFFFFFB00;
	p2 =	seq.s32 s13, $0x1  }
0x20c: {  	v2 =	vld [tilespmem:s8+$0x0];
	p3 =	seq.s32 s14, $0x1;
	p0 =	seq.s32 s15, $0x1;
	p4 =	seq.s32 s16, $0x1  }
.LBB2_22:
0x20d: {  	p5 =	sne.s32 s9, $0x4F0;
	_ =	sdelay $0x3  }
0x20e: {  	v2 =	vshrl.u32 v2, $0xB  }
0x20f: {  	v2 =	vand.u32 $0x7FF, v2  }
0x210: {  	(xrf1) =	vunique.msk.u32 $0xffff, v2;
	_ =	sdelay $0xa  }
0x211: {  	v3 =	vld.idx.msk [tilespmem:v2+s10+$0x0], $0xffff;
	_ =	sdelay $0x2  }
0x212: {  	_, v4, vm0 =	vpop (xrf1);
	_ =	sdelay $0x2  }
.Ltmp10:
0x213: {  	v3 =	vadd.s32 v3, v4;
	(pc) =	sbr.rel @p5 .LBB2_22-.Ltmp10, $4  }
0x214: {  	s12 =	sand.u32 $0x7F0, s0;
	s0 =	smov.u32 s9;
	v4 =	vadd.s32 $0xFFFFFFFF, v3  }
0x215: {  	[tilespmem:s12+$0xD900] =	vst v4  }
0x216: {  	s8 =	sadd.s32 $0x10, s8;
	[tilespmem:v2+s10+$0x0] =	vst.idx.msk vm0, v3  }
0x217: {  	s9 =	sadd.s32 $0x10, s9;
	v2 =	vld [tilespmem:s8+$0x0]  }
0x218: {  	_ =	sdelay $0x3  }
0x219: {  	v2 =	vshrl.u32 v2, $0xB  }
0x21a: {  	v2 =	vand.u32 $0x7FF, v2  }
0x21b: {  	(xrf1) =	vunique.msk.u32 $0xffff, v2;
	_ =	sdelay $0xb  }
0x21c: {  	v3 =	vld.idx.msk [tilespmem:v2+s10+$0x0], $0xffff;
	_ =	sdelay $0x1  }
0x21d: {  	_, v4, vm0 =	vpop (xrf1);
	_ =	sdelay $0x2  }
0x21e: {  	v3 =	vadd.s32 v3, v4  }
0x21f: {  	s0 =	sand.u32 $0x7F0, s0;
	v4 =	vadd.s32 $0xFFFFFFFF, v3  }
0x220: {  	[tilespmem:s0+$0xD900] =	vst v4  }
0x221: {  	[tilespmem:v2+s10+$0x0] =	vst.idx.msk vm0, v3  }
0x222: {  	[spmem:s1] =	stream.indirect.scatter [tilespmem:s3], [sflag:$0x2], $0x1, s19, s11, $0xb8;
	[tilespmem:$0x16380] =	vst v63  }
0x223: {  	_ = 	snop  }
0x224: {  	[spmem:s2] =	stream.indirect.scatter [tilespmem:s30], [sflag:$0x2], $0x1, s19, s11, $0xb8;
	[tilespmem:$0x16380] =	vst v63  }
0x225: {  	s9 =	simm.s32 $0xD980;
	s8 =	simm.s32 $0x2F80  }
0x226: {  	[spmem:s1] =	stream.indirect.scatter [tilespmem:s8], [sflag:$0x2], $0x1, s9, s11, $0xb8;
	[tilespmem:$0x16380] =	vst v63  }
0x227: {  	s12 =	simm.s32 $0x3480  }
0x228: {  	[spmem:s2] =	stream.indirect.scatter [tilespmem:s12], [sflag:$0x2], $0x1, s9, s11, $0xb8;
	[tilespmem:$0x16380] =	vst v63  }
0x229: {  	s13 =	simm.s32 $0xDA00;
	s14 =	simm.s32 $0x3000  }
0x22a: {  	[spmem:s1] =	stream.indirect.scatter [tilespmem:s14], [sflag:$0x2], $0x1, s13, s11, $0xb8;
	[tilespmem:$0x16380] =	vst v63  }
0x22b: {  	s15 =	simm.s32 $0x3500  }
0x22c: {  	[spmem:s2] =	stream.indirect.scatter [tilespmem:s15], [sflag:$0x2], $0x1, s13, s11, $0xb8;
	[tilespmem:$0x16380] =	vst v63  }
0x22d: {  	s16 =	simm.s32 $0x3080  }
0x22e: {  	[spmem:s1] =	stream.indirect.scatter [tilespmem:s16], [sflag:$0x2], $0x1, s25, s11, $0xb8;
	[tilespmem:$0x16380] =	vst v63  }
0x22f: {  	s8 =	simm.s32 $0x3580  }
0x230: {  	[spmem:s2] =	stream.indirect.scatter [tilespmem:s8], [sflag:$0x2], $0x1, s25, s11, $0xb8;
	[tilespmem:$0x16380] =	vst v63  }
0x231: {  	s9 =	simm.s32 $0x3100  }
0x232: {  	[spmem:s1] =	stream.indirect.scatter [tilespmem:s9], [sflag:$0x2], $0x1, s17, s11, $0xb8;
	[tilespmem:$0x16380] =	vst v63  }
0x233: {  	s12 =	simm.s32 $0x3600  }
0x234: {  	[spmem:s2] =	stream.indirect.scatter [tilespmem:s12], [sflag:$0x2], $0x1, s17, s11, $0xb8;
	[tilespmem:$0x16380] =	vst v63  }
0x235: {  	s13 =	simm.s32 $0x3180  }
0x236: {  	[spmem:s1] =	stream.indirect.scatter [tilespmem:s13], [sflag:$0x2], $0x1, s21, s11, $0xb8;
	[tilespmem:$0x16380] =	vst v63  }
0x237: {  	s14 =	simm.s32 $0x3680  }
0x238: {  	[spmem:s2] =	stream.indirect.scatter [tilespmem:s14], [sflag:$0x2], $0x1, s21, s11, $0xb8;
	[tilespmem:$0x16380] =	vst v63  }
0x239: {  	s15 =	simm.s32 $0x3200  }
0x23a: {  	[spmem:s1] =	stream.indirect.scatter [tilespmem:s15], [sflag:$0x2], $0x1, s18, s11, $0xb8;
	[tilespmem:$0x16380] =	vst v63  }
0x23b: {  	s16 =	simm.s32 $0x3700  }
0x23c: {  	[spmem:s2] =	stream.indirect.scatter [tilespmem:s16], [sflag:$0x2], $0x1, s18, s11, $0xb8;
	[tilespmem:$0x16380] =	vst v63  }
0x23d: {  	s8 =	simm.s32 $0x3280  }
0x23e: {  	[spmem:s1] =	stream.indirect.scatter [tilespmem:s8], [sflag:$0x2], $0x1, s4, s11, $0xb8;
	[tilespmem:$0x16380] =	vst v63  }
0x23f: {  	s9 =	simm.s32 $0x3780  }
0x240: {  	[spmem:s2] =	stream.indirect.scatter [tilespmem:s9], [sflag:$0x2], $0x1, s4, s11, $0xb8;
	[tilespmem:$0x16380] =	vst v63  }
0x241: {  	s12 =	simm.s32 $0x3300  }
0x242: {  	[spmem:s1] =	stream.indirect.scatter [tilespmem:s12], [sflag:$0x2], $0x1, s20, s11, $0xb8;
	[tilespmem:$0x16380] =	vst v63  }
0x243: {  	s13 =	simm.s32 $0x3800  }
0x244: {  	[spmem:s2] =	stream.indirect.scatter [tilespmem:s13], [sflag:$0x2], $0x1, s20, s11, $0xb8;
	[tilespmem:$0x16380] =	vst v63  }
0x245: {  	s14 =	simm.s32 $0x3380  }
0x246: {  	[spmem:s1] =	stream.indirect.scatter [tilespmem:s14], [sflag:$0x2], $0x1, s26, s11, $0xb8;
	[tilespmem:$0x16380] =	vst v63  }
0x247: {  	s15 =	simm.s32 $0x3880  }
0x248: {  	[spmem:s2] =	stream.indirect.scatter [tilespmem:s15], [sflag:$0x2], $0x1, s26, s11, $0xb8;
	[tilespmem:$0x16380] =	vst v63  }
0x249: {  	_ =	swait.ge [sflag:s22], $0x80  }
0x24a: {  	[sflag:s22] =	ssyncset.done $0x0  }
0x24b: {  	[sflag:s22] =	ssyncadd.s32 $0xFFFFFF80  }
0x24c: {  	_ =	swait.ge [sflag:s22], $0x80  }
0x24d: {  	[sflag:s22] =	ssyncset.done $0x0  }
0x24e: {  	[sflag:s22] =	ssyncadd.s32 $0xFFFFFF80  }
0x24f: {  	_ =	swait.ge [sflag:s22], $0x80  }
0x250: {  	[sflag:s22] =	ssyncset.done $0x0  }
0x251: {  	[sflag:s22] =	ssyncadd.s32 $0xFFFFFF80  }
0x252: {  	_ =	swait.ge [sflag:s22], $0x80  }
0x253: {  	[sflag:s22] =	ssyncset.done $0x0  }
0x254: {  	[sflag:s22] =	ssyncadd.s32 $0xFFFFFF80  }
0x255: {  	_ =	swait.ge [sflag:s22], $0x80  }
0x256: {  	[sflag:s22] =	ssyncset.done $0x0  }
0x257: {  	[sflag:s22] =	ssyncadd.s32 $0xFFFFFF80  }
0x258: {  	_ =	swait.ge [sflag:s22], $0x80  }
0x259: {  	[sflag:s22] =	ssyncset.done $0x0  }
0x25a: {  	[sflag:s22] =	ssyncadd.s32 $0xFFFFFF80  }
0x25b: {  	_ =	swait.ge [sflag:s22], $0x80  }
0x25c: {  	[sflag:s22] =	ssyncset.done $0x0  }
0x25d: {  	[sflag:s22] =	ssyncadd.s32 $0xFFFFFF80  }
0x25e: {  	_ =	swait.ge [sflag:s22], $0x80  }
0x25f: {  	[sflag:s22] =	ssyncset.done $0x0  }
0x260: {  	[sflag:s22] =	ssyncadd.s32 $0xFFFFFF80  }
0x261: {  	_ =	swait.ge [sflag:s22], $0x80  }
0x262: {  	[sflag:s22] =	ssyncset.done $0x0  }
0x263: {  	[sflag:s22] =	ssyncadd.s32 $0xFFFFFF80  }
0x264: {  	_ =	swait.ge [sflag:s22], $0x80  }
0x265: {  	[sflag:s22] =	ssyncset.done $0x0  }
0x266: {  	[sflag:s22] =	ssyncadd.s32 $0xFFFFFF80  }
0x267: {  	_ =	swait.ge [sflag:s22], $0x80  }
0x268: {  	[sflag:s22] =	ssyncset.done $0x0  }
0x269: {  	[sflag:s22] =	ssyncadd.s32 $0xFFFFFF80  }
0x26a: {  	_ =	swait.ge [sflag:s22], $0x80  }
0x26b: {  	[sflag:s22] =	ssyncset.done $0x0  }
0x26c: {  	[sflag:s22] =	ssyncadd.s32 $0xFFFFFF80  }
0x26d: {  	_ =	swait.ge [sflag:s22], $0x80  }
0x26e: {  	[sflag:s22] =	ssyncset.done $0x0  }
0x26f: {  	[sflag:s22] =	ssyncadd.s32 $0xFFFFFF80  }
0x270: {  	_ =	swait.ge [sflag:s22], $0x80  }
0x271: {  	[sflag:s22] =	ssyncset.done $0x0  }
0x272: {  	[sflag:s22] =	ssyncadd.s32 $0xFFFFFF80  }
0x273: {  	_ =	swait.ge [sflag:s22], $0x80  }
0x274: {  	[sflag:s22] =	ssyncset.done $0x0  }
0x275: {  	[sflag:s22] =	ssyncadd.s32 $0xFFFFFF80  }
0x276: {  	_ =	swait.ge [sflag:s22], $0x80  }
0x277: {  	[sflag:s22] =	ssyncset.done $0x0  }
0x278: {  	[sflag:s22] =	ssyncadd.s32 $0xFFFFFF80  }
0x279: {  	_ =	swait.ge [sflag:s22], $0x80  }
0x27a: {  	[sflag:s22] =	ssyncset.done $0x0  }
0x27b: {  	[sflag:s22] =	ssyncadd.s32 $0xFFFFFF80  }
0x27c: {  	_ =	swait.ge [sflag:s22], $0x80  }
0x27d: {  	[sflag:s22] =	ssyncset.done $0x0  }
0x27e: {  	[sflag:s22] =	ssyncadd.s32 $0xFFFFFF80  }
0x27f: {  	_ =	swait.ge [sflag:s22], $0x80  }
0x280: {  	[sflag:s22] =	ssyncset.done $0x0  }
0x281: {  	[sflag:s22] =	ssyncadd.s32 $0xFFFFFF80  }
0x282: {  	_ =	swait.ge [sflag:s22], $0x80  }
0x283: {  	[sflag:s22] =	ssyncset.done $0x0  }
0x284: {  	[sflag:s22] =	ssyncadd.s32 $0xFFFFFF80  }
0x285: {  	[bflag:$0x0] =	sbarrier.arrive $0xFFFF  }
0x286: {  	s16 =	rddreg [dreg:$0xf]  }
0x287: {  	[tilespmem:s3], [sflag:$0x4] =	stream.linear.gather [spmem:s16], $0x500, $0x38;
	[tilespmem:$0x16380] =	vst v63  }
0x288: {  	_ =	swait.ge [sflag:s29], $0x500  }
0x289: {  	[sflag:s29] =	ssyncset.done $0x0  }
0x28a: {  	s0 =	simm.s32 $0x40;
	s8 =	simm.s32 $0x0;
	[sflag:s29] =	ssyncadd.s32 $0xFFFFFB00  }
.LBB2_24:
0x28b: {  	p5 =	sne.s32 s0, $0x1FC0;
	[tilespmem:s8+$0x3900] =	vst v1;
	s8 =	smov.u32 s0;
	s0 =	sadd.s32 $0x40, s0  }
.Ltmp11:
0x28c: {  	(pc) =	sbr.rel @p5 .LBB2_24-.Ltmp11, $2  }
0x28d: {  	_ =	sdelay $0x2  }
0x28e: {  	s8 =	sshra.s32 s8, $0x2  }
0x28f: {  	[tilespmem:s8+$0x3900] =	vst v1;
	s8 =	simm.s32 $0x0;
	s0 =	simm.s32 $0x40  }
.LBB2_26:
0x290: {  	p5 =	sne.s32 s0, $0x13C0;
	v2 =	vld [tilespmem:s8+$0x2F00];
	_ =	sdelay $0x4  }
0x291: {  	v2 =	vshrl.u32 v2, $0x16  }
0x292: {  	(xrf1) =	vunique.msk.u32 $0xffff, v2;
	_ =	sdelay $0xd  }
0x293: {  	_, v3, vm0 =	vpop (xrf1);
	_ =	sdelay $0x1  }
.Ltmp12:
0x294: {  	(pc) =	sbr.rel @p5 .LBB2_26-.Ltmp12, $2  }
0x295: {  	_ =	sdelay $0x2  }
0x296: {  	s8 =	sshra.s32 s0, $0x2;
	s0 =	sadd.s32 $0x40, s0;
	[tilespmem:v2+s31+$0x0] =	vst.idx.add.s32.msk vm0, v3  }
0x297: {  	v2 =	vld [tilespmem:s8+$0x2F00];
	_ =	sdelay $0x4  }
0x298: {  	v2 =	vshrl.u32 v2, $0x16  }
0x299: {  	(xrf1) =	vunique.msk.u32 $0xffff, v2;
	_ =	sdelay $0xd  }
0x29a: {  	_, v3, vm0 =	vpop (xrf1);
	_ =	sdelay $0x5  }
0x29b: {  	s0 =	rddreg [dreg:$0x11];
	[tilespmem:v2+s31+$0x0] =	vst.idx.add.s32.msk vm0, v3  }
0x29c: {  	[spmem:s0] =	stream.linear.scatter [tilespmem:s31], [sflag:$0x4], $0x800, $0x38;
	[tilespmem:$0x16380] =	vst v63  }
0x29d: {  	_ =	swait.ge [sflag:s29], $0x800  }
0x29e: {  	[sflag:s29] =	ssyncset.done $0x0  }
0x29f: {  	[sflag:s29] =	ssyncadd.s32 $0xFFFFF800  }
0x2a0: {  	[bflag:$0x0] =	sbarrier.arrive $0xFFFF  }
0x2a1: {  	s8 =	simm.s32 $0x4100;
	s12 =	rddreg [dreg:$0x6]  }
0x2a2: {  	[tilespmem:s8], [sflag:$0x4] =	stream.linear.gather [spmem:s12], $0x8000, $0x38;
	[tilespmem:$0x16380] =	vst v63  }
0x2a3: {  	_ =	swait.ge [sflag:s29], $0x8000  }
0x2a4: {  	[sflag:s29] =	ssyncset.done $0x0  }
0x2a5: {  	s9 =	simm.s32 $0x0;
	[sflag:s29] =	ssyncadd.s32 $0xFFFF8000  }
0x2a6: {  	s13 =	sand.u32 $0x7F0, s9;
	v2 =	vld [tilespmem:s8+$0x0]  }
0x2a7: {  	v3 =	vld [tilespmem:s13+$0x4900]  }
0x2a8: {  	v4 =	vld [tilespmem:s13+$0x5100]  }
0x2a9: {  	v5 =	vld [tilespmem:s13+$0x5900]  }
0x2aa: {  	v6 =	vld [tilespmem:s13+$0x6100]  }
0x2ab: {  	v7 =	vld [tilespmem:s13+$0x6900]  }
0x2ac: {  	v8 =	vld [tilespmem:s13+$0x7100]  }
0x2ad: {  	v9 =	vld [tilespmem:s13+$0x7900];
	v2 =	vadd.s32 v2, v3  }
0x2ae: {  	v10 =	vld [tilespmem:s13+$0x8100];
	v2 =	vadd.s32 v4, v2  }
0x2af: {  	v11 =	vld [tilespmem:s13+$0x8900];
	v2 =	vadd.s32 v5, v2  }
0x2b0: {  	s12 =	sld [smem:$0x7F7];
	v12 =	vld [tilespmem:s13+$0x9100];
	v2 =	vadd.s32 v6, v2  }
0x2b1: {  	s14 =	sld [smem:$0x7F6];
	v13 =	vld [tilespmem:s13+$0x9900];
	v2 =	vadd.s32 v7, v2  }
0x2b2: {  	s15 =	sld [smem:$0x7F5];
	v14 =	vld [tilespmem:s13+$0xA100];
	v2 =	vadd.s32 v8, v2  }
0x2b3: {  	s16 =	sld [smem:$0x7F4];
	v15 =	vld [tilespmem:s13+$0xA900];
	p5 =	seq.s32 s12, $0x1;
	v2 =	vadd.s32 v9, v2  }
0x2b4: {  	v16 =	vld [tilespmem:s13+$0xB100];
	s12 =	sld [smem:$0x7F3];
	v3 =	vpsel !p5, $0x0, v3;
	p5 =	seq.s32 s14, $0x1;
	v2 =	vadd.s32 v10, v2  }
0x2b5: {  	v56 =	vld [tilespmem:s13+$0xB900];
	s13 =	sld [smem:$0x7F2];
	v4 =	vpsel !p5, $0x0, v4;
	p5 =	seq.s32 s15, $0x1;
	v2 =	vadd.s32 v11, v2  }
0x2b6: {  	s14 =	sld [smem:$0x7F1];
	v3 =	vadd.s32 v3, v4;
	v55 =	vpsel !p5, $0x0, v5;
	p5 =	seq.s32 s16, $0x1;
	v2 =	vadd.s32 v12, v2  }
0x2b7: {  	s15 =	sld [smem:$0x7F0];
	v3 =	vadd.s32 v55, v3;
	v57 =	vpsel !p5, $0x0, v6;
	p5 =	seq.s32 s12, $0x1;
	v2 =	vadd.s32 v13, v2  }
0x2b8: {  	v3 =	vadd.s32 v57, v3;
	v58 =	vpsel !p5, $0x0, v7;
	p5 =	seq.s32 s13, $0x1;
	v2 =	vadd.s32 v14, v2  }
0x2b9: {  	v3 =	vadd.s32 v58, v3;
	v59 =	vpsel !p5, $0x0, v8;
	p5 =	seq.s32 s14, $0x1;
	v2 =	vadd.s32 v15, v2  }
0x2ba: {  	v3 =	vadd.s32 v59, v3;
	v60 =	vpsel !p5, $0x0, v9;
	p5 =	seq.s32 s15, $0x1;
	v2 =	vadd.s32 v16, v2  }
0x2bb: {  	s0 =	simm.s32 $0xC100;
	v3 =	vadd.s32 v60, v3;
	v61 =	vpsel !p5, $0x0, v10;
	v2 =	vadd.s32 v56, v2  }
0x2bc: {  	v62 =	vpsel !p4, $0x0, v11;
	v3 =	vadd.s32 v61, v3;
	[tilespmem:s0+$0x0] =	vst v2  }
0x2bd: {  	v2 =	vadd.s32 v62, v3;
	v3 =	vpsel !p0, $0x0, v12;
	v63 =	vld [tilespmem:s8+$0x0]  }
0x2be: {  	s16 =	sld [smem:$0x7EF];
	v2 =	vadd.s32 v3, v2;
	v3 =	vpsel !p3, $0x0, v13  }
0x2bf: {  	v2 =	vadd.s32 v3, v2;
	v3 =	vpsel !p2, $0x0, v14  }
0x2c0: {  	v2 =	vadd.s32 v3, v2;
	v3 =	vpsel !p1, $0x0, v15  }
0x2c1: {  	v2 =	vadd.s32 v3, v2;
	v3 =	vpsel !p6, $0x0, v16;
	p6 =	seq.s32 s16, $0x1  }
0x2c2: {  	s14 =	simm.s32 $0xC900;
	s15 =	simm.s32 $0x10;
	v2 =	vadd.s32 v3, v2;
	v3 =	vpsel p6, $0x0, v63  }
0x2c3: {  	p0 =	por p3, p3;
	p3 =	por p2, p2;
	p2 =	por p1, p1;
	v2 =	vadd.s32 v3, v2  }
.LBB2_28:
0x2c4: {  	[tilespmem:s14+$0x0] =	vst v2;
	s8 =	sadd.s32 $0x10, s8  }
0x2c5: {  	s12 =	sand.u32 $0x7F0, s15;
	v2 =	vld [tilespmem:s8+$0x0]  }
0x2c6: {  	v3 =	vld [tilespmem:s12+$0x4900]  }
0x2c7: {  	s13 =	sld [smem:$0x7F7]  }
0x2c8: {  	s16 =	sld [smem:$0x7F6]  }
0x2c9: {  	v4 =	vld [tilespmem:s12+$0x5100]  }
0x2ca: {  	p1 =	seq.s32 s13, $0x1  }
0x2cb: {  	v2 =	vadd.s32 v2, v3;
	v3 =	vpsel !p1, $0x0, v3;
	p1 =	seq.s32 s16, $0x1;
	s16 =	sld [smem:$0x7F5]  }
0x2cc: {  	v5 =	vld [tilespmem:s12+$0x5900];
	_ =	sdelay $0x1  }
0x2cd: {  	v2 =	vadd.s32 v4, v2;
	v4 =	vpsel !p1, $0x0, v4;
	p1 =	seq.s32 s16, $0x1;
	s16 =	sld [smem:$0x7F4]  }
0x2ce: {  	v6 =	vld [tilespmem:s12+$0x6100]  }
0x2cf: {  	v7 =	vld [tilespmem:s12+$0x6900]  }
0x2d0: {  	v8 =	vld [tilespmem:s12+$0x7100];
	v44 =	vpsel !p1, $0x0, v5;
	p1 =	seq.s32 s16, $0x1;
	s16 =	sld [smem:$0x7F3]  }
0x2d1: {  	v9 =	vld [tilespmem:s12+$0x7900]  }
0x2d2: {  	v45 =	vld [tilespmem:s12+$0x8100];
	v2 =	vadd.s32 v5, v2  }
0x2d3: {  	v47 =	vld [tilespmem:s12+$0x8900];
	v2 =	vadd.s32 v6, v2;
	v46 =	vpsel !p1, $0x0, v6;
	p1 =	seq.s32 s16, $0x1;
	s16 =	sld [smem:$0x7F2]  }
0x2d4: {  	v49 =	vld [tilespmem:s12+$0x9100];
	v2 =	vadd.s32 v7, v2  }
0x2d5: {  	v51 =	vld [tilespmem:s12+$0x9900];
	v2 =	vadd.s32 v8, v2  }
0x2d6: {  	v53 =	vld [tilespmem:s12+$0xA100];
	v2 =	vadd.s32 v9, v2;
	v48 =	vpsel !p1, $0x0, v7;
	p1 =	seq.s32 s16, $0x1;
	s16 =	sld [smem:$0x7F1]  }
0x2d7: {  	v55 =	vld [tilespmem:s12+$0xA900];
	v2 =	vadd.s32 v45, v2  }
0x2d8: {  	v57 =	vld [tilespmem:s12+$0xB100];
	v2 =	vadd.s32 v47, v2  }
0x2d9: {  	v59 =	vld [tilespmem:s12+$0xB900];
	v3 =	vadd.s32 v3, v4;
	v2 =	vadd.s32 v49, v2;
	v50 =	vpsel !p1, $0x0, v8;
	p1 =	seq.s32 s16, $0x1;
	s16 =	sld [smem:$0x7F0]  }
0x2da: {  	v3 =	vadd.s32 v44, v3;
	v2 =	vadd.s32 v51, v2  }
0x2db: {  	v3 =	vadd.s32 v46, v3;
	v2 =	vadd.s32 v53, v2  }
0x2dc: {  	v3 =	vadd.s32 v48, v3;
	v2 =	vadd.s32 v55, v2;
	v52 =	vpsel !p1, $0x0, v9;
	p1 =	seq.s32 s16, $0x1;
	s16 =	sld [smem:$0x7FC]  }
0x2dd: {  	v2 =	vadd.s32 v57, v2;
	v3 =	vadd.s32 v50, v3  }
0x2de: {  	s0 =	sadd.s32 $0x10, s0;
	v2 =	vadd.s32 v59, v2;
	v3 =	vadd.s32 v52, v3;
	v54 =	vpsel !p1, $0x0, v45  }
0x2df: {  	v56 =	vpsel !p4, $0x0, v47;
	[tilespmem:s0+$0x0] =	vst v2;
	v3 =	vadd.s32 v54, v3;
	p1 =	seq.s32 s16, $0x1  }
0x2e0: {  	v2 =	vld [tilespmem:s8+$0x0];
	v3 =	vadd.s32 v56, v3;
	s16 =	sld [smem:$0x7F8];
	v58 =	vpsel !p1, $0x0, v49  }
0x2e1: {  	p5 =	sne.s32 s15, $0x7F0;
	v60 =	vpsel !p0, $0x0, v51;
	v3 =	vadd.s32 v58, v3  }
.Ltmp13:
0x2e2: {  	v61 =	vpsel !p3, $0x0, v53;
	v3 =	vadd.s32 v60, v3;
	(pc) =	sbr.rel @p5 .LBB2_28-.Ltmp13, $4  }
0x2e3: {  	v62 =	vpsel !p2, $0x0, v55;
	p1 =	seq.s32 s16, $0x1;
	v3 =	vadd.s32 v61, v3  }
0x2e4: {  	v63 =	vpsel !p1, $0x0, v57;
	v3 =	vadd.s32 v62, v3  }
0x2e5: {  	v2 =	vpsel p6, $0x0, v2;
	v3 =	vadd.s32 v63, v3  }
0x2e6: {  	s14 =	sadd.s32 $0x10, s14;
	s15 =	sadd.s32 $0x10, s15;
	v2 =	vadd.s32 v2, v3  }
0x2e7: {  	[tilespmem:s14+$0x0] =	vst v2;
	s14 =	simm.s32 $0x0  }
0x2e8: {  	s0 =	simm.s32 $0x10;
	v4 =	vld [tilespmem:s14+$0xC100]  }
0x2e9: {  	v2 =	vld [tilespmem:s0+$0xC100];
	_ =	sdelay $0x3  }
0x2ea: {  	(xrf0) =	vadd.scan.msk.s32 $0xffff, v4  }
0x2eb: {  	(xrf0) =	vadd.scan.msk.s32 $0xffff, v2;
	_ =	sdelay $0x4  }
0x2ec: {  	s8 =	simm.s32 $0x20;
	v5, _, _ =	vpop (xrf0)  }
0x2ed: {  	v10 =	vld [tilespmem:s8+$0xC100];
	(v2sf) =	vpush v5, $0xF;
	v8, _, _ =	vpop (xrf0)  }
0x2ee: {  	(v2sf) =	vpush v8, $0xF;
	_ =	sdelay $0x2  }
0x2ef: {  	v11 =	vld [tilespmem:s14+$0xC900]  }
0x2f0: {  	s15 =	simm.s32 $0x30;
	v3 =	vld [tilespmem:s0+$0xC900];
	(xrf0) =	vadd.scan.msk.s32 $0xffff, v10  }
0x2f1: {  	v6 =	vld [tilespmem:s15+$0xC100]  }
0x2f2: {  	v7 =	vld [tilespmem:s8+$0xC900]  }
0x2f3: {  	v9 =	vld [tilespmem:s15+$0xC900];
	_ =	sdelay $0x1  }
0x2f4: {  	s16 =	simm.s32 $0x100  }
.LBB2_30:
0x2f5: {  	s12 =	sshra.s32 s16, $0x2;
	p5 =	sne.s32 s16, $0x1FC0;
	s16 =	sadd.s32 $0x40, s16;
	(xrf0) =	vadd.scan.msk.s32 $0xffff, v6;
	v12, _, _ =	vpop (xrf0);
	v13 =	vsub.s32 s9, v4;
	v4 =	vmov v2;
	v2 =	vmov v10  }
.Ltmp14:
0x2f6: {  	v10 =	vmovc v6;
	(v2sf) =	vpush v12, $0xF;
	v13 =	vadd.s32 v11, v13;
	v6 =	vld [tilespmem:s12+$0xC100];
	v11 =	vmovc v3;
	v3 =	vmov v7;
	(pc) =	sbr.rel @p5 .LBB2_30-.Ltmp14, $4  }
0x2f7: {  	v7 =	vmovc v9;
	v13 =	vadd.s32 v5, v13;
	v5 =	vmov v8;
	v8 =	vmov v12;
	v9 =	vld [tilespmem:s12+$0xC900]  }
0x2f8: {  	[tilespmem:s14+$0xD100] =	vst v13;
	s14 =	smov.u32 s0;
	s0 =	smov.u32 s8;
	s8 =	smov.u32 s15  }
0x2f9: {  	s15 =	smov.u32 s12;
	s13 =	spop (v2sf)  }
0x2fa: {  	s9 =	sadd.s32 s9, s13  }
0x2fb: {  	(xrf0) =	vadd.scan.msk.s32 $0xffff, v6  }
0x2fc: {  	v12, _, _ =	vpop (xrf0)  }
0x2fd: {  	(v2sf) =	vpush v12, $0xF;
	_ =	sdelay $0x3  }
0x2fe: {  	v13, _, _ =	vpop (xrf0)  }
0x2ff: {  	(v2sf) =	vpush v13, $0xF;
	_ =	sdelay $0x7  }
0x300: {  	s12 =	spop (v2sf)  }
0x301: {  	v4 =	vsub.s32 s9, v4;
	s13 =	sadd.s32 s9, s12;
	s16 =	spop (v2sf)  }
0x302: {  	v4 =	vadd.s32 v11, v4;
	v2 =	vsub.s32 s13, v2;
	s9 =	sadd.s32 s13, s16;
	s13 =	spop (v2sf)  }
0x303: {  	v4 =	vadd.s32 v5, v4;
	v2 =	vadd.s32 v3, v2;
	v10 =	vsub.s32 s9, v10;
	s9 =	sadd.s32 s9, s13  }
0x304: {  	[tilespmem:s14+$0xD100] =	vst v4;
	v2 =	vadd.s32 v8, v2;
	v3 =	vadd.s32 v7, v10;
	v63 =	vsub.s32 s9, v6  }
0x305: {  	[tilespmem:s0+$0xD100] =	vst v2;
	v2 =	vadd.s32 v12, v3;
	v3 =	vadd.s32 v9, v63  }
0x306: {  	[tilespmem:s8+$0xD100] =	vst v2;
	v2 =	vadd.s32 v13, v3  }
0x307: {  	s0 =	rddreg [dreg:$0x10];
	[tilespmem:s15+$0xD100] =	vst v2;
	s15 =	spop (v2sf)  }
0x308: {  	[tilespmem:s30], [sflag:$0x4] =	stream.linear.gather [spmem:s0], $0x500, $0x38;
	[tilespmem:$0x16380] =	vst v63  }
0x309: {  	_ =	swait.ge [sflag:s29], $0x500  }
0x30a: {  	s16 =	sld [smem:$0x7F8]  }
0x30b: {  	s13 =	sld [smem:$0x7F9]  }
0x30c: {  	s14 =	sld [smem:$0x7FA]  }
0x30d: {  	s15 =	sld [smem:$0x7FB]  }
0x30e: {  	p1 =	seq.s32 s16, $0x1;
	s16 =	sld [smem:$0x7FC]  }
0x30f: {  	s8 =	simm.s32 $0x2F00;
	s9 =	simm.s32 $0x10;
	[sflag:s29] =	ssyncset.done $0x0  }
0x310: {  	s0 =	simm.s32 $0x0;
	[sflag:s29] =	ssyncadd.s32 $0xFFFFFB00;
	p2 =	seq.s32 s13, $0x1  }
0x311: {  	v2 =	vld [tilespmem:s8+$0x0];
	p3 =	seq.s32 s14, $0x1;
	p0 =	seq.s32 s15, $0x1;
	p4 =	seq.s32 s16, $0x1  }
.LBB2_32:
0x312: {  	p5 =	sne.s32 s9, $0x4F0;
	_ =	sdelay $0x3  }
0x313: {  	v2 =	vshrl.u32 v2, $0x16  }
0x314: {  	(xrf1) =	vunique.msk.u32 $0xffff, v2;
	_ =	sdelay $0xa  }
0x315: {  	v3 =	vld.idx.msk [tilespmem:v2+s10+$0x0], $0xffff;
	_ =	sdelay $0x2  }
0x316: {  	_, v4, vm0 =	vpop (xrf1);
	_ =	sdelay $0x2  }
.Ltmp15:
0x317: {  	v3 =	vadd.s32 v3, v4;
	(pc) =	sbr.rel @p5 .LBB2_32-.Ltmp15, $4  }
0x318: {  	s12 =	sand.u32 $0x7F0, s0;
	s0 =	smov.u32 s9;
	v4 =	vadd.s32 $0xFFFFFFFF, v3  }
0x319: {  	[tilespmem:s12+$0xD900] =	vst v4  }
0x31a: {  	s8 =	sadd.s32 $0x10, s8;
	[tilespmem:v2+s10+$0x0] =	vst.idx.msk vm0, v3  }
0x31b: {  	s9 =	sadd.s32 $0x10, s9;
	v2 =	vld [tilespmem:s8+$0x0]  }
0x31c: {  	_ =	sdelay $0x3  }
0x31d: {  	v2 =	vshrl.u32 v2, $0x16  }
0x31e: {  	(xrf1) =	vunique.msk.u32 $0xffff, v2;
	_ =	sdelay $0xb  }
0x31f: {  	v3 =	vld.idx.msk [tilespmem:v2+s10+$0x0], $0xffff;
	_ =	sdelay $0x1  }
0x320: {  	_, v4, vm0 =	vpop (xrf1);
	_ =	sdelay $0x2  }
0x321: {  	v3 =	vadd.s32 v3, v4  }
0x322: {  	s0 =	sand.u32 $0x7F0, s0;
	v4 =	vadd.s32 $0xFFFFFFFF, v3  }
0x323: {  	[tilespmem:s0+$0xD900] =	vst v4  }
0x324: {  	[tilespmem:v2+s10+$0x0] =	vst.idx.msk vm0, v3  }
0x325: {  	[spmem:s6] =	stream.indirect.scatter [tilespmem:s3], [sflag:$0x2], $0x1, s19, s11, $0xb8;
	[tilespmem:$0x16380] =	vst v63  }
0x326: {  	_ = 	snop  }
0x327: {  	[spmem:s7] =	stream.indirect.scatter [tilespmem:s30], [sflag:$0x2], $0x1, s19, s11, $0xb8;
	[tilespmem:$0x16380] =	vst v63  }
0x328: {  	s14 =	simm.s32 $0xD980;
	s8 =	simm.s32 $0x2F80  }
0x329: {  	[spmem:s6] =	stream.indirect.scatter [tilespmem:s8], [sflag:$0x2], $0x1, s14, s11, $0xb8;
	[tilespmem:$0x16380] =	vst v63  }
0x32a: {  	s15 =	simm.s32 $0x3480  }
0x32b: {  	[spmem:s7] =	stream.indirect.scatter [tilespmem:s15], [sflag:$0x2], $0x1, s14, s11, $0xb8;
	[tilespmem:$0x16380] =	vst v63  }
0x32c: {  	s16 =	simm.s32 $0xDA00;
	s19 =	simm.s32 $0x3000  }
0x32d: {  	[spmem:s6] =	stream.indirect.scatter [tilespmem:s19], [sflag:$0x2], $0x1, s16, s11, $0xb8;
	[tilespmem:$0x16380] =	vst v63  }
0x32e: {  	s9 =	simm.s32 $0x3500  }
0x32f: {  	[spmem:s7] =	stream.indirect.scatter [tilespmem:s9], [sflag:$0x2], $0x1, s16, s11, $0xb8;
	[tilespmem:$0x16380] =	vst v63  }
0x330: {  	s12 =	simm.s32 $0x3080  }
0x331: {  	[spmem:s6] =	stream.indirect.scatter [tilespmem:s12], [sflag:$0x2], $0x1, s25, s11, $0xb8;
	[tilespmem:$0x16380] =	vst v63  }
0x332: {  	s13 =	simm.s32 $0x3580  }
0x333: {  	[spmem:s7] =	stream.indirect.scatter [tilespmem:s13], [sflag:$0x2], $0x1, s25, s11, $0xb8;
	[tilespmem:$0x16380] =	vst v63  }
0x334: {  	s14 =	simm.s32 $0x3100  }
0x335: {  	[spmem:s6] =	stream.indirect.scatter [tilespmem:s14], [sflag:$0x2], $0x1, s17, s11, $0xb8;
	[tilespmem:$0x16380] =	vst v63  }
0x336: {  	s15 =	simm.s32 $0x3600  }
0x337: {  	[spmem:s7] =	stream.indirect.scatter [tilespmem:s15], [sflag:$0x2], $0x1, s17, s11, $0xb8;
	[tilespmem:$0x16380] =	vst v63  }
0x338: {  	s16 =	simm.s32 $0x3180  }
0x339: {  	[spmem:s6] =	stream.indirect.scatter [tilespmem:s16], [sflag:$0x2], $0x1, s21, s11, $0xb8;
	[tilespmem:$0x16380] =	vst v63  }
0x33a: {  	s19 =	simm.s32 $0x3680  }
0x33b: {  	[spmem:s7] =	stream.indirect.scatter [tilespmem:s19], [sflag:$0x2], $0x1, s21, s11, $0xb8;
	[tilespmem:$0x16380] =	vst v63  }
0x33c: {  	s25 =	simm.s32 $0x3200  }
0x33d: {  	[spmem:s6] =	stream.indirect.scatter [tilespmem:s25], [sflag:$0x2], $0x1, s18, s11, $0xb8;
	[tilespmem:$0x16380] =	vst v63  }
0x33e: {  	s8 =	simm.s32 $0x3700  }
0x33f: {  	[spmem:s7] =	stream.indirect.scatter [tilespmem:s8], [sflag:$0x2], $0x1, s18, s11, $0xb8;
	[tilespmem:$0x16380] =	vst v63  }
0x340: {  	s9 =	simm.s32 $0x3280  }
0x341: {  	[spmem:s6] =	stream.indirect.scatter [tilespmem:s9], [sflag:$0x2], $0x1, s4, s11, $0xb8;
	[tilespmem:$0x16380] =	vst v63  }
0x342: {  	s12 =	simm.s32 $0x3780  }
0x343: {  	[spmem:s7] =	stream.indirect.scatter [tilespmem:s12], [sflag:$0x2], $0x1, s4, s11, $0xb8;
	[tilespmem:$0x16380] =	vst v63  }
0x344: {  	s13 =	simm.s32 $0x3300  }
0x345: {  	[spmem:s6] =	stream.indirect.scatter [tilespmem:s13], [sflag:$0x2], $0x1, s20, s11, $0xb8;
	[tilespmem:$0x16380] =	vst v63  }
0x346: {  	s14 =	simm.s32 $0x3800  }
0x347: {  	[spmem:s7] =	stream.indirect.scatter [tilespmem:s14], [sflag:$0x2], $0x1, s20, s11, $0xb8;
	[tilespmem:$0x16380] =	vst v63  }
0x348: {  	s15 =	simm.s32 $0x3380  }
0x349: {  	[spmem:s6] =	stream.indirect.scatter [tilespmem:s15], [sflag:$0x2], $0x1, s26, s11, $0xb8;
	[tilespmem:$0x16380] =	vst v63  }
0x34a: {  	s16 =	simm.s32 $0x3880  }
0x34b: {  	[spmem:s7] =	stream.indirect.scatter [tilespmem:s16], [sflag:$0x2], $0x1, s26, s11, $0xb8;
	[tilespmem:$0x16380] =	vst v63  }
0x34c: {  	_ =	swait.ge [sflag:s22], $0x80  }
0x34d: {  	[sflag:s22] =	ssyncset.done $0x0  }
0x34e: {  	[sflag:s22] =	ssyncadd.s32 $0xFFFFFF80  }
0x34f: {  	_ =	swait.ge [sflag:s22], $0x80  }
0x350: {  	[sflag:s22] =	ssyncset.done $0x0  }
0x351: {  	[sflag:s22] =	ssyncadd.s32 $0xFFFFFF80  }
0x352: {  	_ =	swait.ge [sflag:s22], $0x80  }
0x353: {  	[sflag:s22] =	ssyncset.done $0x0  }
0x354: {  	[sflag:s22] =	ssyncadd.s32 $0xFFFFFF80  }
0x355: {  	_ =	swait.ge [sflag:s22], $0x80  }
0x356: {  	[sflag:s22] =	ssyncset.done $0x0  }
0x357: {  	[sflag:s22] =	ssyncadd.s32 $0xFFFFFF80  }
0x358: {  	_ =	swait.ge [sflag:s22], $0x80  }
0x359: {  	[sflag:s22] =	ssyncset.done $0x0  }
0x35a: {  	[sflag:s22] =	ssyncadd.s32 $0xFFFFFF80  }
0x35b: {  	_ =	swait.ge [sflag:s22], $0x80  }
0x35c: {  	[sflag:s22] =	ssyncset.done $0x0  }
0x35d: {  	[sflag:s22] =	ssyncadd.s32 $0xFFFFFF80  }
0x35e: {  	_ =	swait.ge [sflag:s22], $0x80  }
0x35f: {  	[sflag:s22] =	ssyncset.done $0x0  }
0x360: {  	[sflag:s22] =	ssyncadd.s32 $0xFFFFFF80  }
0x361: {  	_ =	swait.ge [sflag:s22], $0x80  }
0x362: {  	[sflag:s22] =	ssyncset.done $0x0  }
0x363: {  	[sflag:s22] =	ssyncadd.s32 $0xFFFFFF80  }
0x364: {  	_ =	swait.ge [sflag:s22], $0x80  }
0x365: {  	[sflag:s22] =	ssyncset.done $0x0  }
0x366: {  	[sflag:s22] =	ssyncadd.s32 $0xFFFFFF80  }
0x367: {  	_ =	swait.ge [sflag:s22], $0x80  }
0x368: {  	[sflag:s22] =	ssyncset.done $0x0  }
0x369: {  	[sflag:s22] =	ssyncadd.s32 $0xFFFFFF80  }
0x36a: {  	_ =	swait.ge [sflag:s22], $0x80  }
0x36b: {  	[sflag:s22] =	ssyncset.done $0x0  }
0x36c: {  	[sflag:s22] =	ssyncadd.s32 $0xFFFFFF80  }
0x36d: {  	_ =	swait.ge [sflag:s22], $0x80  }
0x36e: {  	[sflag:s22] =	ssyncset.done $0x0  }
0x36f: {  	[sflag:s22] =	ssyncadd.s32 $0xFFFFFF80  }
0x370: {  	_ =	swait.ge [sflag:s22], $0x80  }
0x371: {  	[sflag:s22] =	ssyncset.done $0x0  }
0x372: {  	[sflag:s22] =	ssyncadd.s32 $0xFFFFFF80  }
0x373: {  	_ =	swait.ge [sflag:s22], $0x80  }
0x374: {  	[sflag:s22] =	ssyncset.done $0x0  }
0x375: {  	[sflag:s22] =	ssyncadd.s32 $0xFFFFFF80  }
0x376: {  	_ =	swait.ge [sflag:s22], $0x80  }
0x377: {  	[sflag:s22] =	ssyncset.done $0x0  }
0x378: {  	[sflag:s22] =	ssyncadd.s32 $0xFFFFFF80  }
0x379: {  	_ =	swait.ge [sflag:s22], $0x80  }
0x37a: {  	[sflag:s22] =	ssyncset.done $0x0  }
0x37b: {  	[sflag:s22] =	ssyncadd.s32 $0xFFFFFF80  }
0x37c: {  	_ =	swait.ge [sflag:s22], $0x80  }
0x37d: {  	[sflag:s22] =	ssyncset.done $0x0  }
0x37e: {  	[sflag:s22] =	ssyncadd.s32 $0xFFFFFF80  }
0x37f: {  	_ =	swait.ge [sflag:s22], $0x80  }
0x380: {  	[sflag:s22] =	ssyncset.done $0x0  }
0x381: {  	[sflag:s22] =	ssyncadd.s32 $0xFFFFFF80  }
0x382: {  	_ =	swait.ge [sflag:s22], $0x80  }
0x383: {  	[sflag:s22] =	ssyncset.done $0x0  }
0x384: {  	[sflag:s22] =	ssyncadd.s32 $0xFFFFFF80  }
0x385: {  	_ =	swait.ge [sflag:s22], $0x80  }
0x386: {  	[sflag:s22] =	ssyncset.done $0x0  }
0x387: {  	[sflag:s22] =	ssyncadd.s32 $0xFFFFFF80  }
0x388: {  	[bflag:$0x0] =	sbarrier.arrive $0xFFFF  }
0x389: {  	s25 =	simm.s32 $0xE100;
	s19 =	rddreg [dreg:$0x14]  }
0x38a: {  	[tilespmem:s25], [sflag:$0x4] =	stream.linear.gather [spmem:s19], $0x280, $0x38;
	[tilespmem:$0x16380] =	vst v63  }
0x38b: {  	_ =	swait.ge [sflag:s29], $0x280  }
0x38c: {  	s0 =	simm.s32 $0x0;
	[sflag:s29] =	ssyncset.done $0x0  }
0x38d: {  	s8 =	simm.s32 $0x40;
	s16 =	simm.s32 $0x0;
	[sflag:s29] =	ssyncadd.s32 $0xFFFFFD80  }
.LBB2_34:
0x38e: {  	p5 =	sne.s32 s8, $0x9C0;
	v2 =	vld [tilespmem:s0+$0xE100];
	_ =	sdelay $0x2  }
.Ltmp16:
0x38f: {  	(pc) =	sbr.rel @p5 .LBB2_34-.Ltmp16, $4  }
0x390: {  	_ = 	snop  }
0x391: {  	vm0 =	vlt.s32 v2, $0x4E1F  }
0x392: {  	v2 =	vnsel vm0, $0x4E1F, v2  }
0x393: {  	[tilespmem:s0+$0xE100] =	vst v2;
	s0 =	sshra.s32 s8, $0x2;
	s8 =	sadd.s32 $0x40, s8  }
0x394: {  	v2 =	vld [tilespmem:s0+$0xE100];
	_ =	sdelay $0x4  }
0x395: {  	vm0 =	vlt.s32 v2, $0x4E1F  }
0x396: {  	v2 =	vnsel vm0, $0x4E1F, v2  }
0x397: {  	s15 =	rddreg [dreg:$0x1];
	s14 =	simm.s32 $0xE100;
	s25 =	simm.s32 $0xE380;
	[tilespmem:s0+$0xE100] =	vst v2  }
0x398: {  	[tilespmem:s25], [sflag:$0x3] =	stream.indirect.gather [hbm4b:s15+s11], $0x80, s14, s11, $0xb8;
	[tilespmem:$0x16380] =	vst v63  }
0x399: {  	_ =	swait.ge [sflag:s24], $0x4000  }
0x39a: {  	[sflag:s24] =	ssyncset.done $0x0  }
0x39b: {  	s19 =	simm.s32 $0xE180;
	s12 =	simm.s32 $0x12380;
	[sflag:s24] =	ssyncadd.s32 $0xFFFFC000  }
0x39c: {  	[tilespmem:s12], [sflag:$0x3] =	stream.indirect.gather [hbm4b:s15+s11], $0x80, s19, s11, $0xb8;
	[tilespmem:$0x16380] =	vst v63  }
0x39d: {  	s8 =	rddreg [dreg:$0x15]  }
0x39e: {  	[hbm4b:s8+s16] =	stream.linear.scatter [tilespmem:s25], [sflag:$0x4], $0x4000, $0x38;
	[tilespmem:$0x16380] =	vst v63  }
0x39f: {  	_ =	swait.ge [sflag:s29], $0x4000  }
0x3a0: {  	[sflag:s29] =	ssyncset.done $0x0  }
0x3a1: {  	[sflag:s29] =	ssyncadd.s32 $0xFFFFC000  }
0x3a2: {  	_ =	swait.ge [sflag:s24], $0x4000  }
0x3a3: {  	[sflag:s24] =	ssyncset.done $0x0;
	s13 =	sld [smem:$0x7EB]  }
0x3a4: {  	s9 =	simm.s32 $0xE200;
	[sflag:s24] =	ssyncadd.s32 $0xFFFFC000  }
0x3a5: {  	[tilespmem:s25], [sflag:$0x3] =	stream.indirect.gather [hbm4b:s15+s11], $0x80, s9, s11, $0xb8;
	[tilespmem:$0x16380] =	vst v63  }
0x3a6: {  	p5 =	seq.s32 s13, $0x1  }
0x3a7: {  	s9 =	rddreg [dreg:$0x1b];
	s0 =	simm.s32 @p5 $0x0;
	s8 =	simm.s32 @p5 $0x12380  }
0x3a8: {  	[hbm4b:s9+s0] =	stream.linear.scatter @p5 [tilespmem:s8], [sflag:$0x4], $0x1000, $0x38;
	[tilespmem:$0x16380] =	vst v63  }
0x3a9: {  	s0 =	simm.s32 @p5 $0x4  }
0x3aa: {  	_ =	swait.ge @p5 [sflag:s0], $0x1000  }
0x3ab: {  	s8 =	simm.s32 @!p5 $0x12380;
	[sflag:s0] =	ssyncset.done @p5 $0x0  }
0x3ac: {  	s9 =	rddreg [dreg:$0x16];
	[sflag:s0] =	ssyncadd.s32 @p5 $0xFFFFF000;
	s0 =	simm.s32 @!p5 $0x0  }
0x3ad: {  	[hbm4b:s9+s0] =	stream.linear.scatter @!p5 [tilespmem:s8], [sflag:$0x4], $0x4000, $0x38;
	[tilespmem:$0x16380] =	vst v63  }
0x3ae: {  	s9 =	simm.s32 @!p5 $0x4  }
0x3af: {  	_ =	swait.ge @!p5 [sflag:s9], $0x4000  }
0x3b0: {  	[sflag:s9] =	ssyncset.done @!p5 $0x0  }
0x3b1: {  	[sflag:s9] =	ssyncadd.s32 @!p5 $0xFFFFC000  }
0x3b2: {  	_ =	swait.ge [sflag:s24], $0x4000  }
0x3b3: {  	[sflag:s24] =	ssyncset.done $0x0  }
0x3b4: {  	s13 =	simm.s32 $0xE280;
	[sflag:s24] =	ssyncadd.s32 $0xFFFFC000  }
0x3b5: {  	[tilespmem:s12], [sflag:$0x3] =	stream.indirect.gather [hbm4b:s15+s11], $0x80, s13, s11, $0xb8;
	[tilespmem:$0x16380] =	vst v63  }
0x3b6: {  	s19 =	rddreg [dreg:$0x17];
	s12 =	simm.s32 @!p5 $0xE380  }
0x3b7: {  	[hbm4b:s19+s0] =	stream.linear.scatter @!p5 [tilespmem:s12], [sflag:$0x4], $0x4000, $0x38;
	[tilespmem:$0x16380] =	vst v63  }
0x3b8: {  	_ =	swait.ge @!p5 [sflag:s9], $0x4000  }
0x3b9: {  	s14 =	sld [smem:$0x7EC];
	_ =	sdelay $0x2  }
0x3ba: {  	[sflag:s9] =	ssyncset.done @!p5 $0x0;
	p6 =	seq.s32 s14, $0x1  }
0x3bb: {  	[sflag:s9] =	ssyncadd.s32 @!p5 $0xFFFFC000;
	s13 =	simm.s32 @!p6 $0x0;
	s14 =	simm.s32 @!p6 $0xE380  }
0x3bc: {  	[hbm4b:s19+s13] =	stream.linear.scatter @!p6 [tilespmem:s14], [sflag:$0x4], $0x1000, $0x38;
	[tilespmem:$0x16380] =	vst v63  }
0x3bd: {  	s13 =	simm.s32 @!p6 $0x4  }
0x3be: {  	_ =	swait.ge @!p6 [sflag:s13], $0x1000  }
0x3bf: {  	[sflag:s13] =	ssyncset.done @!p6 $0x0  }
0x3c0: {  	[sflag:s13] =	ssyncadd.s32 @!p6 $0xFFFFF000  }
0x3c1: {  	_ =	swait.ge [sflag:s24], $0x4000  }
0x3c2: {  	[sflag:s24] =	ssyncset.done $0x0  }
0x3c3: {  	s19 =	simm.s32 $0xE300;
	[sflag:s24] =	ssyncadd.s32 $0xFFFFC000  }
0x3c4: {  	[tilespmem:s25], [sflag:$0x3] =	stream.indirect.gather [hbm4b:s15+s11], $0x80, s19, s11, $0xb8;
	[tilespmem:$0x16380] =	vst v63  }
0x3c5: {  	s14 =	rddreg [dreg:$0x18]  }
0x3c6: {  	[hbm4b:s14+s0] =	stream.linear.scatter @!p5 [tilespmem:s8], [sflag:$0x4], $0x4000, $0x38;
	[tilespmem:$0x16380] =	vst v63  }
0x3c7: {  	_ =	swait.ge @!p5 [sflag:s9], $0x4000  }
0x3c8: {  	s25 =	sld [smem:$0x7ED];
	_ =	sdelay $0x2  }
0x3c9: {  	[sflag:s9] =	ssyncset.done @!p5 $0x0;
	p6 =	seq.s32 s25, $0x1  }
0x3ca: {  	[sflag:s9] =	ssyncadd.s32 @!p5 $0xFFFFC000;
	s8 =	simm.s32 @!p6 $0x0;
	s13 =	simm.s32 @!p6 $0x12380  }
0x3cb: {  	[hbm4b:s14+s8] =	stream.linear.scatter @!p6 [tilespmem:s13], [sflag:$0x4], $0x1000, $0x38;
	[tilespmem:$0x16380] =	vst v63  }
0x3cc: {  	s8 =	simm.s32 @!p6 $0x4  }
0x3cd: {  	_ =	swait.ge @!p6 [sflag:s8], $0x1000  }
0x3ce: {  	[sflag:s8] =	ssyncset.done @!p6 $0x0  }
0x3cf: {  	[sflag:s8] =	ssyncadd.s32 @!p6 $0xFFFFF000  }
0x3d0: {  	_ =	swait.ge [sflag:s24], $0x4000  }
0x3d1: {  	[sflag:s24] =	ssyncset.done $0x0  }
0x3d2: {  	s13 =	rddreg [dreg:$0x19];
	[sflag:s24] =	ssyncadd.s32 $0xFFFFC000  }
0x3d3: {  	[hbm4b:s13+s0] =	stream.linear.scatter @!p5 [tilespmem:s12], [sflag:$0x4], $0x4000, $0x38;
	[tilespmem:$0x16380] =	vst v63  }
0x3d4: {  	_ =	swait.ge @!p5 [sflag:s9], $0x4000  }
0x3d5: {  	s12 =	sld [smem:$0x7EE];
	_ =	sdelay $0x1  }
0x3d6: {  	[sflag:s9] =	ssyncset.done @!p5 $0x0  }
0x3d7: {  	[sflag:s9] =	ssyncadd.s32 @!p5 $0xFFFFC000;
	p5 =	seq.s32 s12, $0x1  }
0x3d8: {  	s0 =	simm.s32 @!p5 $0x0;
	s8 =	simm.s32 @!p5 $0xE380  }
0x3d9: {  	[hbm4b:s13+s0] =	stream.linear.scatter @!p5 [tilespmem:s8], [sflag:$0x4], $0x1000, $0x38;
	[tilespmem:$0x16380] =	vst v63  }
0x3da: {  	s0 =	simm.s32 @!p5 $0x4  }
0x3db: {  	_ =	swait.ge @!p5 [sflag:s0], $0x1000  }
0x3dc: {  	s23 =	sadd.s32 $0x1, s23;
	s13 =	rddreg [dreg:$0x1a]  }
0x3dd: {  	p6 =	sne.s32 s23, s13  }
0x3de: {  	s8 =	simm.s32 @!p6 $0x0  }
0x3df: {  	s8 =	simm.s32 @p6 $0x1  }
0x3e0: {  	[smem:$0x7EA] =	sst s8  }
0x3e1: {  	s15 =	sld [smem:$0x7EA];
	_ =	sdelay $0x1  }
0x3e2: {  	[sflag:s0] =	ssyncset.done @!p5 $0x0  }
0x3e3: {  	[sflag:s0] =	ssyncadd.s32 @!p5 $0xFFFFF000;
	p5 =	seq.s32 s15, $0x1  }
.Ltmp17:
0x3e4: {  	_ = 	snop;
	(pc) =	sbr.rel @p5 .LBB2_1-.Ltmp17, $4  }
0x3e5: {  	s14 =	sld [smem:$0x7FD]  }
0x3e6: {  	s19 =	simm.s32 $0xD900;
	s25 =	simm.s32 $0xDA80  }
0x3e7: {  	p6 =	por p1, p1;
	p1 =	por p2, p2;
	p2 =	por p3, p3  }
0x3e8: {  	p3 =	por p0, p0;
	p0 =	por p4, p4;
	p4 =	seq.s32 s14, $0x1  }
0x3e9: {  	_ =	sfence.sel $0x180000  }
0x3ea: {  	[bflag:$0x0] =	sbarrier.arrive $0xFFFF  }
0x3eb: {  	_ =	strace $0x90000047  }
0x3ec: {  	s0 =	stileid.u32;
	[bflag:$0x2] =	sbarrier.arrive $0xFFFF  }
0x3ed: {  	p0 =	sne.s32 s0, $0x0;
	s0 =	rddreg [dreg:$0x9]  }
0x3ee: {  	s0 =	sadd.s32 @!p0 $0x100000, s0  }
0x3ef: {  	[sflag:s0] =	ssyncadd.tile.s32 @!p0 $0x1;
	_ =	shalt  }
.Lfunc_end2:
_tile_overlayer_lowered:
.L_overlay_start_2:
0x3f0: {  	(tag) =	ssettag $0x2  }
0x3f1: {  	s0 =	rddreg [dreg:$0x0];
	s2 =	stileid.u32  }
0x3f2: {  	s1 =	rddreg [dreg:$0x1];
	p0 =	sne.s32 s2, $0x0  }
0x3f3: {  	s3 =	rddreg [dreg:$0x2];
	[bflag:$0x3] =	sbarrier.arrive $0xFFFF;
	s2 =	simm.s32 @!p0 $0x1C04  }
0x3f4: {  	[timem:s3], [sflag:s2] =	dma.local @!p0 [hbm:s0], s1  }
0x3f5: {  	s0 =	simm.s32 @!p0 $0x4  }
0x3f6: {  	_ =	swait.ge @!p0 [sflag:s0], s1  }
0x3f7: {  	s1 =	ssub.s32 @!p0 $0x0, s1;
	[sflag:s0] =	ssyncset.done @!p0 $0x0  }
0x3f8: {  	[sflag:s0] =	ssyncadd.s32 @!p0 s1  }
0x3f9: {  	[bflag:$0x3] =	sbarrier.arrive $0xFFFF  }
0x3fa: {  	_ =	shalt  }

</sc_bundles>
